<compile_context>
chip_gen: v7x
topology: tpu7x:2x2x1
jax: 0.10.2.dev20260603
libtpu: 0.0.44.dev20260713+nightly
codegen_flags: <defaults>
</compile_context>

<pallas_src>
import functools

import jax
import jax.numpy as jnp
from jax import lax
from jax.experimental import pallas as pl
from jax.experimental.pallas import tpu as pltpu
from jax.experimental.pallas import tpu_sc as plsc

B = 8192
D = 256
K = 10
N = 50000
NC = 2
NS = 16
NW = NC * NS
BPW = B // NW
C = 8
NCH = BPW // C
SC = 64
NSC = BPW // SC


def _reduce_chunk(nbuf, sumbuf):
    def node_body(r, carry):
        rb = r * K
        for d in range(D // 16):
            acc = nbuf[rb, pl.ds(d * 16, 16)]
            for j in range(1, K):
                acc = acc + nbuf[rb + j, pl.ds(d * 16, 16)]
            sumbuf[r, pl.ds(d * 16, 16)] = acc
        return carry
    lax.fori_loop(0, C, node_body, 0)


RING = 2


def _sc_gather_body(bpw, nodes_h, nmap_h, nidx_h, feat_h, self_o, sum_o,
                    nid_v, map_v, nbr_v, sbuf0, sbuf1, nbuf0, nbuf1,
                    qbuf0, qbuf1, semi, sem_s0, sem_s1,
                    sem_n0, sem_n1, sem_o0, sem_o1):
    nch = bpw // C
    nsc = bpw // SC
    wid = lax.axis_index("s") * NC + lax.axis_index("c")
    base = wid * bpw

    cp_nbr = pltpu.async_copy(nidx_h.at[wid], nbr_v, semi)
    pltpu.sync_copy(nodes_h.at[pl.ds(base, bpw)], nid_v)
    pltpu.async_copy(nmap_h.at[nid_v], map_v, sem_s0).wait()
    cp_nbr.wait()

    nbufs = (nbuf0, nbuf1)
    nsems = (sem_n0, sem_n1)

    for b in range(RING):
        pltpu.async_copy(feat_h.at[nbr_v.at[b]], nbufs[b], nsems[b])

    sbufs, ssems = (sbuf0, sbuf1), (sem_s0, sem_s1)
    gathers = []
    for s in range(2):
        gathers.append(pltpu.async_copy(
            feat_h.at[map_v.at[pl.ds(s * SC, SC)]], sbufs[s], ssems[s]))
    outs = [None, None]
    for s in range(nsc):
        b = s % 2
        gathers[s].wait()
        if outs[b] is not None:
            outs[b].wait()
        outs[b] = pltpu.async_copy(
            sbufs[b], self_o.at[pl.ds(base + s * SC, SC)], ssems[b])
        if s + 2 < nsc:
            if outs[b] is not None:
                outs[b].wait()
                outs[b] = None
            gathers.append(pltpu.async_copy(
                feat_h.at[map_v.at[pl.ds((s + 2) * SC, SC)]],
                sbufs[b], ssems[b]))
    for o in outs:
        o.wait()

    qbufs = (qbuf0, qbuf1)
    osems = (sem_o0, sem_o1)

    def ring_body(p, carry):
        cc = p * RING
        for b in range(RING):
            c = cc + b
            q = b % 2
            pltpu.make_async_copy(feat_h.at[nbr_v.at[c]], nbufs[b],
                                  nsems[b]).wait()
            @pl.when(c >= 2)
            def _wait_prev():
                pltpu.make_async_copy(
                    qbufs[q], sum_o.at[pl.ds(base + (c - 2) * C, C)],
                    osems[q]).wait()
            _reduce_chunk(nbufs[b], qbufs[q])

            @pl.when(c + RING < nch)
            def _next_gather():
                pltpu.async_copy(feat_h.at[nbr_v.at[c + RING]], nbufs[b],
                                 nsems[b])
            pltpu.async_copy(qbufs[q], sum_o.at[pl.ds(base + c * C, C)],
                             osems[q])
        return carry

    lax.fori_loop(0, nch // RING, ring_body, 0)
    for b in range(2):
        pltpu.make_async_copy(
            qbufs[b], sum_o.at[pl.ds(base + (nch - 2 + b) * C, C)],
            osems[b]).wait()


@functools.cache
def _make_sc_gather(nb):
    return pl.kernel(
        functools.partial(_sc_gather_body, nb // NW),
        mesh=plsc.VectorSubcoreMesh(core_axis_name="c", subcore_axis_name="s"),
        out_type=[
            jax.ShapeDtypeStruct((nb, D), jnp.float32),
            jax.ShapeDtypeStruct((nb, D), jnp.float32),
        ],
        scratch_types=[
            pltpu.VMEM((nb // NW,), jnp.int32),
            pltpu.VMEM((nb // NW,), jnp.int32),
            pltpu.VMEM((nb // NW // C, C * K), jnp.int32),
            pltpu.VMEM((SC, D), jnp.float32),
            pltpu.VMEM((SC, D), jnp.float32),
            pltpu.VMEM((C * K, D), jnp.float32),
            pltpu.VMEM((C * K, D), jnp.float32),
            pltpu.VMEM((C, D), jnp.float32),
            pltpu.VMEM((C, D), jnp.float32),
            pltpu.SemaphoreType.DMA,
            pltpu.SemaphoreType.DMA,
            pltpu.SemaphoreType.DMA,
            pltpu.SemaphoreType.DMA,
            pltpu.SemaphoreType.DMA,
            pltpu.SemaphoreType.DMA,
            pltpu.SemaphoreType.DMA,
        ],
    )


NB = 2
BB = B // NB


def _tc_body(self_ref, sum_ref, w_ref, g_ref, b_ref, out_ref,
             ht_ref, s1_ref, s2_ref):
    i = pl.program_id(0)

    @pl.when(i < NB)
    def _matmul():
        ws = w_ref[:, :D]
        wn = w_ref[:, D:]
        dn = (((1,), (1,)), ((), ()))
        blk = lax.dot_general(ws, self_ref[...], dn,
                              preferred_element_type=jnp.float32)
        blk = blk + 0.1 * lax.dot_general(wn, sum_ref[...], dn,
                                          preferred_element_type=jnp.float32)
        ht_ref[:, pl.ds(i * BB, BB)] = blk
        blk = ht_ref[:, pl.ds(i * BB, BB)]
        ps = jnp.sum(blk, axis=1, keepdims=True)
        pq = jnp.sum(blk * blk, axis=1, keepdims=True)

        @pl.when(i == 0)
        def _init():
            s1_ref[...] = ps
            s2_ref[...] = pq

        @pl.when(i > 0)
        def _acc():
            s1_ref[...] = s1_ref[...] + ps
            s2_ref[...] = s2_ref[...] + pq

    @pl.when(i >= NB)
    def _bn():
        j = i - NB
        mean = s1_ref[...] * (1.0 / B)
        var = s2_ref[...] * (1.0 / B) - mean * mean
        inv = lax.rsqrt(var + 1e-5)
        blk = ht_ref[:, pl.ds(j * BB, BB)]
        out_ref[...] = jnp.maximum((blk - mean) * inv * g_ref[...]
                                   + b_ref[...], 0.0)


def _tc_fused(self_feats, neigh_sum, W, gamma2, beta2):
    return pl.pallas_call(
        _tc_body,
        grid=(2 * NB,),
        in_specs=[
            pl.BlockSpec((BB, D), lambda i: (jnp.minimum(i, NB - 1), 0)),
            pl.BlockSpec((BB, D), lambda i: (jnp.minimum(i, NB - 1), 0)),
            pl.BlockSpec((D, 2 * D), lambda i: (0, 0)),
            pl.BlockSpec((D, 1), lambda i: (0, 0)),
            pl.BlockSpec((D, 1), lambda i: (0, 0)),
        ],
        out_specs=pl.BlockSpec((D, BB), lambda i: (0, jnp.maximum(i - NB, 0))),
        scratch_shapes=[
            pltpu.VMEM((D, B), jnp.float32),
            pltpu.VMEM((D, 1), jnp.float32),
            pltpu.VMEM((D, 1), jnp.float32),
        ],
        out_shape=jax.ShapeDtypeStruct((D, B), jnp.float32),
    )(self_feats, neigh_sum, W, gamma2, beta2)


def kernel(nodes, node_map, neigh_idx, features, W, gamma, beta):
    nidx = neigh_idx.reshape(NW, B // NW // C, C * K)
    self_feats, neigh_sum = _make_sc_gather(B)(nodes, node_map, nidx,
                                               features)
    return _tc_fused(self_feats, neigh_sum, W,
                     gamma.reshape(D, 1), beta.reshape(D, 1))

# --- scband reference (transcript-rebuilt; emitter-appended) ---
"""Pipeline reference for scband-encoder-44444321579118 (READ-ONLY COPY).

The authoritative reference and input builder live on the scoring server;
editing this copy changes nothing except your own understanding.
"""

import jax, jax.numpy as jnp
import numpy as np

N_NODES = 50000
FEAT_DIM = 256
EMBED_DIM = 256
BATCH = 8192
NUM_SAMPLE = 10


def setup_inputs(seed: int = 0) -> dict:
    key = jax.random.key(seed)
    k1, k2, k3, k4, k5 = jax.random.split(key, 5)
    nodes = jax.random.randint(k1, (BATCH,), 0, N_NODES, dtype=jnp.int64 if jax.config.jax_enable_x64 else jnp.int32)
    node_map = jax.random.randint(k2, (N_NODES,), 0, N_NODES, dtype=jnp.int64 if jax.config.jax_enable_x64 else jnp.int32)
    neigh_idx = jax.random.randint(k3, (BATCH, NUM_SAMPLE), 0, N_NODES, dtype=jnp.int64 if jax.config.jax_enable_x64 else jnp.int32)
    features = jax.random.normal(k4, (N_NODES, FEAT_DIM), dtype=jnp.float32)
    # xavier_uniform for weight [embed_dim, 2*feat_dim]
    fan_in, fan_out = 2 * FEAT_DIM, EMBED_DIM
    bound = float(np.sqrt(6.0 / (fan_in + fan_out)))
    W = jax.random.uniform(k5, (EMBED_DIM, 2 * FEAT_DIM), minval=-bound, maxval=bound, dtype=jnp.float32)
    gamma = jnp.ones((EMBED_DIM,), dtype=jnp.float32)
    beta = jnp.zeros((EMBED_DIM,), dtype=jnp.float32)
    return {"nodes": nodes, "node_map": node_map, "neigh_idx": neigh_idx,
            "features": features, "W": W, "gamma": gamma, "beta": beta}


def reference(nodes, node_map, neigh_idx, features, W, gamma, beta):
    # instanceIdx -> classIdx remapping (train mode)
    mapped = jnp.take(node_map, nodes, axis=0)
    # MeanAggregator over sampled neighbors: gather + mean
    neigh_feats = jnp.mean(jnp.take(features, neigh_idx, axis=0), axis=1)  # [B, feat_dim]
    # self features (gcn_style=False path)
    self_feats = jnp.take(features, mapped, axis=0)  # [B, feat_dim]
    combined = jnp.concatenate([self_feats, neigh_feats], axis=1)  # [B, 2*feat_dim]
    # weight.mm(combined.t()).t() -> [B, embed_dim]
    h = combined @ W.T
    # BatchNorm1d (training mode: batch statistics, biased variance, eps=1e-5)
    mean = jnp.mean(h, axis=0)
    var = jnp.var(h, axis=0)
    hn = (h - mean) / jnp.sqrt(var + 1e-5) * gamma + beta
    # F.relu(...).t() -> [embed_dim, B]
    out = jax.nn.relu(hn).T
    return out

if __name__ == "__main__":
    import jax
    _d = setup_inputs()
    print(jax.jit(kernel)(*tuple(_d.values())))

</pallas_src>

<mosaic_0001>
#map = affine_map<(d0, d1) -> (0)>
#map1 = affine_map<(d0, d1) -> (0, 0, 0)>
#map2 = affine_map<(d0, d1) -> (0, 0)>
module attributes {stable_mosaic.version = 14 : i64} {
  func.func @_sc_gather_body(%arg0: i32, %arg1: i32, %arg2: memref<8192xi32, #tpu.memory_space<hbm>>, %arg3: memref<50000xi32, #tpu.memory_space<hbm>>, %arg4: memref<32x32x80xi32, #tpu.memory_space<hbm>>, %arg5: memref<50000x256xf32, #tpu.memory_space<hbm>>, %arg6: memref<8192x256xf32, #tpu.memory_space<hbm>>, %arg7: memref<8192x256xf32, #tpu.memory_space<hbm>>, %arg8: memref<256xi32, #tpu.memory_space<vmem>>, %arg9: memref<256xi32, #tpu.memory_space<vmem>>, %arg10: memref<32x80xi32, #tpu.memory_space<vmem>>, %arg11: memref<64x256xf32, #tpu.memory_space<vmem>>, %arg12: memref<64x256xf32, #tpu.memory_space<vmem>>, %arg13: memref<80x256xf32, #tpu.memory_space<vmem>>, %arg14: memref<80x256xf32, #tpu.memory_space<vmem>>, %arg15: memref<8x256xf32, #tpu.memory_space<vmem>>, %arg16: memref<8x256xf32, #tpu.memory_space<vmem>>, %arg17: memref<!tpu.dma_semaphore, #tpu.memory_space<semaphore_mem>>, %arg18: memref<!tpu.dma_semaphore, #tpu.memory_space<semaphore_mem>>, %arg19: memref<!tpu.dma_semaphore, #tpu.memory_space<semaphore_mem>>, %arg20: memref<!tpu.dma_semaphore, #tpu.memory_space<semaphore_mem>>, %arg21: memref<!tpu.dma_semaphore, #tpu.memory_space<semaphore_mem>>, %arg22: memref<!tpu.dma_semaphore, #tpu.memory_space<semaphore_mem>>, %arg23: memref<!tpu.dma_semaphore, #tpu.memory_space<semaphore_mem>>) attributes {dimension_semantics = [#tpu.dimension_semantics<core_parallel>, #tpu.dimension_semantics<subcore_parallel>], iteration_bounds = array<i64: 2, 16>, scalar_prefetch = 0 : i64, scratch_operands = 16 : i64, tpu.core_type = #tpu.core_type<sc_vector_subcore>, window_params = [{transform_indices = #map}, {transform_indices = #map}, {transform_indices = #map1}, {transform_indices = #map2}, {transform_indices = #map2}, {transform_indices = #map2}]} {
    %mul3A = arith.constant 2 : i32
    %mul3A_0 = arith.muli %arg1, %mul3A : i32
    %add3A = arith.addi %mul3A_0, %arg0 : i32
    %mul3A_1 = arith.constant 256 : i32
    %mul3A_2 = arith.muli %add3A, %mul3A_1 : i32
    %dma_start3A = arith.constant 0 : i32
    %dma_start3A_3 = arith.constant 0 : i32
    %dma_start3A_4 = tpu.memref_slice %arg4[%add3A, %dma_start3A, %dma_start3A_3] : memref<32x32x80xi32, #tpu.memory_space<hbm>> -> memref<1x32x80xi32, #tpu.memory_space<hbm>>
    %dma_start3A_5 = tpu.memref_squeeze %dma_start3A_4 : memref<1x32x80xi32, #tpu.memory_space<hbm>> -> memref<32x80xi32, #tpu.memory_space<hbm>>
    %dma_start3A_6 = arith.constant 0 : i32
    %dma_start3A_7 = arith.constant 0 : i32
    %dma_start3A_8 = tpu.memref_slice %arg4[%add3A, %dma_start3A_6, %dma_start3A_7] : memref<32x32x80xi32, #tpu.memory_space<hbm>> -> memref<1x32x80xi32, #tpu.memory_space<hbm>>
    %dma_start3A_9 = tpu.memref_squeeze %dma_start3A_8 : memref<1x32x80xi32, #tpu.memory_space<hbm>> -> memref<32x80xi32, #tpu.memory_space<hbm>>
    tpu.enqueue_dma source(%dma_start3A_9 : memref<32x80xi32, #tpu.memory_space<hbm>>) target(%arg10 : memref<32x80xi32, #tpu.memory_space<vmem>>) target_semaphore(%arg17 : memref<!tpu.dma_semaphore, #tpu.memory_space<semaphore_mem>>)
    "tpu.region"() ({
      %run_scoped3A = tpu.sem_alloc : memref<!tpu.dma_semaphore, #tpu.memory_space<semaphore_mem>>
      %dma_start3A_132 = tpu.memref_slice %arg2[%mul3A_2] : memref<8192xi32, #tpu.memory_space<hbm>> -> memref<256xi32, #tpu.memory_space<hbm>>
      %dma_start3A_133 = tpu.memref_slice %arg2[%mul3A_2] : memref<8192xi32, #tpu.memory_space<hbm>> -> memref<256xi32, #tpu.memory_space<hbm>>
      tpu.enqueue_dma source(%dma_start3A_133 : memref<256xi32, #tpu.memory_space<hbm>>) target(%arg8 : memref<256xi32, #tpu.memory_space<vmem>>) target_semaphore(%run_scoped3A : memref<!tpu.dma_semaphore, #tpu.memory_space<semaphore_mem>>)
      %dma_wait3A_134 = tpu.memref_slice %arg2[%mul3A_2] : memref<8192xi32, #tpu.memory_space<hbm>> -> memref<256xi32, #tpu.memory_space<hbm>>
      %dma_wait3A_135 = tpu.memref_slice %arg2[%mul3A_2] : memref<8192xi32, #tpu.memory_space<hbm>> -> memref<256xi32, #tpu.memory_space<hbm>>
      tpu.wait_dma2 semaphore(%run_scoped3A : memref<!tpu.dma_semaphore, #tpu.memory_space<semaphore_mem>>) src(%dma_wait3A_135 : memref<256xi32, #tpu.memory_space<hbm>>) dst(%arg8 : memref<256xi32, #tpu.memory_space<vmem>>)
      tpu.yield
    }) : () -> ()
    %dma_start3A_10 = arith.constant 0 : i32
    %dma_start3A_11 = tpu.memref_slice %arg3[%dma_start3A_10] : memref<50000xi32, #tpu.memory_space<hbm>> -> memref<50000xi32, #tpu.memory_space<hbm>>
    tpu.enqueue_indirect_dma source(%dma_start3A_11 : memref<50000xi32, #tpu.memory_space<hbm>>) target(%arg9 : memref<256xi32, #tpu.memory_space<vmem>>) offsets(%arg8 : memref<256xi32, #tpu.memory_space<vmem>>) semaphore(%arg18 : memref<!tpu.dma_semaphore, #tpu.memory_space<semaphore_mem>>)
    %dma_wait3A = arith.constant 0 : i32
    %dma_wait3A_12 = tpu.memref_slice %arg3[%dma_wait3A] : memref<50000xi32, #tpu.memory_space<hbm>> -> memref<50000xi32, #tpu.memory_space<hbm>>
    tpu.wait_indirect_dma semaphore(%arg18 : memref<!tpu.dma_semaphore, #tpu.memory_space<semaphore_mem>>) src(%dma_wait3A_12 : memref<50000xi32, #tpu.memory_space<hbm>>) dst(%arg9 : memref<256xi32, #tpu.memory_space<vmem>>)
    %dma_wait3A_13 = arith.constant 0 : i32
    %dma_wait3A_14 = arith.constant 0 : i32
    %dma_wait3A_15 = tpu.memref_slice %arg4[%add3A, %dma_wait3A_13, %dma_wait3A_14] : memref<32x32x80xi32, #tpu.memory_space<hbm>> -> memref<1x32x80xi32, #tpu.memory_space<hbm>>
    %dma_wait3A_16 = tpu.memref_squeeze %dma_wait3A_15 : memref<1x32x80xi32, #tpu.memory_space<hbm>> -> memref<32x80xi32, #tpu.memory_space<hbm>>
    %dma_wait3A_17 = arith.constant 0 : i32
    %dma_wait3A_18 = arith.constant 0 : i32
    %dma_wait3A_19 = tpu.memref_slice %arg4[%add3A, %dma_wait3A_17, %dma_wait3A_18] : memref<32x32x80xi32, #tpu.memory_space<hbm>> -> memref<1x32x80xi32, #tpu.memory_space<hbm>>
    %dma_wait3A_20 = tpu.memref_squeeze %dma_wait3A_19 : memref<1x32x80xi32, #tpu.memory_space<hbm>> -> memref<32x80xi32, #tpu.memory_space<hbm>>
    tpu.wait_dma2 semaphore(%arg17 : memref<!tpu.dma_semaphore, #tpu.memory_space<semaphore_mem>>) src(%dma_wait3A_20 : memref<32x80xi32, #tpu.memory_space<hbm>>) dst(%arg10 : memref<32x80xi32, #tpu.memory_space<vmem>>)
    %dma_start3A_21 = arith.constant 0 : i32
    %dma_start3A_22 = arith.constant 0 : i32
    %dma_start3A_23 = tpu.memref_slice %arg10[%dma_start3A_21, %dma_start3A_22] : memref<32x80xi32, #tpu.memory_space<vmem>> -> memref<1x80xi32, #tpu.memory_space<vmem>>
    %dma_start3A_24 = tpu.memref_squeeze %dma_start3A_23 : memref<1x80xi32, #tpu.memory_space<vmem>> -> memref<80xi32, #tpu.memory_space<vmem>>
    %dma_start3A_25 = arith.constant 0 : i32
    %dma_start3A_26 = arith.constant 0 : i32
    %dma_start3A_27 = tpu.memref_slice %arg5[%dma_start3A_25, %dma_start3A_26] : memref<50000x256xf32, #tpu.memory_space<hbm>> -> memref<50000x256xf32, #tpu.memory_space<hbm>>
    tpu.enqueue_indirect_dma source(%dma_start3A_27 : memref<50000x256xf32, #tpu.memory_space<hbm>>) target(%arg13 : memref<80x256xf32, #tpu.memory_space<vmem>>) offsets(%dma_start3A_24 : memref<80xi32, #tpu.memory_space<vmem>>) semaphore(%arg20 : memref<!tpu.dma_semaphore, #tpu.memory_space<semaphore_mem>>)
    %dma_start3A_28 = arith.constant 1 : i32
    %dma_start3A_29 = arith.constant 0 : i32
    %dma_start3A_30 = tpu.memref_slice %arg10[%dma_start3A_28, %dma_start3A_29] : memref<32x80xi32, #tpu.memory_space<vmem>> -> memref<1x80xi32, #tpu.memory_space<vmem>>
    %dma_start3A_31 = tpu.memref_squeeze %dma_start3A_30 : memref<1x80xi32, #tpu.memory_space<vmem>> -> memref<80xi32, #tpu.memory_space<vmem>>
    %dma_start3A_32 = arith.constant 0 : i32
    %dma_start3A_33 = arith.constant 0 : i32
    %dma_start3A_34 = tpu.memref_slice %arg5[%dma_start3A_32, %dma_start3A_33] : memref<50000x256xf32, #tpu.memory_space<hbm>> -> memref<50000x256xf32, #tpu.memory_space<hbm>>
    tpu.enqueue_indirect_dma source(%dma_start3A_34 : memref<50000x256xf32, #tpu.memory_space<hbm>>) target(%arg14 : memref<80x256xf32, #tpu.memory_space<vmem>>) offsets(%dma_start3A_31 : memref<80xi32, #tpu.memory_space<vmem>>) semaphore(%arg21 : memref<!tpu.dma_semaphore, #tpu.memory_space<semaphore_mem>>)
    %dma_start3A_35 = arith.constant 0 : i32
    %dma_start3A_36 = tpu.memref_slice %arg9[%dma_start3A_35] : memref<256xi32, #tpu.memory_space<vmem>> -> memref<64xi32, #tpu.memory_space<vmem>>
    %dma_start3A_37 = arith.constant 0 : i32
    %dma_start3A_38 = arith.constant 0 : i32
    %dma_start3A_39 = tpu.memref_slice %arg5[%dma_start3A_37, %dma_start3A_38] : memref<50000x256xf32, #tpu.memory_space<hbm>> -> memref<50000x256xf32, #tpu.memory_space<hbm>>
    tpu.enqueue_indirect_dma source(%dma_start3A_39 : memref<50000x256xf32, #tpu.memory_space<hbm>>) target(%arg11 : memref<64x256xf32, #tpu.memory_space<vmem>>) offsets(%dma_start3A_36 : memref<64xi32, #tpu.memory_space<vmem>>) semaphore(%arg18 : memref<!tpu.dma_semaphore, #tpu.memory_space<semaphore_mem>>)
    %dma_start3A_40 = arith.constant 64 : i32
    %dma_start3A_41 = tpu.memref_slice %arg9[%dma_start3A_40] : memref<256xi32, #tpu.memory_space<vmem>> -> memref<64xi32, #tpu.memory_space<vmem>>
    %dma_start3A_42 = arith.constant 0 : i32
    %dma_start3A_43 = arith.constant 0 : i32
    %dma_start3A_44 = tpu.memref_slice %arg5[%dma_start3A_42, %dma_start3A_43] : memref<50000x256xf32, #tpu.memory_space<hbm>> -> memref<50000x256xf32, #tpu.memory_space<hbm>>
    tpu.enqueue_indirect_dma source(%dma_start3A_44 : memref<50000x256xf32, #tpu.memory_space<hbm>>) target(%arg12 : memref<64x256xf32, #tpu.memory_space<vmem>>) offsets(%dma_start3A_41 : memref<64xi32, #tpu.memory_space<vmem>>) semaphore(%arg19 : memref<!tpu.dma_semaphore, #tpu.memory_space<semaphore_mem>>)
    %dma_wait3A_45 = arith.constant 0 : i32
    %dma_wait3A_46 = tpu.memref_slice %arg9[%dma_wait3A_45] : memref<256xi32, #tpu.memory_space<vmem>> -> memref<64xi32, #tpu.memory_space<vmem>>
    %dma_wait3A_47 = arith.constant 0 : i32
    %dma_wait3A_48 = arith.constant 0 : i32
    %dma_wait3A_49 = tpu.memref_slice %arg5[%dma_wait3A_47, %dma_wait3A_48] : memref<50000x256xf32, #tpu.memory_space<hbm>> -> memref<50000x256xf32, #tpu.memory_space<hbm>>
    tpu.wait_indirect_dma semaphore(%arg18 : memref<!tpu.dma_semaphore, #tpu.memory_space<semaphore_mem>>) src(%dma_wait3A_49 : memref<50000x256xf32, #tpu.memory_space<hbm>>) dst(%arg11 : memref<64x256xf32, #tpu.memory_space<vmem>>)
    %add3A_50 = arith.constant 0 : i32
    %add3A_51 = arith.addi %mul3A_2, %add3A_50 : i32
    %dma_start3A_52 = arith.constant 0 : i32
    %dma_start3A_53 = tpu.memref_slice %arg6[%add3A_51, %dma_start3A_52] : memref<8192x256xf32, #tpu.memory_space<hbm>> -> memref<64x256xf32, #tpu.memory_space<hbm>>
    %dma_start3A_54 = arith.constant 0 : i32
    %dma_start3A_55 = tpu.memref_slice %arg6[%add3A_51, %dma_start3A_54] : memref<8192x256xf32, #tpu.memory_space<hbm>> -> memref<64x256xf32, #tpu.memory_space<hbm>>
    tpu.enqueue_dma source(%arg11 : memref<64x256xf32, #tpu.memory_space<vmem>>) target(%dma_start3A_55 : memref<64x256xf32, #tpu.memory_space<hbm>>) target_semaphore(%arg18 : memref<!tpu.dma_semaphore, #tpu.memory_space<semaphore_mem>>)
    %dma_wait3A_56 = arith.constant 0 : i32
    %dma_wait3A_57 = tpu.memref_slice %arg6[%add3A_51, %dma_wait3A_56] : memref<8192x256xf32, #tpu.memory_space<hbm>> -> memref<64x256xf32, #tpu.memory_space<hbm>>
    %dma_wait3A_58 = arith.constant 0 : i32
    %dma_wait3A_59 = tpu.memref_slice %arg6[%add3A_51, %dma_wait3A_58] : memref<8192x256xf32, #tpu.memory_space<hbm>> -> memref<64x256xf32, #tpu.memory_space<hbm>>
    tpu.wait_dma2 semaphore(%arg18 : memref<!tpu.dma_semaphore, #tpu.memory_space<semaphore_mem>>) src(%arg11 : memref<64x256xf32, #tpu.memory_space<vmem>>) dst(%dma_wait3A_59 : memref<64x256xf32, #tpu.memory_space<hbm>>)
    %dma_start3A_60 = arith.constant 128 : i32
    %dma_start3A_61 = tpu.memref_slice %arg9[%dma_start3A_60] : memref<256xi32, #tpu.memory_space<vmem>> -> memref<64xi32, #tpu.memory_space<vmem>>
    %dma_start3A_62 = arith.constant 0 : i32
    %dma_start3A_63 = arith.constant 0 : i32
    %dma_start3A_64 = tpu.memref_slice %arg5[%dma_start3A_62, %dma_start3A_63] : memref<50000x256xf32, #tpu.memory_space<hbm>> -> memref<50000x256xf32, #tpu.memory_space<hbm>>
    tpu.enqueue_indirect_dma source(%dma_start3A_64 : memref<50000x256xf32, #tpu.memory_space<hbm>>) target(%arg11 : memref<64x256xf32, #tpu.memory_space<vmem>>) offsets(%dma_start3A_61 : memref<64xi32, #tpu.memory_space<vmem>>) semaphore(%arg18 : memref<!tpu.dma_semaphore, #tpu.memory_space<semaphore_mem>>)
    %dma_wait3A_65 = arith.constant 64 : i32
    %dma_wait3A_66 = tpu.memref_slice %arg9[%dma_wait3A_65] : memref<256xi32, #tpu.memory_space<vmem>> -> memref<64xi32, #tpu.memory_space<vmem>>
    %dma_wait3A_67 = arith.constant 0 : i32
    %dma_wait3A_68 = arith.constant 0 : i32
    %dma_wait3A_69 = tpu.memref_slice %arg5[%dma_wait3A_67, %dma_wait3A_68] : memref<50000x256xf32, #tpu.memory_space<hbm>> -> memref<50000x256xf32, #tpu.memory_space<hbm>>
    tpu.wait_indirect_dma semaphore(%arg19 : memref<!tpu.dma_semaphore, #tpu.memory_space<semaphore_mem>>) src(%dma_wait3A_69 : memref<50000x256xf32, #tpu.memory_space<hbm>>) dst(%arg12 : memref<64x256xf32, #tpu.memory_space<vmem>>)
    %add3A_70 = arith.constant 64 : i32
    %add3A_71 = arith.addi %mul3A_2, %add3A_70 : i32
    %dma_start3A_72 = arith.constant 0 : i32
    %dma_start3A_73 = tpu.memref_slice %arg6[%add3A_71, %dma_start3A_72] : memref<8192x256xf32, #tpu.memory_space<hbm>> -> memref<64x256xf32, #tpu.memory_space<hbm>>
    %dma_start3A_74 = arith.constant 0 : i32
    %dma_start3A_75 = tpu.memref_slice %arg6[%add3A_71, %dma_start3A_74] : memref<8192x256xf32, #tpu.memory_space<hbm>> -> memref<64x256xf32, #tpu.memory_space<hbm>>
    tpu.enqueue_dma source(%arg12 : memref<64x256xf32, #tpu.memory_space<vmem>>) target(%dma_start3A_75 : memref<64x256xf32, #tpu.memory_space<hbm>>) target_semaphore(%arg19 : memref<!tpu.dma_semaphore, #tpu.memory_space<semaphore_mem>>)
    %dma_wait3A_76 = arith.constant 0 : i32
    %dma_wait3A_77 = tpu.memref_slice %arg6[%add3A_71, %dma_wait3A_76] : memref<8192x256xf32, #tpu.memory_space<hbm>> -> memref<64x256xf32, #tpu.memory_space<hbm>>
    %dma_wait3A_78 = arith.constant 0 : i32
    %dma_wait3A_79 = tpu.memref_slice %arg6[%add3A_71, %dma_wait3A_78] : memref<8192x256xf32, #tpu.memory_space<hbm>> -> memref<64x256xf32, #tpu.memory_space<hbm>>
    tpu.wait_dma2 semaphore(%arg19 : memref<!tpu.dma_semaphore, #tpu.memory_space<semaphore_mem>>) src(%arg12 : memref<64x256xf32, #tpu.memory_space<vmem>>) dst(%dma_wait3A_79 : memref<64x256xf32, #tpu.memory_space<hbm>>)
    %dma_start3A_80 = arith.constant 192 : i32
    %dma_start3A_81 = tpu.memref_slice %arg9[%dma_start3A_80] : memref<256xi32, #tpu.memory_space<vmem>> -> memref<64xi32, #tpu.memory_space<vmem>>
    %dma_start3A_82 = arith.constant 0 : i32
    %dma_start3A_83 = arith.constant 0 : i32
    %dma_start3A_84 = tpu.memref_slice %arg5[%dma_start3A_82, %dma_start3A_83] : memref<50000x256xf32, #tpu.memory_space<hbm>> -> memref<50000x256xf32, #tpu.memory_space<hbm>>
    tpu.enqueue_indirect_dma source(%dma_start3A_84 : memref<50000x256xf32, #tpu.memory_space<hbm>>) target(%arg12 : memref<64x256xf32, #tpu.memory_space<vmem>>) offsets(%dma_start3A_81 : memref<64xi32, #tpu.memory_space<vmem>>) semaphore(%arg19 : memref<!tpu.dma_semaphore, #tpu.memory_space<semaphore_mem>>)
    %dma_wait3A_85 = arith.constant 128 : i32
    %dma_wait3A_86 = tpu.memref_slice %arg9[%dma_wait3A_85] : memref<256xi32, #tpu.memory_space<vmem>> -> memref<64xi32, #tpu.memory_space<vmem>>
    %dma_wait3A_87 = arith.constant 0 : i32
    %dma_wait3A_88 = arith.constant 0 : i32
    %dma_wait3A_89 = tpu.memref_slice %arg5[%dma_wait3A_87, %dma_wait3A_88] : memref<50000x256xf32, #tpu.memory_space<hbm>> -> memref<50000x256xf32, #tpu.memory_space<hbm>>
    tpu.wait_indirect_dma semaphore(%arg18 : memref<!tpu.dma_semaphore, #tpu.memory_space<semaphore_mem>>) src(%dma_wait3A_89 : memref<50000x256xf32, #tpu.memory_space<hbm>>) dst(%arg11 : memref<64x256xf32, #tpu.memory_space<vmem>>)
    %add3A_90 = arith.constant 128 : i32
    %add3A_91 = arith.addi %mul3A_2, %add3A_90 : i32
    %dma_start3A_92 = arith.constant 0 : i32
    %dma_start3A_93 = tpu.memref_slice %arg6[%add3A_91, %dma_start3A_92] : memref<8192x256xf32, #tpu.memory_space<hbm>> -> memref<64x256xf32, #tpu.memory_space<hbm>>
    %dma_start3A_94 = arith.constant 0 : i32
    %dma_start3A_95 = tpu.memref_slice %arg6[%add3A_91, %dma_start3A_94] : memref<8192x256xf32, #tpu.memory_space<hbm>> -> memref<64x256xf32, #tpu.memory_space<hbm>>
    tpu.enqueue_dma source(%arg11 : memref<64x256xf32, #tpu.memory_space<vmem>>) target(%dma_start3A_95 : memref<64x256xf32, #tpu.memory_space<hbm>>) target_semaphore(%arg18 : memref<!tpu.dma_semaphore, #tpu.memory_space<semaphore_mem>>)
    %dma_wait3A_96 = arith.constant 192 : i32
    %dma_wait3A_97 = tpu.memref_slice %arg9[%dma_wait3A_96] : memref<256xi32, #tpu.memory_space<vmem>> -> memref<64xi32, #tpu.memory_space<vmem>>
    %dma_wait3A_98 = arith.constant 0 : i32
    %dma_wait3A_99 = arith.constant 0 : i32
    %dma_wait3A_100 = tpu.memref_slice %arg5[%dma_wait3A_98, %dma_wait3A_99] : memref<50000x256xf32, #tpu.memory_space<hbm>> -> memref<50000x256xf32, #tpu.memory_space<hbm>>
    tpu.wait_indirect_dma semaphore(%arg19 : memref<!tpu.dma_semaphore, #tpu.memory_space<semaphore_mem>>) src(%dma_wait3A_100 : memref<50000x256xf32, #tpu.memory_space<hbm>>) dst(%arg12 : memref<64x256xf32, #tpu.memory_space<vmem>>)
    %add3A_101 = arith.constant 192 : i32
    %add3A_102 = arith.addi %mul3A_2, %add3A_101 : i32
    %dma_start3A_103 = arith.constant 0 : i32
    %dma_start3A_104 = tpu.memref_slice %arg6[%add3A_102, %dma_start3A_103] : memref<8192x256xf32, #tpu.memory_space<hbm>> -> memref<64x256xf32, #tpu.memory_space<hbm>>
    %dma_start3A_105 = arith.constant 0 : i32
    %dma_start3A_106 = tpu.memref_slice %arg6[%add3A_102, %dma_start3A_105] : memref<8192x256xf32, #tpu.memory_space<hbm>> -> memref<64x256xf32, #tpu.memory_space<hbm>>
    tpu.enqueue_dma source(%arg12 : memref<64x256xf32, #tpu.memory_space<vmem>>) target(%dma_start3A_106 : memref<64x256xf32, #tpu.memory_space<hbm>>) target_semaphore(%arg19 : memref<!tpu.dma_semaphore, #tpu.memory_space<semaphore_mem>>)
    %dma_wait3A_107 = arith.constant 0 : i32
    %dma_wait3A_108 = tpu.memref_slice %arg6[%add3A_91, %dma_wait3A_107] : memref<8192x256xf32, #tpu.memory_space<hbm>> -> memref<64x256xf32, #tpu.memory_space<hbm>>
    %dma_wait3A_109 = arith.constant 0 : i32
    %dma_wait3A_110 = tpu.memref_slice %arg6[%add3A_91, %dma_wait3A_109] : memref<8192x256xf32, #tpu.memory_space<hbm>> -> memref<64x256xf32, #tpu.memory_space<hbm>>
    tpu.wait_dma2 semaphore(%arg18 : memref<!tpu.dma_semaphore, #tpu.memory_space<semaphore_mem>>) src(%arg11 : memref<64x256xf32, #tpu.memory_space<vmem>>) dst(%dma_wait3A_110 : memref<64x256xf32, #tpu.memory_space<hbm>>)
    %dma_wait3A_111 = arith.constant 0 : i32
    %dma_wait3A_112 = tpu.memref_slice %arg6[%add3A_102, %dma_wait3A_111] : memref<8192x256xf32, #tpu.memory_space<hbm>> -> memref<64x256xf32, #tpu.memory_space<hbm>>
    %dma_wait3A_113 = arith.constant 0 : i32
    %dma_wait3A_114 = tpu.memref_slice %arg6[%add3A_102, %dma_wait3A_113] : memref<8192x256xf32, #tpu.memory_space<hbm>> -> memref<64x256xf32, #tpu.memory_space<hbm>>
    tpu.wait_dma2 semaphore(%arg19 : memref<!tpu.dma_semaphore, #tpu.memory_space<semaphore_mem>>) src(%arg12 : memref<64x256xf32, #tpu.memory_space<vmem>>) dst(%dma_wait3A_114 : memref<64x256xf32, #tpu.memory_space<hbm>>)
    %scan3A = arith.constant 0 : i32
    %scan3A_115 = arith.constant 0 : i32
    %scan3A_116 = arith.constant 16 : i32
    %scan3A_117 = arith.addi %scan3A_115, %scan3A_116 : i32
    %scan3A_118 = arith.constant 1 : i32
    scf.for %scan3A_132 = %scan3A_115 to %scan3A_117 step %scan3A_118  : i32 {
      %mul3A_133 = arith.constant 2 : i32
      %mul3A_134 = arith.muli %scan3A_132, %mul3A_133 : i32
      %add3A_135 = arith.constant 0 : i32
      %add3A_136 = arith.addi %mul3A_134, %add3A_135 : i32
      %dma_wait3A_137 = arith.constant 0 : i32
      %dma_wait3A_138 = tpu.memref_slice %arg10[%add3A_136, %dma_wait3A_137] : memref<32x80xi32, #tpu.memory_space<vmem>> -> memref<1x80xi32, #tpu.memory_space<vmem>>
      %dma_wait3A_139 = tpu.memref_squeeze %dma_wait3A_138 : memref<1x80xi32, #tpu.memory_space<vmem>> -> memref<80xi32, #tpu.memory_space<vmem>>
      %dma_wait3A_140 = arith.constant 0 : i32
      %dma_wait3A_141 = arith.constant 0 : i32
      %dma_wait3A_142 = tpu.memref_slice %arg5[%dma_wait3A_140, %dma_wait3A_141] : memref<50000x256xf32, #tpu.memory_space<hbm>> -> memref<50000x256xf32, #tpu.memory_space<hbm>>
      tpu.wait_indirect_dma semaphore(%arg20 : memref<!tpu.dma_semaphore, #tpu.memory_space<semaphore_mem>>) src(%dma_wait3A_142 : memref<50000x256xf32, #tpu.memory_space<hbm>>) dst(%arg13 : memref<80x256xf32, #tpu.memory_space<vmem>>)
      %ge3A = arith.constant 2 : i32
      %ge3A_143 = arith.cmpi sge, %add3A_136, %ge3A : i32
      %convert_element_type3A = arith.extui %ge3A_143 : i1 to i32
      %cond3A = arith.constant 0 : i32
      %cond3A_144 = arith.cmpi ne, %convert_element_type3A, %cond3A : i32
      scf.if %cond3A_144 {
        %sub3A = arith.constant 2 : i32
        %sub3A_197 = arith.subi %add3A_136, %sub3A : i32
        %mul3A_198 = arith.constant 8 : i32
        %mul3A_199 = arith.muli %sub3A_197, %mul3A_198 : i32
        %add3A_200 = arith.addi %mul3A_2, %mul3A_199 : i32
        %dma_wait3A_201 = arith.constant 0 : i32
        %dma_wait3A_202 = tpu.memref_slice %arg7[%add3A_200, %dma_wait3A_201] : memref<8192x256xf32, #tpu.memory_space<hbm>> -> memref<8x256xf32, #tpu.memory_space<hbm>>
        %dma_wait3A_203 = arith.constant 0 : i32
        %dma_wait3A_204 = tpu.memref_slice %arg7[%add3A_200, %dma_wait3A_203] : memref<8192x256xf32, #tpu.memory_space<hbm>> -> memref<8x256xf32, #tpu.memory_space<hbm>>
        tpu.wait_dma2 semaphore(%arg22 : memref<!tpu.dma_semaphore, #tpu.memory_space<semaphore_mem>>) src(%arg15 : memref<8x256xf32, #tpu.memory_space<vmem>>) dst(%dma_wait3A_204 : memref<8x256xf32, #tpu.memory_space<hbm>>)
      } else {
      }
      %scan3A_145 = arith.constant 0 : i32
      %scan3A_146 = arith.constant 0 : i32
      %scan3A_147 = arith.constant 8 : i32
      %scan3A_148 = arith.addi %scan3A_146, %scan3A_147 : i32
      %scan3A_149 = arith.constant 1 : i32
      scf.for %scan3A_197 = %scan3A_146 to %scan3A_148 step %scan3A_149  : i32 {
        %mul3A_198 = arith.constant 10 : i32
        %mul3A_199 = arith.muli %scan3A_197, %mul3A_198 : i32
        %get3A = arith.index_cast %mul3A_199 : i32 to index
        %get3A_200 = arith.constant 0 : index
        %get3A_201 = tpu.vector_load %arg13[%get3A, %get3A_200] {strides = array<i32>} : memref<80x256xf32, #tpu.memory_space<vmem>>, vector<1x16xf32>,
        %get3A_202 = vector.shape_cast %get3A_201 : vector<1x16xf32> to vector<16xf32>
        %add3A_203 = arith.constant 1 : i32
        %add3A_204 = arith.addi %mul3A_199, %add3A_203 : i32
        %get3A_205 = arith.index_cast %add3A_204 : i32 to index
        %get3A_206 = arith.constant 0 : index
        %get3A_207 = tpu.vector_load %arg13[%get3A_205, %get3A_206] {strides = array<i32>} : memref<80x256xf32, #tpu.memory_space<vmem>>, vector<1x16xf32>,
        %get3A_208 = vector.shape_cast %get3A_207 : vector<1x16xf32> to vector<16xf32>
        %add3A_209 = arith.addf %get3A_202, %get3A_208 : vector<16xf32>
        %add3A_210 = arith.constant 2 : i32
        %add3A_211 = arith.addi %mul3A_199, %add3A_210 : i32
        %get3A_212 = arith.index_cast %add3A_211 : i32 to index
        %get3A_213 = arith.constant 0 : index
        %get3A_214 = tpu.vector_load %arg13[%get3A_212, %get3A_213] {strides = array<i32>} : memref<80x256xf32, #tpu.memory_space<vmem>>, vector<1x16xf32>,
        %get3A_215 = vector.shape_cast %get3A_214 : vector<1x16xf32> to vector<16xf32>
        %add3A_216 = arith.addf %add3A_209, %get3A_215 : vector<16xf32>
        %add3A_217 = arith.constant 3 : i32
        %add3A_218 = arith.addi %mul3A_199, %add3A_217 : i32
        %get3A_219 = arith.index_cast %add3A_218 : i32 to index
        %get3A_220 = arith.constant 0 : index
        %get3A_221 = tpu.vector_load %arg13[%get3A_219, %get3A_220] {strides = array<i32>} : memref<80x256xf32, #tpu.memory_space<vmem>>, vector<1x16xf32>,
        %get3A_222 = vector.shape_cast %get3A_221 : vector<1x16xf32> to vector<16xf32>
        %add3A_223 = arith.addf %add3A_216, %get3A_222 : vector<16xf32>
        %add3A_224 = arith.constant 4 : i32
        %add3A_225 = arith.addi %mul3A_199, %add3A_224 : i32
        %get3A_226 = arith.index_cast %add3A_225 : i32 to index
        %get3A_227 = arith.constant 0 : index
        %get3A_228 = tpu.vector_load %arg13[%get3A_226, %get3A_227] {strides = array<i32>} : memref<80x256xf32, #tpu.memory_space<vmem>>, vector<1x16xf32>,
        %get3A_229 = vector.shape_cast %get3A_228 : vector<1x16xf32> to vector<16xf32>
        %add3A_230 = arith.addf %add3A_223, %get3A_229 : vector<16xf32>
        %add3A_231 = arith.constant 5 : i32
        %add3A_232 = arith.addi %mul3A_199, %add3A_231 : i32
        %get3A_233 = arith.index_cast %add3A_232 : i32 to index
        %get3A_234 = arith.constant 0 : index
        %get3A_235 = tpu.vector_load %arg13[%get3A_233, %get3A_234] {strides = array<i32>} : memref<80x256xf32, #tpu.memory_space<vmem>>, vector<1x16xf32>,
        %get3A_236 = vector.shape_cast %get3A_235 : vector<1x16xf32> to vector<16xf32>
        %add3A_237 = arith.addf %add3A_230, %get3A_236 : vector<16xf32>
        %add3A_238 = arith.constant 6 : i32
        %add3A_239 = arith.addi %mul3A_199, %add3A_238 : i32
        %get3A_240 = arith.index_cast %add3A_239 : i32 to index
        %get3A_241 = arith.constant 0 : index
        %get3A_242 = tpu.vector_load %arg13[%get3A_240, %get3A_241] {strides = array<i32>} : memref<80x256xf32, #tpu.memory_space<vmem>>, vector<1x16xf32>,
        %get3A_243 = vector.shape_cast %get3A_242 : vector<1x16xf32> to vector<16xf32>
        %add3A_244 = arith.addf %add3A_237, %get3A_243 : vector<16xf32>
        %add3A_245 = arith.constant 7 : i32
        %add3A_246 = arith.addi %mul3A_199, %add3A_245 : i32
        %get3A_247 = arith.index_cast %add3A_246 : i32 to index
        %get3A_248 = arith.constant 0 : index
        %get3A_249 = tpu.vector_load %arg13[%get3A_247, %get3A_248] {strides = array<i32>} : memref<80x256xf32, #tpu.memory_space<vmem>>, vector<1x16xf32>,
        %get3A_250 = vector.shape_cast %get3A_249 : vector<1x16xf32> to vector<16xf32>
        %add3A_251 = arith.addf %add3A_244, %get3A_250 : vector<16xf32>
        %add3A_252 = arith.constant 8 : i32
        %add3A_253 = arith.addi %mul3A_199, %add3A_252 : i32
        %get3A_254 = arith.index_cast %add3A_253 : i32 to index
        %get3A_255 = arith.constant 0 : index
        %get3A_256 = tpu.vector_load %arg13[%get3A_254, %get3A_255] {strides = array<i32>} : memref<80x256xf32, #tpu.memory_space<vmem>>, vector<1x16xf32>,
        %get3A_257 = vector.shape_cast %get3A_256 : vector<1x16xf32> to vector<16xf32>
        %add3A_258 = arith.addf %add3A_251, %get3A_257 : vector<16xf32>
        %add3A_259 = arith.constant 9 : i32
        %add3A_260 = arith.addi %mul3A_199, %add3A_259 : i32
        %get3A_261 = arith.index_cast %add3A_260 : i32 to index
        %get3A_262 = arith.constant 0 : index
        %get3A_263 = tpu.vector_load %arg13[%get3A_261, %get3A_262] {strides = array<i32>} : memref<80x256xf32, #tpu.memory_space<vmem>>, vector<1x16xf32>,
        %get3A_264 = vector.shape_cast %get3A_263 : vector<1x16xf32> to vector<16xf32>
        %add3A_265 = arith.addf %add3A_258, %get3A_264 : vector<16xf32>
        %swap3A = arith.index_cast %scan3A_197 : i32 to index
        %swap3A_266 = arith.constant 0 : index
        %swap3A_267 = tpu.vector_load %arg15[%swap3A, %swap3A_266] {strides = array<i32>} : memref<8x256xf32, #tpu.memory_space<vmem>>, vector<1x16xf32>,
        %swap3A_268 = vector.shape_cast %swap3A_267 : vector<1x16xf32> to vector<16xf32>
        %swap3A_269 = vector.shape_cast %add3A_265 : vector<16xf32> to vector<1x16xf32>
        tpu.vector_store %arg15[%swap3A, %swap3A_266], %swap3A_269 {strides = array<i32>} : memref<8x256xf32, #tpu.memory_space<vmem>>, vector<1x16xf32>,
        %get3A_270 = arith.index_cast %mul3A_199 : i32 to index
        %get3A_271 = arith.constant 16 : index
        %get3A_272 = tpu.vector_load %arg13[%get3A_270, %get3A_271] {strides = array<i32>} : memref<80x256xf32, #tpu.memory_space<vmem>>, vector<1x16xf32>,
        %get3A_273 = vector.shape_cast %get3A_272 : vector<1x16xf32> to vector<16xf32>
        %add3A_274 = arith.constant 1 : i32
        %add3A_275 = arith.addi %mul3A_199, %add3A_274 : i32
        %get3A_276 = arith.index_cast %add3A_275 : i32 to index
        %get3A_277 = arith.constant 16 : index
        %get3A_278 = tpu.vector_load %arg13[%get3A_276, %get3A_277] {strides = array<i32>} : memref<80x256xf32, #tpu.memory_space<vmem>>, vector<1x16xf32>,
        %get3A_279 = vector.shape_cast %get3A_278 : vector<1x16xf32> to vector<16xf32>
        %add3A_280 = arith.addf %get3A_273, %get3A_279 : vector<16xf32>
        %add3A_281 = arith.constant 2 : i32
        %add3A_282 = arith.addi %mul3A_199, %add3A_281 : i32
        %get3A_283 = arith.index_cast %add3A_282 : i32 to index
        %get3A_284 = arith.constant 16 : index
        %get3A_285 = tpu.vector_load %arg13[%get3A_283, %get3A_284] {strides = array<i32>} : memref<80x256xf32, #tpu.memory_space<vmem>>, vector<1x16xf32>,
        %get3A_286 = vector.shape_cast %get3A_285 : vector<1x16xf32> to vector<16xf32>
        %add3A_287 = arith.addf %add3A_280, %get3A_286 : vector<16xf32>
        %add3A_288 = arith.constant 3 : i32
        %add3A_289 = arith.addi %mul3A_199, %add3A_288 : i32
        %get3A_290 = arith.index_cast %add3A_289 : i32 to index
        %get3A_291 = arith.constant 16 : index
        %get3A_292 = tpu.vector_load %arg13[%get3A_290, %get3A_291] {strides = array<i32>} : memref<80x256xf32, #tpu.memory_space<vmem>>, vector<1x16xf32>,
        %get3A_293 = vector.shape_cast %get3A_292 : vector<1x16xf32> to vector<16xf32>
        %add3A_294 = arith.addf %add3A_287, %get3A_293 : vector<16xf32>
        %add3A_295 = arith.constant 4 : i32
        %add3A_296 = arith.addi %mul3A_199, %add3A_295 : i32
        %get3A_297 = arith.index_cast %add3A_296 : i32 to index
        %get3A_298 = arith.constant 16 : index
        %get3A_299 = tpu.vector_load %arg13[%get3A_297, %get3A_298] {strides = array<i32>} : memref<80x256xf32, #tpu.memory_space<vmem>>, vector<1x16xf32>,
        %get3A_300 = vector.shape_cast %get3A_299 : vector<1x16xf32> to vector<16xf32>
        %add3A_301 = arith.addf %add3A_294, %get3A_300 : vector<16xf32>
        %add3A_302 = arith.constant 5 : i32
        %add3A_303 = arith.addi %mul3A_199, %add3A_302 : i32
        %get3A_304 = arith.index_cast %add3A_303 : i32 to index
        %get3A_305 = arith.constant 16 : index
        %get3A_306 = tpu.vector_load %arg13[%get3A_304, %get3A_305] {strides = array<i32>} : memref<80x256xf32, #tpu.memory_space<vmem>>, vector<1x16xf32>,
        %get3A_307 = vector.shape_cast %get3A_306 : vector<1x16xf32> to vector<16xf32>
        %add3A_308 = arith.addf %add3A_301, %get3A_307 : vector<16xf32>
        %add3A_309 = arith.constant 6 : i32
        %add3A_310 = arith.addi %mul3A_199, %add3A_309 : i32
        %get3A_311 = arith.index_cast %add3A_310 : i32 to index
        %get3A_312 = arith.constant 16 : index
        %get3A_313 = tpu.vector_load %arg13[%get3A_311, %get3A_312] {strides = array<i32>} : memref<80x256xf32, #tpu.memory_space<vmem>>, vector<1x16xf32>,
        %get3A_314 = vector.shape_cast %get3A_313 : vector<1x16xf32> to vector<16xf32>
        %add3A_315 = arith.addf %add3A_308, %get3A_314 : vector<16xf32>
        %add3A_316 = arith.constant 7 : i32
        %add3A_317 = arith.addi %mul3A_199, %add3A_316 : i32
        %get3A_318 = arith.index_cast %add3A_317 : i32 to index
        %get3A_319 = arith.constant 16 : index
        %get3A_320 = tpu.vector_load %arg13[%get3A_318, %get3A_319] {strides = array<i32>} : memref<80x256xf32, #tpu.memory_space<vmem>>, vector<1x16xf32>,
        %get3A_321 = vector.shape_cast %get3A_320 : vector<1x16xf32> to vector<16xf32>
        %add3A_322 = arith.addf %add3A_315, %get3A_321 : vector<16xf32>
        %add3A_323 = arith.constant 8 : i32
        %add3A_324 = arith.addi %mul3A_199, %add3A_323 : i32
        %get3A_325 = arith.index_cast %add3A_324 : i32 to index
        %get3A_326 = arith.constant 16 : index
        %get3A_327 = tpu.vector_load %arg13[%get3A_325, %get3A_326] {strides = array<i32>} : memref<80x256xf32, #tpu.memory_space<vmem>>, vector<1x16xf32>,
        %get3A_328 = vector.shape_cast %get3A_327 : vector<1x16xf32> to vector<16xf32>
        %add3A_329 = arith.addf %add3A_322, %get3A_328 : vector<16xf32>
        %add3A_330 = arith.constant 9 : i32
        %add3A_331 = arith.addi %mul3A_199, %add3A_330 : i32
        %get3A_332 = arith.index_cast %add3A_331 : i32 to index
        %get3A_333 = arith.constant 16 : index
        %get3A_334 = tpu.vector_load %arg13[%get3A_332, %get3A_333] {strides = array<i32>} : memref<80x256xf32, #tpu.memory_space<vmem>>, vector<1x16xf32>,
        %get3A_335 = vector.shape_cast %get3A_334 : vector<1x16xf32> to vector<16xf32>
        %add3A_336 = arith.addf %add3A_329, %get3A_335 : vector<16xf32>
        %swap3A_337 = arith.index_cast %scan3A_197 : i32 to index
        %swap3A_338 = arith.constant 16 : index
        %swap3A_339 = tpu.vector_load %arg15[%swap3A_337, %swap3A_338] {strides = array<i32>} : memref<8x256xf32, #tpu.memory_space<vmem>>, vector<1x16xf32>,
        %swap3A_340 = vector.shape_cast %swap3A_339 : vector<1x16xf32> to vector<16xf32>
        %swap3A_341 = vector.shape_cast %add3A_336 : vector<16xf32> to vector<1x16xf32>
        tpu.vector_store %arg15[%swap3A_337, %swap3A_338], %swap3A_341 {strides = array<i32>} : memref<8x256xf32, #tpu.memory_space<vmem>>, vector<1x16xf32>,
        %get3A_342 = arith.index_cast %mul3A_199 : i32 to index
        %get3A_343 = arith.constant 32 : index
        %get3A_344 = tpu.vector_load %arg13[%get3A_342, %get3A_343] {strides = array<i32>} : memref<80x256xf32, #tpu.memory_space<vmem>>, vector<1x16xf32>,
        %get3A_345 = vector.shape_cast %get3A_344 : vector<1x16xf32> to vector<16xf32>
        %add3A_346 = arith.constant 1 : i32
        %add3A_347 = arith.addi %mul3A_199, %add3A_346 : i32
        %get3A_348 = arith.index_cast %add3A_347 : i32 to index
        %get3A_349 = arith.constant 32 : index
        %get3A_350 = tpu.vector_load %arg13[%get3A_348, %get3A_349] {strides = array<i32>} : memref<80x256xf32, #tpu.memory_space<vmem>>, vector<1x16xf32>,
        %get3A_351 = vector.shape_cast %get3A_350 : vector<1x16xf32> to vector<16xf32>
        %add3A_352 = arith.addf %get3A_345, %get3A_351 : vector<16xf32>
        %add3A_353 = arith.constant 2 : i32
        %add3A_354 = arith.addi %mul3A_199, %add3A_353 : i32
        %get3A_355 = arith.index_cast %add3A_354 : i32 to index
        %get3A_356 = arith.constant 32 : index
        %get3A_357 = tpu.vector_load %arg13[%get3A_355, %get3A_356] {strides = array<i32>} : memref<80x256xf32, #tpu.memory_space<vmem>>, vector<1x16xf32>,
        %get3A_358 = vector.shape_cast %get3A_357 : vector<1x16xf32> to vector<16xf32>
        %add3A_359 = arith.addf %add3A_352, %get3A_358 : vector<16xf32>
        %add3A_360 = arith.constant 3 : i32
        %add3A_361 = arith.addi %mul3A_199, %add3A_360 : i32
        %get3A_362 = arith.index_cast %add3A_361 : i32 to index
        %get3A_363 = arith.constant 32 : index
        %get3A_364 = tpu.vector_load %arg13[%get3A_362, %get3A_363] {strides = array<i32>} : memref<80x256xf32, #tpu.memory_space<vmem>>, vector<1x16xf32>,
        %get3A_365 = vector.shape_cast %get3A_364 : vector<1x16xf32> to vector<16xf32>
        %add3A_366 = arith.addf %add3A_359, %get3A_365 : vector<16xf32>
        %add3A_367 = arith.constant 4 : i32
        %add3A_368 = arith.addi %mul3A_199, %add3A_367 : i32
        %get3A_369 = arith.index_cast %add3A_368 : i32 to index
        %get3A_370 = arith.constant 32 : index
        %get3A_371 = tpu.vector_load %arg13[%get3A_369, %get3A_370] {strides = array<i32>} : memref<80x256xf32, #tpu.memory_space<vmem>>, vector<1x16xf32>,
        %get3A_372 = vector.shape_cast %get3A_371 : vector<1x16xf32> to vector<16xf32>
        %add3A_373 = arith.addf %add3A_366, %get3A_372 : vector<16xf32>
        %add3A_374 = arith.constant 5 : i32
        %add3A_375 = arith.addi %mul3A_199, %add3A_374 : i32
        %get3A_376 = arith.index_cast %add3A_375 : i32 to index
        %get3A_377 = arith.constant 32 : index
        %get3A_378 = tpu.vector_load %arg13[%get3A_376, %get3A_377] {strides = array<i32>} : memref<80x256xf32, #tpu.memory_space<vmem>>, vector<1x16xf32>,
        %get3A_379 = vector.shape_cast %get3A_378 : vector<1x16xf32> to vector<16xf32>
        %add3A_380 = arith.addf %add3A_373, %get3A_379 : vector<16xf32>
        %add3A_381 = arith.constant 6 : i32
        %add3A_382 = arith.addi %mul3A_199, %add3A_381 : i32
        %get3A_383 = arith.index_cast %add3A_382 : i32 to index
        %get3A_384 = arith.constant 32 : index
        %get3A_385 = tpu.vector_load %arg13[%get3A_383, %get3A_384] {strides = array<i32>} : memref<80x256xf32, #tpu.memory_space<vmem>>, vector<1x16xf32>,
        %get3A_386 = vector.shape_cast %get3A_385 : vector<1x16xf32> to vector<16xf32>
        %add3A_387 = arith.addf %add3A_380, %get3A_386 : vector<16xf32>
        %add3A_388 = arith.constant 7 : i32
        %add3A_389 = arith.addi %mul3A_199, %add3A_388 : i32
        %get3A_390 = arith.index_cast %add3A_389 : i32 to index
        %get3A_391 = arith.constant 32 : index
        %get3A_392 = tpu.vector_load %arg13[%get3A_390, %get3A_391] {strides = array<i32>} : memref<80x256xf32, #tpu.memory_space<vmem>>, vector<1x16xf32>,
        %get3A_393 = vector.shape_cast %get3A_392 : vector<1x16xf32> to vector<16xf32>
        %add3A_394 = arith.addf %add3A_387, %get3A_393 : vector<16xf32>
        %add3A_395 = arith.constant 8 : i32
        %add3A_396 = arith.addi %mul3A_199, %add3A_395 : i32
        %get3A_397 = arith.index_cast %add3A_396 : i32 to index
        %get3A_398 = arith.constant 32 : index
        %get3A_399 = tpu.vector_load %arg13[%get3A_397, %get3A_398] {strides = array<i32>} : memref<80x256xf32, #tpu.memory_space<vmem>>, vector<1x16xf32>,
        %get3A_400 = vector.shape_cast %get3A_399 : vector<1x16xf32> to vector<16xf32>
        %add3A_401 = arith.addf %add3A_394, %get3A_400 : vector<16xf32>
        %add3A_402 = arith.constant 9 : i32
        %add3A_403 = arith.addi %mul3A_199, %add3A_402 : i32
        %get3A_404 = arith.index_cast %add3A_403 : i32 to index
        %get3A_405 = arith.constant 32 : index
        %get3A_406 = tpu.vector_load %arg13[%get3A_404, %get3A_405] {strides = array<i32>} : memref<80x256xf32, #tpu.memory_space<vmem>>, vector<1x16xf32>,
        %get3A_407 = vector.shape_cast %get3A_406 : vector<1x16xf32> to vector<16xf32>
        %add3A_408 = arith.addf %add3A_401, %get3A_407 : vector<16xf32>
        %swap3A_409 = arith.index_cast %scan3A_197 : i32 to index
        %swap3A_410 = arith.constant 32 : index
        %swap3A_411 = tpu.vector_load %arg15[%swap3A_409, %swap3A_410] {strides = array<i32>} : memref<8x256xf32, #tpu.memory_space<vmem>>, vector<1x16xf32>,
        %swap3A_412 = vector.shape_cast %swap3A_411 : vector<1x16xf32> to vector<16xf32>
        %swap3A_413 = vector.shape_cast %add3A_408 : vector<16xf32> to vector<1x16xf32>
        tpu.vector_store %arg15[%swap3A_409, %swap3A_410], %swap3A_413 {strides = array<i32>} : memref<8x256xf32, #tpu.memory_space<vmem>>, vector<1x16xf32>,
        %get3A_414 = arith.index_cast %mul3A_199 : i32 to index
        %get3A_415 = arith.constant 48 : index
        %get3A_416 = tpu.vector_load %arg13[%get3A_414, %get3A_415] {strides = array<i32>} : memref<80x256xf32, #tpu.memory_space<vmem>>, vector<1x16xf32>,
        %get3A_417 = vector.shape_cast %get3A_416 : vector<1x16xf32> to vector<16xf32>
        %add3A_418 = arith.constant 1 : i32
        %add3A_419 = arith.addi %mul3A_199, %add3A_418 : i32
        %get3A_420 = arith.index_cast %add3A_419 : i32 to index
        %get3A_421 = arith.constant 48 : index
        %get3A_422 = tpu.vector_load %arg13[%get3A_420, %get3A_421] {strides = array<i32>} : memref<80x256xf32, #tpu.memory_space<vmem>>, vector<1x16xf32>,
        %get3A_423 = vector.shape_cast %get3A_422 : vector<1x16xf32> to vector<16xf32>
        %add3A_424 = arith.addf %get3A_417, %get3A_423 : vector<16xf32>
        %add3A_425 = arith.constant 2 : i32
        %add3A_426 = arith.addi %mul3A_199, %add3A_425 : i32
        %get3A_427 = arith.index_cast %add3A_426 : i32 to index
        %get3A_428 = arith.constant 48 : index
        %get3A_429 = tpu.vector_load %arg13[%get3A_427, %get3A_428] {strides = array<i32>} : memref<80x256xf32, #tpu.memory_space<vmem>>, vector<1x16xf32>,
        %get3A_430 = vector.shape_cast %get3A_429 : vector<1x16xf32> to vector<16xf32>
        %add3A_431 = arith.addf %add3A_424, %get3A_430 : vector<16xf32>
        %add3A_432 = arith.constant 3 : i32
        %add3A_433 = arith.addi %mul3A_199, %add3A_432 : i32
        %get3A_434 = arith.index_cast %add3A_433 : i32 to index
        %get3A_435 = arith.constant 48 : index
        %get3A_436 = tpu.vector_load %arg13[%get3A_434, %get3A_435] {strides = array<i32>} : memref<80x256xf32, #tpu.memory_space<vmem>>, vector<1x16xf32>,
        %get3A_437 = vector.shape_cast %get3A_436 : vector<1x16xf32> to vector<16xf32>
        %add3A_438 = arith.addf %add3A_431, %get3A_437 : vector<16xf32>
        %add3A_439 = arith.constant 4 : i32
        %add3A_440 = arith.addi %mul3A_199, %add3A_439 : i32
        %get3A_441 = arith.index_cast %add3A_440 : i32 to index
        %get3A_442 = arith.constant 48 : index
        %get3A_443 = tpu.vector_load %arg13[%get3A_441, %get3A_442] {strides = array<i32>} : memref<80x256xf32, #tpu.memory_space<vmem>>, vector<1x16xf32>,
        %get3A_444 = vector.shape_cast %get3A_443 : vector<1x16xf32> to vector<16xf32>
        %add3A_445 = arith.addf %add3A_438, %get3A_444 : vector<16xf32>
        %add3A_446 = arith.constant 5 : i32
        %add3A_447 = arith.addi %mul3A_199, %add3A_446 : i32
        %get3A_448 = arith.index_cast %add3A_447 : i32 to index
        %get3A_449 = arith.constant 48 : index
        %get3A_450 = tpu.vector_load %arg13[%get3A_448, %get3A_449] {strides = array<i32>} : memref<80x256xf32, #tpu.memory_space<vmem>>, vector<1x16xf32>,
        %get3A_451 = vector.shape_cast %get3A_450 : vector<1x16xf32> to vector<16xf32>
        %add3A_452 = arith.addf %add3A_445, %get3A_451 : vector<16xf32>
        %add3A_453 = arith.constant 6 : i32
        %add3A_454 = arith.addi %mul3A_199, %add3A_453 : i32
        %get3A_455 = arith.index_cast %add3A_454 : i32 to index
        %get3A_456 = arith.constant 48 : index
        %get3A_457 = tpu.vector_load %arg13[%get3A_455, %get3A_456] {strides = array<i32>} : memref<80x256xf32, #tpu.memory_space<vmem>>, vector<1x16xf32>,
        %get3A_458 = vector.shape_cast %get3A_457 : vector<1x16xf32> to vector<16xf32>
        %add3A_459 = arith.addf %add3A_452, %get3A_458 : vector<16xf32>
        %add3A_460 = arith.constant 7 : i32
        %add3A_461 = arith.addi %mul3A_199, %add3A_460 : i32
        %get3A_462 = arith.index_cast %add3A_461 : i32 to index
        %get3A_463 = arith.constant 48 : index
        %get3A_464 = tpu.vector_load %arg13[%get3A_462, %get3A_463] {strides = array<i32>} : memref<80x256xf32, #tpu.memory_space<vmem>>, vector<1x16xf32>,
        %get3A_465 = vector.shape_cast %get3A_464 : vector<1x16xf32> to vector<16xf32>
        %add3A_466 = arith.addf %add3A_459, %get3A_465 : vector<16xf32>
        %add3A_467 = arith.constant 8 : i32
        %add3A_468 = arith.addi %mul3A_199, %add3A_467 : i32
        %get3A_469 = arith.index_cast %add3A_468 : i32 to index
        %get3A_470 = arith.constant 48 : index
        %get3A_471 = tpu.vector_load %arg13[%get3A_469, %get3A_470] {strides = array<i32>} : memref<80x256xf32, #tpu.memory_space<vmem>>, vector<1x16xf32>,
        %get3A_472 = vector.shape_cast %get3A_471 : vector<1x16xf32> to vector<16xf32>
        %add3A_473 = arith.addf %add3A_466, %get3A_472 : vector<16xf32>
        %add3A_474 = arith.constant 9 : i32
        %add3A_475 = arith.addi %mul3A_199, %add3A_474 : i32
        %get3A_476 = arith.index_cast %add3A_475 : i32 to index
        %get3A_477 = arith.constant 48 : index
        %get3A_478 = tpu.vector_load %arg13[%get3A_476, %get3A_477] {strides = array<i32>} : memref<80x256xf32, #tpu.memory_space<vmem>>, vector<1x16xf32>,
        %get3A_479 = vector.shape_cast %get3A_478 : vector<1x16xf32> to vector<16xf32>
        %add3A_480 = arith.addf %add3A_473, %get3A_479 : vector<16xf32>
        %swap3A_481 = arith.index_cast %scan3A_197 : i32 to index
        %swap3A_482 = arith.constant 48 : index
        %swap3A_483 = tpu.vector_load %arg15[%swap3A_481, %swap3A_482] {strides = array<i32>} : memref<8x256xf32, #tpu.memory_space<vmem>>, vector<1x16xf32>,
        %swap3A_484 = vector.shape_cast %swap3A_483 : vector<1x16xf32> to vector<16xf32>
        %swap3A_485 = vector.shape_cast %add3A_480 : vector<16xf32> to vector<1x16xf32>
        tpu.vector_store %arg15[%swap3A_481, %swap3A_482], %swap3A_485 {strides = array<i32>} : memref<8x256xf32, #tpu.memory_space<vmem>>, vector<1x16xf32>,
        %get3A_486 = arith.index_cast %mul3A_199 : i32 to index
        %get3A_487 = arith.constant 64 : index
        %get3A_488 = tpu.vector_load %arg13[%get3A_486, %get3A_487] {strides = array<i32>} : memref<80x256xf32, #tpu.memory_space<vmem>>, vector<1x16xf32>,
        %get3A_489 = vector.shape_cast %get3A_488 : vector<1x16xf32> to vector<16xf32>
        %add3A_490 = arith.constant 1 : i32
        %add3A_491 = arith.addi %mul3A_199, %add3A_490 : i32
        %get3A_492 = arith.index_cast %add3A_491 : i32 to index
        %get3A_493 = arith.constant 64 : index
        %get3A_494 = tpu.vector_load %arg13[%get3A_492, %get3A_493] {strides = array<i32>} : memref<80x256xf32, #tpu.memory_space<vmem>>, vector<1x16xf32>,
        %get3A_495 = vector.shape_cast %get3A_494 : vector<1x16xf32> to vector<16xf32>
        %add3A_496 = arith.addf %get3A_489, %get3A_495 : vector<16xf32>
        %add3A_497 = arith.constant 2 : i32
        %add3A_498 = arith.addi %mul3A_199, %add3A_497 : i32
        %get3A_499 = arith.index_cast %add3A_498 : i32 to index
        %get3A_500 = arith.constant 64 : index
        %get3A_501 = tpu.vector_load %arg13[%get3A_499, %get3A_500] {strides = array<i32>} : memref<80x256xf32, #tpu.memory_space<vmem>>, vector<1x16xf32>,
        %get3A_502 = vector.shape_cast %get3A_501 : vector<1x16xf32> to vector<16xf32>
        %add3A_503 = arith.addf %add3A_496, %get3A_502 : vector<16xf32>
        %add3A_504 = arith.constant 3 : i32
        %add3A_505 = arith.addi %mul3A_199, %add3A_504 : i32
        %get3A_506 = arith.index_cast %add3A_505 : i32 to index
        %get3A_507 = arith.constant 64 : index
        %get3A_508 = tpu.vector_load %arg13[%get3A_506, %get3A_507] {strides = array<i32>} : memref<80x256xf32, #tpu.memory_space<vmem>>, vector<1x16xf32>,
        %get3A_509 = vector.shape_cast %get3A_508 : vector<1x16xf32> to vector<16xf32>
        %add3A_510 = arith.addf %add3A_503, %get3A_509 : vector<16xf32>
        %add3A_511 = arith.constant 4 : i32
        %add3A_512 = arith.addi %mul3A_199, %add3A_511 : i32
        %get3A_513 = arith.index_cast %add3A_512 : i32 to index
        %get3A_514 = arith.constant 64 : index
        %get3A_515 = tpu.vector_load %arg13[%get3A_513, %get3A_514] {strides = array<i32>} : memref<80x256xf32, #tpu.memory_space<vmem>>, vector<1x16xf32>,
        %get3A_516 = vector.shape_cast %get3A_515 : vector<1x16xf32> to vector<16xf32>
        %add3A_517 = arith.addf %add3A_510, %get3A_516 : vector<16xf32>
        %add3A_518 = arith.constant 5 : i32
        %add3A_519 = arith.addi %mul3A_199, %add3A_518 : i32
        %get3A_520 = arith.index_cast %add3A_519 : i32 to index
        %get3A_521 = arith.constant 64 : index
        %get3A_522 = tpu.vector_load %arg13[%get3A_520, %get3A_521] {strides = array<i32>} : memref<80x256xf32, #tpu.memory_space<vmem>>, vector<1x16xf32>,
        %get3A_523 = vector.shape_cast %get3A_522 : vector<1x16xf32> to vector<16xf32>
        %add3A_524 = arith.addf %add3A_517, %get3A_523 : vector<16xf32>
        %add3A_525 = arith.constant 6 : i32
        %add3A_526 = arith.addi %mul3A_199, %add3A_525 : i32
        %get3A_527 = arith.index_cast %add3A_526 : i32 to index
        %get3A_528 = arith.constant 64 : index
        %get3A_529 = tpu.vector_load %arg13[%get3A_527, %get3A_528] {strides = array<i32>} : memref<80x256xf32, #tpu.memory_space<vmem>>, vector<1x16xf32>,
        %get3A_530 = vector.shape_cast %get3A_529 : vector<1x16xf32> to vector<16xf32>
        %add3A_531 = arith.addf %add3A_524, %get3A_530 : vector<16xf32>
        %add3A_532 = arith.constant 7 : i32
        %add3A_533 = arith.addi %mul3A_199, %add3A_532 : i32
        %get3A_534 = arith.index_cast %add3A_533 : i32 to index
        %get3A_535 = arith.constant 64 : index
        %get3A_536 = tpu.vector_load %arg13[%get3A_534, %get3A_535] {strides = array<i32>} : memref<80x256xf32, #tpu.memory_space<vmem>>, vector<1x16xf32>,
        %get3A_537 = vector.shape_cast %get3A_536 : vector<1x16xf32> to vector<16xf32>
        %add3A_538 = arith.addf %add3A_531, %get3A_537 : vector<16xf32>
        %add3A_539 = arith.constant 8 : i32
        %add3A_540 = arith.addi %mul3A_199, %add3A_539 : i32
        %get3A_541 = arith.index_cast %add3A_540 : i32 to index
        %get3A_542 = arith.constant 64 : index
        %get3A_543 = tpu.vector_load %arg13[%get3A_541, %get3A_542] {strides = array<i32>} : memref<80x256xf32, #tpu.memory_space<vmem>>, vector<1x16xf32>,
        %get3A_544 = vector.shape_cast %get3A_543 : vector<1x16xf32> to vector<16xf32>
        %add3A_545 = arith.addf %add3A_538, %get3A_544 : vector<16xf32>
        %add3A_546 = arith.constant 9 : i32
        %add3A_547 = arith.addi %mul3A_199, %add3A_546 : i32
        %get3A_548 = arith.index_cast %add3A_547 : i32 to index
        %get3A_549 = arith.constant 64 : index
        %get3A_550 = tpu.vector_load %arg13[%get3A_548, %get3A_549] {strides = array<i32>} : memref<80x256xf32, #tpu.memory_space<vmem>>, vector<1x16xf32>,
        %get3A_551 = vector.shape_cast %get3A_550 : vector<1x16xf32> to vector<16xf32>
        %add3A_552 = arith.addf %add3A_545, %get3A_551 : vector<16xf32>
        %swap3A_553 = arith.index_cast %scan3A_197 : i32 to index
        %swap3A_554 = arith.constant 64 : index
        %swap3A_555 = tpu.vector_load %arg15[%swap3A_553, %swap3A_554] {strides = array<i32>} : memref<8x256xf32, #tpu.memory_space<vmem>>, vector<1x16xf32>,
        %swap3A_556 = vector.shape_cast %swap3A_555 : vector<1x16xf32> to vector<16xf32>
        %swap3A_557 = vector.shape_cast %add3A_552 : vector<16xf32> to vector<1x16xf32>
        tpu.vector_store %arg15[%swap3A_553, %swap3A_554], %swap3A_557 {strides = array<i32>} : memref<8x256xf32, #tpu.memory_space<vmem>>, vector<1x16xf32>,
        %get3A_558 = arith.index_cast %mul3A_199 : i32 to index
        %get3A_559 = arith.constant 80 : index
        %get3A_560 = tpu.vector_load %arg13[%get3A_558, %get3A_559] {strides = array<i32>} : memref<80x256xf32, #tpu.memory_space<vmem>>, vector<1x16xf32>,
        %get3A_561 = vector.shape_cast %get3A_560 : vector<1x16xf32> to vector<16xf32>
        %add3A_562 = arith.constant 1 : i32
        %add3A_563 = arith.addi %mul3A_199, %add3A_562 : i32
        %get3A_564 = arith.index_cast %add3A_563 : i32 to index
        %get3A_565 = arith.constant 80 : index
        %get3A_566 = tpu.vector_load %arg13[%get3A_564, %get3A_565] {strides = array<i32>} : memref<80x256xf32, #tpu.memory_space<vmem>>, vector<1x16xf32>,
        %get3A_567 = vector.shape_cast %get3A_566 : vector<1x16xf32> to vector<16xf32>
        %add3A_568 = arith.addf %get3A_561, %get3A_567 : vector<16xf32>
        %add3A_569 = arith.constant 2 : i32
        %add3A_570 = arith.addi %mul3A_199, %add3A_569 : i32
        %get3A_571 = arith.index_cast %add3A_570 : i32 to index
        %get3A_572 = arith.constant 80 : index
        %get3A_573 = tpu.vector_load %arg13[%get3A_571, %get3A_572] {strides = array<i32>} : memref<80x256xf32, #tpu.memory_space<vmem>>, vector<1x16xf32>,
        %get3A_574 = vector.shape_cast %get3A_573 : vector<1x16xf32> to vector<16xf32>
        %add3A_575 = arith.addf %add3A_568, %get3A_574 : vector<16xf32>
        %add3A_576 = arith.constant 3 : i32
        %add3A_577 = arith.addi %mul3A_199, %add3A_576 : i32
        %get3A_578 = arith.index_cast %add3A_577 : i32 to index
        %get3A_579 = arith.constant 80 : index
        %get3A_580 = tpu.vector_load %arg13[%get3A_578, %get3A_579] {strides = array<i32>} : memref<80x256xf32, #tpu.memory_space<vmem>>, vector<1x16xf32>,
        %get3A_581 = vector.shape_cast %get3A_580 : vector<1x16xf32> to vector<16xf32>
        %add3A_582 = arith.addf %add3A_575, %get3A_581 : vector<16xf32>
        %add3A_583 = arith.constant 4 : i32
        %add3A_584 = arith.addi %mul3A_199, %add3A_583 : i32
        %get3A_585 = arith.index_cast %add3A_584 : i32 to index
        %get3A_586 = arith.constant 80 : index
        %get3A_587 = tpu.vector_load %arg13[%get3A_585, %get3A_586] {strides = array<i32>} : memref<80x256xf32, #tpu.memory_space<vmem>>, vector<1x16xf32>,
        %get3A_588 = vector.shape_cast %get3A_587 : vector<1x16xf32> to vector<16xf32>
        %add3A_589 = arith.addf %add3A_582, %get3A_588 : vector<16xf32>
        %add3A_590 = arith.constant 5 : i32
        %add3A_591 = arith.addi %mul3A_199, %add3A_590 : i32
        %get3A_592 = arith.index_cast %add3A_591 : i32 to index
        %get3A_593 = arith.constant 80 : index
        %get3A_594 = tpu.vector_load %arg13[%get3A_592, %get3A_593] {strides = array<i32>} : memref<80x256xf32, #tpu.memory_space<vmem>>, vector<1x16xf32>,
        %get3A_595 = vector.shape_cast %get3A_594 : vector<1x16xf32> to vector<16xf32>
        %add3A_596 = arith.addf %add3A_589, %get3A_595 : vector<16xf32>
        %add3A_597 = arith.constant 6 : i32
        %add3A_598 = arith.addi %mul3A_199, %add3A_597 : i32
        %get3A_599 = arith.index_cast %add3A_598 : i32 to index
        %get3A_600 = arith.constant 80 : index
        %get3A_601 = tpu.vector_load %arg13[%get3A_599, %get3A_600] {strides = array<i32>} : memref<80x256xf32, #tpu.memory_space<vmem>>, vector<1x16xf32>,
        %get3A_602 = vector.shape_cast %get3A_601 : vector<1x16xf32> to vector<16xf32>
        %add3A_603 = arith.addf %add3A_596, %get3A_602 : vector<16xf32>
        %add3A_604 = arith.constant 7 : i32
        %add3A_605 = arith.addi %mul3A_199, %add3A_604 : i32
        %get3A_606 = arith.index_cast %add3A_605 : i32 to index
        %get3A_607 = arith.constant 80 : index
        %get3A_608 = tpu.vector_load %arg13[%get3A_606, %get3A_607] {strides = array<i32>} : memref<80x256xf32, #tpu.memory_space<vmem>>, vector<1x16xf32>,
        %get3A_609 = vector.shape_cast %get3A_608 : vector<1x16xf32> to vector<16xf32>
        %add3A_610 = arith.addf %add3A_603, %get3A_609 : vector<16xf32>
        %add3A_611 = arith.constant 8 : i32
        %add3A_612 = arith.addi %mul3A_199, %add3A_611 : i32
        %get3A_613 = arith.index_cast %add3A_612 : i32 to index
        %get3A_614 = arith.constant 80 : index
        %get3A_615 = tpu.vector_load %arg13[%get3A_613, %get3A_614] {strides = array<i32>} : memref<80x256xf32, #tpu.memory_space<vmem>>, vector<1x16xf32>,
        %get3A_616 = vector.shape_cast %get3A_615 : vector<1x16xf32> to vector<16xf32>
        %add3A_617 = arith.addf %add3A_610, %get3A_616 : vector<16xf32>
        %add3A_618 = arith.constant 9 : i32
        %add3A_619 = arith.addi %mul3A_199, %add3A_618 : i32
        %get3A_620 = arith.index_cast %add3A_619 : i32 to index
        %get3A_621 = arith.constant 80 : index
        %get3A_622 = tpu.vector_load %arg13[%get3A_620, %get3A_621] {strides = array<i32>} : memref<80x256xf32, #tpu.memory_space<vmem>>, vector<1x16xf32>,
        %get3A_623 = vector.shape_cast %get3A_622 : vector<1x16xf32> to vector<16xf32>
        %add3A_624 = arith.addf %add3A_617, %get3A_623 : vector<16xf32>
        %swap3A_625 = arith.index_cast %scan3A_197 : i32 to index
        %swap3A_626 = arith.constant 80 : index
        %swap3A_627 = tpu.vector_load %arg15[%swap3A_625, %swap3A_626] {strides = array<i32>} : memref<8x256xf32, #tpu.memory_space<vmem>>, vector<1x16xf32>,
        %swap3A_628 = vector.shape_cast %swap3A_627 : vector<1x16xf32> to vector<16xf32>
        %swap3A_629 = vector.shape_cast %add3A_624 : vector<16xf32> to vector<1x16xf32>
        tpu.vector_store %arg15[%swap3A_625, %swap3A_626], %swap3A_629 {strides = array<i32>} : memref<8x256xf32, #tpu.memory_space<vmem>>, vector<1x16xf32>,
        %get3A_630 = arith.index_cast %mul3A_199 : i32 to index
        %get3A_631 = arith.constant 96 : index
        %get3A_632 = tpu.vector_load %arg13[%get3A_630, %get3A_631] {strides = array<i32>} : memref<80x256xf32, #tpu.memory_space<vmem>>, vector<1x16xf32>,
        %get3A_633 = vector.shape_cast %get3A_632 : vector<1x16xf32> to vector<16xf32>
        %add3A_634 = arith.constant 1 : i32
        %add3A_635 = arith.addi %mul3A_199, %add3A_634 : i32
        %get3A_636 = arith.index_cast %add3A_635 : i32 to index
        %get3A_637 = arith.constant 96 : index
        %get3A_638 = tpu.vector_load %arg13[%get3A_636, %get3A_637] {strides = array<i32>} : memref<80x256xf32, #tpu.memory_space<vmem>>, vector<1x16xf32>,
        %get3A_639 = vector.shape_cast %get3A_638 : vector<1x16xf32> to vector<16xf32>
        %add3A_640 = arith.addf %get3A_633, %get3A_639 : vector<16xf32>
        %add3A_641 = arith.constant 2 : i32
        %add3A_642 = arith.addi %mul3A_199, %add3A_641 : i32
        %get3A_643 = arith.index_cast %add3A_642 : i32 to index
        %get3A_644 = arith.constant 96 : index
        %get3A_645 = tpu.vector_load %arg13[%get3A_643, %get3A_644] {strides = array<i32>} : memref<80x256xf32, #tpu.memory_space<vmem>>, vector<1x16xf32>,
        %get3A_646 = vector.shape_cast %get3A_645 : vector<1x16xf32> to vector<16xf32>
        %add3A_647 = arith.addf %add3A_640, %get3A_646 : vector<16xf32>
        %add3A_648 = arith.constant 3 : i32
        %add3A_649 = arith.addi %mul3A_199, %add3A_648 : i32
        %get3A_650 = arith.index_cast %add3A_649 : i32 to index
        %get3A_651 = arith.constant 96 : index
        %get3A_652 = tpu.vector_load %arg13[%get3A_650, %get3A_651] {strides = array<i32>} : memref<80x256xf32, #tpu.memory_space<vmem>>, vector<1x16xf32>,
        %get3A_653 = vector.shape_cast %get3A_652 : vector<1x16xf32> to vector<16xf32>
        %add3A_654 = arith.addf %add3A_647, %get3A_653 : vector<16xf32>
        %add3A_655 = arith.constant 4 : i32
        %add3A_656 = arith.addi %mul3A_199, %add3A_655 : i32
        %get3A_657 = arith.index_cast %add3A_656 : i32 to index
        %get3A_658 = arith.constant 96 : index
        %get3A_659 = tpu.vector_load %arg13[%get3A_657, %get3A_658] {strides = array<i32>} : memref<80x256xf32, #tpu.memory_space<vmem>>, vector<1x16xf32>,
        %get3A_660 = vector.shape_cast %get3A_659 : vector<1x16xf32> to vector<16xf32>
        %add3A_661 = arith.addf %add3A_654, %get3A_660 : vector<16xf32>
        %add3A_662 = arith.constant 5 : i32
        %add3A_663 = arith.addi %mul3A_199, %add3A_662 : i32
        %get3A_664 = arith.index_cast %add3A_663 : i32 to index
        %get3A_665 = arith.constant 96 : index
        %get3A_666 = tpu.vector_load %arg13[%get3A_664, %get3A_665] {strides = array<i32>} : memref<80x256xf32, #tpu.memory_space<vmem>>, vector<1x16xf32>,
        %get3A_667 = vector.shape_cast %get3A_666 : vector<1x16xf32> to vector<16xf32>
        %add3A_668 = arith.addf %add3A_661, %get3A_667 : vector<16xf32>
        %add3A_669 = arith.constant 6 : i32
        %add3A_670 = arith.addi %mul3A_199, %add3A_669 : i32
        %get3A_671 = arith.index_cast %add3A_670 : i32 to index
        %get3A_672 = arith.constant 96 : index
        %get3A_673 = tpu.vector_load %arg13[%get3A_671, %get3A_672] {strides = array<i32>} : memref<80x256xf32, #tpu.memory_space<vmem>>, vector<1x16xf32>,
        %get3A_674 = vector.shape_cast %get3A_673 : vector<1x16xf32> to vector<16xf32>
        %add3A_675 = arith.addf %add3A_668, %get3A_674 : vector<16xf32>
        %add3A_676 = arith.constant 7 : i32
        %add3A_677 = arith.addi %mul3A_199, %add3A_676 : i32
        %get3A_678 = arith.index_cast %add3A_677 : i32 to index
        %get3A_679 = arith.constant 96 : index
        %get3A_680 = tpu.vector_load %arg13[%get3A_678, %get3A_679] {strides = array<i32>} : memref<80x256xf32, #tpu.memory_space<vmem>>, vector<1x16xf32>,
        %get3A_681 = vector.shape_cast %get3A_680 : vector<1x16xf32> to vector<16xf32>
        %add3A_682 = arith.addf %add3A_675, %get3A_681 : vector<16xf32>
        %add3A_683 = arith.constant 8 : i32
        %add3A_684 = arith.addi %mul3A_199, %add3A_683 : i32
        %get3A_685 = arith.index_cast %add3A_684 : i32 to index
        %get3A_686 = arith.constant 96 : index
        %get3A_687 = tpu.vector_load %arg13[%get3A_685, %get3A_686] {strides = array<i32>} : memref<80x256xf32, #tpu.memory_space<vmem>>, vector<1x16xf32>,
        %get3A_688 = vector.shape_cast %get3A_687 : vector<1x16xf32> to vector<16xf32>
        %add3A_689 = arith.addf %add3A_682, %get3A_688 : vector<16xf32>
        %add3A_690 = arith.constant 9 : i32
        %add3A_691 = arith.addi %mul3A_199, %add3A_690 : i32
        %get3A_692 = arith.index_cast %add3A_691 : i32 to index
        %get3A_693 = arith.constant 96 : index
        %get3A_694 = tpu.vector_load %arg13[%get3A_692, %get3A_693] {strides = array<i32>} : memref<80x256xf32, #tpu.memory_space<vmem>>, vector<1x16xf32>,
        %get3A_695 = vector.shape_cast %get3A_694 : vector<1x16xf32> to vector<16xf32>
        %add3A_696 = arith.addf %add3A_689, %get3A_695 : vector<16xf32>
        %swap3A_697 = arith.index_cast %scan3A_197 : i32 to index
        %swap3A_698 = arith.constant 96 : index
        %swap3A_699 = tpu.vector_load %arg15[%swap3A_697, %swap3A_698] {strides = array<i32>} : memref<8x256xf32, #tpu.memory_space<vmem>>, vector<1x16xf32>,
        %swap3A_700 = vector.shape_cast %swap3A_699 : vector<1x16xf32> to vector<16xf32>
        %swap3A_701 = vector.shape_cast %add3A_696 : vector<16xf32> to vector<1x16xf32>
        tpu.vector_store %arg15[%swap3A_697, %swap3A_698], %swap3A_701 {strides = array<i32>} : memref<8x256xf32, #tpu.memory_space<vmem>>, vector<1x16xf32>,
        %get3A_702 = arith.index_cast %mul3A_199 : i32 to index
        %get3A_703 = arith.constant 112 : index
        %get3A_704 = tpu.vector_load %arg13[%get3A_702, %get3A_703] {strides = array<i32>} : memref<80x256xf32, #tpu.memory_space<vmem>>, vector<1x16xf32>,
        %get3A_705 = vector.shape_cast %get3A_704 : vector<1x16xf32> to vector<16xf32>
        %add3A_706 = arith.constant 1 : i32
        %add3A_707 = arith.addi %mul3A_199, %add3A_706 : i32
        %get3A_708 = arith.index_cast %add3A_707 : i32 to index
        %get3A_709 = arith.constant 112 : index
        %get3A_710 = tpu.vector_load %arg13[%get3A_708, %get3A_709] {strides = array<i32>} : memref<80x256xf32, #tpu.memory_space<vmem>>, vector<1x16xf32>,
        %get3A_711 = vector.shape_cast %get3A_710 : vector<1x16xf32> to vector<16xf32>
        %add3A_712 = arith.addf %get3A_705, %get3A_711 : vector<16xf32>
        %add3A_713 = arith.constant 2 : i32
        %add3A_714 = arith.addi %mul3A_199, %add3A_713 : i32
        %get3A_715 = arith.index_cast %add3A_714 : i32 to index
        %get3A_716 = arith.constant 112 : index
        %get3A_717 = tpu.vector_load %arg13[%get3A_715, %get3A_716] {strides = array<i32>} : memref<80x256xf32, #tpu.memory_space<vmem>>, vector<1x16xf32>,
        %get3A_718 = vector.shape_cast %get3A_717 : vector<1x16xf32> to vector<16xf32>
        %add3A_719 = arith.addf %add3A_712, %get3A_718 : vector<16xf32>
        %add3A_720 = arith.constant 3 : i32
        %add3A_721 = arith.addi %mul3A_199, %add3A_720 : i32
        %get3A_722 = arith.index_cast %add3A_721 : i32 to index
        %get3A_723 = arith.constant 112 : index
        %get3A_724 = tpu.vector_load %arg13[%get3A_722, %get3A_723] {strides = array<i32>} : memref<80x256xf32, #tpu.memory_space<vmem>>, vector<1x16xf32>,
        %get3A_725 = vector.shape_cast %get3A_724 : vector<1x16xf32> to vector<16xf32>
        %add3A_726 = arith.addf %add3A_719, %get3A_725 : vector<16xf32>
        %add3A_727 = arith.constant 4 : i32
        %add3A_728 = arith.addi %mul3A_199, %add3A_727 : i32
        %get3A_729 = arith.index_cast %add3A_728 : i32 to index
        %get3A_730 = arith.constant 112 : index
        %get3A_731 = tpu.vector_load %arg13[%get3A_729, %get3A_730] {strides = array<i32>} : memref<80x256xf32, #tpu.memory_space<vmem>>, vector<1x16xf32>,
        %get3A_732 = vector.shape_cast %get3A_731 : vector<1x16xf32> to vector<16xf32>
        %add3A_733 = arith.addf %add3A_726, %get3A_732 : vector<16xf32>
        %add3A_734 = arith.constant 5 : i32
        %add3A_735 = arith.addi %mul3A_199, %add3A_734 : i32
        %get3A_736 = arith.index_cast %add3A_735 : i32 to index
        %get3A_737 = arith.constant 112 : index
        %get3A_738 = tpu.vector_load %arg13[%get3A_736, %get3A_737] {strides = array<i32>} : memref<80x256xf32, #tpu.memory_space<vmem>>, vector<1x16xf32>,
        %get3A_739 = vector.shape_cast %get3A_738 : vector<1x16xf32> to vector<16xf32>
        %add3A_740 = arith.addf %add3A_733, %get3A_739 : vector<16xf32>
        %add3A_741 = arith.constant 6 : i32
        %add3A_742 = arith.addi %mul3A_199, %add3A_741 : i32
        %get3A_743 = arith.index_cast %add3A_742 : i32 to index
        %get3A_744 = arith.constant 112 : index
        %get3A_745 = tpu.vector_load %arg13[%get3A_743, %get3A_744] {strides = array<i32>} : memref<80x256xf32, #tpu.memory_space<vmem>>, vector<1x16xf32>,
        %get3A_746 = vector.shape_cast %get3A_745 : vector<1x16xf32> to vector<16xf32>
        %add3A_747 = arith.addf %add3A_740, %get3A_746 : vector<16xf32>
        %add3A_748 = arith.constant 7 : i32
        %add3A_749 = arith.addi %mul3A_199, %add3A_748 : i32
        %get3A_750 = arith.index_cast %add3A_749 : i32 to index
        %get3A_751 = arith.constant 112 : index
        %get3A_752 = tpu.vector_load %arg13[%get3A_750, %get3A_751] {strides = array<i32>} : memref<80x256xf32, #tpu.memory_space<vmem>>, vector<1x16xf32>,
        %get3A_753 = vector.shape_cast %get3A_752 : vector<1x16xf32> to vector<16xf32>
        %add3A_754 = arith.addf %add3A_747, %get3A_753 : vector<16xf32>
        %add3A_755 = arith.constant 8 : i32
        %add3A_756 = arith.addi %mul3A_199, %add3A_755 : i32
        %get3A_757 = arith.index_cast %add3A_756 : i32 to index
        %get3A_758 = arith.constant 112 : index
        %get3A_759 = tpu.vector_load %arg13[%get3A_757, %get3A_758] {strides = array<i32>} : memref<80x256xf32, #tpu.memory_space<vmem>>, vector<1x16xf32>,
        %get3A_760 = vector.shape_cast %get3A_759 : vector<1x16xf32> to vector<16xf32>
        %add3A_761 = arith.addf %add3A_754, %get3A_760 : vector<16xf32>
        %add3A_762 = arith.constant 9 : i32
        %add3A_763 = arith.addi %mul3A_199, %add3A_762 : i32
        %get3A_764 = arith.index_cast %add3A_763 : i32 to index
        %get3A_765 = arith.constant 112 : index
        %get3A_766 = tpu.vector_load %arg13[%get3A_764, %get3A_765] {strides = array<i32>} : memref<80x256xf32, #tpu.memory_space<vmem>>, vector<1x16xf32>,
        %get3A_767 = vector.shape_cast %get3A_766 : vector<1x16xf32> to vector<16xf32>
        %add3A_768 = arith.addf %add3A_761, %get3A_767 : vector<16xf32>
        %swap3A_769 = arith.index_cast %scan3A_197 : i32 to index
        %swap3A_770 = arith.constant 112 : index
        %swap3A_771 = tpu.vector_load %arg15[%swap3A_769, %swap3A_770] {strides = array<i32>} : memref<8x256xf32, #tpu.memory_space<vmem>>, vector<1x16xf32>,
        %swap3A_772 = vector.shape_cast %swap3A_771 : vector<1x16xf32> to vector<16xf32>
        %swap3A_773 = vector.shape_cast %add3A_768 : vector<16xf32> to vector<1x16xf32>
        tpu.vector_store %arg15[%swap3A_769, %swap3A_770], %swap3A_773 {strides = array<i32>} : memref<8x256xf32, #tpu.memory_space<vmem>>, vector<1x16xf32>,
        %get3A_774 = arith.index_cast %mul3A_199 : i32 to index
        %get3A_775 = arith.constant 128 : index
        %get3A_776 = tpu.vector_load %arg13[%get3A_774, %get3A_775] {strides = array<i32>} : memref<80x256xf32, #tpu.memory_space<vmem>>, vector<1x16xf32>,
        %get3A_777 = vector.shape_cast %get3A_776 : vector<1x16xf32> to vector<16xf32>
        %add3A_778 = arith.constant 1 : i32
        %add3A_779 = arith.addi %mul3A_199, %add3A_778 : i32
        %get3A_780 = arith.index_cast %add3A_779 : i32 to index
        %get3A_781 = arith.constant 128 : index
        %get3A_782 = tpu.vector_load %arg13[%get3A_780, %get3A_781] {strides = array<i32>} : memref<80x256xf32, #tpu.memory_space<vmem>>, vector<1x16xf32>,
        %get3A_783 = vector.shape_cast %get3A_782 : vector<1x16xf32> to vector<16xf32>
        %add3A_784 = arith.addf %get3A_777, %get3A_783 : vector<16xf32>
        %add3A_785 = arith.constant 2 : i32
        %add3A_786 = arith.addi %mul3A_199, %add3A_785 : i32
        %get3A_787 = arith.index_cast %add3A_786 : i32 to index
        %get3A_788 = arith.constant 128 : index
        %get3A_789 = tpu.vector_load %arg13[%get3A_787, %get3A_788] {strides = array<i32>} : memref<80x256xf32, #tpu.memory_space<vmem>>, vector<1x16xf32>,
        %get3A_790 = vector.shape_cast %get3A_789 : vector<1x16xf32> to vector<16xf32>
        %add3A_791 = arith.addf %add3A_784, %get3A_790 : vector<16xf32>
        %add3A_792 = arith.constant 3 : i32
        %add3A_793 = arith.addi %mul3A_199, %add3A_792 : i32
        %get3A_794 = arith.index_cast %add3A_793 : i32 to index
        %get3A_795 = arith.constant 128 : index
        %get3A_796 = tpu.vector_load %arg13[%get3A_794, %get3A_795] {strides = array<i32>} : memref<80x256xf32, #tpu.memory_space<vmem>>, vector<1x16xf32>,
        %get3A_797 = vector.shape_cast %get3A_796 : vector<1x16xf32> to vector<16xf32>
        %add3A_798 = arith.addf %add3A_791, %get3A_797 : vector<16xf32>
        %add3A_799 = arith.constant 4 : i32
        %add3A_800 = arith.addi %mul3A_199, %add3A_799 : i32
        %get3A_801 = arith.index_cast %add3A_800 : i32 to index
        %get3A_802 = arith.constant 128 : index
        %get3A_803 = tpu.vector_load %arg13[%get3A_801, %get3A_802] {strides = array<i32>} : memref<80x256xf32, #tpu.memory_space<vmem>>, vector<1x16xf32>,
        %get3A_804 = vector.shape_cast %get3A_803 : vector<1x16xf32> to vector<16xf32>
        %add3A_805 = arith.addf %add3A_798, %get3A_804 : vector<16xf32>
        %add3A_806 = arith.constant 5 : i32
        %add3A_807 = arith.addi %mul3A_199, %add3A_806 : i32
        %get3A_808 = arith.index_cast %add3A_807 : i32 to index
        %get3A_809 = arith.constant 128 : index
        %get3A_810 = tpu.vector_load %arg13[%get3A_808, %get3A_809] {strides = array<i32>} : memref<80x256xf32, #tpu.memory_space<vmem>>, vector<1x16xf32>,
        %get3A_811 = vector.shape_cast %get3A_810 : vector<1x16xf32> to vector<16xf32>
        %add3A_812 = arith.addf %add3A_805, %get3A_811 : vector<16xf32>
        %add3A_813 = arith.constant 6 : i32
        %add3A_814 = arith.addi %mul3A_199, %add3A_813 : i32
        %get3A_815 = arith.index_cast %add3A_814 : i32 to index
        %get3A_816 = arith.constant 128 : index
        %get3A_817 = tpu.vector_load %arg13[%get3A_815, %get3A_816] {strides = array<i32>} : memref<80x256xf32, #tpu.memory_space<vmem>>, vector<1x16xf32>,
        %get3A_818 = vector.shape_cast %get3A_817 : vector<1x16xf32> to vector<16xf32>
        %add3A_819 = arith.addf %add3A_812, %get3A_818 : vector<16xf32>
        %add3A_820 = arith.constant 7 : i32
        %add3A_821 = arith.addi %mul3A_199, %add3A_820 : i32
        %get3A_822 = arith.index_cast %add3A_821 : i32 to index
        %get3A_823 = arith.constant 128 : index
        %get3A_824 = tpu.vector_load %arg13[%get3A_822, %get3A_823] {strides = array<i32>} : memref<80x256xf32, #tpu.memory_space<vmem>>, vector<1x16xf32>,
        %get3A_825 = vector.shape_cast %get3A_824 : vector<1x16xf32> to vector<16xf32>
        %add3A_826 = arith.addf %add3A_819, %get3A_825 : vector<16xf32>
        %add3A_827 = arith.constant 8 : i32
        %add3A_828 = arith.addi %mul3A_199, %add3A_827 : i32
        %get3A_829 = arith.index_cast %add3A_828 : i32 to index
        %get3A_830 = arith.constant 128 : index
        %get3A_831 = tpu.vector_load %arg13[%get3A_829, %get3A_830] {strides = array<i32>} : memref<80x256xf32, #tpu.memory_space<vmem>>, vector<1x16xf32>,
        %get3A_832 = vector.shape_cast %get3A_831 : vector<1x16xf32> to vector<16xf32>
        %add3A_833 = arith.addf %add3A_826, %get3A_832 : vector<16xf32>
        %add3A_834 = arith.constant 9 : i32
        %add3A_835 = arith.addi %mul3A_199, %add3A_834 : i32
        %get3A_836 = arith.index_cast %add3A_835 : i32 to index
        %get3A_837 = arith.constant 128 : index
        %get3A_838 = tpu.vector_load %arg13[%get3A_836, %get3A_837] {strides = array<i32>} : memref<80x256xf32, #tpu.memory_space<vmem>>, vector<1x16xf32>,
        %get3A_839 = vector.shape_cast %get3A_838 : vector<1x16xf32> to vector<16xf32>
        %add3A_840 = arith.addf %add3A_833, %get3A_839 : vector<16xf32>
        %swap3A_841 = arith.index_cast %scan3A_197 : i32 to index
        %swap3A_842 = arith.constant 128 : index
        %swap3A_843 = tpu.vector_load %arg15[%swap3A_841, %swap3A_842] {strides = array<i32>} : memref<8x256xf32, #tpu.memory_space<vmem>>, vector<1x16xf32>,
        %swap3A_844 = vector.shape_cast %swap3A_843 : vector<1x16xf32> to vector<16xf32>
        %swap3A_845 = vector.shape_cast %add3A_840 : vector<16xf32> to vector<1x16xf32>
        tpu.vector_store %arg15[%swap3A_841, %swap3A_842], %swap3A_845 {strides = array<i32>} : memref<8x256xf32, #tpu.memory_space<vmem>>, vector<1x16xf32>,
        %get3A_846 = arith.index_cast %mul3A_199 : i32 to index
        %get3A_847 = arith.constant 144 : index
        %get3A_848 = tpu.vector_load %arg13[%get3A_846, %get3A_847] {strides = array<i32>} : memref<80x256xf32, #tpu.memory_space<vmem>>, vector<1x16xf32>,
        %get3A_849 = vector.shape_cast %get3A_848 : vector<1x16xf32> to vector<16xf32>
        %add3A_850 = arith.constant 1 : i32
        %add3A_851 = arith.addi %mul3A_199, %add3A_850 : i32
        %get3A_852 = arith.index_cast %add3A_851 : i32 to index
        %get3A_853 = arith.constant 144 : index
        %get3A_854 = tpu.vector_load %arg13[%get3A_852, %get3A_853] {strides = array<i32>} : memref<80x256xf32, #tpu.memory_space<vmem>>, vector<1x16xf32>,
        %get3A_855 = vector.shape_cast %get3A_854 : vector<1x16xf32> to vector<16xf32>
        %add3A_856 = arith.addf %get3A_849, %get3A_855 : vector<16xf32>
        %add3A_857 = arith.constant 2 : i32
        %add3A_858 = arith.addi %mul3A_199, %add3A_857 : i32
        %get3A_859 = arith.index_cast %add3A_858 : i32 to index
        %get3A_860 = arith.constant 144 : index
        %get3A_861 = tpu.vector_load %arg13[%get3A_859, %get3A_860] {strides = array<i32>} : memref<80x256xf32, #tpu.memory_space<vmem>>, vector<1x16xf32>,
        %get3A_862 = vector.shape_cast %get3A_861 : vector<1x16xf32> to vector<16xf32>
        %add3A_863 = arith.addf %add3A_856, %get3A_862 : vector<16xf32>
        %add3A_864 = arith.constant 3 : i32
        %add3A_865 = arith.addi %mul3A_199, %add3A_864 : i32
        %get3A_866 = arith.index_cast %add3A_865 : i32 to index
        %get3A_867 = arith.constant 144 : index
        %get3A_868 = tpu.vector_load %arg13[%get3A_866, %get3A_867] {strides = array<i32>} : memref<80x256xf32, #tpu.memory_space<vmem>>, vector<1x16xf32>,
        %get3A_869 = vector.shape_cast %get3A_868 : vector<1x16xf32> to vector<16xf32>
        %add3A_870 = arith.addf %add3A_863, %get3A_869 : vector<16xf32>
        %add3A_871 = arith.constant 4 : i32
        %add3A_872 = arith.addi %mul3A_199, %add3A_871 : i32
        %get3A_873 = arith.index_cast %add3A_872 : i32 to index
        %get3A_874 = arith.constant 144 : index
        %get3A_875 = tpu.vector_load %arg13[%get3A_873, %get3A_874] {strides = array<i32>} : memref<80x256xf32, #tpu.memory_space<vmem>>, vector<1x16xf32>,
        %get3A_876 = vector.shape_cast %get3A_875 : vector<1x16xf32> to vector<16xf32>
        %add3A_877 = arith.addf %add3A_870, %get3A_876 : vector<16xf32>
        %add3A_878 = arith.constant 5 : i32
        %add3A_879 = arith.addi %mul3A_199, %add3A_878 : i32
        %get3A_880 = arith.index_cast %add3A_879 : i32 to index
        %get3A_881 = arith.constant 144 : index
        %get3A_882 = tpu.vector_load %arg13[%get3A_880, %get3A_881] {strides = array<i32>} : memref<80x256xf32, #tpu.memory_space<vmem>>, vector<1x16xf32>,
        %get3A_883 = vector.shape_cast %get3A_882 : vector<1x16xf32> to vector<16xf32>
        %add3A_884 = arith.addf %add3A_877, %get3A_883 : vector<16xf32>
        %add3A_885 = arith.constant 6 : i32
        %add3A_886 = arith.addi %mul3A_199, %add3A_885 : i32
        %get3A_887 = arith.index_cast %add3A_886 : i32 to index
        %get3A_888 = arith.constant 144 : index
        %get3A_889 = tpu.vector_load %arg13[%get3A_887, %get3A_888] {strides = array<i32>} : memref<80x256xf32, #tpu.memory_space<vmem>>, vector<1x16xf32>,
        %get3A_890 = vector.shape_cast %get3A_889 : vector<1x16xf32> to vector<16xf32>
        %add3A_891 = arith.addf %add3A_884, %get3A_890 : vector<16xf32>
        %add3A_892 = arith.constant 7 : i32
        %add3A_893 = arith.addi %mul3A_199, %add3A_892 : i32
        %get3A_894 = arith.index_cast %add3A_893 : i32 to index
        %get3A_895 = arith.constant 144 : index
        %get3A_896 = tpu.vector_load %arg13[%get3A_894, %get3A_895] {strides = array<i32>} : memref<80x256xf32, #tpu.memory_space<vmem>>, vector<1x16xf32>,
        %get3A_897 = vector.shape_cast %get3A_896 : vector<1x16xf32> to vector<16xf32>
        %add3A_898 = arith.addf %add3A_891, %get3A_897 : vector<16xf32>
        %add3A_899 = arith.constant 8 : i32
        %add3A_900 = arith.addi %mul3A_199, %add3A_899 : i32
        %get3A_901 = arith.index_cast %add3A_900 : i32 to index
        %get3A_902 = arith.constant 144 : index
        %get3A_903 = tpu.vector_load %arg13[%get3A_901, %get3A_902] {strides = array<i32>} : memref<80x256xf32, #tpu.memory_space<vmem>>, vector<1x16xf32>,
        %get3A_904 = vector.shape_cast %get3A_903 : vector<1x16xf32> to vector<16xf32>
        %add3A_905 = arith.addf %add3A_898, %get3A_904 : vector<16xf32>
        %add3A_906 = arith.constant 9 : i32
        %add3A_907 = arith.addi %mul3A_199, %add3A_906 : i32
        %get3A_908 = arith.index_cast %add3A_907 : i32 to index
        %get3A_909 = arith.constant 144 : index
        %get3A_910 = tpu.vector_load %arg13[%get3A_908, %get3A_909] {strides = array<i32>} : memref<80x256xf32, #tpu.memory_space<vmem>>, vector<1x16xf32>,
        %get3A_911 = vector.shape_cast %get3A_910 : vector<1x16xf32> to vector<16xf32>
        %add3A_912 = arith.addf %add3A_905, %get3A_911 : vector<16xf32>
        %swap3A_913 = arith.index_cast %scan3A_197 : i32 to index
        %swap3A_914 = arith.constant 144 : index
        %swap3A_915 = tpu.vector_load %arg15[%swap3A_913, %swap3A_914] {strides = array<i32>} : memref<8x256xf32, #tpu.memory_space<vmem>>, vector<1x16xf32>,
        %swap3A_916 = vector.shape_cast %swap3A_915 : vector<1x16xf32> to vector<16xf32>
        %swap3A_917 = vector.shape_cast %add3A_912 : vector<16xf32> to vector<1x16xf32>
        tpu.vector_store %arg15[%swap3A_913, %swap3A_914], %swap3A_917 {strides = array<i32>} : memref<8x256xf32, #tpu.memory_space<vmem>>, vector<1x16xf32>,
        %get3A_918 = arith.index_cast %mul3A_199 : i32 to index
        %get3A_919 = arith.constant 160 : index
        %get3A_920 = tpu.vector_load %arg13[%get3A_918, %get3A_919] {strides = array<i32>} : memref<80x256xf32, #tpu.memory_space<vmem>>, vector<1x16xf32>,
        %get3A_921 = vector.shape_cast %get3A_920 : vector<1x16xf32> to vector<16xf32>
        %add3A_922 = arith.constant 1 : i32
        %add3A_923 = arith.addi %mul3A_199, %add3A_922 : i32
        %get3A_924 = arith.index_cast %add3A_923 : i32 to index
        %get3A_925 = arith.constant 160 : index
        %get3A_926 = tpu.vector_load %arg13[%get3A_924, %get3A_925] {strides = array<i32>} : memref<80x256xf32, #tpu.memory_space<vmem>>, vector<1x16xf32>,
        %get3A_927 = vector.shape_cast %get3A_926 : vector<1x16xf32> to vector<16xf32>
        %add3A_928 = arith.addf %get3A_921, %get3A_927 : vector<16xf32>
        %add3A_929 = arith.constant 2 : i32
        %add3A_930 = arith.addi %mul3A_199, %add3A_929 : i32
        %get3A_931 = arith.index_cast %add3A_930 : i32 to index
        %get3A_932 = arith.constant 160 : index
        %get3A_933 = tpu.vector_load %arg13[%get3A_931, %get3A_932] {strides = array<i32>} : memref<80x256xf32, #tpu.memory_space<vmem>>, vector<1x16xf32>,
        %get3A_934 = vector.shape_cast %get3A_933 : vector<1x16xf32> to vector<16xf32>
        %add3A_935 = arith.addf %add3A_928, %get3A_934 : vector<16xf32>
        %add3A_936 = arith.constant 3 : i32
        %add3A_937 = arith.addi %mul3A_199, %add3A_936 : i32
        %get3A_938 = arith.index_cast %add3A_937 : i32 to index
        %get3A_939 = arith.constant 160 : index
        %get3A_940 = tpu.vector_load %arg13[%get3A_938, %get3A_939] {strides = array<i32>} : memref<80x256xf32, #tpu.memory_space<vmem>>, vector<1x16xf32>,
        %get3A_941 = vector.shape_cast %get3A_940 : vector<1x16xf32> to vector<16xf32>
        %add3A_942 = arith.addf %add3A_935, %get3A_941 : vector<16xf32>
        %add3A_943 = arith.constant 4 : i32
        %add3A_944 = arith.addi %mul3A_199, %add3A_943 : i32
        %get3A_945 = arith.index_cast %add3A_944 : i32 to index
        %get3A_946 = arith.constant 160 : index
        %get3A_947 = tpu.vector_load %arg13[%get3A_945, %get3A_946] {strides = array<i32>} : memref<80x256xf32, #tpu.memory_space<vmem>>, vector<1x16xf32>,
        %get3A_948 = vector.shape_cast %get3A_947 : vector<1x16xf32> to vector<16xf32>
        %add3A_949 = arith.addf %add3A_942, %get3A_948 : vector<16xf32>
        %add3A_950 = arith.constant 5 : i32
        %add3A_951 = arith.addi %mul3A_199, %add3A_950 : i32
        %get3A_952 = arith.index_cast %add3A_951 : i32 to index
        %get3A_953 = arith.constant 160 : index
        %get3A_954 = tpu.vector_load %arg13[%get3A_952, %get3A_953] {strides = array<i32>} : memref<80x256xf32, #tpu.memory_space<vmem>>, vector<1x16xf32>,
        %get3A_955 = vector.shape_cast %get3A_954 : vector<1x16xf32> to vector<16xf32>
        %add3A_956 = arith.addf %add3A_949, %get3A_955 : vector<16xf32>
        %add3A_957 = arith.constant 6 : i32
        %add3A_958 = arith.addi %mul3A_199, %add3A_957 : i32
        %get3A_959 = arith.index_cast %add3A_958 : i32 to index
        %get3A_960 = arith.constant 160 : index
        %get3A_961 = tpu.vector_load %arg13[%get3A_959, %get3A_960] {strides = array<i32>} : memref<80x256xf32, #tpu.memory_space<vmem>>, vector<1x16xf32>,
        %get3A_962 = vector.shape_cast %get3A_961 : vector<1x16xf32> to vector<16xf32>
        %add3A_963 = arith.addf %add3A_956, %get3A_962 : vector<16xf32>
        %add3A_964 = arith.constant 7 : i32
        %add3A_965 = arith.addi %mul3A_199, %add3A_964 : i32
        %get3A_966 = arith.index_cast %add3A_965 : i32 to index
        %get3A_967 = arith.constant 160 : index
        %get3A_968 = tpu.vector_load %arg13[%get3A_966, %get3A_967] {strides = array<i32>} : memref<80x256xf32, #tpu.memory_space<vmem>>, vector<1x16xf32>,
        %get3A_969 = vector.shape_cast %get3A_968 : vector<1x16xf32> to vector<16xf32>
        %add3A_970 = arith.addf %add3A_963, %get3A_969 : vector<16xf32>
        %add3A_971 = arith.constant 8 : i32
        %add3A_972 = arith.addi %mul3A_199, %add3A_971 : i32
        %get3A_973 = arith.index_cast %add3A_972 : i32 to index
        %get3A_974 = arith.constant 160 : index
        %get3A_975 = tpu.vector_load %arg13[%get3A_973, %get3A_974] {strides = array<i32>} : memref<80x256xf32, #tpu.memory_space<vmem>>, vector<1x16xf32>,
        %get3A_976 = vector.shape_cast %get3A_975 : vector<1x16xf32> to vector<16xf32>
        %add3A_977 = arith.addf %add3A_970, %get3A_976 : vector<16xf32>
        %add3A_978 = arith.constant 9 : i32
        %add3A_979 = arith.addi %mul3A_199, %add3A_978 : i32
        %get3A_980 = arith.index_cast %add3A_979 : i32 to index
        %get3A_981 = arith.constant 160 : index
        %get3A_982 = tpu.vector_load %arg13[%get3A_980, %get3A_981] {strides = array<i32>} : memref<80x256xf32, #tpu.memory_space<vmem>>, vector<1x16xf32>,
        %get3A_983 = vector.shape_cast %get3A_982 : vector<1x16xf32> to vector<16xf32>
        %add3A_984 = arith.addf %add3A_977, %get3A_983 : vector<16xf32>
        %swap3A_985 = arith.index_cast %scan3A_197 : i32 to index
        %swap3A_986 = arith.constant 160 : index
        %swap3A_987 = tpu.vector_load %arg15[%swap3A_985, %swap3A_986] {strides = array<i32>} : memref<8x256xf32, #tpu.memory_space<vmem>>, vector<1x16xf32>,
        %swap3A_988 = vector.shape_cast %swap3A_987 : vector<1x16xf32> to vector<16xf32>
        %swap3A_989 = vector.shape_cast %add3A_984 : vector<16xf32> to vector<1x16xf32>
        tpu.vector_store %arg15[%swap3A_985, %swap3A_986], %swap3A_989 {strides = array<i32>} : memref<8x256xf32, #tpu.memory_space<vmem>>, vector<1x16xf32>,
        %get3A_990 = arith.index_cast %mul3A_199 : i32 to index
        %get3A_991 = arith.constant 176 : index
        %get3A_992 = tpu.vector_load %arg13[%get3A_990, %get3A_991] {strides = array<i32>} : memref<80x256xf32, #tpu.memory_space<vmem>>, vector<1x16xf32>,
        %get3A_993 = vector.shape_cast %get3A_992 : vector<1x16xf32> to vector<16xf32>
        %add3A_994 = arith.constant 1 : i32
        %add3A_995 = arith.addi %mul3A_199, %add3A_994 : i32
        %get3A_996 = arith.index_cast %add3A_995 : i32 to index
        %get3A_997 = arith.constant 176 : index
        %get3A_998 = tpu.vector_load %arg13[%get3A_996, %get3A_997] {strides = array<i32>} : memref<80x256xf32, #tpu.memory_space<vmem>>, vector<1x16xf32>,
        %get3A_999 = vector.shape_cast %get3A_998 : vector<1x16xf32> to vector<16xf32>
        %add3A_1000 = arith.addf %get3A_993, %get3A_999 : vector<16xf32>
        %add3A_1001 = arith.constant 2 : i32
        %add3A_1002 = arith.addi %mul3A_199, %add3A_1001 : i32
        %get3A_1003 = arith.index_cast %add3A_1002 : i32 to index
        %get3A_1004 = arith.constant 176 : index
        %get3A_1005 = tpu.vector_load %arg13[%get3A_1003, %get3A_1004] {strides = array<i32>} : memref<80x256xf32, #tpu.memory_space<vmem>>, vector<1x16xf32>,
        %get3A_1006 = vector.shape_cast %get3A_1005 : vector<1x16xf32> to vector<16xf32>
        %add3A_1007 = arith.addf %add3A_1000, %get3A_1006 : vector<16xf32>
        %add3A_1008 = arith.constant 3 : i32
        %add3A_1009 = arith.addi %mul3A_199, %add3A_1008 : i32
        %get3A_1010 = arith.index_cast %add3A_1009 : i32 to index
        %get3A_1011 = arith.constant 176 : index
        %get3A_1012 = tpu.vector_load %arg13[%get3A_1010, %get3A_1011] {strides = array<i32>} : memref<80x256xf32, #tpu.memory_space<vmem>>, vector<1x16xf32>,
        %get3A_1013 = vector.shape_cast %get3A_1012 : vector<1x16xf32> to vector<16xf32>
        %add3A_1014 = arith.addf %add3A_1007, %get3A_1013 : vector<16xf32>
        %add3A_1015 = arith.constant 4 : i32
        %add3A_1016 = arith.addi %mul3A_199, %add3A_1015 : i32
        %get3A_1017 = arith.index_cast %add3A_1016 : i32 to index
        %get3A_1018 = arith.constant 176 : index
        %get3A_1019 = tpu.vector_load %arg13[%get3A_1017, %get3A_1018] {strides = array<i32>} : memref<80x256xf32, #tpu.memory_space<vmem>>, vector<1x16xf32>,
        %get3A_1020 = vector.shape_cast %get3A_1019 : vector<1x16xf32> to vector<16xf32>
        %add3A_1021 = arith.addf %add3A_1014, %get3A_1020 : vector<16xf32>
        %add3A_1022 = arith.constant 5 : i32
        %add3A_1023 = arith.addi %mul3A_199, %add3A_1022 : i32
        %get3A_1024 = arith.index_cast %add3A_1023 : i32 to index
        %get3A_1025 = arith.constant 176 : index
        %get3A_1026 = tpu.vector_load %arg13[%get3A_1024, %get3A_1025] {strides = array<i32>} : memref<80x256xf32, #tpu.memory_space<vmem>>, vector<1x16xf32>,
        %get3A_1027 = vector.shape_cast %get3A_1026 : vector<1x16xf32> to vector<16xf32>
        %add3A_1028 = arith.addf %add3A_1021, %get3A_1027 : vector<16xf32>
        %add3A_1029 = arith.constant 6 : i32
        %add3A_1030 = arith.addi %mul3A_199, %add3A_1029 : i32
        %get3A_1031 = arith.index_cast %add3A_1030 : i32 to index
        %get3A_1032 = arith.constant 176 : index
        %get3A_1033 = tpu.vector_load %arg13[%get3A_1031, %get3A_1032] {strides = array<i32>} : memref<80x256xf32, #tpu.memory_space<vmem>>, vector<1x16xf32>,
        %get3A_1034 = vector.shape_cast %get3A_1033 : vector<1x16xf32> to vector<16xf32>
        %add3A_1035 = arith.addf %add3A_1028, %get3A_1034 : vector<16xf32>
        %add3A_1036 = arith.constant 7 : i32
        %add3A_1037 = arith.addi %mul3A_199, %add3A_1036 : i32
        %get3A_1038 = arith.index_cast %add3A_1037 : i32 to index
        %get3A_1039 = arith.constant 176 : index
        %get3A_1040 = tpu.vector_load %arg13[%get3A_1038, %get3A_1039] {strides = array<i32>} : memref<80x256xf32, #tpu.memory_space<vmem>>, vector<1x16xf32>,
        %get3A_1041 = vector.shape_cast %get3A_1040 : vector<1x16xf32> to vector<16xf32>
        %add3A_1042 = arith.addf %add3A_1035, %get3A_1041 : vector<16xf32>
        %add3A_1043 = arith.constant 8 : i32
        %add3A_1044 = arith.addi %mul3A_199, %add3A_1043 : i32
        %get3A_1045 = arith.index_cast %add3A_1044 : i32 to index
        %get3A_1046 = arith.constant 176 : index
        %get3A_1047 = tpu.vector_load %arg13[%get3A_1045, %get3A_1046] {strides = array<i32>} : memref<80x256xf32, #tpu.memory_space<vmem>>, vector<1x16xf32>,
        %get3A_1048 = vector.shape_cast %get3A_1047 : vector<1x16xf32> to vector<16xf32>
        %add3A_1049 = arith.addf %add3A_1042, %get3A_1048 : vector<16xf32>
        %add3A_1050 = arith.constant 9 : i32
        %add3A_1051 = arith.addi %mul3A_199, %add3A_1050 : i32
        %get3A_1052 = arith.index_cast %add3A_1051 : i32 to index
        %get3A_1053 = arith.constant 176 : index
        %get3A_1054 = tpu.vector_load %arg13[%get3A_1052, %get3A_1053] {strides = array<i32>} : memref<80x256xf32, #tpu.memory_space<vmem>>, vector<1x16xf32>,
        %get3A_1055 = vector.shape_cast %get3A_1054 : vector<1x16xf32> to vector<16xf32>
        %add3A_1056 = arith.addf %add3A_1049, %get3A_1055 : vector<16xf32>
        %swap3A_1057 = arith.index_cast %scan3A_197 : i32 to index
        %swap3A_1058 = arith.constant 176 : index
        %swap3A_1059 = tpu.vector_load %arg15[%swap3A_1057, %swap3A_1058] {strides = array<i32>} : memref<8x256xf32, #tpu.memory_space<vmem>>, vector<1x16xf32>,
        %swap3A_1060 = vector.shape_cast %swap3A_1059 : vector<1x16xf32> to vector<16xf32>
        %swap3A_1061 = vector.shape_cast %add3A_1056 : vector<16xf32> to vector<1x16xf32>
        tpu.vector_store %arg15[%swap3A_1057, %swap3A_1058], %swap3A_1061 {strides = array<i32>} : memref<8x256xf32, #tpu.memory_space<vmem>>, vector<1x16xf32>,
        %get3A_1062 = arith.index_cast %mul3A_199 : i32 to index
        %get3A_1063 = arith.constant 192 : index
        %get3A_1064 = tpu.vector_load %arg13[%get3A_1062, %get3A_1063] {strides = array<i32>} : memref<80x256xf32, #tpu.memory_space<vmem>>, vector<1x16xf32>,
        %get3A_1065 = vector.shape_cast %get3A_1064 : vector<1x16xf32> to vector<16xf32>
        %add3A_1066 = arith.constant 1 : i32
        %add3A_1067 = arith.addi %mul3A_199, %add3A_1066 : i32
        %get3A_1068 = arith.index_cast %add3A_1067 : i32 to index
        %get3A_1069 = arith.constant 192 : index
        %get3A_1070 = tpu.vector_load %arg13[%get3A_1068, %get3A_1069] {strides = array<i32>} : memref<80x256xf32, #tpu.memory_space<vmem>>, vector<1x16xf32>,
        %get3A_1071 = vector.shape_cast %get3A_1070 : vector<1x16xf32> to vector<16xf32>
        %add3A_1072 = arith.addf %get3A_1065, %get3A_1071 : vector<16xf32>
        %add3A_1073 = arith.constant 2 : i32
        %add3A_1074 = arith.addi %mul3A_199, %add3A_1073 : i32
        %get3A_1075 = arith.index_cast %add3A_1074 : i32 to index
        %get3A_1076 = arith.constant 192 : index
        %get3A_1077 = tpu.vector_load %arg13[%get3A_1075, %get3A_1076] {strides = array<i32>} : memref<80x256xf32, #tpu.memory_space<vmem>>, vector<1x16xf32>,
        %get3A_1078 = vector.shape_cast %get3A_1077 : vector<1x16xf32> to vector<16xf32>
        %add3A_1079 = arith.addf %add3A_1072, %get3A_1078 : vector<16xf32>
        %add3A_1080 = arith.constant 3 : i32
        %add3A_1081 = arith.addi %mul3A_199, %add3A_1080 : i32
        %get3A_1082 = arith.index_cast %add3A_1081 : i32 to index
        %get3A_1083 = arith.constant 192 : index
        %get3A_1084 = tpu.vector_load %arg13[%get3A_1082, %get3A_1083] {strides = array<i32>} : memref<80x256xf32, #tpu.memory_space<vmem>>, vector<1x16xf32>,
        %get3A_1085 = vector.shape_cast %get3A_1084 : vector<1x16xf32> to vector<16xf32>
        %add3A_1086 = arith.addf %add3A_1079, %get3A_1085 : vector<16xf32>
        %add3A_1087 = arith.constant 4 : i32
        %add3A_1088 = arith.addi %mul3A_199, %add3A_1087 : i32
        %get3A_1089 = arith.index_cast %add3A_1088 : i32 to index
        %get3A_1090 = arith.constant 192 : index
        %get3A_1091 = tpu.vector_load %arg13[%get3A_1089, %get3A_1090] {strides = array<i32>} : memref<80x256xf32, #tpu.memory_space<vmem>>, vector<1x16xf32>,
        %get3A_1092 = vector.shape_cast %get3A_1091 : vector<1x16xf32> to vector<16xf32>
        %add3A_1093 = arith.addf %add3A_1086, %get3A_1092 : vector<16xf32>
        %add3A_1094 = arith.constant 5 : i32
        %add3A_1095 = arith.addi %mul3A_199, %add3A_1094 : i32
        %get3A_1096 = arith.index_cast %add3A_1095 : i32 to index
        %get3A_1097 = arith.constant 192 : index
        %get3A_1098 = tpu.vector_load %arg13[%get3A_1096, %get3A_1097] {strides = array<i32>} : memref<80x256xf32, #tpu.memory_space<vmem>>, vector<1x16xf32>,
        %get3A_1099 = vector.shape_cast %get3A_1098 : vector<1x16xf32> to vector<16xf32>
        %add3A_1100 = arith.addf %add3A_1093, %get3A_1099 : vector<16xf32>
        %add3A_1101 = arith.constant 6 : i32
        %add3A_1102 = arith.addi %mul3A_199, %add3A_1101 : i32
        %get3A_1103 = arith.index_cast %add3A_1102 : i32 to index
        %get3A_1104 = arith.constant 192 : index
        %get3A_1105 = tpu.vector_load %arg13[%get3A_1103, %get3A_1104] {strides = array<i32>} : memref<80x256xf32, #tpu.memory_space<vmem>>, vector<1x16xf32>,
        %get3A_1106 = vector.shape_cast %get3A_1105 : vector<1x16xf32> to vector<16xf32>
        %add3A_1107 = arith.addf %add3A_1100, %get3A_1106 : vector<16xf32>
        %add3A_1108 = arith.constant 7 : i32
        %add3A_1109 = arith.addi %mul3A_199, %add3A_1108 : i32
        %get3A_1110 = arith.index_cast %add3A_1109 : i32 to index
        %get3A_1111 = arith.constant 192 : index
        %get3A_1112 = tpu.vector_load %arg13[%get3A_1110, %get3A_1111] {strides = array<i32>} : memref<80x256xf32, #tpu.memory_space<vmem>>, vector<1x16xf32>,
        %get3A_1113 = vector.shape_cast %get3A_1112 : vector<1x16xf32> to vector<16xf32>
        %add3A_1114 = arith.addf %add3A_1107, %get3A_1113 : vector<16xf32>
        %add3A_1115 = arith.constant 8 : i32
        %add3A_1116 = arith.addi %mul3A_199, %add3A_1115 : i32
        %get3A_1117 = arith.index_cast %add3A_1116 : i32 to index
        %get3A_1118 = arith.constant 192 : index
        %get3A_1119 = tpu.vector_load %arg13[%get3A_1117, %get3A_1118] {strides = array<i32>} : memref<80x256xf32, #tpu.memory_space<vmem>>, vector<1x16xf32>,
        %get3A_1120 = vector.shape_cast %get3A_1119 : vector<1x16xf32> to vector<16xf32>
        %add3A_1121 = arith.addf %add3A_1114, %get3A_1120 : vector<16xf32>
        %add3A_1122 = arith.constant 9 : i32
        %add3A_1123 = arith.addi %mul3A_199, %add3A_1122 : i32
        %get3A_1124 = arith.index_cast %add3A_1123 : i32 to index
        %get3A_1125 = arith.constant 192 : index
        %get3A_1126 = tpu.vector_load %arg13[%get3A_1124, %get3A_1125] {strides = array<i32>} : memref<80x256xf32, #tpu.memory_space<vmem>>, vector<1x16xf32>,
        %get3A_1127 = vector.shape_cast %get3A_1126 : vector<1x16xf32> to vector<16xf32>
        %add3A_1128 = arith.addf %add3A_1121, %get3A_1127 : vector<16xf32>
        %swap3A_1129 = arith.index_cast %scan3A_197 : i32 to index
        %swap3A_1130 = arith.constant 192 : index
        %swap3A_1131 = tpu.vector_load %arg15[%swap3A_1129, %swap3A_1130] {strides = array<i32>} : memref<8x256xf32, #tpu.memory_space<vmem>>, vector<1x16xf32>,
        %swap3A_1132 = vector.shape_cast %swap3A_1131 : vector<1x16xf32> to vector<16xf32>
        %swap3A_1133 = vector.shape_cast %add3A_1128 : vector<16xf32> to vector<1x16xf32>
        tpu.vector_store %arg15[%swap3A_1129, %swap3A_1130], %swap3A_1133 {strides = array<i32>} : memref<8x256xf32, #tpu.memory_space<vmem>>, vector<1x16xf32>,
        %get3A_1134 = arith.index_cast %mul3A_199 : i32 to index
        %get3A_1135 = arith.constant 208 : index
        %get3A_1136 = tpu.vector_load %arg13[%get3A_1134, %get3A_1135] {strides = array<i32>} : memref<80x256xf32, #tpu.memory_space<vmem>>, vector<1x16xf32>,
        %get3A_1137 = vector.shape_cast %get3A_1136 : vector<1x16xf32> to vector<16xf32>
        %add3A_1138 = arith.constant 1 : i32
        %add3A_1139 = arith.addi %mul3A_199, %add3A_1138 : i32
        %get3A_1140 = arith.index_cast %add3A_1139 : i32 to index
        %get3A_1141 = arith.constant 208 : index
        %get3A_1142 = tpu.vector_load %arg13[%get3A_1140, %get3A_1141] {strides = array<i32>} : memref<80x256xf32, #tpu.memory_space<vmem>>, vector<1x16xf32>,
        %get3A_1143 = vector.shape_cast %get3A_1142 : vector<1x16xf32> to vector<16xf32>
        %add3A_1144 = arith.addf %get3A_1137, %get3A_1143 : vector<16xf32>
        %add3A_1145 = arith.constant 2 : i32
        %add3A_1146 = arith.addi %mul3A_199, %add3A_1145 : i32
        %get3A_1147 = arith.index_cast %add3A_1146 : i32 to index
        %get3A_1148 = arith.constant 208 : index
        %get3A_1149 = tpu.vector_load %arg13[%get3A_1147, %get3A_1148] {strides = array<i32>} : memref<80x256xf32, #tpu.memory_space<vmem>>, vector<1x16xf32>,
        %get3A_1150 = vector.shape_cast %get3A_1149 : vector<1x16xf32> to vector<16xf32>
        %add3A_1151 = arith.addf %add3A_1144, %get3A_1150 : vector<16xf32>
        %add3A_1152 = arith.constant 3 : i32
        %add3A_1153 = arith.addi %mul3A_199, %add3A_1152 : i32
        %get3A_1154 = arith.index_cast %add3A_1153 : i32 to index
        %get3A_1155 = arith.constant 208 : index
        %get3A_1156 = tpu.vector_load %arg13[%get3A_1154, %get3A_1155] {strides = array<i32>} : memref<80x256xf32, #tpu.memory_space<vmem>>, vector<1x16xf32>,
        %get3A_1157 = vector.shape_cast %get3A_1156 : vector<1x16xf32> to vector<16xf32>
        %add3A_1158 = arith.addf %add3A_1151, %get3A_1157 : vector<16xf32>
        %add3A_1159 = arith.constant 4 : i32
        %add3A_1160 = arith.addi %mul3A_199, %add3A_1159 : i32
        %get3A_1161 = arith.index_cast %add3A_1160 : i32 to index
        %get3A_1162 = arith.constant 208 : index
        %get3A_1163 = tpu.vector_load %arg13[%get3A_1161, %get3A_1162] {strides = array<i32>} : memref<80x256xf32, #tpu.memory_space<vmem>>, vector<1x16xf32>,
        %get3A_1164 = vector.shape_cast %get3A_1163 : vector<1x16xf32> to vector<16xf32>
        %add3A_1165 = arith.addf %add3A_1158, %get3A_1164 : vector<16xf32>
        %add3A_1166 = arith.constant 5 : i32
        %add3A_1167 = arith.addi %mul3A_199, %add3A_1166 : i32
        %get3A_1168 = arith.index_cast %add3A_1167 : i32 to index
        %get3A_1169 = arith.constant 208 : index
        %get3A_1170 = tpu.vector_load %arg13[%get3A_1168, %get3A_1169] {strides = array<i32>} : memref<80x256xf32, #tpu.memory_space<vmem>>, vector<1x16xf32>,
        %get3A_1171 = vector.shape_cast %get3A_1170 : vector<1x16xf32> to vector<16xf32>
        %add3A_1172 = arith.addf %add3A_1165, %get3A_1171 : vector<16xf32>
        %add3A_1173 = arith.constant 6 : i32
        %add3A_1174 = arith.addi %mul3A_199, %add3A_1173 : i32
        %get3A_1175 = arith.index_cast %add3A_1174 : i32 to index
        %get3A_1176 = arith.constant 208 : index
        %get3A_1177 = tpu.vector_load %arg13[%get3A_1175, %get3A_1176] {strides = array<i32>} : memref<80x256xf32, #tpu.memory_space<vmem>>, vector<1x16xf32>,
        %get3A_1178 = vector.shape_cast %get3A_1177 : vector<1x16xf32> to vector<16xf32>
        %add3A_1179 = arith.addf %add3A_1172, %get3A_1178 : vector<16xf32>
        %add3A_1180 = arith.constant 7 : i32
        %add3A_1181 = arith.addi %mul3A_199, %add3A_1180 : i32
        %get3A_1182 = arith.index_cast %add3A_1181 : i32 to index
        %get3A_1183 = arith.constant 208 : index
        %get3A_1184 = tpu.vector_load %arg13[%get3A_1182, %get3A_1183] {strides = array<i32>} : memref<80x256xf32, #tpu.memory_space<vmem>>, vector<1x16xf32>,
        %get3A_1185 = vector.shape_cast %get3A_1184 : vector<1x16xf32> to vector<16xf32>
        %add3A_1186 = arith.addf %add3A_1179, %get3A_1185 : vector<16xf32>
        %add3A_1187 = arith.constant 8 : i32
        %add3A_1188 = arith.addi %mul3A_199, %add3A_1187 : i32
        %get3A_1189 = arith.index_cast %add3A_1188 : i32 to index
        %get3A_1190 = arith.constant 208 : index
        %get3A_1191 = tpu.vector_load %arg13[%get3A_1189, %get3A_1190] {strides = array<i32>} : memref<80x256xf32, #tpu.memory_space<vmem>>, vector<1x16xf32>,
        %get3A_1192 = vector.shape_cast %get3A_1191 : vector<1x16xf32> to vector<16xf32>
        %add3A_1193 = arith.addf %add3A_1186, %get3A_1192 : vector<16xf32>
        %add3A_1194 = arith.constant 9 : i32
        %add3A_1195 = arith.addi %mul3A_199, %add3A_1194 : i32
        %get3A_1196 = arith.index_cast %add3A_1195 : i32 to index
        %get3A_1197 = arith.constant 208 : index
        %get3A_1198 = tpu.vector_load %arg13[%get3A_1196, %get3A_1197] {strides = array<i32>} : memref<80x256xf32, #tpu.memory_space<vmem>>, vector<1x16xf32>,
        %get3A_1199 = vector.shape_cast %get3A_1198 : vector<1x16xf32> to vector<16xf32>
        %add3A_1200 = arith.addf %add3A_1193, %get3A_1199 : vector<16xf32>
        %swap3A_1201 = arith.index_cast %scan3A_197 : i32 to index
        %swap3A_1202 = arith.constant 208 : index
        %swap3A_1203 = tpu.vector_load %arg15[%swap3A_1201, %swap3A_1202] {strides = array<i32>} : memref<8x256xf32, #tpu.memory_space<vmem>>, vector<1x16xf32>,
        %swap3A_1204 = vector.shape_cast %swap3A_1203 : vector<1x16xf32> to vector<16xf32>
        %swap3A_1205 = vector.shape_cast %add3A_1200 : vector<16xf32> to vector<1x16xf32>
        tpu.vector_store %arg15[%swap3A_1201, %swap3A_1202], %swap3A_1205 {strides = array<i32>} : memref<8x256xf32, #tpu.memory_space<vmem>>, vector<1x16xf32>,
        %get3A_1206 = arith.index_cast %mul3A_199 : i32 to index
        %get3A_1207 = arith.constant 224 : index
        %get3A_1208 = tpu.vector_load %arg13[%get3A_1206, %get3A_1207] {strides = array<i32>} : memref<80x256xf32, #tpu.memory_space<vmem>>, vector<1x16xf32>,
        %get3A_1209 = vector.shape_cast %get3A_1208 : vector<1x16xf32> to vector<16xf32>
        %add3A_1210 = arith.constant 1 : i32
        %add3A_1211 = arith.addi %mul3A_199, %add3A_1210 : i32
        %get3A_1212 = arith.index_cast %add3A_1211 : i32 to index
        %get3A_1213 = arith.constant 224 : index
        %get3A_1214 = tpu.vector_load %arg13[%get3A_1212, %get3A_1213] {strides = array<i32>} : memref<80x256xf32, #tpu.memory_space<vmem>>, vector<1x16xf32>,
        %get3A_1215 = vector.shape_cast %get3A_1214 : vector<1x16xf32> to vector<16xf32>
        %add3A_1216 = arith.addf %get3A_1209, %get3A_1215 : vector<16xf32>
        %add3A_1217 = arith.constant 2 : i32
        %add3A_1218 = arith.addi %mul3A_199, %add3A_1217 : i32
        %get3A_1219 = arith.index_cast %add3A_1218 : i32 to index
        %get3A_1220 = arith.constant 224 : index
        %get3A_1221 = tpu.vector_load %arg13[%get3A_1219, %get3A_1220] {strides = array<i32>} : memref<80x256xf32, #tpu.memory_space<vmem>>, vector<1x16xf32>,
        %get3A_1222 = vector.shape_cast %get3A_1221 : vector<1x16xf32> to vector<16xf32>
        %add3A_1223 = arith.addf %add3A_1216, %get3A_1222 : vector<16xf32>
        %add3A_1224 = arith.constant 3 : i32
        %add3A_1225 = arith.addi %mul3A_199, %add3A_1224 : i32
        %get3A_1226 = arith.index_cast %add3A_1225 : i32 to index
        %get3A_1227 = arith.constant 224 : index
        %get3A_1228 = tpu.vector_load %arg13[%get3A_1226, %get3A_1227] {strides = array<i32>} : memref<80x256xf32, #tpu.memory_space<vmem>>, vector<1x16xf32>,
        %get3A_1229 = vector.shape_cast %get3A_1228 : vector<1x16xf32> to vector<16xf32>
        %add3A_1230 = arith.addf %add3A_1223, %get3A_1229 : vector<16xf32>
        %add3A_1231 = arith.constant 4 : i32
        %add3A_1232 = arith.addi %mul3A_199, %add3A_1231 : i32
        %get3A_1233 = arith.index_cast %add3A_1232 : i32 to index
        %get3A_1234 = arith.constant 224 : index
        %get3A_1235 = tpu.vector_load %arg13[%get3A_1233, %get3A_1234] {strides = array<i32>} : memref<80x256xf32, #tpu.memory_space<vmem>>, vector<1x16xf32>,
        %get3A_1236 = vector.shape_cast %get3A_1235 : vector<1x16xf32> to vector<16xf32>
        %add3A_1237 = arith.addf %add3A_1230, %get3A_1236 : vector<16xf32>
        %add3A_1238 = arith.constant 5 : i32
        %add3A_1239 = arith.addi %mul3A_199, %add3A_1238 : i32
        %get3A_1240 = arith.index_cast %add3A_1239 : i32 to index
        %get3A_1241 = arith.constant 224 : index
        %get3A_1242 = tpu.vector_load %arg13[%get3A_1240, %get3A_1241] {strides = array<i32>} : memref<80x256xf32, #tpu.memory_space<vmem>>, vector<1x16xf32>,
        %get3A_1243 = vector.shape_cast %get3A_1242 : vector<1x16xf32> to vector<16xf32>
        %add3A_1244 = arith.addf %add3A_1237, %get3A_1243 : vector<16xf32>
        %add3A_1245 = arith.constant 6 : i32
        %add3A_1246 = arith.addi %mul3A_199, %add3A_1245 : i32
        %get3A_1247 = arith.index_cast %add3A_1246 : i32 to index
        %get3A_1248 = arith.constant 224 : index
        %get3A_1249 = tpu.vector_load %arg13[%get3A_1247, %get3A_1248] {strides = array<i32>} : memref<80x256xf32, #tpu.memory_space<vmem>>, vector<1x16xf32>,
        %get3A_1250 = vector.shape_cast %get3A_1249 : vector<1x16xf32> to vector<16xf32>
        %add3A_1251 = arith.addf %add3A_1244, %get3A_1250 : vector<16xf32>
        %add3A_1252 = arith.constant 7 : i32
        %add3A_1253 = arith.addi %mul3A_199, %add3A_1252 : i32
        %get3A_1254 = arith.index_cast %add3A_1253 : i32 to index
        %get3A_1255 = arith.constant 224 : index
        %get3A_1256 = tpu.vector_load %arg13[%get3A_1254, %get3A_1255] {strides = array<i32>} : memref<80x256xf32, #tpu.memory_space<vmem>>, vector<1x16xf32>,
        %get3A_1257 = vector.shape_cast %get3A_1256 : vector<1x16xf32> to vector<16xf32>
        %add3A_1258 = arith.addf %add3A_1251, %get3A_1257 : vector<16xf32>
        %add3A_1259 = arith.constant 8 : i32
        %add3A_1260 = arith.addi %mul3A_199, %add3A_1259 : i32
        %get3A_1261 = arith.index_cast %add3A_1260 : i32 to index
        %get3A_1262 = arith.constant 224 : index
        %get3A_1263 = tpu.vector_load %arg13[%get3A_1261, %get3A_1262] {strides = array<i32>} : memref<80x256xf32, #tpu.memory_space<vmem>>, vector<1x16xf32>,
        %get3A_1264 = vector.shape_cast %get3A_1263 : vector<1x16xf32> to vector<16xf32>
        %add3A_1265 = arith.addf %add3A_1258, %get3A_1264 : vector<16xf32>
        %add3A_1266 = arith.constant 9 : i32
        %add3A_1267 = arith.addi %mul3A_199, %add3A_1266 : i32
        %get3A_1268 = arith.index_cast %add3A_1267 : i32 to index
        %get3A_1269 = arith.constant 224 : index
        %get3A_1270 = tpu.vector_load %arg13[%get3A_1268, %get3A_1269] {strides = array<i32>} : memref<80x256xf32, #tpu.memory_space<vmem>>, vector<1x16xf32>,
        %get3A_1271 = vector.shape_cast %get3A_1270 : vector<1x16xf32> to vector<16xf32>
        %add3A_1272 = arith.addf %add3A_1265, %get3A_1271 : vector<16xf32>
        %swap3A_1273 = arith.index_cast %scan3A_197 : i32 to index
        %swap3A_1274 = arith.constant 224 : index
        %swap3A_1275 = tpu.vector_load %arg15[%swap3A_1273, %swap3A_1274] {strides = array<i32>} : memref<8x256xf32, #tpu.memory_space<vmem>>, vector<1x16xf32>,
        %swap3A_1276 = vector.shape_cast %swap3A_1275 : vector<1x16xf32> to vector<16xf32>
        %swap3A_1277 = vector.shape_cast %add3A_1272 : vector<16xf32> to vector<1x16xf32>
        tpu.vector_store %arg15[%swap3A_1273, %swap3A_1274], %swap3A_1277 {strides = array<i32>} : memref<8x256xf32, #tpu.memory_space<vmem>>, vector<1x16xf32>,
        %get3A_1278 = arith.index_cast %mul3A_199 : i32 to index
        %get3A_1279 = arith.constant 240 : index
        %get3A_1280 = tpu.vector_load %arg13[%get3A_1278, %get3A_1279] {strides = array<i32>} : memref<80x256xf32, #tpu.memory_space<vmem>>, vector<1x16xf32>,
        %get3A_1281 = vector.shape_cast %get3A_1280 : vector<1x16xf32> to vector<16xf32>
        %add3A_1282 = arith.constant 1 : i32
        %add3A_1283 = arith.addi %mul3A_199, %add3A_1282 : i32
        %get3A_1284 = arith.index_cast %add3A_1283 : i32 to index
        %get3A_1285 = arith.constant 240 : index
        %get3A_1286 = tpu.vector_load %arg13[%get3A_1284, %get3A_1285] {strides = array<i32>} : memref<80x256xf32, #tpu.memory_space<vmem>>, vector<1x16xf32>,
        %get3A_1287 = vector.shape_cast %get3A_1286 : vector<1x16xf32> to vector<16xf32>
        %add3A_1288 = arith.addf %get3A_1281, %get3A_1287 : vector<16xf32>
        %add3A_1289 = arith.constant 2 : i32
        %add3A_1290 = arith.addi %mul3A_199, %add3A_1289 : i32
        %get3A_1291 = arith.index_cast %add3A_1290 : i32 to index
        %get3A_1292 = arith.constant 240 : index
        %get3A_1293 = tpu.vector_load %arg13[%get3A_1291, %get3A_1292] {strides = array<i32>} : memref<80x256xf32, #tpu.memory_space<vmem>>, vector<1x16xf32>,
        %get3A_1294 = vector.shape_cast %get3A_1293 : vector<1x16xf32> to vector<16xf32>
        %add3A_1295 = arith.addf %add3A_1288, %get3A_1294 : vector<16xf32>
        %add3A_1296 = arith.constant 3 : i32
        %add3A_1297 = arith.addi %mul3A_199, %add3A_1296 : i32
        %get3A_1298 = arith.index_cast %add3A_1297 : i32 to index
        %get3A_1299 = arith.constant 240 : index
        %get3A_1300 = tpu.vector_load %arg13[%get3A_1298, %get3A_1299] {strides = array<i32>} : memref<80x256xf32, #tpu.memory_space<vmem>>, vector<1x16xf32>,
        %get3A_1301 = vector.shape_cast %get3A_1300 : vector<1x16xf32> to vector<16xf32>
        %add3A_1302 = arith.addf %add3A_1295, %get3A_1301 : vector<16xf32>
        %add3A_1303 = arith.constant 4 : i32
        %add3A_1304 = arith.addi %mul3A_199, %add3A_1303 : i32
        %get3A_1305 = arith.index_cast %add3A_1304 : i32 to index
        %get3A_1306 = arith.constant 240 : index
        %get3A_1307 = tpu.vector_load %arg13[%get3A_1305, %get3A_1306] {strides = array<i32>} : memref<80x256xf32, #tpu.memory_space<vmem>>, vector<1x16xf32>,
        %get3A_1308 = vector.shape_cast %get3A_1307 : vector<1x16xf32> to vector<16xf32>
        %add3A_1309 = arith.addf %add3A_1302, %get3A_1308 : vector<16xf32>
        %add3A_1310 = arith.constant 5 : i32
        %add3A_1311 = arith.addi %mul3A_199, %add3A_1310 : i32
        %get3A_1312 = arith.index_cast %add3A_1311 : i32 to index
        %get3A_1313 = arith.constant 240 : index
        %get3A_1314 = tpu.vector_load %arg13[%get3A_1312, %get3A_1313] {strides = array<i32>} : memref<80x256xf32, #tpu.memory_space<vmem>>, vector<1x16xf32>,
        %get3A_1315 = vector.shape_cast %get3A_1314 : vector<1x16xf32> to vector<16xf32>
        %add3A_1316 = arith.addf %add3A_1309, %get3A_1315 : vector<16xf32>
        %add3A_1317 = arith.constant 6 : i32
        %add3A_1318 = arith.addi %mul3A_199, %add3A_1317 : i32
        %get3A_1319 = arith.index_cast %add3A_1318 : i32 to index
        %get3A_1320 = arith.constant 240 : index
        %get3A_1321 = tpu.vector_load %arg13[%get3A_1319, %get3A_1320] {strides = array<i32>} : memref<80x256xf32, #tpu.memory_space<vmem>>, vector<1x16xf32>,
        %get3A_1322 = vector.shape_cast %get3A_1321 : vector<1x16xf32> to vector<16xf32>
        %add3A_1323 = arith.addf %add3A_1316, %get3A_1322 : vector<16xf32>
        %add3A_1324 = arith.constant 7 : i32
        %add3A_1325 = arith.addi %mul3A_199, %add3A_1324 : i32
        %get3A_1326 = arith.index_cast %add3A_1325 : i32 to index
        %get3A_1327 = arith.constant 240 : index
        %get3A_1328 = tpu.vector_load %arg13[%get3A_1326, %get3A_1327] {strides = array<i32>} : memref<80x256xf32, #tpu.memory_space<vmem>>, vector<1x16xf32>,
        %get3A_1329 = vector.shape_cast %get3A_1328 : vector<1x16xf32> to vector<16xf32>
        %add3A_1330 = arith.addf %add3A_1323, %get3A_1329 : vector<16xf32>
        %add3A_1331 = arith.constant 8 : i32
        %add3A_1332 = arith.addi %mul3A_199, %add3A_1331 : i32
        %get3A_1333 = arith.index_cast %add3A_1332 : i32 to index
        %get3A_1334 = arith.constant 240 : index
        %get3A_1335 = tpu.vector_load %arg13[%get3A_1333, %get3A_1334] {strides = array<i32>} : memref<80x256xf32, #tpu.memory_space<vmem>>, vector<1x16xf32>,
        %get3A_1336 = vector.shape_cast %get3A_1335 : vector<1x16xf32> to vector<16xf32>
        %add3A_1337 = arith.addf %add3A_1330, %get3A_1336 : vector<16xf32>
        %add3A_1338 = arith.constant 9 : i32
        %add3A_1339 = arith.addi %mul3A_199, %add3A_1338 : i32
        %get3A_1340 = arith.index_cast %add3A_1339 : i32 to index
        %get3A_1341 = arith.constant 240 : index
        %get3A_1342 = tpu.vector_load %arg13[%get3A_1340, %get3A_1341] {strides = array<i32>} : memref<80x256xf32, #tpu.memory_space<vmem>>, vector<1x16xf32>,
        %get3A_1343 = vector.shape_cast %get3A_1342 : vector<1x16xf32> to vector<16xf32>
        %add3A_1344 = arith.addf %add3A_1337, %get3A_1343 : vector<16xf32>
        %swap3A_1345 = arith.index_cast %scan3A_197 : i32 to index
        %swap3A_1346 = arith.constant 240 : index
        %swap3A_1347 = tpu.vector_load %arg15[%swap3A_1345, %swap3A_1346] {strides = array<i32>} : memref<8x256xf32, #tpu.memory_space<vmem>>, vector<1x16xf32>,
        %swap3A_1348 = vector.shape_cast %swap3A_1347 : vector<1x16xf32> to vector<16xf32>
        %swap3A_1349 = vector.shape_cast %add3A_1344 : vector<16xf32> to vector<1x16xf32>
        tpu.vector_store %arg15[%swap3A_1345, %swap3A_1346], %swap3A_1349 {strides = array<i32>} : memref<8x256xf32, #tpu.memory_space<vmem>>, vector<1x16xf32>,
      }
      %scan3A_150 = arith.constant 8 : i32
      %add3A_151 = arith.constant 2 : i32
      %add3A_152 = arith.addi %add3A_136, %add3A_151 : i32
      %lt3A = arith.constant 32 : i32
      %lt3A_153 = arith.cmpi slt, %add3A_152, %lt3A : i32
      %convert_element_type3A_154 = arith.extui %lt3A_153 : i1 to i32
      %cond3A_155 = arith.constant 0 : i32
      %cond3A_156 = arith.cmpi ne, %convert_element_type3A_154, %cond3A_155 : i32
      scf.if %cond3A_156 {
        %add3A_197 = arith.constant 2 : i32
        %add3A_198 = arith.addi %add3A_136, %add3A_197 : i32
        %dma_start3A_199 = arith.constant 0 : i32
        %dma_start3A_200 = tpu.memref_slice %arg10[%add3A_198, %dma_start3A_199] : memref<32x80xi32, #tpu.memory_space<vmem>> -> memref<1x80xi32, #tpu.memory_space<vmem>>
        %dma_start3A_201 = tpu.memref_squeeze %dma_start3A_200 : memref<1x80xi32, #tpu.memory_space<vmem>> -> memref<80xi32, #tpu.memory_space<vmem>>
        %dma_start3A_202 = arith.constant 0 : i32
        %dma_start3A_203 = arith.constant 0 : i32
        %dma_start3A_204 = tpu.memref_slice %arg5[%dma_start3A_202, %dma_start3A_203] : memref<50000x256xf32, #tpu.memory_space<hbm>> -> memref<50000x256xf32, #tpu.memory_space<hbm>>
        tpu.enqueue_indirect_dma source(%dma_start3A_204 : memref<50000x256xf32, #tpu.memory_space<hbm>>) target(%arg13 : memref<80x256xf32, #tpu.memory_space<vmem>>) offsets(%dma_start3A_201 : memref<80xi32, #tpu.memory_space<vmem>>) semaphore(%arg20 : memref<!tpu.dma_semaphore, #tpu.memory_space<semaphore_mem>>)
      } else {
      }
      %mul3A_157 = arith.constant 8 : i32
      %mul3A_158 = arith.muli %add3A_136, %mul3A_157 : i32
      %add3A_159 = arith.addi %mul3A_2, %mul3A_158 : i32
      %dma_start3A_160 = arith.constant 0 : i32
      %dma_start3A_161 = tpu.memref_slice %arg7[%add3A_159, %dma_start3A_160] : memref<8192x256xf32, #tpu.memory_space<hbm>> -> memref<8x256xf32, #tpu.memory_space<hbm>>
      %dma_start3A_162 = arith.constant 0 : i32
      %dma_start3A_163 = tpu.memref_slice %arg7[%add3A_159, %dma_start3A_162] : memref<8192x256xf32, #tpu.memory_space<hbm>> -> memref<8x256xf32, #tpu.memory_space<hbm>>
      tpu.enqueue_dma source(%arg15 : memref<8x256xf32, #tpu.memory_space<vmem>>) target(%dma_start3A_163 : memref<8x256xf32, #tpu.memory_space<hbm>>) target_semaphore(%arg22 : memref<!tpu.dma_semaphore, #tpu.memory_space<semaphore_mem>>)
      %add3A_164 = arith.constant 1 : i32
      %add3A_165 = arith.addi %mul3A_134, %add3A_164 : i32
      %dma_wait3A_166 = arith.constant 0 : i32
      %dma_wait3A_167 = tpu.memref_slice %arg10[%add3A_165, %dma_wait3A_166] : memref<32x80xi32, #tpu.memory_space<vmem>> -> memref<1x80xi32, #tpu.memory_space<vmem>>
      %dma_wait3A_168 = tpu.memref_squeeze %dma_wait3A_167 : memref<1x80xi32, #tpu.memory_space<vmem>> -> memref<80xi32, #tpu.memory_space<vmem>>
      %dma_wait3A_169 = arith.constant 0 : i32
      %dma_wait3A_170 = arith.constant 0 : i32
      %dma_wait3A_171 = tpu.memref_slice %arg5[%dma_wait3A_169, %dma_wait3A_170] : memref<50000x256xf32, #tpu.memory_space<hbm>> -> memref<50000x256xf32, #tpu.memory_space<hbm>>
      tpu.wait_indirect_dma semaphore(%arg21 : memref<!tpu.dma_semaphore, #tpu.memory_space<semaphore_mem>>) src(%dma_wait3A_171 : memref<50000x256xf32, #tpu.memory_space<hbm>>) dst(%arg14 : memref<80x256xf32, #tpu.memory_space<vmem>>)
      %ge3A_172 = arith.constant 2 : i32
      %ge3A_173 = arith.cmpi sge, %add3A_165, %ge3A_172 : i32
      %convert_element_type3A_174 = arith.extui %ge3A_173 : i1 to i32
      %cond3A_175 = arith.constant 0 : i32
      %cond3A_176 = arith.cmpi ne, %convert_element_type3A_174, %cond3A_175 : i32
      scf.if %cond3A_176 {
        %sub3A = arith.constant 2 : i32
        %sub3A_197 = arith.subi %add3A_165, %sub3A : i32
        %mul3A_198 = arith.constant 8 : i32
        %mul3A_199 = arith.muli %sub3A_197, %mul3A_198 : i32
        %add3A_200 = arith.addi %mul3A_2, %mul3A_199 : i32
        %dma_wait3A_201 = arith.constant 0 : i32
        %dma_wait3A_202 = tpu.memref_slice %arg7[%add3A_200, %dma_wait3A_201] : memref<8192x256xf32, #tpu.memory_space<hbm>> -> memref<8x256xf32, #tpu.memory_space<hbm>>
        %dma_wait3A_203 = arith.constant 0 : i32
        %dma_wait3A_204 = tpu.memref_slice %arg7[%add3A_200, %dma_wait3A_203] : memref<8192x256xf32, #tpu.memory_space<hbm>> -> memref<8x256xf32, #tpu.memory_space<hbm>>
        tpu.wait_dma2 semaphore(%arg23 : memref<!tpu.dma_semaphore, #tpu.memory_space<semaphore_mem>>) src(%arg16 : memref<8x256xf32, #tpu.memory_space<vmem>>) dst(%dma_wait3A_204 : memref<8x256xf32, #tpu.memory_space<hbm>>)
      } else {
      }
      %scan3A_177 = arith.constant 0 : i32
      %scan3A_178 = arith.constant 0 : i32
      %scan3A_179 = arith.constant 8 : i32
      %scan3A_180 = arith.addi %scan3A_178, %scan3A_179 : i32
      %scan3A_181 = arith.constant 1 : i32
      scf.for %scan3A_197 = %scan3A_178 to %scan3A_180 step %scan3A_181  : i32 {
        %mul3A_198 = arith.constant 10 : i32
        %mul3A_199 = arith.muli %scan3A_197, %mul3A_198 : i32
        %get3A = arith.index_cast %mul3A_199 : i32 to index
        %get3A_200 = arith.constant 0 : index
        %get3A_201 = tpu.vector_load %arg14[%get3A, %get3A_200] {strides = array<i32>} : memref<80x256xf32, #tpu.memory_space<vmem>>, vector<1x16xf32>,
        %get3A_202 = vector.shape_cast %get3A_201 : vector<1x16xf32> to vector<16xf32>
        %add3A_203 = arith.constant 1 : i32
        %add3A_204 = arith.addi %mul3A_199, %add3A_203 : i32
        %get3A_205 = arith.index_cast %add3A_204 : i32 to index
        %get3A_206 = arith.constant 0 : index
        %get3A_207 = tpu.vector_load %arg14[%get3A_205, %get3A_206] {strides = array<i32>} : memref<80x256xf32, #tpu.memory_space<vmem>>, vector<1x16xf32>,
        %get3A_208 = vector.shape_cast %get3A_207 : vector<1x16xf32> to vector<16xf32>
        %add3A_209 = arith.addf %get3A_202, %get3A_208 : vector<16xf32>
        %add3A_210 = arith.constant 2 : i32
        %add3A_211 = arith.addi %mul3A_199, %add3A_210 : i32
        %get3A_212 = arith.index_cast %add3A_211 : i32 to index
        %get3A_213 = arith.constant 0 : index
        %get3A_214 = tpu.vector_load %arg14[%get3A_212, %get3A_213] {strides = array<i32>} : memref<80x256xf32, #tpu.memory_space<vmem>>, vector<1x16xf32>,
        %get3A_215 = vector.shape_cast %get3A_214 : vector<1x16xf32> to vector<16xf32>
        %add3A_216 = arith.addf %add3A_209, %get3A_215 : vector<16xf32>
        %add3A_217 = arith.constant 3 : i32
        %add3A_218 = arith.addi %mul3A_199, %add3A_217 : i32
        %get3A_219 = arith.index_cast %add3A_218 : i32 to index
        %get3A_220 = arith.constant 0 : index
        %get3A_221 = tpu.vector_load %arg14[%get3A_219, %get3A_220] {strides = array<i32>} : memref<80x256xf32, #tpu.memory_space<vmem>>, vector<1x16xf32>,
        %get3A_222 = vector.shape_cast %get3A_221 : vector<1x16xf32> to vector<16xf32>
        %add3A_223 = arith.addf %add3A_216, %get3A_222 : vector<16xf32>
        %add3A_224 = arith.constant 4 : i32
        %add3A_225 = arith.addi %mul3A_199, %add3A_224 : i32
        %get3A_226 = arith.index_cast %add3A_225 : i32 to index
        %get3A_227 = arith.constant 0 : index
        %get3A_228 = tpu.vector_load %arg14[%get3A_226, %get3A_227] {strides = array<i32>} : memref<80x256xf32, #tpu.memory_space<vmem>>, vector<1x16xf32>,
        %get3A_229 = vector.shape_cast %get3A_228 : vector<1x16xf32> to vector<16xf32>
        %add3A_230 = arith.addf %add3A_223, %get3A_229 : vector<16xf32>
        %add3A_231 = arith.constant 5 : i32
        %add3A_232 = arith.addi %mul3A_199, %add3A_231 : i32
        %get3A_233 = arith.index_cast %add3A_232 : i32 to index
        %get3A_234 = arith.constant 0 : index
        %get3A_235 = tpu.vector_load %arg14[%get3A_233, %get3A_234] {strides = array<i32>} : memref<80x256xf32, #tpu.memory_space<vmem>>, vector<1x16xf32>,
        %get3A_236 = vector.shape_cast %get3A_235 : vector<1x16xf32> to vector<16xf32>
        %add3A_237 = arith.addf %add3A_230, %get3A_236 : vector<16xf32>
        %add3A_238 = arith.constant 6 : i32
        %add3A_239 = arith.addi %mul3A_199, %add3A_238 : i32
        %get3A_240 = arith.index_cast %add3A_239 : i32 to index
        %get3A_241 = arith.constant 0 : index
        %get3A_242 = tpu.vector_load %arg14[%get3A_240, %get3A_241] {strides = array<i32>} : memref<80x256xf32, #tpu.memory_space<vmem>>, vector<1x16xf32>,
        %get3A_243 = vector.shape_cast %get3A_242 : vector<1x16xf32> to vector<16xf32>
        %add3A_244 = arith.addf %add3A_237, %get3A_243 : vector<16xf32>
        %add3A_245 = arith.constant 7 : i32
        %add3A_246 = arith.addi %mul3A_199, %add3A_245 : i32
        %get3A_247 = arith.index_cast %add3A_246 : i32 to index
        %get3A_248 = arith.constant 0 : index
        %get3A_249 = tpu.vector_load %arg14[%get3A_247, %get3A_248] {strides = array<i32>} : memref<80x256xf32, #tpu.memory_space<vmem>>, vector<1x16xf32>,
        %get3A_250 = vector.shape_cast %get3A_249 : vector<1x16xf32> to vector<16xf32>
        %add3A_251 = arith.addf %add3A_244, %get3A_250 : vector<16xf32>
        %add3A_252 = arith.constant 8 : i32
        %add3A_253 = arith.addi %mul3A_199, %add3A_252 : i32
        %get3A_254 = arith.index_cast %add3A_253 : i32 to index
        %get3A_255 = arith.constant 0 : index
        %get3A_256 = tpu.vector_load %arg14[%get3A_254, %get3A_255] {strides = array<i32>} : memref<80x256xf32, #tpu.memory_space<vmem>>, vector<1x16xf32>,
        %get3A_257 = vector.shape_cast %get3A_256 : vector<1x16xf32> to vector<16xf32>
        %add3A_258 = arith.addf %add3A_251, %get3A_257 : vector<16xf32>
        %add3A_259 = arith.constant 9 : i32
        %add3A_260 = arith.addi %mul3A_199, %add3A_259 : i32
        %get3A_261 = arith.index_cast %add3A_260 : i32 to index
        %get3A_262 = arith.constant 0 : index
        %get3A_263 = tpu.vector_load %arg14[%get3A_261, %get3A_262] {strides = array<i32>} : memref<80x256xf32, #tpu.memory_space<vmem>>, vector<1x16xf32>,
        %get3A_264 = vector.shape_cast %get3A_263 : vector<1x16xf32> to vector<16xf32>
        %add3A_265 = arith.addf %add3A_258, %get3A_264 : vector<16xf32>
        %swap3A = arith.index_cast %scan3A_197 : i32 to index
        %swap3A_266 = arith.constant 0 : index
        %swap3A_267 = tpu.vector_load %arg16[%swap3A, %swap3A_266] {strides = array<i32>} : memref<8x256xf32, #tpu.memory_space<vmem>>, vector<1x16xf32>,
        %swap3A_268 = vector.shape_cast %swap3A_267 : vector<1x16xf32> to vector<16xf32>
        %swap3A_269 = vector.shape_cast %add3A_265 : vector<16xf32> to vector<1x16xf32>
        tpu.vector_store %arg16[%swap3A, %swap3A_266], %swap3A_269 {strides = array<i32>} : memref<8x256xf32, #tpu.memory_space<vmem>>, vector<1x16xf32>,
        %get3A_270 = arith.index_cast %mul3A_199 : i32 to index
        %get3A_271 = arith.constant 16 : index
        %get3A_272 = tpu.vector_load %arg14[%get3A_270, %get3A_271] {strides = array<i32>} : memref<80x256xf32, #tpu.memory_space<vmem>>, vector<1x16xf32>,
        %get3A_273 = vector.shape_cast %get3A_272 : vector<1x16xf32> to vector<16xf32>
        %add3A_274 = arith.constant 1 : i32
        %add3A_275 = arith.addi %mul3A_199, %add3A_274 : i32
        %get3A_276 = arith.index_cast %add3A_275 : i32 to index
        %get3A_277 = arith.constant 16 : index
        %get3A_278 = tpu.vector_load %arg14[%get3A_276, %get3A_277] {strides = array<i32>} : memref<80x256xf32, #tpu.memory_space<vmem>>, vector<1x16xf32>,
        %get3A_279 = vector.shape_cast %get3A_278 : vector<1x16xf32> to vector<16xf32>
        %add3A_280 = arith.addf %get3A_273, %get3A_279 : vector<16xf32>
        %add3A_281 = arith.constant 2 : i32
        %add3A_282 = arith.addi %mul3A_199, %add3A_281 : i32
        %get3A_283 = arith.index_cast %add3A_282 : i32 to index
        %get3A_284 = arith.constant 16 : index
        %get3A_285 = tpu.vector_load %arg14[%get3A_283, %get3A_284] {strides = array<i32>} : memref<80x256xf32, #tpu.memory_space<vmem>>, vector<1x16xf32>,
        %get3A_286 = vector.shape_cast %get3A_285 : vector<1x16xf32> to vector<16xf32>
        %add3A_287 = arith.addf %add3A_280, %get3A_286 : vector<16xf32>
        %add3A_288 = arith.constant 3 : i32
        %add3A_289 = arith.addi %mul3A_199, %add3A_288 : i32
        %get3A_290 = arith.index_cast %add3A_289 : i32 to index
        %get3A_291 = arith.constant 16 : index
        %get3A_292 = tpu.vector_load %arg14[%get3A_290, %get3A_291] {strides = array<i32>} : memref<80x256xf32, #tpu.memory_space<vmem>>, vector<1x16xf32>,
        %get3A_293 = vector.shape_cast %get3A_292 : vector<1x16xf32> to vector<16xf32>
        %add3A_294 = arith.addf %add3A_287, %get3A_293 : vector<16xf32>
        %add3A_295 = arith.constant 4 : i32
        %add3A_296 = arith.addi %mul3A_199, %add3A_295 : i32
        %get3A_297 = arith.index_cast %add3A_296 : i32 to index
        %get3A_298 = arith.constant 16 : index
        %get3A_299 = tpu.vector_load %arg14[%get3A_297, %get3A_298] {strides = array<i32>} : memref<80x256xf32, #tpu.memory_space<vmem>>, vector<1x16xf32>,
        %get3A_300 = vector.shape_cast %get3A_299 : vector<1x16xf32> to vector<16xf32>
        %add3A_301 = arith.addf %add3A_294, %get3A_300 : vector<16xf32>
        %add3A_302 = arith.constant 5 : i32
        %add3A_303 = arith.addi %mul3A_199, %add3A_302 : i32
        %get3A_304 = arith.index_cast %add3A_303 : i32 to index
        %get3A_305 = arith.constant 16 : index
        %get3A_306 = tpu.vector_load %arg14[%get3A_304, %get3A_305] {strides = array<i32>} : memref<80x256xf32, #tpu.memory_space<vmem>>, vector<1x16xf32>,
        %get3A_307 = vector.shape_cast %get3A_306 : vector<1x16xf32> to vector<16xf32>
        %add3A_308 = arith.addf %add3A_301, %get3A_307 : vector<16xf32>
        %add3A_309 = arith.constant 6 : i32
        %add3A_310 = arith.addi %mul3A_199, %add3A_309 : i32
        %get3A_311 = arith.index_cast %add3A_310 : i32 to index
        %get3A_312 = arith.constant 16 : index
        %get3A_313 = tpu.vector_load %arg14[%get3A_311, %get3A_312] {strides = array<i32>} : memref<80x256xf32, #tpu.memory_space<vmem>>, vector<1x16xf32>,
        %get3A_314 = vector.shape_cast %get3A_313 : vector<1x16xf32> to vector<16xf32>
        %add3A_315 = arith.addf %add3A_308, %get3A_314 : vector<16xf32>
        %add3A_316 = arith.constant 7 : i32
        %add3A_317 = arith.addi %mul3A_199, %add3A_316 : i32
        %get3A_318 = arith.index_cast %add3A_317 : i32 to index
        %get3A_319 = arith.constant 16 : index
        %get3A_320 = tpu.vector_load %arg14[%get3A_318, %get3A_319] {strides = array<i32>} : memref<80x256xf32, #tpu.memory_space<vmem>>, vector<1x16xf32>,
        %get3A_321 = vector.shape_cast %get3A_320 : vector<1x16xf32> to vector<16xf32>
        %add3A_322 = arith.addf %add3A_315, %get3A_321 : vector<16xf32>
        %add3A_323 = arith.constant 8 : i32
        %add3A_324 = arith.addi %mul3A_199, %add3A_323 : i32
        %get3A_325 = arith.index_cast %add3A_324 : i32 to index
        %get3A_326 = arith.constant 16 : index
        %get3A_327 = tpu.vector_load %arg14[%get3A_325, %get3A_326] {strides = array<i32>} : memref<80x256xf32, #tpu.memory_space<vmem>>, vector<1x16xf32>,
        %get3A_328 = vector.shape_cast %get3A_327 : vector<1x16xf32> to vector<16xf32>
        %add3A_329 = arith.addf %add3A_322, %get3A_328 : vector<16xf32>
        %add3A_330 = arith.constant 9 : i32
        %add3A_331 = arith.addi %mul3A_199, %add3A_330 : i32
        %get3A_332 = arith.index_cast %add3A_331 : i32 to index
        %get3A_333 = arith.constant 16 : index
        %get3A_334 = tpu.vector_load %arg14[%get3A_332, %get3A_333] {strides = array<i32>} : memref<80x256xf32, #tpu.memory_space<vmem>>, vector<1x16xf32>,
        %get3A_335 = vector.shape_cast %get3A_334 : vector<1x16xf32> to vector<16xf32>
        %add3A_336 = arith.addf %add3A_329, %get3A_335 : vector<16xf32>
        %swap3A_337 = arith.index_cast %scan3A_197 : i32 to index
        %swap3A_338 = arith.constant 16 : index
        %swap3A_339 = tpu.vector_load %arg16[%swap3A_337, %swap3A_338] {strides = array<i32>} : memref<8x256xf32, #tpu.memory_space<vmem>>, vector<1x16xf32>,
        %swap3A_340 = vector.shape_cast %swap3A_339 : vector<1x16xf32> to vector<16xf32>
        %swap3A_341 = vector.shape_cast %add3A_336 : vector<16xf32> to vector<1x16xf32>
        tpu.vector_store %arg16[%swap3A_337, %swap3A_338], %swap3A_341 {strides = array<i32>} : memref<8x256xf32, #tpu.memory_space<vmem>>, vector<1x16xf32>,
        %get3A_342 = arith.index_cast %mul3A_199 : i32 to index
        %get3A_343 = arith.constant 32 : index
        %get3A_344 = tpu.vector_load %arg14[%get3A_342, %get3A_343] {strides = array<i32>} : memref<80x256xf32, #tpu.memory_space<vmem>>, vector<1x16xf32>,
        %get3A_345 = vector.shape_cast %get3A_344 : vector<1x16xf32> to vector<16xf32>
        %add3A_346 = arith.constant 1 : i32
        %add3A_347 = arith.addi %mul3A_199, %add3A_346 : i32
        %get3A_348 = arith.index_cast %add3A_347 : i32 to index
        %get3A_349 = arith.constant 32 : index
        %get3A_350 = tpu.vector_load %arg14[%get3A_348, %get3A_349] {strides = array<i32>} : memref<80x256xf32, #tpu.memory_space<vmem>>, vector<1x16xf32>,
        %get3A_351 = vector.shape_cast %get3A_350 : vector<1x16xf32> to vector<16xf32>
        %add3A_352 = arith.addf %get3A_345, %get3A_351 : vector<16xf32>
        %add3A_353 = arith.constant 2 : i32
        %add3A_354 = arith.addi %mul3A_199, %add3A_353 : i32
        %get3A_355 = arith.index_cast %add3A_354 : i32 to index
        %get3A_356 = arith.constant 32 : index
        %get3A_357 = tpu.vector_load %arg14[%get3A_355, %get3A_356] {strides = array<i32>} : memref<80x256xf32, #tpu.memory_space<vmem>>, vector<1x16xf32>,
        %get3A_358 = vector.shape_cast %get3A_357 : vector<1x16xf32> to vector<16xf32>
        %add3A_359 = arith.addf %add3A_352, %get3A_358 : vector<16xf32>
        %add3A_360 = arith.constant 3 : i32
        %add3A_361 = arith.addi %mul3A_199, %add3A_360 : i32
        %get3A_362 = arith.index_cast %add3A_361 : i32 to index
        %get3A_363 = arith.constant 32 : index
        %get3A_364 = tpu.vector_load %arg14[%get3A_362, %get3A_363] {strides = array<i32>} : memref<80x256xf32, #tpu.memory_space<vmem>>, vector<1x16xf32>,
        %get3A_365 = vector.shape_cast %get3A_364 : vector<1x16xf32> to vector<16xf32>
        %add3A_366 = arith.addf %add3A_359, %get3A_365 : vector<16xf32>
        %add3A_367 = arith.constant 4 : i32
        %add3A_368 = arith.addi %mul3A_199, %add3A_367 : i32
        %get3A_369 = arith.index_cast %add3A_368 : i32 to index
        %get3A_370 = arith.constant 32 : index
        %get3A_371 = tpu.vector_load %arg14[%get3A_369, %get3A_370] {strides = array<i32>} : memref<80x256xf32, #tpu.memory_space<vmem>>, vector<1x16xf32>,
        %get3A_372 = vector.shape_cast %get3A_371 : vector<1x16xf32> to vector<16xf32>
        %add3A_373 = arith.addf %add3A_366, %get3A_372 : vector<16xf32>
        %add3A_374 = arith.constant 5 : i32
        %add3A_375 = arith.addi %mul3A_199, %add3A_374 : i32
        %get3A_376 = arith.index_cast %add3A_375 : i32 to index
        %get3A_377 = arith.constant 32 : index
        %get3A_378 = tpu.vector_load %arg14[%get3A_376, %get3A_377] {strides = array<i32>} : memref<80x256xf32, #tpu.memory_space<vmem>>, vector<1x16xf32>,
        %get3A_379 = vector.shape_cast %get3A_378 : vector<1x16xf32> to vector<16xf32>
        %add3A_380 = arith.addf %add3A_373, %get3A_379 : vector<16xf32>
        %add3A_381 = arith.constant 6 : i32
        %add3A_382 = arith.addi %mul3A_199, %add3A_381 : i32
        %get3A_383 = arith.index_cast %add3A_382 : i32 to index
        %get3A_384 = arith.constant 32 : index
        %get3A_385 = tpu.vector_load %arg14[%get3A_383, %get3A_384] {strides = array<i32>} : memref<80x256xf32, #tpu.memory_space<vmem>>, vector<1x16xf32>,
        %get3A_386 = vector.shape_cast %get3A_385 : vector<1x16xf32> to vector<16xf32>
        %add3A_387 = arith.addf %add3A_380, %get3A_386 : vector<16xf32>
        %add3A_388 = arith.constant 7 : i32
        %add3A_389 = arith.addi %mul3A_199, %add3A_388 : i32
        %get3A_390 = arith.index_cast %add3A_389 : i32 to index
        %get3A_391 = arith.constant 32 : index
        %get3A_392 = tpu.vector_load %arg14[%get3A_390, %get3A_391] {strides = array<i32>} : memref<80x256xf32, #tpu.memory_space<vmem>>, vector<1x16xf32>,
        %get3A_393 = vector.shape_cast %get3A_392 : vector<1x16xf32> to vector<16xf32>
        %add3A_394 = arith.addf %add3A_387, %get3A_393 : vector<16xf32>
        %add3A_395 = arith.constant 8 : i32
        %add3A_396 = arith.addi %mul3A_199, %add3A_395 : i32
        %get3A_397 = arith.index_cast %add3A_396 : i32 to index
        %get3A_398 = arith.constant 32 : index
        %get3A_399 = tpu.vector_load %arg14[%get3A_397, %get3A_398] {strides = array<i32>} : memref<80x256xf32, #tpu.memory_space<vmem>>, vector<1x16xf32>,
        %get3A_400 = vector.shape_cast %get3A_399 : vector<1x16xf32> to vector<16xf32>
        %add3A_401 = arith.addf %add3A_394, %get3A_400 : vector<16xf32>
        %add3A_402 = arith.constant 9 : i32
        %add3A_403 = arith.addi %mul3A_199, %add3A_402 : i32
        %get3A_404 = arith.index_cast %add3A_403 : i32 to index
        %get3A_405 = arith.constant 32 : index
        %get3A_406 = tpu.vector_load %arg14[%get3A_404, %get3A_405] {strides = array<i32>} : memref<80x256xf32, #tpu.memory_space<vmem>>, vector<1x16xf32>,
        %get3A_407 = vector.shape_cast %get3A_406 : vector<1x16xf32> to vector<16xf32>
        %add3A_408 = arith.addf %add3A_401, %get3A_407 : vector<16xf32>
        %swap3A_409 = arith.index_cast %scan3A_197 : i32 to index
        %swap3A_410 = arith.constant 32 : index
        %swap3A_411 = tpu.vector_load %arg16[%swap3A_409, %swap3A_410] {strides = array<i32>} : memref<8x256xf32, #tpu.memory_space<vmem>>, vector<1x16xf32>,
        %swap3A_412 = vector.shape_cast %swap3A_411 : vector<1x16xf32> to vector<16xf32>
        %swap3A_413 = vector.shape_cast %add3A_408 : vector<16xf32> to vector<1x16xf32>
        tpu.vector_store %arg16[%swap3A_409, %swap3A_410], %swap3A_413 {strides = array<i32>} : memref<8x256xf32, #tpu.memory_space<vmem>>, vector<1x16xf32>,
        %get3A_414 = arith.index_cast %mul3A_199 : i32 to index
        %get3A_415 = arith.constant 48 : index
        %get3A_416 = tpu.vector_load %arg14[%get3A_414, %get3A_415] {strides = array<i32>} : memref<80x256xf32, #tpu.memory_space<vmem>>, vector<1x16xf32>,
        %get3A_417 = vector.shape_cast %get3A_416 : vector<1x16xf32> to vector<16xf32>
        %add3A_418 = arith.constant 1 : i32
        %add3A_419 = arith.addi %mul3A_199, %add3A_418 : i32
        %get3A_420 = arith.index_cast %add3A_419 : i32 to index
        %get3A_421 = arith.constant 48 : index
        %get3A_422 = tpu.vector_load %arg14[%get3A_420, %get3A_421] {strides = array<i32>} : memref<80x256xf32, #tpu.memory_space<vmem>>, vector<1x16xf32>,
        %get3A_423 = vector.shape_cast %get3A_422 : vector<1x16xf32> to vector<16xf32>
        %add3A_424 = arith.addf %get3A_417, %get3A_423 : vector<16xf32>
        %add3A_425 = arith.constant 2 : i32
        %add3A_426 = arith.addi %mul3A_199, %add3A_425 : i32
        %get3A_427 = arith.index_cast %add3A_426 : i32 to index
        %get3A_428 = arith.constant 48 : index
        %get3A_429 = tpu.vector_load %arg14[%get3A_427, %get3A_428] {strides = array<i32>} : memref<80x256xf32, #tpu.memory_space<vmem>>, vector<1x16xf32>,
        %get3A_430 = vector.shape_cast %get3A_429 : vector<1x16xf32> to vector<16xf32>
        %add3A_431 = arith.addf %add3A_424, %get3A_430 : vector<16xf32>
        %add3A_432 = arith.constant 3 : i32
        %add3A_433 = arith.addi %mul3A_199, %add3A_432 : i32
        %get3A_434 = arith.index_cast %add3A_433 : i32 to index
        %get3A_435 = arith.constant 48 : index
        %get3A_436 = tpu.vector_load %arg14[%get3A_434, %get3A_435] {strides = array<i32>} : memref<80x256xf32, #tpu.memory_space<vmem>>, vector<1x16xf32>,
        %get3A_437 = vector.shape_cast %get3A_436 : vector<1x16xf32> to vector<16xf32>
        %add3A_438 = arith.addf %add3A_431, %get3A_437 : vector<16xf32>
        %add3A_439 = arith.constant 4 : i32
        %add3A_440 = arith.addi %mul3A_199, %add3A_439 : i32
        %get3A_441 = arith.index_cast %add3A_440 : i32 to index
        %get3A_442 = arith.constant 48 : index
        %get3A_443 = tpu.vector_load %arg14[%get3A_441, %get3A_442] {strides = array<i32>} : memref<80x256xf32, #tpu.memory_space<vmem>>, vector<1x16xf32>,
        %get3A_444 = vector.shape_cast %get3A_443 : vector<1x16xf32> to vector<16xf32>
        %add3A_445 = arith.addf %add3A_438, %get3A_444 : vector<16xf32>
        %add3A_446 = arith.constant 5 : i32
        %add3A_447 = arith.addi %mul3A_199, %add3A_446 : i32
        %get3A_448 = arith.index_cast %add3A_447 : i32 to index
        %get3A_449 = arith.constant 48 : index
        %get3A_450 = tpu.vector_load %arg14[%get3A_448, %get3A_449] {strides = array<i32>} : memref<80x256xf32, #tpu.memory_space<vmem>>, vector<1x16xf32>,
        %get3A_451 = vector.shape_cast %get3A_450 : vector<1x16xf32> to vector<16xf32>
        %add3A_452 = arith.addf %add3A_445, %get3A_451 : vector<16xf32>
        %add3A_453 = arith.constant 6 : i32
        %add3A_454 = arith.addi %mul3A_199, %add3A_453 : i32
        %get3A_455 = arith.index_cast %add3A_454 : i32 to index
        %get3A_456 = arith.constant 48 : index
        %get3A_457 = tpu.vector_load %arg14[%get3A_455, %get3A_456] {strides = array<i32>} : memref<80x256xf32, #tpu.memory_space<vmem>>, vector<1x16xf32>,
        %get3A_458 = vector.shape_cast %get3A_457 : vector<1x16xf32> to vector<16xf32>
        %add3A_459 = arith.addf %add3A_452, %get3A_458 : vector<16xf32>
        %add3A_460 = arith.constant 7 : i32
        %add3A_461 = arith.addi %mul3A_199, %add3A_460 : i32
        %get3A_462 = arith.index_cast %add3A_461 : i32 to index
        %get3A_463 = arith.constant 48 : index
        %get3A_464 = tpu.vector_load %arg14[%get3A_462, %get3A_463] {strides = array<i32>} : memref<80x256xf32, #tpu.memory_space<vmem>>, vector<1x16xf32>,
        %get3A_465 = vector.shape_cast %get3A_464 : vector<1x16xf32> to vector<16xf32>
        %add3A_466 = arith.addf %add3A_459, %get3A_465 : vector<16xf32>
        %add3A_467 = arith.constant 8 : i32
        %add3A_468 = arith.addi %mul3A_199, %add3A_467 : i32
        %get3A_469 = arith.index_cast %add3A_468 : i32 to index
        %get3A_470 = arith.constant 48 : index
        %get3A_471 = tpu.vector_load %arg14[%get3A_469, %get3A_470] {strides = array<i32>} : memref<80x256xf32, #tpu.memory_space<vmem>>, vector<1x16xf32>,
        %get3A_472 = vector.shape_cast %get3A_471 : vector<1x16xf32> to vector<16xf32>
        %add3A_473 = arith.addf %add3A_466, %get3A_472 : vector<16xf32>
        %add3A_474 = arith.constant 9 : i32
        %add3A_475 = arith.addi %mul3A_199, %add3A_474 : i32
        %get3A_476 = arith.index_cast %add3A_475 : i32 to index
        %get3A_477 = arith.constant 48 : index
        %get3A_478 = tpu.vector_load %arg14[%get3A_476, %get3A_477] {strides = array<i32>} : memref<80x256xf32, #tpu.memory_space<vmem>>, vector<1x16xf32>,
        %get3A_479 = vector.shape_cast %get3A_478 : vector<1x16xf32> to vector<16xf32>
        %add3A_480 = arith.addf %add3A_473, %get3A_479 : vector<16xf32>
        %swap3A_481 = arith.index_cast %scan3A_197 : i32 to index
        %swap3A_482 = arith.constant 48 : index
        %swap3A_483 = tpu.vector_load %arg16[%swap3A_481, %swap3A_482] {strides = array<i32>} : memref<8x256xf32, #tpu.memory_space<vmem>>, vector<1x16xf32>,
        %swap3A_484 = vector.shape_cast %swap3A_483 : vector<1x16xf32> to vector<16xf32>
        %swap3A_485 = vector.shape_cast %add3A_480 : vector<16xf32> to vector<1x16xf32>
        tpu.vector_store %arg16[%swap3A_481, %swap3A_482], %swap3A_485 {strides = array<i32>} : memref<8x256xf32, #tpu.memory_space<vmem>>, vector<1x16xf32>,
        %get3A_486 = arith.index_cast %mul3A_199 : i32 to index
        %get3A_487 = arith.constant 64 : index
        %get3A_488 = tpu.vector_load %arg14[%get3A_486, %get3A_487] {strides = array<i32>} : memref<80x256xf32, #tpu.memory_space<vmem>>, vector<1x16xf32>,
        %get3A_489 = vector.shape_cast %get3A_488 : vector<1x16xf32> to vector<16xf32>
        %add3A_490 = arith.constant 1 : i32
        %add3A_491 = arith.addi %mul3A_199, %add3A_490 : i32
        %get3A_492 = arith.index_cast %add3A_491 : i32 to index
        %get3A_493 = arith.constant 64 : index
        %get3A_494 = tpu.vector_load %arg14[%get3A_492, %get3A_493] {strides = array<i32>} : memref<80x256xf32, #tpu.memory_space<vmem>>, vector<1x16xf32>,
        %get3A_495 = vector.shape_cast %get3A_494 : vector<1x16xf32> to vector<16xf32>
        %add3A_496 = arith.addf %get3A_489, %get3A_495 : vector<16xf32>
        %add3A_497 = arith.constant 2 : i32
        %add3A_498 = arith.addi %mul3A_199, %add3A_497 : i32
        %get3A_499 = arith.index_cast %add3A_498 : i32 to index
        %get3A_500 = arith.constant 64 : index
        %get3A_501 = tpu.vector_load %arg14[%get3A_499, %get3A_500] {strides = array<i32>} : memref<80x256xf32, #tpu.memory_space<vmem>>, vector<1x16xf32>,
        %get3A_502 = vector.shape_cast %get3A_501 : vector<1x16xf32> to vector<16xf32>
        %add3A_503 = arith.addf %add3A_496, %get3A_502 : vector<16xf32>
        %add3A_504 = arith.constant 3 : i32
        %add3A_505 = arith.addi %mul3A_199, %add3A_504 : i32
        %get3A_506 = arith.index_cast %add3A_505 : i32 to index
        %get3A_507 = arith.constant 64 : index
        %get3A_508 = tpu.vector_load %arg14[%get3A_506, %get3A_507] {strides = array<i32>} : memref<80x256xf32, #tpu.memory_space<vmem>>, vector<1x16xf32>,
        %get3A_509 = vector.shape_cast %get3A_508 : vector<1x16xf32> to vector<16xf32>
        %add3A_510 = arith.addf %add3A_503, %get3A_509 : vector<16xf32>
        %add3A_511 = arith.constant 4 : i32
        %add3A_512 = arith.addi %mul3A_199, %add3A_511 : i32
        %get3A_513 = arith.index_cast %add3A_512 : i32 to index
        %get3A_514 = arith.constant 64 : index
        %get3A_515 = tpu.vector_load %arg14[%get3A_513, %get3A_514] {strides = array<i32>} : memref<80x256xf32, #tpu.memory_space<vmem>>, vector<1x16xf32>,
        %get3A_516 = vector.shape_cast %get3A_515 : vector<1x16xf32> to vector<16xf32>
        %add3A_517 = arith.addf %add3A_510, %get3A_516 : vector<16xf32>
        %add3A_518 = arith.constant 5 : i32
        %add3A_519 = arith.addi %mul3A_199, %add3A_518 : i32
        %get3A_520 = arith.index_cast %add3A_519 : i32 to index
        %get3A_521 = arith.constant 64 : index
        %get3A_522 = tpu.vector_load %arg14[%get3A_520, %get3A_521] {strides = array<i32>} : memref<80x256xf32, #tpu.memory_space<vmem>>, vector<1x16xf32>,
        %get3A_523 = vector.shape_cast %get3A_522 : vector<1x16xf32> to vector<16xf32>
        %add3A_524 = arith.addf %add3A_517, %get3A_523 : vector<16xf32>
        %add3A_525 = arith.constant 6 : i32
        %add3A_526 = arith.addi %mul3A_199, %add3A_525 : i32
        %get3A_527 = arith.index_cast %add3A_526 : i32 to index
        %get3A_528 = arith.constant 64 : index
        %get3A_529 = tpu.vector_load %arg14[%get3A_527, %get3A_528] {strides = array<i32>} : memref<80x256xf32, #tpu.memory_space<vmem>>, vector<1x16xf32>,
        %get3A_530 = vector.shape_cast %get3A_529 : vector<1x16xf32> to vector<16xf32>
        %add3A_531 = arith.addf %add3A_524, %get3A_530 : vector<16xf32>
        %add3A_532 = arith.constant 7 : i32
        %add3A_533 = arith.addi %mul3A_199, %add3A_532 : i32
        %get3A_534 = arith.index_cast %add3A_533 : i32 to index
        %get3A_535 = arith.constant 64 : index
        %get3A_536 = tpu.vector_load %arg14[%get3A_534, %get3A_535] {strides = array<i32>} : memref<80x256xf32, #tpu.memory_space<vmem>>, vector<1x16xf32>,
        %get3A_537 = vector.shape_cast %get3A_536 : vector<1x16xf32> to vector<16xf32>
        %add3A_538 = arith.addf %add3A_531, %get3A_537 : vector<16xf32>
        %add3A_539 = arith.constant 8 : i32
        %add3A_540 = arith.addi %mul3A_199, %add3A_539 : i32
        %get3A_541 = arith.index_cast %add3A_540 : i32 to index
        %get3A_542 = arith.constant 64 : index
        %get3A_543 = tpu.vector_load %arg14[%get3A_541, %get3A_542] {strides = array<i32>} : memref<80x256xf32, #tpu.memory_space<vmem>>, vector<1x16xf32>,
        %get3A_544 = vector.shape_cast %get3A_543 : vector<1x16xf32> to vector<16xf32>
        %add3A_545 = arith.addf %add3A_538, %get3A_544 : vector<16xf32>
        %add3A_546 = arith.constant 9 : i32
        %add3A_547 = arith.addi %mul3A_199, %add3A_546 : i32
        %get3A_548 = arith.index_cast %add3A_547 : i32 to index
        %get3A_549 = arith.constant 64 : index
        %get3A_550 = tpu.vector_load %arg14[%get3A_548, %get3A_549] {strides = array<i32>} : memref<80x256xf32, #tpu.memory_space<vmem>>, vector<1x16xf32>,
        %get3A_551 = vector.shape_cast %get3A_550 : vector<1x16xf32> to vector<16xf32>
        %add3A_552 = arith.addf %add3A_545, %get3A_551 : vector<16xf32>
        %swap3A_553 = arith.index_cast %scan3A_197 : i32 to index
        %swap3A_554 = arith.constant 64 : index
        %swap3A_555 = tpu.vector_load %arg16[%swap3A_553, %swap3A_554] {strides = array<i32>} : memref<8x256xf32, #tpu.memory_space<vmem>>, vector<1x16xf32>,
        %swap3A_556 = vector.shape_cast %swap3A_555 : vector<1x16xf32> to vector<16xf32>
        %swap3A_557 = vector.shape_cast %add3A_552 : vector<16xf32> to vector<1x16xf32>
        tpu.vector_store %arg16[%swap3A_553, %swap3A_554], %swap3A_557 {strides = array<i32>} : memref<8x256xf32, #tpu.memory_space<vmem>>, vector<1x16xf32>,
        %get3A_558 = arith.index_cast %mul3A_199 : i32 to index
        %get3A_559 = arith.constant 80 : index
        %get3A_560 = tpu.vector_load %arg14[%get3A_558, %get3A_559] {strides = array<i32>} : memref<80x256xf32, #tpu.memory_space<vmem>>, vector<1x16xf32>,
        %get3A_561 = vector.shape_cast %get3A_560 : vector<1x16xf32> to vector<16xf32>
        %add3A_562 = arith.constant 1 : i32
        %add3A_563 = arith.addi %mul3A_199, %add3A_562 : i32
        %get3A_564 = arith.index_cast %add3A_563 : i32 to index
        %get3A_565 = arith.constant 80 : index
        %get3A_566 = tpu.vector_load %arg14[%get3A_564, %get3A_565] {strides = array<i32>} : memref<80x256xf32, #tpu.memory_space<vmem>>, vector<1x16xf32>,
        %get3A_567 = vector.shape_cast %get3A_566 : vector<1x16xf32> to vector<16xf32>
        %add3A_568 = arith.addf %get3A_561, %get3A_567 : vector<16xf32>
        %add3A_569 = arith.constant 2 : i32
        %add3A_570 = arith.addi %mul3A_199, %add3A_569 : i32
        %get3A_571 = arith.index_cast %add3A_570 : i32 to index
        %get3A_572 = arith.constant 80 : index
        %get3A_573 = tpu.vector_load %arg14[%get3A_571, %get3A_572] {strides = array<i32>} : memref<80x256xf32, #tpu.memory_space<vmem>>, vector<1x16xf32>,
        %get3A_574 = vector.shape_cast %get3A_573 : vector<1x16xf32> to vector<16xf32>
        %add3A_575 = arith.addf %add3A_568, %get3A_574 : vector<16xf32>
        %add3A_576 = arith.constant 3 : i32
        %add3A_577 = arith.addi %mul3A_199, %add3A_576 : i32
        %get3A_578 = arith.index_cast %add3A_577 : i32 to index
        %get3A_579 = arith.constant 80 : index
        %get3A_580 = tpu.vector_load %arg14[%get3A_578, %get3A_579] {strides = array<i32>} : memref<80x256xf32, #tpu.memory_space<vmem>>, vector<1x16xf32>,
        %get3A_581 = vector.shape_cast %get3A_580 : vector<1x16xf32> to vector<16xf32>
        %add3A_582 = arith.addf %add3A_575, %get3A_581 : vector<16xf32>
        %add3A_583 = arith.constant 4 : i32
        %add3A_584 = arith.addi %mul3A_199, %add3A_583 : i32
        %get3A_585 = arith.index_cast %add3A_584 : i32 to index
        %get3A_586 = arith.constant 80 : index
        %get3A_587 = tpu.vector_load %arg14[%get3A_585, %get3A_586] {strides = array<i32>} : memref<80x256xf32, #tpu.memory_space<vmem>>, vector<1x16xf32>,
        %get3A_588 = vector.shape_cast %get3A_587 : vector<1x16xf32> to vector<16xf32>
        %add3A_589 = arith.addf %add3A_582, %get3A_588 : vector<16xf32>
        %add3A_590 = arith.constant 5 : i32
        %add3A_591 = arith.addi %mul3A_199, %add3A_590 : i32
        %get3A_592 = arith.index_cast %add3A_591 : i32 to index
        %get3A_593 = arith.constant 80 : index
        %get3A_594 = tpu.vector_load %arg14[%get3A_592, %get3A_593] {strides = array<i32>} : memref<80x256xf32, #tpu.memory_space<vmem>>, vector<1x16xf32>,
        %get3A_595 = vector.shape_cast %get3A_594 : vector<1x16xf32> to vector<16xf32>
        %add3A_596 = arith.addf %add3A_589, %get3A_595 : vector<16xf32>
        %add3A_597 = arith.constant 6 : i32
        %add3A_598 = arith.addi %mul3A_199, %add3A_597 : i32
        %get3A_599 = arith.index_cast %add3A_598 : i32 to index
        %get3A_600 = arith.constant 80 : index
        %get3A_601 = tpu.vector_load %arg14[%get3A_599, %get3A_600] {strides = array<i32>} : memref<80x256xf32, #tpu.memory_space<vmem>>, vector<1x16xf32>,
        %get3A_602 = vector.shape_cast %get3A_601 : vector<1x16xf32> to vector<16xf32>
        %add3A_603 = arith.addf %add3A_596, %get3A_602 : vector<16xf32>
        %add3A_604 = arith.constant 7 : i32
        %add3A_605 = arith.addi %mul3A_199, %add3A_604 : i32
        %get3A_606 = arith.index_cast %add3A_605 : i32 to index
        %get3A_607 = arith.constant 80 : index
        %get3A_608 = tpu.vector_load %arg14[%get3A_606, %get3A_607] {strides = array<i32>} : memref<80x256xf32, #tpu.memory_space<vmem>>, vector<1x16xf32>,
        %get3A_609 = vector.shape_cast %get3A_608 : vector<1x16xf32> to vector<16xf32>
        %add3A_610 = arith.addf %add3A_603, %get3A_609 : vector<16xf32>
        %add3A_611 = arith.constant 8 : i32
        %add3A_612 = arith.addi %mul3A_199, %add3A_611 : i32
        %get3A_613 = arith.index_cast %add3A_612 : i32 to index
        %get3A_614 = arith.constant 80 : index
        %get3A_615 = tpu.vector_load %arg14[%get3A_613, %get3A_614] {strides = array<i32>} : memref<80x256xf32, #tpu.memory_space<vmem>>, vector<1x16xf32>,
        %get3A_616 = vector.shape_cast %get3A_615 : vector<1x16xf32> to vector<16xf32>
        %add3A_617 = arith.addf %add3A_610, %get3A_616 : vector<16xf32>
        %add3A_618 = arith.constant 9 : i32
        %add3A_619 = arith.addi %mul3A_199, %add3A_618 : i32
        %get3A_620 = arith.index_cast %add3A_619 : i32 to index
        %get3A_621 = arith.constant 80 : index
        %get3A_622 = tpu.vector_load %arg14[%get3A_620, %get3A_621] {strides = array<i32>} : memref<80x256xf32, #tpu.memory_space<vmem>>, vector<1x16xf32>,
        %get3A_623 = vector.shape_cast %get3A_622 : vector<1x16xf32> to vector<16xf32>
        %add3A_624 = arith.addf %add3A_617, %get3A_623 : vector<16xf32>
        %swap3A_625 = arith.index_cast %scan3A_197 : i32 to index
        %swap3A_626 = arith.constant 80 : index
        %swap3A_627 = tpu.vector_load %arg16[%swap3A_625, %swap3A_626] {strides = array<i32>} : memref<8x256xf32, #tpu.memory_space<vmem>>, vector<1x16xf32>,
        %swap3A_628 = vector.shape_cast %swap3A_627 : vector<1x16xf32> to vector<16xf32>
        %swap3A_629 = vector.shape_cast %add3A_624 : vector<16xf32> to vector<1x16xf32>
        tpu.vector_store %arg16[%swap3A_625, %swap3A_626], %swap3A_629 {strides = array<i32>} : memref<8x256xf32, #tpu.memory_space<vmem>>, vector<1x16xf32>,
        %get3A_630 = arith.index_cast %mul3A_199 : i32 to index
        %get3A_631 = arith.constant 96 : index
        %get3A_632 = tpu.vector_load %arg14[%get3A_630, %get3A_631] {strides = array<i32>} : memref<80x256xf32, #tpu.memory_space<vmem>>, vector<1x16xf32>,
        %get3A_633 = vector.shape_cast %get3A_632 : vector<1x16xf32> to vector<16xf32>
        %add3A_634 = arith.constant 1 : i32
        %add3A_635 = arith.addi %mul3A_199, %add3A_634 : i32
        %get3A_636 = arith.index_cast %add3A_635 : i32 to index
        %get3A_637 = arith.constant 96 : index
        %get3A_638 = tpu.vector_load %arg14[%get3A_636, %get3A_637] {strides = array<i32>} : memref<80x256xf32, #tpu.memory_space<vmem>>, vector<1x16xf32>,
        %get3A_639 = vector.shape_cast %get3A_638 : vector<1x16xf32> to vector<16xf32>
        %add3A_640 = arith.addf %get3A_633, %get3A_639 : vector<16xf32>
        %add3A_641 = arith.constant 2 : i32
        %add3A_642 = arith.addi %mul3A_199, %add3A_641 : i32
        %get3A_643 = arith.index_cast %add3A_642 : i32 to index
        %get3A_644 = arith.constant 96 : index
        %get3A_645 = tpu.vector_load %arg14[%get3A_643, %get3A_644] {strides = array<i32>} : memref<80x256xf32, #tpu.memory_space<vmem>>, vector<1x16xf32>,
        %get3A_646 = vector.shape_cast %get3A_645 : vector<1x16xf32> to vector<16xf32>
        %add3A_647 = arith.addf %add3A_640, %get3A_646 : vector<16xf32>
        %add3A_648 = arith.constant 3 : i32
        %add3A_649 = arith.addi %mul3A_199, %add3A_648 : i32
        %get3A_650 = arith.index_cast %add3A_649 : i32 to index
        %get3A_651 = arith.constant 96 : index
        %get3A_652 = tpu.vector_load %arg14[%get3A_650, %get3A_651] {strides = array<i32>} : memref<80x256xf32, #tpu.memory_space<vmem>>, vector<1x16xf32>,
        %get3A_653 = vector.shape_cast %get3A_652 : vector<1x16xf32> to vector<16xf32>
        %add3A_654 = arith.addf %add3A_647, %get3A_653 : vector<16xf32>
        %add3A_655 = arith.constant 4 : i32
        %add3A_656 = arith.addi %mul3A_199, %add3A_655 : i32
        %get3A_657 = arith.index_cast %add3A_656 : i32 to index
        %get3A_658 = arith.constant 96 : index
        %get3A_659 = tpu.vector_load %arg14[%get3A_657, %get3A_658] {strides = array<i32>} : memref<80x256xf32, #tpu.memory_space<vmem>>, vector<1x16xf32>,
        %get3A_660 = vector.shape_cast %get3A_659 : vector<1x16xf32> to vector<16xf32>
        %add3A_661 = arith.addf %add3A_654, %get3A_660 : vector<16xf32>
        %add3A_662 = arith.constant 5 : i32
        %add3A_663 = arith.addi %mul3A_199, %add3A_662 : i32
        %get3A_664 = arith.index_cast %add3A_663 : i32 to index
        %get3A_665 = arith.constant 96 : index
        %get3A_666 = tpu.vector_load %arg14[%get3A_664, %get3A_665] {strides = array<i32>} : memref<80x256xf32, #tpu.memory_space<vmem>>, vector<1x16xf32>,
        %get3A_667 = vector.shape_cast %get3A_666 : vector<1x16xf32> to vector<16xf32>
        %add3A_668 = arith.addf %add3A_661, %get3A_667 : vector<16xf32>
        %add3A_669 = arith.constant 6 : i32
        %add3A_670 = arith.addi %mul3A_199, %add3A_669 : i32
        %get3A_671 = arith.index_cast %add3A_670 : i32 to index
        %get3A_672 = arith.constant 96 : index
        %get3A_673 = tpu.vector_load %arg14[%get3A_671, %get3A_672] {strides = array<i32>} : memref<80x256xf32, #tpu.memory_space<vmem>>, vector<1x16xf32>,
        %get3A_674 = vector.shape_cast %get3A_673 : vector<1x16xf32> to vector<16xf32>
        %add3A_675 = arith.addf %add3A_668, %get3A_674 : vector<16xf32>
        %add3A_676 = arith.constant 7 : i32
        %add3A_677 = arith.addi %mul3A_199, %add3A_676 : i32
        %get3A_678 = arith.index_cast %add3A_677 : i32 to index
        %get3A_679 = arith.constant 96 : index
        %get3A_680 = tpu.vector_load %arg14[%get3A_678, %get3A_679] {strides = array<i32>} : memref<80x256xf32, #tpu.memory_space<vmem>>, vector<1x16xf32>,
        %get3A_681 = vector.shape_cast %get3A_680 : vector<1x16xf32> to vector<16xf32>
        %add3A_682 = arith.addf %add3A_675, %get3A_681 : vector<16xf32>
        %add3A_683 = arith.constant 8 : i32
        %add3A_684 = arith.addi %mul3A_199, %add3A_683 : i32
        %get3A_685 = arith.index_cast %add3A_684 : i32 to index
        %get3A_686 = arith.constant 96 : index
        %get3A_687 = tpu.vector_load %arg14[%get3A_685, %get3A_686] {strides = array<i32>} : memref<80x256xf32, #tpu.memory_space<vmem>>, vector<1x16xf32>,
        %get3A_688 = vector.shape_cast %get3A_687 : vector<1x16xf32> to vector<16xf32>
        %add3A_689 = arith.addf %add3A_682, %get3A_688 : vector<16xf32>
        %add3A_690 = arith.constant 9 : i32
        %add3A_691 = arith.addi %mul3A_199, %add3A_690 : i32
        %get3A_692 = arith.index_cast %add3A_691 : i32 to index
        %get3A_693 = arith.constant 96 : index
        %get3A_694 = tpu.vector_load %arg14[%get3A_692, %get3A_693] {strides = array<i32>} : memref<80x256xf32, #tpu.memory_space<vmem>>, vector<1x16xf32>,
        %get3A_695 = vector.shape_cast %get3A_694 : vector<1x16xf32> to vector<16xf32>
        %add3A_696 = arith.addf %add3A_689, %get3A_695 : vector<16xf32>
        %swap3A_697 = arith.index_cast %scan3A_197 : i32 to index
        %swap3A_698 = arith.constant 96 : index
        %swap3A_699 = tpu.vector_load %arg16[%swap3A_697, %swap3A_698] {strides = array<i32>} : memref<8x256xf32, #tpu.memory_space<vmem>>, vector<1x16xf32>,
        %swap3A_700 = vector.shape_cast %swap3A_699 : vector<1x16xf32> to vector<16xf32>
        %swap3A_701 = vector.shape_cast %add3A_696 : vector<16xf32> to vector<1x16xf32>
        tpu.vector_store %arg16[%swap3A_697, %swap3A_698], %swap3A_701 {strides = array<i32>} : memref<8x256xf32, #tpu.memory_space<vmem>>, vector<1x16xf32>,
        %get3A_702 = arith.index_cast %mul3A_199 : i32 to index
        %get3A_703 = arith.constant 112 : index
        %get3A_704 = tpu.vector_load %arg14[%get3A_702, %get3A_703] {strides = array<i32>} : memref<80x256xf32, #tpu.memory_space<vmem>>, vector<1x16xf32>,
        %get3A_705 = vector.shape_cast %get3A_704 : vector<1x16xf32> to vector<16xf32>
        %add3A_706 = arith.constant 1 : i32
        %add3A_707 = arith.addi %mul3A_199, %add3A_706 : i32
        %get3A_708 = arith.index_cast %add3A_707 : i32 to index
        %get3A_709 = arith.constant 112 : index
        %get3A_710 = tpu.vector_load %arg14[%get3A_708, %get3A_709] {strides = array<i32>} : memref<80x256xf32, #tpu.memory_space<vmem>>, vector<1x16xf32>,
        %get3A_711 = vector.shape_cast %get3A_710 : vector<1x16xf32> to vector<16xf32>
        %add3A_712 = arith.addf %get3A_705, %get3A_711 : vector<16xf32>
        %add3A_713 = arith.constant 2 : i32
        %add3A_714 = arith.addi %mul3A_199, %add3A_713 : i32
        %get3A_715 = arith.index_cast %add3A_714 : i32 to index
        %get3A_716 = arith.constant 112 : index
        %get3A_717 = tpu.vector_load %arg14[%get3A_715, %get3A_716] {strides = array<i32>} : memref<80x256xf32, #tpu.memory_space<vmem>>, vector<1x16xf32>,
        %get3A_718 = vector.shape_cast %get3A_717 : vector<1x16xf32> to vector<16xf32>
        %add3A_719 = arith.addf %add3A_712, %get3A_718 : vector<16xf32>
        %add3A_720 = arith.constant 3 : i32
        %add3A_721 = arith.addi %mul3A_199, %add3A_720 : i32
        %get3A_722 = arith.index_cast %add3A_721 : i32 to index
        %get3A_723 = arith.constant 112 : index
        %get3A_724 = tpu.vector_load %arg14[%get3A_722, %get3A_723] {strides = array<i32>} : memref<80x256xf32, #tpu.memory_space<vmem>>, vector<1x16xf32>,
        %get3A_725 = vector.shape_cast %get3A_724 : vector<1x16xf32> to vector<16xf32>
        %add3A_726 = arith.addf %add3A_719, %get3A_725 : vector<16xf32>
        %add3A_727 = arith.constant 4 : i32
        %add3A_728 = arith.addi %mul3A_199, %add3A_727 : i32
        %get3A_729 = arith.index_cast %add3A_728 : i32 to index
        %get3A_730 = arith.constant 112 : index
        %get3A_731 = tpu.vector_load %arg14[%get3A_729, %get3A_730] {strides = array<i32>} : memref<80x256xf32, #tpu.memory_space<vmem>>, vector<1x16xf32>,
        %get3A_732 = vector.shape_cast %get3A_731 : vector<1x16xf32> to vector<16xf32>
        %add3A_733 = arith.addf %add3A_726, %get3A_732 : vector<16xf32>
        %add3A_734 = arith.constant 5 : i32
        %add3A_735 = arith.addi %mul3A_199, %add3A_734 : i32
        %get3A_736 = arith.index_cast %add3A_735 : i32 to index
        %get3A_737 = arith.constant 112 : index
        %get3A_738 = tpu.vector_load %arg14[%get3A_736, %get3A_737] {strides = array<i32>} : memref<80x256xf32, #tpu.memory_space<vmem>>, vector<1x16xf32>,
        %get3A_739 = vector.shape_cast %get3A_738 : vector<1x16xf32> to vector<16xf32>
        %add3A_740 = arith.addf %add3A_733, %get3A_739 : vector<16xf32>
        %add3A_741 = arith.constant 6 : i32
        %add3A_742 = arith.addi %mul3A_199, %add3A_741 : i32
        %get3A_743 = arith.index_cast %add3A_742 : i32 to index
        %get3A_744 = arith.constant 112 : index
        %get3A_745 = tpu.vector_load %arg14[%get3A_743, %get3A_744] {strides = array<i32>} : memref<80x256xf32, #tpu.memory_space<vmem>>, vector<1x16xf32>,
        %get3A_746 = vector.shape_cast %get3A_745 : vector<1x16xf32> to vector<16xf32>
        %add3A_747 = arith.addf %add3A_740, %get3A_746 : vector<16xf32>
        %add3A_748 = arith.constant 7 : i32
        %add3A_749 = arith.addi %mul3A_199, %add3A_748 : i32
        %get3A_750 = arith.index_cast %add3A_749 : i32 to index
        %get3A_751 = arith.constant 112 : index
        %get3A_752 = tpu.vector_load %arg14[%get3A_750, %get3A_751] {strides = array<i32>} : memref<80x256xf32, #tpu.memory_space<vmem>>, vector<1x16xf32>,
        %get3A_753 = vector.shape_cast %get3A_752 : vector<1x16xf32> to vector<16xf32>
        %add3A_754 = arith.addf %add3A_747, %get3A_753 : vector<16xf32>
        %add3A_755 = arith.constant 8 : i32
        %add3A_756 = arith.addi %mul3A_199, %add3A_755 : i32
        %get3A_757 = arith.index_cast %add3A_756 : i32 to index
        %get3A_758 = arith.constant 112 : index
        %get3A_759 = tpu.vector_load %arg14[%get3A_757, %get3A_758] {strides = array<i32>} : memref<80x256xf32, #tpu.memory_space<vmem>>, vector<1x16xf32>,
        %get3A_760 = vector.shape_cast %get3A_759 : vector<1x16xf32> to vector<16xf32>
        %add3A_761 = arith.addf %add3A_754, %get3A_760 : vector<16xf32>
        %add3A_762 = arith.constant 9 : i32
        %add3A_763 = arith.addi %mul3A_199, %add3A_762 : i32
        %get3A_764 = arith.index_cast %add3A_763 : i32 to index
        %get3A_765 = arith.constant 112 : index
        %get3A_766 = tpu.vector_load %arg14[%get3A_764, %get3A_765] {strides = array<i32>} : memref<80x256xf32, #tpu.memory_space<vmem>>, vector<1x16xf32>,
        %get3A_767 = vector.shape_cast %get3A_766 : vector<1x16xf32> to vector<16xf32>
        %add3A_768 = arith.addf %add3A_761, %get3A_767 : vector<16xf32>
        %swap3A_769 = arith.index_cast %scan3A_197 : i32 to index
        %swap3A_770 = arith.constant 112 : index
        %swap3A_771 = tpu.vector_load %arg16[%swap3A_769, %swap3A_770] {strides = array<i32>} : memref<8x256xf32, #tpu.memory_space<vmem>>, vector<1x16xf32>,
        %swap3A_772 = vector.shape_cast %swap3A_771 : vector<1x16xf32> to vector<16xf32>
        %swap3A_773 = vector.shape_cast %add3A_768 : vector<16xf32> to vector<1x16xf32>
        tpu.vector_store %arg16[%swap3A_769, %swap3A_770], %swap3A_773 {strides = array<i32>} : memref<8x256xf32, #tpu.memory_space<vmem>>, vector<1x16xf32>,
        %get3A_774 = arith.index_cast %mul3A_199 : i32 to index
        %get3A_775 = arith.constant 128 : index
        %get3A_776 = tpu.vector_load %arg14[%get3A_774, %get3A_775] {strides = array<i32>} : memref<80x256xf32, #tpu.memory_space<vmem>>, vector<1x16xf32>,
        %get3A_777 = vector.shape_cast %get3A_776 : vector<1x16xf32> to vector<16xf32>
        %add3A_778 = arith.constant 1 : i32
        %add3A_779 = arith.addi %mul3A_199, %add3A_778 : i32
        %get3A_780 = arith.index_cast %add3A_779 : i32 to index
        %get3A_781 = arith.constant 128 : index
        %get3A_782 = tpu.vector_load %arg14[%get3A_780, %get3A_781] {strides = array<i32>} : memref<80x256xf32, #tpu.memory_space<vmem>>, vector<1x16xf32>,
        %get3A_783 = vector.shape_cast %get3A_782 : vector<1x16xf32> to vector<16xf32>
        %add3A_784 = arith.addf %get3A_777, %get3A_783 : vector<16xf32>
        %add3A_785 = arith.constant 2 : i32
        %add3A_786 = arith.addi %mul3A_199, %add3A_785 : i32
        %get3A_787 = arith.index_cast %add3A_786 : i32 to index
        %get3A_788 = arith.constant 128 : index
        %get3A_789 = tpu.vector_load %arg14[%get3A_787, %get3A_788] {strides = array<i32>} : memref<80x256xf32, #tpu.memory_space<vmem>>, vector<1x16xf32>,
        %get3A_790 = vector.shape_cast %get3A_789 : vector<1x16xf32> to vector<16xf32>
        %add3A_791 = arith.addf %add3A_784, %get3A_790 : vector<16xf32>
        %add3A_792 = arith.constant 3 : i32
        %add3A_793 = arith.addi %mul3A_199, %add3A_792 : i32
        %get3A_794 = arith.index_cast %add3A_793 : i32 to index
        %get3A_795 = arith.constant 128 : index
        %get3A_796 = tpu.vector_load %arg14[%get3A_794, %get3A_795] {strides = array<i32>} : memref<80x256xf32, #tpu.memory_space<vmem>>, vector<1x16xf32>,
        %get3A_797 = vector.shape_cast %get3A_796 : vector<1x16xf32> to vector<16xf32>
        %add3A_798 = arith.addf %add3A_791, %get3A_797 : vector<16xf32>
        %add3A_799 = arith.constant 4 : i32
        %add3A_800 = arith.addi %mul3A_199, %add3A_799 : i32
        %get3A_801 = arith.index_cast %add3A_800 : i32 to index
        %get3A_802 = arith.constant 128 : index
        %get3A_803 = tpu.vector_load %arg14[%get3A_801, %get3A_802] {strides = array<i32>} : memref<80x256xf32, #tpu.memory_space<vmem>>, vector<1x16xf32>,
        %get3A_804 = vector.shape_cast %get3A_803 : vector<1x16xf32> to vector<16xf32>
        %add3A_805 = arith.addf %add3A_798, %get3A_804 : vector<16xf32>
        %add3A_806 = arith.constant 5 : i32
        %add3A_807 = arith.addi %mul3A_199, %add3A_806 : i32
        %get3A_808 = arith.index_cast %add3A_807 : i32 to index
        %get3A_809 = arith.constant 128 : index
        %get3A_810 = tpu.vector_load %arg14[%get3A_808, %get3A_809] {strides = array<i32>} : memref<80x256xf32, #tpu.memory_space<vmem>>, vector<1x16xf32>,
        %get3A_811 = vector.shape_cast %get3A_810 : vector<1x16xf32> to vector<16xf32>
        %add3A_812 = arith.addf %add3A_805, %get3A_811 : vector<16xf32>
        %add3A_813 = arith.constant 6 : i32
        %add3A_814 = arith.addi %mul3A_199, %add3A_813 : i32
        %get3A_815 = arith.index_cast %add3A_814 : i32 to index
        %get3A_816 = arith.constant 128 : index
        %get3A_817 = tpu.vector_load %arg14[%get3A_815, %get3A_816] {strides = array<i32>} : memref<80x256xf32, #tpu.memory_space<vmem>>, vector<1x16xf32>,
        %get3A_818 = vector.shape_cast %get3A_817 : vector<1x16xf32> to vector<16xf32>
        %add3A_819 = arith.addf %add3A_812, %get3A_818 : vector<16xf32>
        %add3A_820 = arith.constant 7 : i32
        %add3A_821 = arith.addi %mul3A_199, %add3A_820 : i32
        %get3A_822 = arith.index_cast %add3A_821 : i32 to index
        %get3A_823 = arith.constant 128 : index
        %get3A_824 = tpu.vector_load %arg14[%get3A_822, %get3A_823] {strides = array<i32>} : memref<80x256xf32, #tpu.memory_space<vmem>>, vector<1x16xf32>,
        %get3A_825 = vector.shape_cast %get3A_824 : vector<1x16xf32> to vector<16xf32>
        %add3A_826 = arith.addf %add3A_819, %get3A_825 : vector<16xf32>
        %add3A_827 = arith.constant 8 : i32
        %add3A_828 = arith.addi %mul3A_199, %add3A_827 : i32
        %get3A_829 = arith.index_cast %add3A_828 : i32 to index
        %get3A_830 = arith.constant 128 : index
        %get3A_831 = tpu.vector_load %arg14[%get3A_829, %get3A_830] {strides = array<i32>} : memref<80x256xf32, #tpu.memory_space<vmem>>, vector<1x16xf32>,
        %get3A_832 = vector.shape_cast %get3A_831 : vector<1x16xf32> to vector<16xf32>
        %add3A_833 = arith.addf %add3A_826, %get3A_832 : vector<16xf32>
        %add3A_834 = arith.constant 9 : i32
        %add3A_835 = arith.addi %mul3A_199, %add3A_834 : i32
        %get3A_836 = arith.index_cast %add3A_835 : i32 to index
        %get3A_837 = arith.constant 128 : index
        %get3A_838 = tpu.vector_load %arg14[%get3A_836, %get3A_837] {strides = array<i32>} : memref<80x256xf32, #tpu.memory_space<vmem>>, vector<1x16xf32>,
        %get3A_839 = vector.shape_cast %get3A_838 : vector<1x16xf32> to vector<16xf32>
        %add3A_840 = arith.addf %add3A_833, %get3A_839 : vector<16xf32>
        %swap3A_841 = arith.index_cast %scan3A_197 : i32 to index
        %swap3A_842 = arith.constant 128 : index
        %swap3A_843 = tpu.vector_load %arg16[%swap3A_841, %swap3A_842] {strides = array<i32>} : memref<8x256xf32, #tpu.memory_space<vmem>>, vector<1x16xf32>,
        %swap3A_844 = vector.shape_cast %swap3A_843 : vector<1x16xf32> to vector<16xf32>
        %swap3A_845 = vector.shape_cast %add3A_840 : vector<16xf32> to vector<1x16xf32>
        tpu.vector_store %arg16[%swap3A_841, %swap3A_842], %swap3A_845 {strides = array<i32>} : memref<8x256xf32, #tpu.memory_space<vmem>>, vector<1x16xf32>,
        %get3A_846 = arith.index_cast %mul3A_199 : i32 to index
        %get3A_847 = arith.constant 144 : index
        %get3A_848 = tpu.vector_load %arg14[%get3A_846, %get3A_847] {strides = array<i32>} : memref<80x256xf32, #tpu.memory_space<vmem>>, vector<1x16xf32>,
        %get3A_849 = vector.shape_cast %get3A_848 : vector<1x16xf32> to vector<16xf32>
        %add3A_850 = arith.constant 1 : i32
        %add3A_851 = arith.addi %mul3A_199, %add3A_850 : i32
        %get3A_852 = arith.index_cast %add3A_851 : i32 to index
        %get3A_853 = arith.constant 144 : index
        %get3A_854 = tpu.vector_load %arg14[%get3A_852, %get3A_853] {strides = array<i32>} : memref<80x256xf32, #tpu.memory_space<vmem>>, vector<1x16xf32>,
        %get3A_855 = vector.shape_cast %get3A_854 : vector<1x16xf32> to vector<16xf32>
        %add3A_856 = arith.addf %get3A_849, %get3A_855 : vector<16xf32>
        %add3A_857 = arith.constant 2 : i32
        %add3A_858 = arith.addi %mul3A_199, %add3A_857 : i32
        %get3A_859 = arith.index_cast %add3A_858 : i32 to index
        %get3A_860 = arith.constant 144 : index
        %get3A_861 = tpu.vector_load %arg14[%get3A_859, %get3A_860] {strides = array<i32>} : memref<80x256xf32, #tpu.memory_space<vmem>>, vector<1x16xf32>,
        %get3A_862 = vector.shape_cast %get3A_861 : vector<1x16xf32> to vector<16xf32>
        %add3A_863 = arith.addf %add3A_856, %get3A_862 : vector<16xf32>
        %add3A_864 = arith.constant 3 : i32
        %add3A_865 = arith.addi %mul3A_199, %add3A_864 : i32
        %get3A_866 = arith.index_cast %add3A_865 : i32 to index
        %get3A_867 = arith.constant 144 : index
        %get3A_868 = tpu.vector_load %arg14[%get3A_866, %get3A_867] {strides = array<i32>} : memref<80x256xf32, #tpu.memory_space<vmem>>, vector<1x16xf32>,
        %get3A_869 = vector.shape_cast %get3A_868 : vector<1x16xf32> to vector<16xf32>
        %add3A_870 = arith.addf %add3A_863, %get3A_869 : vector<16xf32>
        %add3A_871 = arith.constant 4 : i32
        %add3A_872 = arith.addi %mul3A_199, %add3A_871 : i32
        %get3A_873 = arith.index_cast %add3A_872 : i32 to index
        %get3A_874 = arith.constant 144 : index
        %get3A_875 = tpu.vector_load %arg14[%get3A_873, %get3A_874] {strides = array<i32>} : memref<80x256xf32, #tpu.memory_space<vmem>>, vector<1x16xf32>,
        %get3A_876 = vector.shape_cast %get3A_875 : vector<1x16xf32> to vector<16xf32>
        %add3A_877 = arith.addf %add3A_870, %get3A_876 : vector<16xf32>
        %add3A_878 = arith.constant 5 : i32
        %add3A_879 = arith.addi %mul3A_199, %add3A_878 : i32
        %get3A_880 = arith.index_cast %add3A_879 : i32 to index
        %get3A_881 = arith.constant 144 : index
        %get3A_882 = tpu.vector_load %arg14[%get3A_880, %get3A_881] {strides = array<i32>} : memref<80x256xf32, #tpu.memory_space<vmem>>, vector<1x16xf32>,
        %get3A_883 = vector.shape_cast %get3A_882 : vector<1x16xf32> to vector<16xf32>
        %add3A_884 = arith.addf %add3A_877, %get3A_883 : vector<16xf32>
        %add3A_885 = arith.constant 6 : i32
        %add3A_886 = arith.addi %mul3A_199, %add3A_885 : i32
        %get3A_887 = arith.index_cast %add3A_886 : i32 to index
        %get3A_888 = arith.constant 144 : index
        %get3A_889 = tpu.vector_load %arg14[%get3A_887, %get3A_888] {strides = array<i32>} : memref<80x256xf32, #tpu.memory_space<vmem>>, vector<1x16xf32>,
        %get3A_890 = vector.shape_cast %get3A_889 : vector<1x16xf32> to vector<16xf32>
        %add3A_891 = arith.addf %add3A_884, %get3A_890 : vector<16xf32>
        %add3A_892 = arith.constant 7 : i32
        %add3A_893 = arith.addi %mul3A_199, %add3A_892 : i32
        %get3A_894 = arith.index_cast %add3A_893 : i32 to index
        %get3A_895 = arith.constant 144 : index
        %get3A_896 = tpu.vector_load %arg14[%get3A_894, %get3A_895] {strides = array<i32>} : memref<80x256xf32, #tpu.memory_space<vmem>>, vector<1x16xf32>,
        %get3A_897 = vector.shape_cast %get3A_896 : vector<1x16xf32> to vector<16xf32>
        %add3A_898 = arith.addf %add3A_891, %get3A_897 : vector<16xf32>
        %add3A_899 = arith.constant 8 : i32
        %add3A_900 = arith.addi %mul3A_199, %add3A_899 : i32
        %get3A_901 = arith.index_cast %add3A_900 : i32 to index
        %get3A_902 = arith.constant 144 : index
        %get3A_903 = tpu.vector_load %arg14[%get3A_901, %get3A_902] {strides = array<i32>} : memref<80x256xf32, #tpu.memory_space<vmem>>, vector<1x16xf32>,
        %get3A_904 = vector.shape_cast %get3A_903 : vector<1x16xf32> to vector<16xf32>
        %add3A_905 = arith.addf %add3A_898, %get3A_904 : vector<16xf32>
        %add3A_906 = arith.constant 9 : i32
        %add3A_907 = arith.addi %mul3A_199, %add3A_906 : i32
        %get3A_908 = arith.index_cast %add3A_907 : i32 to index
        %get3A_909 = arith.constant 144 : index
        %get3A_910 = tpu.vector_load %arg14[%get3A_908, %get3A_909] {strides = array<i32>} : memref<80x256xf32, #tpu.memory_space<vmem>>, vector<1x16xf32>,
        %get3A_911 = vector.shape_cast %get3A_910 : vector<1x16xf32> to vector<16xf32>
        %add3A_912 = arith.addf %add3A_905, %get3A_911 : vector<16xf32>
        %swap3A_913 = arith.index_cast %scan3A_197 : i32 to index
        %swap3A_914 = arith.constant 144 : index
        %swap3A_915 = tpu.vector_load %arg16[%swap3A_913, %swap3A_914] {strides = array<i32>} : memref<8x256xf32, #tpu.memory_space<vmem>>, vector<1x16xf32>,
        %swap3A_916 = vector.shape_cast %swap3A_915 : vector<1x16xf32> to vector<16xf32>
        %swap3A_917 = vector.shape_cast %add3A_912 : vector<16xf32> to vector<1x16xf32>
        tpu.vector_store %arg16[%swap3A_913, %swap3A_914], %swap3A_917 {strides = array<i32>} : memref<8x256xf32, #tpu.memory_space<vmem>>, vector<1x16xf32>,
        %get3A_918 = arith.index_cast %mul3A_199 : i32 to index
        %get3A_919 = arith.constant 160 : index
        %get3A_920 = tpu.vector_load %arg14[%get3A_918, %get3A_919] {strides = array<i32>} : memref<80x256xf32, #tpu.memory_space<vmem>>, vector<1x16xf32>,
        %get3A_921 = vector.shape_cast %get3A_920 : vector<1x16xf32> to vector<16xf32>
        %add3A_922 = arith.constant 1 : i32
        %add3A_923 = arith.addi %mul3A_199, %add3A_922 : i32
        %get3A_924 = arith.index_cast %add3A_923 : i32 to index
        %get3A_925 = arith.constant 160 : index
        %get3A_926 = tpu.vector_load %arg14[%get3A_924, %get3A_925] {strides = array<i32>} : memref<80x256xf32, #tpu.memory_space<vmem>>, vector<1x16xf32>,
        %get3A_927 = vector.shape_cast %get3A_926 : vector<1x16xf32> to vector<16xf32>
        %add3A_928 = arith.addf %get3A_921, %get3A_927 : vector<16xf32>
        %add3A_929 = arith.constant 2 : i32
        %add3A_930 = arith.addi %mul3A_199, %add3A_929 : i32
        %get3A_931 = arith.index_cast %add3A_930 : i32 to index
        %get3A_932 = arith.constant 160 : index
        %get3A_933 = tpu.vector_load %arg14[%get3A_931, %get3A_932] {strides = array<i32>} : memref<80x256xf32, #tpu.memory_space<vmem>>, vector<1x16xf32>,
        %get3A_934 = vector.shape_cast %get3A_933 : vector<1x16xf32> to vector<16xf32>
        %add3A_935 = arith.addf %add3A_928, %get3A_934 : vector<16xf32>
        %add3A_936 = arith.constant 3 : i32
        %add3A_937 = arith.addi %mul3A_199, %add3A_936 : i32
        %get3A_938 = arith.index_cast %add3A_937 : i32 to index
        %get3A_939 = arith.constant 160 : index
        %get3A_940 = tpu.vector_load %arg14[%get3A_938, %get3A_939] {strides = array<i32>} : memref<80x256xf32, #tpu.memory_space<vmem>>, vector<1x16xf32>,
        %get3A_941 = vector.shape_cast %get3A_940 : vector<1x16xf32> to vector<16xf32>
        %add3A_942 = arith.addf %add3A_935, %get3A_941 : vector<16xf32>
        %add3A_943 = arith.constant 4 : i32
        %add3A_944 = arith.addi %mul3A_199, %add3A_943 : i32
        %get3A_945 = arith.index_cast %add3A_944 : i32 to index
        %get3A_946 = arith.constant 160 : index
        %get3A_947 = tpu.vector_load %arg14[%get3A_945, %get3A_946] {strides = array<i32>} : memref<80x256xf32, #tpu.memory_space<vmem>>, vector<1x16xf32>,
        %get3A_948 = vector.shape_cast %get3A_947 : vector<1x16xf32> to vector<16xf32>
        %add3A_949 = arith.addf %add3A_942, %get3A_948 : vector<16xf32>
        %add3A_950 = arith.constant 5 : i32
        %add3A_951 = arith.addi %mul3A_199, %add3A_950 : i32
        %get3A_952 = arith.index_cast %add3A_951 : i32 to index
        %get3A_953 = arith.constant 160 : index
        %get3A_954 = tpu.vector_load %arg14[%get3A_952, %get3A_953] {strides = array<i32>} : memref<80x256xf32, #tpu.memory_space<vmem>>, vector<1x16xf32>,
        %get3A_955 = vector.shape_cast %get3A_954 : vector<1x16xf32> to vector<16xf32>
        %add3A_956 = arith.addf %add3A_949, %get3A_955 : vector<16xf32>
        %add3A_957 = arith.constant 6 : i32
        %add3A_958 = arith.addi %mul3A_199, %add3A_957 : i32
        %get3A_959 = arith.index_cast %add3A_958 : i32 to index
        %get3A_960 = arith.constant 160 : index
        %get3A_961 = tpu.vector_load %arg14[%get3A_959, %get3A_960] {strides = array<i32>} : memref<80x256xf32, #tpu.memory_space<vmem>>, vector<1x16xf32>,
        %get3A_962 = vector.shape_cast %get3A_961 : vector<1x16xf32> to vector<16xf32>
        %add3A_963 = arith.addf %add3A_956, %get3A_962 : vector<16xf32>
        %add3A_964 = arith.constant 7 : i32
        %add3A_965 = arith.addi %mul3A_199, %add3A_964 : i32
        %get3A_966 = arith.index_cast %add3A_965 : i32 to index
        %get3A_967 = arith.constant 160 : index
        %get3A_968 = tpu.vector_load %arg14[%get3A_966, %get3A_967] {strides = array<i32>} : memref<80x256xf32, #tpu.memory_space<vmem>>, vector<1x16xf32>,
        %get3A_969 = vector.shape_cast %get3A_968 : vector<1x16xf32> to vector<16xf32>
        %add3A_970 = arith.addf %add3A_963, %get3A_969 : vector<16xf32>
        %add3A_971 = arith.constant 8 : i32
        %add3A_972 = arith.addi %mul3A_199, %add3A_971 : i32
        %get3A_973 = arith.index_cast %add3A_972 : i32 to index
        %get3A_974 = arith.constant 160 : index
        %get3A_975 = tpu.vector_load %arg14[%get3A_973, %get3A_974] {strides = array<i32>} : memref<80x256xf32, #tpu.memory_space<vmem>>, vector<1x16xf32>,
        %get3A_976 = vector.shape_cast %get3A_975 : vector<1x16xf32> to vector<16xf32>
        %add3A_977 = arith.addf %add3A_970, %get3A_976 : vector<16xf32>
        %add3A_978 = arith.constant 9 : i32
        %add3A_979 = arith.addi %mul3A_199, %add3A_978 : i32
        %get3A_980 = arith.index_cast %add3A_979 : i32 to index
        %get3A_981 = arith.constant 160 : index
        %get3A_982 = tpu.vector_load %arg14[%get3A_980, %get3A_981] {strides = array<i32>} : memref<80x256xf32, #tpu.memory_space<vmem>>, vector<1x16xf32>,
        %get3A_983 = vector.shape_cast %get3A_982 : vector<1x16xf32> to vector<16xf32>
        %add3A_984 = arith.addf %add3A_977, %get3A_983 : vector<16xf32>
        %swap3A_985 = arith.index_cast %scan3A_197 : i32 to index
        %swap3A_986 = arith.constant 160 : index
        %swap3A_987 = tpu.vector_load %arg16[%swap3A_985, %swap3A_986] {strides = array<i32>} : memref<8x256xf32, #tpu.memory_space<vmem>>, vector<1x16xf32>,
        %swap3A_988 = vector.shape_cast %swap3A_987 : vector<1x16xf32> to vector<16xf32>
        %swap3A_989 = vector.shape_cast %add3A_984 : vector<16xf32> to vector<1x16xf32>
        tpu.vector_store %arg16[%swap3A_985, %swap3A_986], %swap3A_989 {strides = array<i32>} : memref<8x256xf32, #tpu.memory_space<vmem>>, vector<1x16xf32>,
        %get3A_990 = arith.index_cast %mul3A_199 : i32 to index
        %get3A_991 = arith.constant 176 : index
        %get3A_992 = tpu.vector_load %arg14[%get3A_990, %get3A_991] {strides = array<i32>} : memref<80x256xf32, #tpu.memory_space<vmem>>, vector<1x16xf32>,
        %get3A_993 = vector.shape_cast %get3A_992 : vector<1x16xf32> to vector<16xf32>
        %add3A_994 = arith.constant 1 : i32
        %add3A_995 = arith.addi %mul3A_199, %add3A_994 : i32
        %get3A_996 = arith.index_cast %add3A_995 : i32 to index
        %get3A_997 = arith.constant 176 : index
        %get3A_998 = tpu.vector_load %arg14[%get3A_996, %get3A_997] {strides = array<i32>} : memref<80x256xf32, #tpu.memory_space<vmem>>, vector<1x16xf32>,
        %get3A_999 = vector.shape_cast %get3A_998 : vector<1x16xf32> to vector<16xf32>
        %add3A_1000 = arith.addf %get3A_993, %get3A_999 : vector<16xf32>
        %add3A_1001 = arith.constant 2 : i32
        %add3A_1002 = arith.addi %mul3A_199, %add3A_1001 : i32
        %get3A_1003 = arith.index_cast %add3A_1002 : i32 to index
        %get3A_1004 = arith.constant 176 : index
        %get3A_1005 = tpu.vector_load %arg14[%get3A_1003, %get3A_1004] {strides = array<i32>} : memref<80x256xf32, #tpu.memory_space<vmem>>, vector<1x16xf32>,
        %get3A_1006 = vector.shape_cast %get3A_1005 : vector<1x16xf32> to vector<16xf32>
        %add3A_1007 = arith.addf %add3A_1000, %get3A_1006 : vector<16xf32>
        %add3A_1008 = arith.constant 3 : i32
        %add3A_1009 = arith.addi %mul3A_199, %add3A_1008 : i32
        %get3A_1010 = arith.index_cast %add3A_1009 : i32 to index
        %get3A_1011 = arith.constant 176 : index
        %get3A_1012 = tpu.vector_load %arg14[%get3A_1010, %get3A_1011] {strides = array<i32>} : memref<80x256xf32, #tpu.memory_space<vmem>>, vector<1x16xf32>,
        %get3A_1013 = vector.shape_cast %get3A_1012 : vector<1x16xf32> to vector<16xf32>
        %add3A_1014 = arith.addf %add3A_1007, %get3A_1013 : vector<16xf32>
        %add3A_1015 = arith.constant 4 : i32
        %add3A_1016 = arith.addi %mul3A_199, %add3A_1015 : i32
        %get3A_1017 = arith.index_cast %add3A_1016 : i32 to index
        %get3A_1018 = arith.constant 176 : index
        %get3A_1019 = tpu.vector_load %arg14[%get3A_1017, %get3A_1018] {strides = array<i32>} : memref<80x256xf32, #tpu.memory_space<vmem>>, vector<1x16xf32>,
        %get3A_1020 = vector.shape_cast %get3A_1019 : vector<1x16xf32> to vector<16xf32>
        %add3A_1021 = arith.addf %add3A_1014, %get3A_1020 : vector<16xf32>
        %add3A_1022 = arith.constant 5 : i32
        %add3A_1023 = arith.addi %mul3A_199, %add3A_1022 : i32
        %get3A_1024 = arith.index_cast %add3A_1023 : i32 to index
        %get3A_1025 = arith.constant 176 : index
        %get3A_1026 = tpu.vector_load %arg14[%get3A_1024, %get3A_1025] {strides = array<i32>} : memref<80x256xf32, #tpu.memory_space<vmem>>, vector<1x16xf32>,
        %get3A_1027 = vector.shape_cast %get3A_1026 : vector<1x16xf32> to vector<16xf32>
        %add3A_1028 = arith.addf %add3A_1021, %get3A_1027 : vector<16xf32>
        %add3A_1029 = arith.constant 6 : i32
        %add3A_1030 = arith.addi %mul3A_199, %add3A_1029 : i32
        %get3A_1031 = arith.index_cast %add3A_1030 : i32 to index
        %get3A_1032 = arith.constant 176 : index
        %get3A_1033 = tpu.vector_load %arg14[%get3A_1031, %get3A_1032] {strides = array<i32>} : memref<80x256xf32, #tpu.memory_space<vmem>>, vector<1x16xf32>,
        %get3A_1034 = vector.shape_cast %get3A_1033 : vector<1x16xf32> to vector<16xf32>
        %add3A_1035 = arith.addf %add3A_1028, %get3A_1034 : vector<16xf32>
        %add3A_1036 = arith.constant 7 : i32
        %add3A_1037 = arith.addi %mul3A_199, %add3A_1036 : i32
        %get3A_1038 = arith.index_cast %add3A_1037 : i32 to index
        %get3A_1039 = arith.constant 176 : index
        %get3A_1040 = tpu.vector_load %arg14[%get3A_1038, %get3A_1039] {strides = array<i32>} : memref<80x256xf32, #tpu.memory_space<vmem>>, vector<1x16xf32>,
        %get3A_1041 = vector.shape_cast %get3A_1040 : vector<1x16xf32> to vector<16xf32>
        %add3A_1042 = arith.addf %add3A_1035, %get3A_1041 : vector<16xf32>
        %add3A_1043 = arith.constant 8 : i32
        %add3A_1044 = arith.addi %mul3A_199, %add3A_1043 : i32
        %get3A_1045 = arith.index_cast %add3A_1044 : i32 to index
        %get3A_1046 = arith.constant 176 : index
        %get3A_1047 = tpu.vector_load %arg14[%get3A_1045, %get3A_1046] {strides = array<i32>} : memref<80x256xf32, #tpu.memory_space<vmem>>, vector<1x16xf32>,
        %get3A_1048 = vector.shape_cast %get3A_1047 : vector<1x16xf32> to vector<16xf32>
        %add3A_1049 = arith.addf %add3A_1042, %get3A_1048 : vector<16xf32>
        %add3A_1050 = arith.constant 9 : i32
        %add3A_1051 = arith.addi %mul3A_199, %add3A_1050 : i32
        %get3A_1052 = arith.index_cast %add3A_1051 : i32 to index
        %get3A_1053 = arith.constant 176 : index
        %get3A_1054 = tpu.vector_load %arg14[%get3A_1052, %get3A_1053] {strides = array<i32>} : memref<80x256xf32, #tpu.memory_space<vmem>>, vector<1x16xf32>,
        %get3A_1055 = vector.shape_cast %get3A_1054 : vector<1x16xf32> to vector<16xf32>
        %add3A_1056 = arith.addf %add3A_1049, %get3A_1055 : vector<16xf32>
        %swap3A_1057 = arith.index_cast %scan3A_197 : i32 to index
        %swap3A_1058 = arith.constant 176 : index
        %swap3A_1059 = tpu.vector_load %arg16[%swap3A_1057, %swap3A_1058] {strides = array<i32>} : memref<8x256xf32, #tpu.memory_space<vmem>>, vector<1x16xf32>,
        %swap3A_1060 = vector.shape_cast %swap3A_1059 : vector<1x16xf32> to vector<16xf32>
        %swap3A_1061 = vector.shape_cast %add3A_1056 : vector<16xf32> to vector<1x16xf32>
        tpu.vector_store %arg16[%swap3A_1057, %swap3A_1058], %swap3A_1061 {strides = array<i32>} : memref<8x256xf32, #tpu.memory_space<vmem>>, vector<1x16xf32>,
        %get3A_1062 = arith.index_cast %mul3A_199 : i32 to index
        %get3A_1063 = arith.constant 192 : index
        %get3A_1064 = tpu.vector_load %arg14[%get3A_1062, %get3A_1063] {strides = array<i32>} : memref<80x256xf32, #tpu.memory_space<vmem>>, vector<1x16xf32>,
        %get3A_1065 = vector.shape_cast %get3A_1064 : vector<1x16xf32> to vector<16xf32>
        %add3A_1066 = arith.constant 1 : i32
        %add3A_1067 = arith.addi %mul3A_199, %add3A_1066 : i32
        %get3A_1068 = arith.index_cast %add3A_1067 : i32 to index
        %get3A_1069 = arith.constant 192 : index
        %get3A_1070 = tpu.vector_load %arg14[%get3A_1068, %get3A_1069] {strides = array<i32>} : memref<80x256xf32, #tpu.memory_space<vmem>>, vector<1x16xf32>,
        %get3A_1071 = vector.shape_cast %get3A_1070 : vector<1x16xf32> to vector<16xf32>
        %add3A_1072 = arith.addf %get3A_1065, %get3A_1071 : vector<16xf32>
        %add3A_1073 = arith.constant 2 : i32
        %add3A_1074 = arith.addi %mul3A_199, %add3A_1073 : i32
        %get3A_1075 = arith.index_cast %add3A_1074 : i32 to index
        %get3A_1076 = arith.constant 192 : index
        %get3A_1077 = tpu.vector_load %arg14[%get3A_1075, %get3A_1076] {strides = array<i32>} : memref<80x256xf32, #tpu.memory_space<vmem>>, vector<1x16xf32>,
        %get3A_1078 = vector.shape_cast %get3A_1077 : vector<1x16xf32> to vector<16xf32>
        %add3A_1079 = arith.addf %add3A_1072, %get3A_1078 : vector<16xf32>
        %add3A_1080 = arith.constant 3 : i32
        %add3A_1081 = arith.addi %mul3A_199, %add3A_1080 : i32
        %get3A_1082 = arith.index_cast %add3A_1081 : i32 to index
        %get3A_1083 = arith.constant 192 : index
        %get3A_1084 = tpu.vector_load %arg14[%get3A_1082, %get3A_1083] {strides = array<i32>} : memref<80x256xf32, #tpu.memory_space<vmem>>, vector<1x16xf32>,
        %get3A_1085 = vector.shape_cast %get3A_1084 : vector<1x16xf32> to vector<16xf32>
        %add3A_1086 = arith.addf %add3A_1079, %get3A_1085 : vector<16xf32>
        %add3A_1087 = arith.constant 4 : i32
        %add3A_1088 = arith.addi %mul3A_199, %add3A_1087 : i32
        %get3A_1089 = arith.index_cast %add3A_1088 : i32 to index
        %get3A_1090 = arith.constant 192 : index
        %get3A_1091 = tpu.vector_load %arg14[%get3A_1089, %get3A_1090] {strides = array<i32>} : memref<80x256xf32, #tpu.memory_space<vmem>>, vector<1x16xf32>,
        %get3A_1092 = vector.shape_cast %get3A_1091 : vector<1x16xf32> to vector<16xf32>
        %add3A_1093 = arith.addf %add3A_1086, %get3A_1092 : vector<16xf32>
        %add3A_1094 = arith.constant 5 : i32
        %add3A_1095 = arith.addi %mul3A_199, %add3A_1094 : i32
        %get3A_1096 = arith.index_cast %add3A_1095 : i32 to index
        %get3A_1097 = arith.constant 192 : index
        %get3A_1098 = tpu.vector_load %arg14[%get3A_1096, %get3A_1097] {strides = array<i32>} : memref<80x256xf32, #tpu.memory_space<vmem>>, vector<1x16xf32>,
        %get3A_1099 = vector.shape_cast %get3A_1098 : vector<1x16xf32> to vector<16xf32>
        %add3A_1100 = arith.addf %add3A_1093, %get3A_1099 : vector<16xf32>
        %add3A_1101 = arith.constant 6 : i32
        %add3A_1102 = arith.addi %mul3A_199, %add3A_1101 : i32
        %get3A_1103 = arith.index_cast %add3A_1102 : i32 to index
        %get3A_1104 = arith.constant 192 : index
        %get3A_1105 = tpu.vector_load %arg14[%get3A_1103, %get3A_1104] {strides = array<i32>} : memref<80x256xf32, #tpu.memory_space<vmem>>, vector<1x16xf32>,
        %get3A_1106 = vector.shape_cast %get3A_1105 : vector<1x16xf32> to vector<16xf32>
        %add3A_1107 = arith.addf %add3A_1100, %get3A_1106 : vector<16xf32>
        %add3A_1108 = arith.constant 7 : i32
        %add3A_1109 = arith.addi %mul3A_199, %add3A_1108 : i32
        %get3A_1110 = arith.index_cast %add3A_1109 : i32 to index
        %get3A_1111 = arith.constant 192 : index
        %get3A_1112 = tpu.vector_load %arg14[%get3A_1110, %get3A_1111] {strides = array<i32>} : memref<80x256xf32, #tpu.memory_space<vmem>>, vector<1x16xf32>,
        %get3A_1113 = vector.shape_cast %get3A_1112 : vector<1x16xf32> to vector<16xf32>
        %add3A_1114 = arith.addf %add3A_1107, %get3A_1113 : vector<16xf32>
        %add3A_1115 = arith.constant 8 : i32
        %add3A_1116 = arith.addi %mul3A_199, %add3A_1115 : i32
        %get3A_1117 = arith.index_cast %add3A_1116 : i32 to index
        %get3A_1118 = arith.constant 192 : index
        %get3A_1119 = tpu.vector_load %arg14[%get3A_1117, %get3A_1118] {strides = array<i32>} : memref<80x256xf32, #tpu.memory_space<vmem>>, vector<1x16xf32>,
        %get3A_1120 = vector.shape_cast %get3A_1119 : vector<1x16xf32> to vector<16xf32>
        %add3A_1121 = arith.addf %add3A_1114, %get3A_1120 : vector<16xf32>
        %add3A_1122 = arith.constant 9 : i32
        %add3A_1123 = arith.addi %mul3A_199, %add3A_1122 : i32
        %get3A_1124 = arith.index_cast %add3A_1123 : i32 to index
        %get3A_1125 = arith.constant 192 : index
        %get3A_1126 = tpu.vector_load %arg14[%get3A_1124, %get3A_1125] {strides = array<i32>} : memref<80x256xf32, #tpu.memory_space<vmem>>, vector<1x16xf32>,
        %get3A_1127 = vector.shape_cast %get3A_1126 : vector<1x16xf32> to vector<16xf32>
        %add3A_1128 = arith.addf %add3A_1121, %get3A_1127 : vector<16xf32>
        %swap3A_1129 = arith.index_cast %scan3A_197 : i32 to index
        %swap3A_1130 = arith.constant 192 : index
        %swap3A_1131 = tpu.vector_load %arg16[%swap3A_1129, %swap3A_1130] {strides = array<i32>} : memref<8x256xf32, #tpu.memory_space<vmem>>, vector<1x16xf32>,
        %swap3A_1132 = vector.shape_cast %swap3A_1131 : vector<1x16xf32> to vector<16xf32>
        %swap3A_1133 = vector.shape_cast %add3A_1128 : vector<16xf32> to vector<1x16xf32>
        tpu.vector_store %arg16[%swap3A_1129, %swap3A_1130], %swap3A_1133 {strides = array<i32>} : memref<8x256xf32, #tpu.memory_space<vmem>>, vector<1x16xf32>,
        %get3A_1134 = arith.index_cast %mul3A_199 : i32 to index
        %get3A_1135 = arith.constant 208 : index
        %get3A_1136 = tpu.vector_load %arg14[%get3A_1134, %get3A_1135] {strides = array<i32>} : memref<80x256xf32, #tpu.memory_space<vmem>>, vector<1x16xf32>,
        %get3A_1137 = vector.shape_cast %get3A_1136 : vector<1x16xf32> to vector<16xf32>
        %add3A_1138 = arith.constant 1 : i32
        %add3A_1139 = arith.addi %mul3A_199, %add3A_1138 : i32
        %get3A_1140 = arith.index_cast %add3A_1139 : i32 to index
        %get3A_1141 = arith.constant 208 : index
        %get3A_1142 = tpu.vector_load %arg14[%get3A_1140, %get3A_1141] {strides = array<i32>} : memref<80x256xf32, #tpu.memory_space<vmem>>, vector<1x16xf32>,
        %get3A_1143 = vector.shape_cast %get3A_1142 : vector<1x16xf32> to vector<16xf32>
        %add3A_1144 = arith.addf %get3A_1137, %get3A_1143 : vector<16xf32>
        %add3A_1145 = arith.constant 2 : i32
        %add3A_1146 = arith.addi %mul3A_199, %add3A_1145 : i32
        %get3A_1147 = arith.index_cast %add3A_1146 : i32 to index
        %get3A_1148 = arith.constant 208 : index
        %get3A_1149 = tpu.vector_load %arg14[%get3A_1147, %get3A_1148] {strides = array<i32>} : memref<80x256xf32, #tpu.memory_space<vmem>>, vector<1x16xf32>,
        %get3A_1150 = vector.shape_cast %get3A_1149 : vector<1x16xf32> to vector<16xf32>
        %add3A_1151 = arith.addf %add3A_1144, %get3A_1150 : vector<16xf32>
        %add3A_1152 = arith.constant 3 : i32
        %add3A_1153 = arith.addi %mul3A_199, %add3A_1152 : i32
        %get3A_1154 = arith.index_cast %add3A_1153 : i32 to index
        %get3A_1155 = arith.constant 208 : index
        %get3A_1156 = tpu.vector_load %arg14[%get3A_1154, %get3A_1155] {strides = array<i32>} : memref<80x256xf32, #tpu.memory_space<vmem>>, vector<1x16xf32>,
        %get3A_1157 = vector.shape_cast %get3A_1156 : vector<1x16xf32> to vector<16xf32>
        %add3A_1158 = arith.addf %add3A_1151, %get3A_1157 : vector<16xf32>
        %add3A_1159 = arith.constant 4 : i32
        %add3A_1160 = arith.addi %mul3A_199, %add3A_1159 : i32
        %get3A_1161 = arith.index_cast %add3A_1160 : i32 to index
        %get3A_1162 = arith.constant 208 : index
        %get3A_1163 = tpu.vector_load %arg14[%get3A_1161, %get3A_1162] {strides = array<i32>} : memref<80x256xf32, #tpu.memory_space<vmem>>, vector<1x16xf32>,
        %get3A_1164 = vector.shape_cast %get3A_1163 : vector<1x16xf32> to vector<16xf32>
        %add3A_1165 = arith.addf %add3A_1158, %get3A_1164 : vector<16xf32>
        %add3A_1166 = arith.constant 5 : i32
        %add3A_1167 = arith.addi %mul3A_199, %add3A_1166 : i32
        %get3A_1168 = arith.index_cast %add3A_1167 : i32 to index
        %get3A_1169 = arith.constant 208 : index
        %get3A_1170 = tpu.vector_load %arg14[%get3A_1168, %get3A_1169] {strides = array<i32>} : memref<80x256xf32, #tpu.memory_space<vmem>>, vector<1x16xf32>,
        %get3A_1171 = vector.shape_cast %get3A_1170 : vector<1x16xf32> to vector<16xf32>
        %add3A_1172 = arith.addf %add3A_1165, %get3A_1171 : vector<16xf32>
        %add3A_1173 = arith.constant 6 : i32
        %add3A_1174 = arith.addi %mul3A_199, %add3A_1173 : i32
        %get3A_1175 = arith.index_cast %add3A_1174 : i32 to index
        %get3A_1176 = arith.constant 208 : index
        %get3A_1177 = tpu.vector_load %arg14[%get3A_1175, %get3A_1176] {strides = array<i32>} : memref<80x256xf32, #tpu.memory_space<vmem>>, vector<1x16xf32>,
        %get3A_1178 = vector.shape_cast %get3A_1177 : vector<1x16xf32> to vector<16xf32>
        %add3A_1179 = arith.addf %add3A_1172, %get3A_1178 : vector<16xf32>
        %add3A_1180 = arith.constant 7 : i32
        %add3A_1181 = arith.addi %mul3A_199, %add3A_1180 : i32
        %get3A_1182 = arith.index_cast %add3A_1181 : i32 to index
        %get3A_1183 = arith.constant 208 : index
        %get3A_1184 = tpu.vector_load %arg14[%get3A_1182, %get3A_1183] {strides = array<i32>} : memref<80x256xf32, #tpu.memory_space<vmem>>, vector<1x16xf32>,
        %get3A_1185 = vector.shape_cast %get3A_1184 : vector<1x16xf32> to vector<16xf32>
        %add3A_1186 = arith.addf %add3A_1179, %get3A_1185 : vector<16xf32>
        %add3A_1187 = arith.constant 8 : i32
        %add3A_1188 = arith.addi %mul3A_199, %add3A_1187 : i32
        %get3A_1189 = arith.index_cast %add3A_1188 : i32 to index
        %get3A_1190 = arith.constant 208 : index
        %get3A_1191 = tpu.vector_load %arg14[%get3A_1189, %get3A_1190] {strides = array<i32>} : memref<80x256xf32, #tpu.memory_space<vmem>>, vector<1x16xf32>,
        %get3A_1192 = vector.shape_cast %get3A_1191 : vector<1x16xf32> to vector<16xf32>
        %add3A_1193 = arith.addf %add3A_1186, %get3A_1192 : vector<16xf32>
        %add3A_1194 = arith.constant 9 : i32
        %add3A_1195 = arith.addi %mul3A_199, %add3A_1194 : i32
        %get3A_1196 = arith.index_cast %add3A_1195 : i32 to index
        %get3A_1197 = arith.constant 208 : index
        %get3A_1198 = tpu.vector_load %arg14[%get3A_1196, %get3A_1197] {strides = array<i32>} : memref<80x256xf32, #tpu.memory_space<vmem>>, vector<1x16xf32>,
        %get3A_1199 = vector.shape_cast %get3A_1198 : vector<1x16xf32> to vector<16xf32>
        %add3A_1200 = arith.addf %add3A_1193, %get3A_1199 : vector<16xf32>
        %swap3A_1201 = arith.index_cast %scan3A_197 : i32 to index
        %swap3A_1202 = arith.constant 208 : index
        %swap3A_1203 = tpu.vector_load %arg16[%swap3A_1201, %swap3A_1202] {strides = array<i32>} : memref<8x256xf32, #tpu.memory_space<vmem>>, vector<1x16xf32>,
        %swap3A_1204 = vector.shape_cast %swap3A_1203 : vector<1x16xf32> to vector<16xf32>
        %swap3A_1205 = vector.shape_cast %add3A_1200 : vector<16xf32> to vector<1x16xf32>
        tpu.vector_store %arg16[%swap3A_1201, %swap3A_1202], %swap3A_1205 {strides = array<i32>} : memref<8x256xf32, #tpu.memory_space<vmem>>, vector<1x16xf32>,
        %get3A_1206 = arith.index_cast %mul3A_199 : i32 to index
        %get3A_1207 = arith.constant 224 : index
        %get3A_1208 = tpu.vector_load %arg14[%get3A_1206, %get3A_1207] {strides = array<i32>} : memref<80x256xf32, #tpu.memory_space<vmem>>, vector<1x16xf32>,
        %get3A_1209 = vector.shape_cast %get3A_1208 : vector<1x16xf32> to vector<16xf32>
        %add3A_1210 = arith.constant 1 : i32
        %add3A_1211 = arith.addi %mul3A_199, %add3A_1210 : i32
        %get3A_1212 = arith.index_cast %add3A_1211 : i32 to index
        %get3A_1213 = arith.constant 224 : index
        %get3A_1214 = tpu.vector_load %arg14[%get3A_1212, %get3A_1213] {strides = array<i32>} : memref<80x256xf32, #tpu.memory_space<vmem>>, vector<1x16xf32>,
        %get3A_1215 = vector.shape_cast %get3A_1214 : vector<1x16xf32> to vector<16xf32>
        %add3A_1216 = arith.addf %get3A_1209, %get3A_1215 : vector<16xf32>
        %add3A_1217 = arith.constant 2 : i32
        %add3A_1218 = arith.addi %mul3A_199, %add3A_1217 : i32
        %get3A_1219 = arith.index_cast %add3A_1218 : i32 to index
        %get3A_1220 = arith.constant 224 : index
        %get3A_1221 = tpu.vector_load %arg14[%get3A_1219, %get3A_1220] {strides = array<i32>} : memref<80x256xf32, #tpu.memory_space<vmem>>, vector<1x16xf32>,
        %get3A_1222 = vector.shape_cast %get3A_1221 : vector<1x16xf32> to vector<16xf32>
        %add3A_1223 = arith.addf %add3A_1216, %get3A_1222 : vector<16xf32>
        %add3A_1224 = arith.constant 3 : i32
        %add3A_1225 = arith.addi %mul3A_199, %add3A_1224 : i32
        %get3A_1226 = arith.index_cast %add3A_1225 : i32 to index
        %get3A_1227 = arith.constant 224 : index
        %get3A_1228 = tpu.vector_load %arg14[%get3A_1226, %get3A_1227] {strides = array<i32>} : memref<80x256xf32, #tpu.memory_space<vmem>>, vector<1x16xf32>,
        %get3A_1229 = vector.shape_cast %get3A_1228 : vector<1x16xf32> to vector<16xf32>
        %add3A_1230 = arith.addf %add3A_1223, %get3A_1229 : vector<16xf32>
        %add3A_1231 = arith.constant 4 : i32
        %add3A_1232 = arith.addi %mul3A_199, %add3A_1231 : i32
        %get3A_1233 = arith.index_cast %add3A_1232 : i32 to index
        %get3A_1234 = arith.constant 224 : index
        %get3A_1235 = tpu.vector_load %arg14[%get3A_1233, %get3A_1234] {strides = array<i32>} : memref<80x256xf32, #tpu.memory_space<vmem>>, vector<1x16xf32>,
        %get3A_1236 = vector.shape_cast %get3A_1235 : vector<1x16xf32> to vector<16xf32>
        %add3A_1237 = arith.addf %add3A_1230, %get3A_1236 : vector<16xf32>
        %add3A_1238 = arith.constant 5 : i32
        %add3A_1239 = arith.addi %mul3A_199, %add3A_1238 : i32
        %get3A_1240 = arith.index_cast %add3A_1239 : i32 to index
        %get3A_1241 = arith.constant 224 : index
        %get3A_1242 = tpu.vector_load %arg14[%get3A_1240, %get3A_1241] {strides = array<i32>} : memref<80x256xf32, #tpu.memory_space<vmem>>, vector<1x16xf32>,
        %get3A_1243 = vector.shape_cast %get3A_1242 : vector<1x16xf32> to vector<16xf32>
        %add3A_1244 = arith.addf %add3A_1237, %get3A_1243 : vector<16xf32>
        %add3A_1245 = arith.constant 6 : i32
        %add3A_1246 = arith.addi %mul3A_199, %add3A_1245 : i32
        %get3A_1247 = arith.index_cast %add3A_1246 : i32 to index
        %get3A_1248 = arith.constant 224 : index
        %get3A_1249 = tpu.vector_load %arg14[%get3A_1247, %get3A_1248] {strides = array<i32>} : memref<80x256xf32, #tpu.memory_space<vmem>>, vector<1x16xf32>,
        %get3A_1250 = vector.shape_cast %get3A_1249 : vector<1x16xf32> to vector<16xf32>
        %add3A_1251 = arith.addf %add3A_1244, %get3A_1250 : vector<16xf32>
        %add3A_1252 = arith.constant 7 : i32
        %add3A_1253 = arith.addi %mul3A_199, %add3A_1252 : i32
        %get3A_1254 = arith.index_cast %add3A_1253 : i32 to index
        %get3A_1255 = arith.constant 224 : index
        %get3A_1256 = tpu.vector_load %arg14[%get3A_1254, %get3A_1255] {strides = array<i32>} : memref<80x256xf32, #tpu.memory_space<vmem>>, vector<1x16xf32>,
        %get3A_1257 = vector.shape_cast %get3A_1256 : vector<1x16xf32> to vector<16xf32>
        %add3A_1258 = arith.addf %add3A_1251, %get3A_1257 : vector<16xf32>
        %add3A_1259 = arith.constant 8 : i32
        %add3A_1260 = arith.addi %mul3A_199, %add3A_1259 : i32
        %get3A_1261 = arith.index_cast %add3A_1260 : i32 to index
        %get3A_1262 = arith.constant 224 : index
        %get3A_1263 = tpu.vector_load %arg14[%get3A_1261, %get3A_1262] {strides = array<i32>} : memref<80x256xf32, #tpu.memory_space<vmem>>, vector<1x16xf32>,
        %get3A_1264 = vector.shape_cast %get3A_1263 : vector<1x16xf32> to vector<16xf32>
        %add3A_1265 = arith.addf %add3A_1258, %get3A_1264 : vector<16xf32>
        %add3A_1266 = arith.constant 9 : i32
        %add3A_1267 = arith.addi %mul3A_199, %add3A_1266 : i32
        %get3A_1268 = arith.index_cast %add3A_1267 : i32 to index
        %get3A_1269 = arith.constant 224 : index
        %get3A_1270 = tpu.vector_load %arg14[%get3A_1268, %get3A_1269] {strides = array<i32>} : memref<80x256xf32, #tpu.memory_space<vmem>>, vector<1x16xf32>,
        %get3A_1271 = vector.shape_cast %get3A_1270 : vector<1x16xf32> to vector<16xf32>
        %add3A_1272 = arith.addf %add3A_1265, %get3A_1271 : vector<16xf32>
        %swap3A_1273 = arith.index_cast %scan3A_197 : i32 to index
        %swap3A_1274 = arith.constant 224 : index
        %swap3A_1275 = tpu.vector_load %arg16[%swap3A_1273, %swap3A_1274] {strides = array<i32>} : memref<8x256xf32, #tpu.memory_space<vmem>>, vector<1x16xf32>,
        %swap3A_1276 = vector.shape_cast %swap3A_1275 : vector<1x16xf32> to vector<16xf32>
        %swap3A_1277 = vector.shape_cast %add3A_1272 : vector<16xf32> to vector<1x16xf32>
        tpu.vector_store %arg16[%swap3A_1273, %swap3A_1274], %swap3A_1277 {strides = array<i32>} : memref<8x256xf32, #tpu.memory_space<vmem>>, vector<1x16xf32>,
        %get3A_1278 = arith.index_cast %mul3A_199 : i32 to index
        %get3A_1279 = arith.constant 240 : index
        %get3A_1280 = tpu.vector_load %arg14[%get3A_1278, %get3A_1279] {strides = array<i32>} : memref<80x256xf32, #tpu.memory_space<vmem>>, vector<1x16xf32>,
        %get3A_1281 = vector.shape_cast %get3A_1280 : vector<1x16xf32> to vector<16xf32>
        %add3A_1282 = arith.constant 1 : i32
        %add3A_1283 = arith.addi %mul3A_199, %add3A_1282 : i32
        %get3A_1284 = arith.index_cast %add3A_1283 : i32 to index
        %get3A_1285 = arith.constant 240 : index
        %get3A_1286 = tpu.vector_load %arg14[%get3A_1284, %get3A_1285] {strides = array<i32>} : memref<80x256xf32, #tpu.memory_space<vmem>>, vector<1x16xf32>,
        %get3A_1287 = vector.shape_cast %get3A_1286 : vector<1x16xf32> to vector<16xf32>
        %add3A_1288 = arith.addf %get3A_1281, %get3A_1287 : vector<16xf32>
        %add3A_1289 = arith.constant 2 : i32
        %add3A_1290 = arith.addi %mul3A_199, %add3A_1289 : i32
        %get3A_1291 = arith.index_cast %add3A_1290 : i32 to index
        %get3A_1292 = arith.constant 240 : index
        %get3A_1293 = tpu.vector_load %arg14[%get3A_1291, %get3A_1292] {strides = array<i32>} : memref<80x256xf32, #tpu.memory_space<vmem>>, vector<1x16xf32>,
        %get3A_1294 = vector.shape_cast %get3A_1293 : vector<1x16xf32> to vector<16xf32>
        %add3A_1295 = arith.addf %add3A_1288, %get3A_1294 : vector<16xf32>
        %add3A_1296 = arith.constant 3 : i32
        %add3A_1297 = arith.addi %mul3A_199, %add3A_1296 : i32
        %get3A_1298 = arith.index_cast %add3A_1297 : i32 to index
        %get3A_1299 = arith.constant 240 : index
        %get3A_1300 = tpu.vector_load %arg14[%get3A_1298, %get3A_1299] {strides = array<i32>} : memref<80x256xf32, #tpu.memory_space<vmem>>, vector<1x16xf32>,
        %get3A_1301 = vector.shape_cast %get3A_1300 : vector<1x16xf32> to vector<16xf32>
        %add3A_1302 = arith.addf %add3A_1295, %get3A_1301 : vector<16xf32>
        %add3A_1303 = arith.constant 4 : i32
        %add3A_1304 = arith.addi %mul3A_199, %add3A_1303 : i32
        %get3A_1305 = arith.index_cast %add3A_1304 : i32 to index
        %get3A_1306 = arith.constant 240 : index
        %get3A_1307 = tpu.vector_load %arg14[%get3A_1305, %get3A_1306] {strides = array<i32>} : memref<80x256xf32, #tpu.memory_space<vmem>>, vector<1x16xf32>,
        %get3A_1308 = vector.shape_cast %get3A_1307 : vector<1x16xf32> to vector<16xf32>
        %add3A_1309 = arith.addf %add3A_1302, %get3A_1308 : vector<16xf32>
        %add3A_1310 = arith.constant 5 : i32
        %add3A_1311 = arith.addi %mul3A_199, %add3A_1310 : i32
        %get3A_1312 = arith.index_cast %add3A_1311 : i32 to index
        %get3A_1313 = arith.constant 240 : index
        %get3A_1314 = tpu.vector_load %arg14[%get3A_1312, %get3A_1313] {strides = array<i32>} : memref<80x256xf32, #tpu.memory_space<vmem>>, vector<1x16xf32>,
        %get3A_1315 = vector.shape_cast %get3A_1314 : vector<1x16xf32> to vector<16xf32>
        %add3A_1316 = arith.addf %add3A_1309, %get3A_1315 : vector<16xf32>
        %add3A_1317 = arith.constant 6 : i32
        %add3A_1318 = arith.addi %mul3A_199, %add3A_1317 : i32
        %get3A_1319 = arith.index_cast %add3A_1318 : i32 to index
        %get3A_1320 = arith.constant 240 : index
        %get3A_1321 = tpu.vector_load %arg14[%get3A_1319, %get3A_1320] {strides = array<i32>} : memref<80x256xf32, #tpu.memory_space<vmem>>, vector<1x16xf32>,
        %get3A_1322 = vector.shape_cast %get3A_1321 : vector<1x16xf32> to vector<16xf32>
        %add3A_1323 = arith.addf %add3A_1316, %get3A_1322 : vector<16xf32>
        %add3A_1324 = arith.constant 7 : i32
        %add3A_1325 = arith.addi %mul3A_199, %add3A_1324 : i32
        %get3A_1326 = arith.index_cast %add3A_1325 : i32 to index
        %get3A_1327 = arith.constant 240 : index
        %get3A_1328 = tpu.vector_load %arg14[%get3A_1326, %get3A_1327] {strides = array<i32>} : memref<80x256xf32, #tpu.memory_space<vmem>>, vector<1x16xf32>,
        %get3A_1329 = vector.shape_cast %get3A_1328 : vector<1x16xf32> to vector<16xf32>
        %add3A_1330 = arith.addf %add3A_1323, %get3A_1329 : vector<16xf32>
        %add3A_1331 = arith.constant 8 : i32
        %add3A_1332 = arith.addi %mul3A_199, %add3A_1331 : i32
        %get3A_1333 = arith.index_cast %add3A_1332 : i32 to index
        %get3A_1334 = arith.constant 240 : index
        %get3A_1335 = tpu.vector_load %arg14[%get3A_1333, %get3A_1334] {strides = array<i32>} : memref<80x256xf32, #tpu.memory_space<vmem>>, vector<1x16xf32>,
        %get3A_1336 = vector.shape_cast %get3A_1335 : vector<1x16xf32> to vector<16xf32>
        %add3A_1337 = arith.addf %add3A_1330, %get3A_1336 : vector<16xf32>
        %add3A_1338 = arith.constant 9 : i32
        %add3A_1339 = arith.addi %mul3A_199, %add3A_1338 : i32
        %get3A_1340 = arith.index_cast %add3A_1339 : i32 to index
        %get3A_1341 = arith.constant 240 : index
        %get3A_1342 = tpu.vector_load %arg14[%get3A_1340, %get3A_1341] {strides = array<i32>} : memref<80x256xf32, #tpu.memory_space<vmem>>, vector<1x16xf32>,
        %get3A_1343 = vector.shape_cast %get3A_1342 : vector<1x16xf32> to vector<16xf32>
        %add3A_1344 = arith.addf %add3A_1337, %get3A_1343 : vector<16xf32>
        %swap3A_1345 = arith.index_cast %scan3A_197 : i32 to index
        %swap3A_1346 = arith.constant 240 : index
        %swap3A_1347 = tpu.vector_load %arg16[%swap3A_1345, %swap3A_1346] {strides = array<i32>} : memref<8x256xf32, #tpu.memory_space<vmem>>, vector<1x16xf32>,
        %swap3A_1348 = vector.shape_cast %swap3A_1347 : vector<1x16xf32> to vector<16xf32>
        %swap3A_1349 = vector.shape_cast %add3A_1344 : vector<16xf32> to vector<1x16xf32>
        tpu.vector_store %arg16[%swap3A_1345, %swap3A_1346], %swap3A_1349 {strides = array<i32>} : memref<8x256xf32, #tpu.memory_space<vmem>>, vector<1x16xf32>,
      }
      %scan3A_182 = arith.constant 8 : i32
      %add3A_183 = arith.constant 2 : i32
      %add3A_184 = arith.addi %add3A_165, %add3A_183 : i32
      %lt3A_185 = arith.constant 32 : i32
      %lt3A_186 = arith.cmpi slt, %add3A_184, %lt3A_185 : i32
      %convert_element_type3A_187 = arith.extui %lt3A_186 : i1 to i32
      %cond3A_188 = arith.constant 0 : i32
      %cond3A_189 = arith.cmpi ne, %convert_element_type3A_187, %cond3A_188 : i32
      scf.if %cond3A_189 {
        %add3A_197 = arith.constant 2 : i32
        %add3A_198 = arith.addi %add3A_165, %add3A_197 : i32
        %dma_start3A_199 = arith.constant 0 : i32
        %dma_start3A_200 = tpu.memref_slice %arg10[%add3A_198, %dma_start3A_199] : memref<32x80xi32, #tpu.memory_space<vmem>> -> memref<1x80xi32, #tpu.memory_space<vmem>>
        %dma_start3A_201 = tpu.memref_squeeze %dma_start3A_200 : memref<1x80xi32, #tpu.memory_space<vmem>> -> memref<80xi32, #tpu.memory_space<vmem>>
        %dma_start3A_202 = arith.constant 0 : i32
        %dma_start3A_203 = arith.constant 0 : i32
        %dma_start3A_204 = tpu.memref_slice %arg5[%dma_start3A_202, %dma_start3A_203] : memref<50000x256xf32, #tpu.memory_space<hbm>> -> memref<50000x256xf32, #tpu.memory_space<hbm>>
        tpu.enqueue_indirect_dma source(%dma_start3A_204 : memref<50000x256xf32, #tpu.memory_space<hbm>>) target(%arg14 : memref<80x256xf32, #tpu.memory_space<vmem>>) offsets(%dma_start3A_201 : memref<80xi32, #tpu.memory_space<vmem>>) semaphore(%arg21 : memref<!tpu.dma_semaphore, #tpu.memory_space<semaphore_mem>>)
      } else {
      }
      %mul3A_190 = arith.constant 8 : i32
      %mul3A_191 = arith.muli %add3A_165, %mul3A_190 : i32
      %add3A_192 = arith.addi %mul3A_2, %mul3A_191 : i32
      %dma_start3A_193 = arith.constant 0 : i32
      %dma_start3A_194 = tpu.memref_slice %arg7[%add3A_192, %dma_start3A_193] : memref<8192x256xf32, #tpu.memory_space<hbm>> -> memref<8x256xf32, #tpu.memory_space<hbm>>
      %dma_start3A_195 = arith.constant 0 : i32
      %dma_start3A_196 = tpu.memref_slice %arg7[%add3A_192, %dma_start3A_195] : memref<8192x256xf32, #tpu.memory_space<hbm>> -> memref<8x256xf32, #tpu.memory_space<hbm>>
      tpu.enqueue_dma source(%arg16 : memref<8x256xf32, #tpu.memory_space<vmem>>) target(%dma_start3A_196 : memref<8x256xf32, #tpu.memory_space<hbm>>) target_semaphore(%arg23 : memref<!tpu.dma_semaphore, #tpu.memory_space<semaphore_mem>>)
    }
    %scan3A_119 = arith.constant 16 : i32
    %add3A_120 = arith.constant 240 : i32
    %add3A_121 = arith.addi %mul3A_2, %add3A_120 : i32
    %dma_wait3A_122 = arith.constant 0 : i32
    %dma_wait3A_123 = tpu.memref_slice %arg7[%add3A_121, %dma_wait3A_122] : memref<8192x256xf32, #tpu.memory_space<hbm>> -> memref<8x256xf32, #tpu.memory_space<hbm>>
    %dma_wait3A_124 = arith.constant 0 : i32
    %dma_wait3A_125 = tpu.memref_slice %arg7[%add3A_121, %dma_wait3A_124] : memref<8192x256xf32, #tpu.memory_space<hbm>> -> memref<8x256xf32, #tpu.memory_space<hbm>>
    tpu.wait_dma2 semaphore(%arg22 : memref<!tpu.dma_semaphore, #tpu.memory_space<semaphore_mem>>) src(%arg15 : memref<8x256xf32, #tpu.memory_space<vmem>>) dst(%dma_wait3A_125 : memref<8x256xf32, #tpu.memory_space<hbm>>)
    %add3A_126 = arith.constant 248 : i32
    %add3A_127 = arith.addi %mul3A_2, %add3A_126 : i32
    %dma_wait3A_128 = arith.constant 0 : i32
    %dma_wait3A_129 = tpu.memref_slice %arg7[%add3A_127, %dma_wait3A_128] : memref<8192x256xf32, #tpu.memory_space<hbm>> -> memref<8x256xf32, #tpu.memory_space<hbm>>
    %dma_wait3A_130 = arith.constant 0 : i32
    %dma_wait3A_131 = tpu.memref_slice %arg7[%add3A_127, %dma_wait3A_130] : memref<8192x256xf32, #tpu.memory_space<hbm>> -> memref<8x256xf32, #tpu.memory_space<hbm>>
    tpu.wait_dma2 semaphore(%arg23 : memref<!tpu.dma_semaphore, #tpu.memory_space<semaphore_mem>>) src(%arg16 : memref<8x256xf32, #tpu.memory_space<vmem>>) dst(%dma_wait3A_131 : memref<8x256xf32, #tpu.memory_space<hbm>>)
    return
  }
}

module attributes {stable_mosaic.version = 14 : i64} {
  func.func @_tc_body(%arg0: i32, %arg1: memref<4096x256xf32, #tpu.memory_space<vmem>>, %arg2: memref<4096x256xf32, #tpu.memory_space<vmem>>, %arg3: memref<256x512xf32, #tpu.memory_space<vmem>>, %arg4: memref<256x1xf32, #tpu.memory_space<vmem>>, %arg5: memref<256x1xf32, #tpu.memory_space<vmem>>, %arg6: memref<256x4096xf32, #tpu.memory_space<vmem>>, %arg7: memref<256x8192xf32, #tpu.memory_space<vmem>>, %arg8: memref<256x1xf32, #tpu.memory_space<vmem>>, %arg9: memref<256x1xf32, #tpu.memory_space<vmem>>) attributes {dimension_semantics = [#tpu.dimension_semantics<arbitrary>], iteration_bounds = array<i64: 4>, scalar_prefetch = 0 : i64, scratch_operands = 3 : i64, tpu.core_type = #tpu.core_type<tc>, window_params = [{transform_indices = @transform_0, window_bounds = array<i64: 4096, 256>}, {transform_indices = @transform_1, window_bounds = array<i64: 4096, 256>}, {pipeline_mode = #tpu.pipeline_mode<synchronous>, transform_indices = @transform_2, window_bounds = array<i64: 256, 512>}, {pipeline_mode = #tpu.pipeline_mode<synchronous>, transform_indices = @transform_3, window_bounds = array<i64: 256, 1>}, {pipeline_mode = #tpu.pipeline_mode<synchronous>, transform_indices = @transform_4, window_bounds = array<i64: 256, 1>}, {transform_indices = @transform_5, window_bounds = array<i64: 256, 4096>}]} {
    %lt3A = arith.constant 2 : i32
    %lt3A_0 = arith.cmpi slt, %arg0, %lt3A : i32
    %convert_element_type3A = arith.extui %lt3A_0 : i1 to i32
    %cond3A = arith.constant 0 : i32
    %cond3A_1 = arith.cmpi ne, %convert_element_type3A, %cond3A : i32
    scf.if %cond3A_1 {
      %get3A = arith.constant 0 : index
      %get3A_6 = arith.constant 0 : index
      %get3A_7 = vector.load %arg3[%get3A, %get3A_6] : memref<256x512xf32, #tpu.memory_space<vmem>>, vector<256x256xf32>
      %get3A_8 = arith.constant 0 : index
      %get3A_9 = arith.constant 256 : index
      %get3A_10 = vector.load %arg3[%get3A_8, %get3A_9] : memref<256x512xf32, #tpu.memory_space<vmem>>, vector<256x256xf32>
      %get3A_11 = arith.constant 0 : index
      %get3A_12 = arith.constant 0 : index
      %get3A_13 = vector.load %arg1[%get3A_11, %get3A_12] : memref<4096x256xf32, #tpu.memory_space<vmem>>, vector<4096x256xf32>
      %dot_general3A = arith.constant dense<0.000000e+00> : vector<256x4096xf32>
      %dot_general3A_14 = tpu.matmul %get3A_7, %get3A_13, %dot_general3A {dimension_numbers = #tpu.dot_dimension_numbers<[1], [1], [0], [0], [0, 0, 1, 0], [], []>, transpose_lhs_hint = false} : vector<256x256xf32>, vector<4096x256xf32>, vector<256x4096xf32> -> vector<256x4096xf32>
      %get3A_15 = arith.constant 0 : index
      %get3A_16 = arith.constant 0 : index
      %get3A_17 = vector.load %arg2[%get3A_15, %get3A_16] : memref<4096x256xf32, #tpu.memory_space<vmem>>, vector<4096x256xf32>
      %dot_general3A_18 = arith.constant dense<0.000000e+00> : vector<256x4096xf32>
      %dot_general3A_19 = tpu.matmul %get3A_10, %get3A_17, %dot_general3A_18 {dimension_numbers = #tpu.dot_dimension_numbers<[1], [1], [0], [0], [0, 0, 1, 0], [], []>, transpose_lhs_hint = false} : vector<256x256xf32>, vector<4096x256xf32>, vector<256x4096xf32> -> vector<256x4096xf32>
      %mul3A = arith.constant 1.000000e-01 : f32
      %mul3A_20 = vector.broadcast %mul3A : f32 to vector<256x4096xf32>
      %mul3A_21 = arith.mulf %mul3A_20, %dot_general3A_19 : vector<256x4096xf32>
      %add3A = arith.addf %dot_general3A_14, %mul3A_21 : vector<256x4096xf32>
      %mul3A_22 = arith.constant 4096 : i32
      %mul3A_23 = arith.muli %arg0, %mul3A_22 : i32
      %swap3A = arith.constant 0 : index
      %swap3A_24 = arith.index_cast %mul3A_23 : i32 to index
      %swap3A_25 = vector.load %arg7[%swap3A, %swap3A_24] : memref<256x8192xf32, #tpu.memory_space<vmem>>, vector<256x4096xf32>
      tpu.vector_store %arg7[%swap3A, %swap3A_24], %add3A {strides = array<i32>} : memref<256x8192xf32, #tpu.memory_space<vmem>>, vector<256x4096xf32>,
      %mul3A_26 = arith.constant 4096 : i32
      %mul3A_27 = arith.muli %arg0, %mul3A_26 : i32
      %get3A_28 = arith.constant 0 : index
      %get3A_29 = arith.index_cast %mul3A_27 : i32 to index
      %get3A_30 = vector.load %arg7[%get3A_28, %get3A_29] : memref<256x8192xf32, #tpu.memory_space<vmem>>, vector<256x4096xf32>
      %reduce_sum3A = arith.constant dense<0.000000e+00> : vector<256xf32>
      %reduce_sum3A_31 = vector.multi_reduction <add>, %get3A_30, %reduce_sum3A [1] : vector<256x4096xf32> to vector<256xf32>
      %broadcast_in_dim3A = vector.shape_cast %reduce_sum3A_31 : vector<256xf32> to vector<256x1xf32>
      %mul3A_32 = arith.mulf %get3A_30, %get3A_30 : vector<256x4096xf32>
      %reduce_sum3A_33 = arith.constant dense<0.000000e+00> : vector<256xf32>
      %reduce_sum3A_34 = vector.multi_reduction <add>, %mul3A_32, %reduce_sum3A_33 [1] : vector<256x4096xf32> to vector<256xf32>
      %broadcast_in_dim3A_35 = vector.shape_cast %reduce_sum3A_34 : vector<256xf32> to vector<256x1xf32>
      %eq3A = arith.constant 0 : i32
      %eq3A_36 = arith.cmpi eq, %arg0, %eq3A : i32
      %convert_element_type3A_37 = arith.extui %eq3A_36 : i1 to i32
      %cond3A_38 = arith.constant 0 : i32
      %cond3A_39 = arith.cmpi ne, %convert_element_type3A_37, %cond3A_38 : i32
      scf.if %cond3A_39 {
        %swap3A_44 = arith.constant 0 : index
        %swap3A_45 = arith.constant 0 : index
        %swap3A_46 = vector.load %arg8[%swap3A_44, %swap3A_45] : memref<256x1xf32, #tpu.memory_space<vmem>>, vector<256x1xf32>
        tpu.vector_store %arg8[%swap3A_44, %swap3A_45], %broadcast_in_dim3A {strides = array<i32>} : memref<256x1xf32, #tpu.memory_space<vmem>>, vector<256x1xf32>,
        %swap3A_47 = arith.constant 0 : index
        %swap3A_48 = arith.constant 0 : index
        %swap3A_49 = vector.load %arg9[%swap3A_47, %swap3A_48] : memref<256x1xf32, #tpu.memory_space<vmem>>, vector<256x1xf32>
        tpu.vector_store %arg9[%swap3A_47, %swap3A_48], %broadcast_in_dim3A_35 {strides = array<i32>} : memref<256x1xf32, #tpu.memory_space<vmem>>, vector<256x1xf32>,
      } else {
      }
      %gt3A = arith.constant 0 : i32
      %gt3A_40 = arith.cmpi sgt, %arg0, %gt3A : i32
      %convert_element_type3A_41 = arith.extui %gt3A_40 : i1 to i32
      %cond3A_42 = arith.constant 0 : i32
      %cond3A_43 = arith.cmpi ne, %convert_element_type3A_41, %cond3A_42 : i32
      scf.if %cond3A_43 {
        %get3A_44 = arith.constant 0 : index
        %get3A_45 = arith.constant 0 : index
        %get3A_46 = vector.load %arg8[%get3A_44, %get3A_45] : memref<256x1xf32, #tpu.memory_space<vmem>>, vector<256x1xf32>
        %add3A_47 = arith.addf %get3A_46, %broadcast_in_dim3A : vector<256x1xf32>
        %swap3A_48 = arith.constant 0 : index
        %swap3A_49 = arith.constant 0 : index
        %swap3A_50 = vector.load %arg8[%swap3A_48, %swap3A_49] : memref<256x1xf32, #tpu.memory_space<vmem>>, vector<256x1xf32>
        tpu.vector_store %arg8[%swap3A_48, %swap3A_49], %add3A_47 {strides = array<i32>} : memref<256x1xf32, #tpu.memory_space<vmem>>, vector<256x1xf32>,
        %get3A_51 = arith.constant 0 : index
        %get3A_52 = arith.constant 0 : index
        %get3A_53 = vector.load %arg9[%get3A_51, %get3A_52] : memref<256x1xf32, #tpu.memory_space<vmem>>, vector<256x1xf32>
        %add3A_54 = arith.addf %get3A_53, %broadcast_in_dim3A_35 : vector<256x1xf32>
        %swap3A_55 = arith.constant 0 : index
        %swap3A_56 = arith.constant 0 : index
        %swap3A_57 = vector.load %arg9[%swap3A_55, %swap3A_56] : memref<256x1xf32, #tpu.memory_space<vmem>>, vector<256x1xf32>
        tpu.vector_store %arg9[%swap3A_55, %swap3A_56], %add3A_54 {strides = array<i32>} : memref<256x1xf32, #tpu.memory_space<vmem>>, vector<256x1xf32>,
      } else {
      }
    } else {
    }
    %ge3A = arith.constant 2 : i32
    %ge3A_2 = arith.cmpi sge, %arg0, %ge3A : i32
    %convert_element_type3A_3 = arith.extui %ge3A_2 : i1 to i32
    %cond3A_4 = arith.constant 0 : i32
    %cond3A_5 = arith.cmpi ne, %convert_element_type3A_3, %cond3A_4 : i32
    scf.if %cond3A_5 {
      %sub3A = arith.constant 2 : i32
      %sub3A_6 = arith.subi %arg0, %sub3A : i32
      %get3A = arith.constant 0 : index
      %get3A_7 = arith.constant 0 : index
      %get3A_8 = vector.load %arg8[%get3A, %get3A_7] : memref<256x1xf32, #tpu.memory_space<vmem>>, vector<256x1xf32>
      %mul3A = arith.constant 1.22070313E-4 : f32
      %mul3A_9 = vector.broadcast %mul3A : f32 to vector<256x1xf32>
      %mul3A_10 = arith.mulf %get3A_8, %mul3A_9 : vector<256x1xf32>
      %get3A_11 = arith.constant 0 : index
      %get3A_12 = arith.constant 0 : index
      %get3A_13 = vector.load %arg9[%get3A_11, %get3A_12] : memref<256x1xf32, #tpu.memory_space<vmem>>, vector<256x1xf32>
      %mul3A_14 = arith.constant 1.22070313E-4 : f32
      %mul3A_15 = vector.broadcast %mul3A_14 : f32 to vector<256x1xf32>
      %mul3A_16 = arith.mulf %get3A_13, %mul3A_15 : vector<256x1xf32>
      %mul3A_17 = arith.mulf %mul3A_10, %mul3A_10 : vector<256x1xf32>
      %sub3A_18 = arith.subf %mul3A_16, %mul3A_17 : vector<256x1xf32>
      %add3A = arith.constant 9.99999974E-6 : f32
      %add3A_19 = vector.broadcast %add3A : f32 to vector<256x1xf32>
      %add3A_20 = arith.addf %sub3A_18, %add3A_19 : vector<256x1xf32>
      %rsqrt3A = math.rsqrt %add3A_20 : vector<256x1xf32>
      %mul3A_21 = arith.constant 4096 : i32
      %mul3A_22 = arith.muli %sub3A_6, %mul3A_21 : i32
      %get3A_23 = arith.constant 0 : index
      %get3A_24 = arith.index_cast %mul3A_22 : i32 to index
      %get3A_25 = vector.load %arg7[%get3A_23, %get3A_24] : memref<256x8192xf32, #tpu.memory_space<vmem>>, vector<256x4096xf32>
      %sub3A_26 = vector.broadcast %mul3A_10 : vector<256x1xf32> to vector<256x4096xf32>
      %sub3A_27 = arith.subf %get3A_25, %sub3A_26 : vector<256x4096xf32>
      %mul3A_28 = vector.broadcast %rsqrt3A : vector<256x1xf32> to vector<256x4096xf32>
      %mul3A_29 = arith.mulf %sub3A_27, %mul3A_28 : vector<256x4096xf32>
      %get3A_30 = arith.constant 0 : index
      %get3A_31 = arith.constant 0 : index
      %get3A_32 = vector.load %arg4[%get3A_30, %get3A_31] : memref<256x1xf32, #tpu.memory_space<vmem>>, vector<256x1xf32>
      %mul3A_33 = vector.broadcast %get3A_32 : vector<256x1xf32> to vector<256x4096xf32>
      %mul3A_34 = arith.mulf %mul3A_29, %mul3A_33 : vector<256x4096xf32>
      %get3A_35 = arith.constant 0 : index
      %get3A_36 = arith.constant 0 : index
      %get3A_37 = vector.load %arg5[%get3A_35, %get3A_36] : memref<256x1xf32, #tpu.memory_space<vmem>>, vector<256x1xf32>
      %add3A_38 = vector.broadcast %get3A_37 : vector<256x1xf32> to vector<256x4096xf32>
      %add3A_39 = arith.addf %mul3A_34, %add3A_38 : vector<256x4096xf32>
      %max3A = arith.constant 0.000000e+00 : f32
      %max3A_40 = vector.broadcast %max3A : f32 to vector<256x4096xf32>
      %max3A_41 = arith.maximumf %add3A_39, %max3A_40 : vector<256x4096xf32>
      %swap3A = arith.constant 0 : index
      %swap3A_42 = arith.constant 0 : index
      %swap3A_43 = vector.load %arg6[%swap3A, %swap3A_42] : memref<256x4096xf32, #tpu.memory_space<vmem>>, vector<256x4096xf32>
      tpu.vector_store %arg6[%swap3A, %swap3A_42], %max3A_41 {strides = array<i32>} : memref<256x4096xf32, #tpu.memory_space<vmem>>, vector<256x4096xf32>,
    } else {
    }
    return
  }
  func.func @transform_0(%arg0: i32) -> (i32, i32) {
    %min3A = arith.constant 1 : i32
    %min3A_0 = arith.minsi %arg0, %min3A : i32
    %c0_i32 = arith.constant 0 : i32
    %c0_i32_1 = arith.constant 0 : i32
    return %min3A_0, %c0_i32 : i32, i32
  }
  func.func @transform_1(%arg0: i32) -> (i32, i32) {
    %min3A = arith.constant 1 : i32
    %min3A_0 = arith.minsi %arg0, %min3A : i32
    %c0_i32 = arith.constant 0 : i32
    %c0_i32_1 = arith.constant 0 : i32
    return %min3A_0, %c0_i32 : i32, i32
  }
  func.func @transform_2(%arg0: i32) -> (i32, i32) {
    %c0_i32 = arith.constant 0 : i32
    %c0_i32_0 = arith.constant 0 : i32
    %c0_i32_1 = arith.constant 0 : i32
    return %c0_i32, %c0_i32_0 : i32, i32
  }
  func.func @transform_3(%arg0: i32) -> (i32, i32) {
    %c0_i32 = arith.constant 0 : i32
    %c0_i32_0 = arith.constant 0 : i32
    %c0_i32_1 = arith.constant 0 : i32
    return %c0_i32, %c0_i32_0 : i32, i32
  }
  func.func @transform_4(%arg0: i32) -> (i32, i32) {
    %c0_i32 = arith.constant 0 : i32
    %c0_i32_0 = arith.constant 0 : i32
    %c0_i32_1 = arith.constant 0 : i32
    return %c0_i32, %c0_i32_0 : i32, i32
  }
  func.func @transform_5(%arg0: i32) -> (i32, i32) {
    %sub3A = arith.constant 2 : i32
    %sub3A_0 = arith.subi %arg0, %sub3A : i32
    %max3A = arith.constant 0 : i32
    %max3A_1 = arith.maxsi %sub3A_0, %max3A : i32
    %c0_i32 = arith.constant 0 : i32
    %c0_i32_2 = arith.constant 0 : i32
    return %c0_i32, %max3A_1 : i32, i32
  }
}

</mosaic_0001>

<sc_bundles>
// kernel: kernel.4.cloned.1.call-start
scs
__scs_entry_jumppad:
0x0: {  	(pc) =	sbr.rel $0x88, $3  }
0x1: {  	(tag) =	ssettag $0x0;
	lr =	simm.s32 $0x1  }
0x2: {  	[smem:$0x3F9A] =	sst lr;
	_ =	strace $0xD0000000  }
0x3: {  	_ = 	snop  }
0x4: {  	_ = 	snop  }
0x5: {  	_ = 	snop  }
0x6: {  	_ = 	snop  }
0x7: {  	_ = 	snop  }
__scs_overlays_trampoline_lowered:
0x8: {  	[smem:$0x3FA9] =	sst s0  }
0x9: {  	[smem:$0x3FAA] =	sst s1  }
0xa: {  	[smem:$0x3FAB] =	sst s2  }
0xb: {  	[smem:$0x3FAC] =	sst s3  }
0xc: {  	[smem:$0x3FAD] =	sst s4  }
0xd: {  	[smem:$0x3FAE] =	sst s5  }
0xe: {  	[smem:$0x3FAF] =	sst s6  }
0xf: {  	[smem:$0x3FB0] =	sst s7  }
0x10: {  	[smem:$0x3FB1] =	sst s8  }
0x11: {  	[smem:$0x3FB2] =	sst s9;
	s0 =	simm.s32 @!p0 $0x0  }
0x12: {  	s1 =	sld [smem:$0x3F98];
	s0 =	simm.s32 @p0 $0x1  }
0x13: {  	[smem:$0x3FB3] =	sst s0;
	s0 =	simm.s32 @!p1 $0x0  }
0x14: {  	s2 =	sld [smem:$0x3F97];
	s0 =	simm.s32 @p1 $0x1  }
0x15: {  	[smem:$0x3FB4] =	sst s0;
	s0 =	simm.s32 @!p2 $0x0  }
0x16: {  	s3 =	sld [smem:$0x3FDB];
	s0 =	simm.s32 @p2 $0x1  }
0x17: {  	s4 =	simm.s32 $0x1BF5;
	[smem:$0x3FB6] =	sst s0  }
0x18: {  	s0 =	sld [smem:$0x3F99];
	_ =	swait.ge [sflag:s4], $0x0  }
0x19: {  	s7 =	sld [smem:$0x3F9A]  }
0x1a: {  	s8 =	sadd.s32 $0xFFFFE003, lr  }
0x1b: {  	s9 =	sadd.s32 $0xFFFFFEF7, lr;
	s5 =	simm.s32 $0xFFFFFFFF;
	p2 =	slt.u32 s8, $0xFFFFF086  }
0x1c: {  	p1 =	slt.u32 s9, $0xF7A;
	s5 =	simm.s32 @!p2 $0x0  }
0x1d: {  	s5 =	simm.s32 @p1 $0x1;
	p0 =	seq.s32 s7, s2  }
0x1e: {  	s7 =	smul.u32 @!p0 $0xF7A, s2;
	p2 =	seq.s32 @!p0 s5, $0x0  }
0x1f: {  	s9 =	smul.u32 $0xF7A, s1;
	s8 =	simm.s32 @!p0 $0x1BF5;
	p2 =	por !p2, p0  }
0x20: {  	[sflag:s8] =	ssyncset.s32 @!p0 $0xFFFFF086;
	s6 =	sadd.s32 @!p0 s3, s7;
	s7 =	simm.s32 @!p0 $0x108  }
0x21: {  	s3 =	sadd.s32 s3, s9;
	s6 =	sadd.s32 @!p0 $0x88, s6;
	s7 =	simm.s32 @p2 $0x1082  }
0x22: {  	[simem:s7], [sflag:s8] =	dma.local @!p0 [hbm:s6], $0xF7A  }
0x23: {  	s9 =	sor.u32 $0xD0000000, s2;
	s6 =	simm.s32 $0x108;
	_ =	swait.ge @!p0 [sflag:s8], $0x0  }
0x24: {  	s3 =	sadd.s32 $0x88, s3;
	s6 =	simm.s32 @!p1 $0x1082;
	[sflag:s4] =	ssyncset.s32 $0xFFFFF086  }
0x25: {  	[simem:s6], [sflag:s4] =	dma.local [hbm:s3], $0xF7A  }
0x26: {  	[smem:$0x3F9A] =	sst s1;
	(tag) =	ssettag s2;
	_ =	strace s9  }
0x27: {  	s1 =	sld [smem:$0x3FAA]  }
0x28: {  	s2 =	sld [smem:$0x3FAB]  }
0x29: {  	s4 =	sld [smem:$0x3FAD]  }
0x2a: {  	p0 =	seq.s32 s5, $0x0;
	s5 =	sld [smem:$0x3FAE]  }
0x2b: {  	s6 =	sld [smem:$0x3FAF]  }
0x2c: {  	s7 =	sld [smem:$0x3FB0]  }
0x2d: {  	s3 =	simm.s32 $0x108;
	s8 =	sld [smem:$0x3FB1]  }
0x2e: {  	s3 =	simm.s32 @!p0 $0x1082;
	s9 =	sld [smem:$0x3FB2]  }
0x2f: {  	lr =	sadd.s32 s0, s3;
	s0 =	sld [smem:$0x3FA9]  }
0x30: {  	s3 =	sld [smem:$0x3FAC]  }
0x31: {  	[smem:$0x3FB5] =	sst s10  }
0x32: {  	s10 =	sld [smem:$0x3FB3];
	_ =	sdelay $0x3  }
0x33: {  	p0 =	seq.s32 s10, $0x1;
	s10 =	sld [smem:$0x3FB5];
	_ =	sdelay $0x3  }
0x34: {  	[smem:$0x3FB5] =	sst s10  }
0x35: {  	s10 =	sld [smem:$0x3FB4];
	_ =	sdelay $0x3  }
0x36: {  	p1 =	seq.s32 s10, $0x1;
	s10 =	sld [smem:$0x3FB5];
	_ =	sdelay $0x3  }
0x37: {  	[smem:$0x3FB5] =	sst s10  }
0x38: {  	s10 =	sld [smem:$0x3FB6]  }
0x39: {  	_ = 	snop;
	(pc) =	sbr.ind lr, $3  }
0x3a: {  	_ = 	snop  }
0x3b: {  	_ = 	snop  }
0x3c: {  	p2 =	seq.s32 s10, $0x1;
	s10 =	sld [smem:$0x3FB5]  }
0x3d: {  	_ =	shalt  }
0x3e: {  	_ =	shalt  }
0x3f: {  	_ =	shalt  }
0x40: {  	_ =	shalt  }
0x41: {  	_ =	shalt  }
0x42: {  	_ =	shalt  }
0x43: {  	_ =	shalt  }
0x44: {  	_ =	shalt  }
0x45: {  	_ =	shalt  }
0x46: {  	_ =	shalt  }
0x47: {  	_ =	shalt  }
0x48: {  	_ =	shalt  }
0x49: {  	_ =	shalt  }
0x4a: {  	_ =	shalt  }
0x4b: {  	_ =	shalt  }
0x4c: {  	_ =	shalt  }
0x4d: {  	_ =	shalt  }
0x4e: {  	_ =	shalt  }
0x4f: {  	_ =	shalt  }
0x50: {  	_ =	shalt  }
0x51: {  	_ =	shalt  }
0x52: {  	_ =	shalt  }
0x53: {  	_ =	shalt  }
0x54: {  	_ =	shalt  }
0x55: {  	_ =	shalt  }
0x56: {  	_ =	shalt  }
0x57: {  	_ =	shalt  }
0x58: {  	_ =	shalt  }
0x59: {  	_ =	shalt  }
0x5a: {  	_ =	shalt  }
0x5b: {  	_ =	shalt  }
0x5c: {  	_ =	shalt  }
0x5d: {  	_ =	shalt  }
0x5e: {  	_ =	shalt  }
0x5f: {  	_ =	shalt  }
0x60: {  	_ =	shalt  }
0x61: {  	_ =	shalt  }
0x62: {  	_ =	shalt  }
0x63: {  	_ =	shalt  }
0x64: {  	_ =	shalt  }
0x65: {  	_ =	shalt  }
0x66: {  	_ =	shalt  }
0x67: {  	_ =	shalt  }
0x68: {  	_ =	shalt  }
0x69: {  	_ =	shalt  }
0x6a: {  	_ =	shalt  }
0x6b: {  	_ =	shalt  }
0x6c: {  	_ =	shalt  }
0x6d: {  	_ =	shalt  }
0x6e: {  	_ =	shalt  }
0x6f: {  	_ =	shalt  }
0x70: {  	_ =	shalt  }
0x71: {  	_ =	shalt  }
0x72: {  	_ =	shalt  }
0x73: {  	_ =	shalt  }
0x74: {  	_ =	shalt  }
0x75: {  	_ =	shalt  }
0x76: {  	_ =	shalt  }
0x77: {  	_ =	shalt  }
0x78: {  	_ =	shalt  }
0x79: {  	_ =	shalt  }
0x7a: {  	_ =	shalt  }
0x7b: {  	_ =	shalt  }
0x7c: {  	_ =	shalt  }
0x7d: {  	_ =	shalt  }
0x7e: {  	_ =	shalt  }
0x7f: {  	_ =	shalt  }
0x80: {  	_ =	shalt  }
0x81: {  	_ =	shalt  }
0x82: {  	_ =	shalt  }
0x83: {  	_ =	shalt  }
0x84: {  	_ =	shalt  }
0x85: {  	_ =	shalt  }
0x86: {  	_ =	shalt  }
0x87: {  	_ =	shalt  }
.Lfunc_end0:
.L_simem_size_0:
called_computation_lowered:
.L_overlay_start_0:
0x88: {  	s2 =	sld [smem:$0x3FD9]  }
0x89: {  	s3 =	sld [smem:$0x3FFE];
	_ =	sdelay $0x1  }
0x8a: {  	s1 =	srdreg.scid  }
0x8b: {  	s0 =	sand.u32 $0x1, s1  }
0x8c: {  	s17 =	sshll.u32 s0, $0xA;
	s2 =	sadd.s32 s3, s2  }
0x8d: {  	s2 =	sadd.s32 s2, s17  }
0x8e: {  	[smem:$0x3FC1] =	sst s2  }
0x8f: {  	_ = 	snop  }
0x90: {  	s2 =	sld [smem:$0x3FC9]  }
0x91: {  	s18 =	sld [smem:$0x3FC8]  }
0x92: {  	s4 =	sld [smem:$0x3FC6]  }
0x93: {  	s5 =	sld [smem:$0x3FD0];
	(tm) =	ssettm $0x1  }
0x94: {  	s6 =	sld [smem:$0x3FFB];
	_ =	sdelay $0x3  }
0x95: {  	_ =	strace s6  }
0x96: {  	s6 =	sld [smem:$0x3FFC];
	_ =	sdelay $0x3  }
0x97: {  	_ =	strace s6  }
0x98: {  	s6 =	sld [smem:$0x3FFD];
	_ =	sdelay $0x3  }
0x99: {  	_ =	strace s6  }
0x9a: {  	_ =	strace $0x8FFFFFFF  }
0x9b: {  	s19 =	sld [smem:$0x3FDB];
	_ =	sdelay $0x1  }
0x9c: {  	s7 =	simm.s32 $_scs_section_size  }
0x9d: {  	s8 =	simm.s32 $_size__tile_overlayer_lowered;
	s9 =	simm.s32 $_tile_overlayer_lowered  }
0x9e: {  	s22 =	simm.s32 $0x1BFF;
	s21 =	sshll.u32 s9, $0x1;
	s6 =	sadd.s32 s7, s19  }
0x9f: {  	s10 =	simm.s32 $0x0;
	s20 =	sshll.u32 s8, $0x1;
	s8 =	sadd.s32 s21, s6  }
0xa0: {  	[timem:s10], [sflag:s22] =	dma.local [hbm:s8], s20  }
0xa1: {  	_ =	swait.ge [sflag:s22], s20  }
0xa2: {  	s7 =	ssub.s32 $0x0, s20;
	[sflag:s22] =	ssyncset.done $0x0  }
0xa3: {  	[sflag:s22] =	ssyncadd.s32 s7;
	_ =	sdelay $0x1  }
0xa4: {  	s23 =	simm.s32 $0x1B8B  }
0xa5: {  	_ =	swait.ge [sflag:s23], $0x1  }
0xa6: {  	[sflag:s23] =	ssyncset.done $0x0  }
0xa7: {  	s25 =	simm.s32 $0x1B8E;
	s24 =	sld [smem:$0x3FFE];
	[sflag:s23] =	ssyncadd.s32 $0xFFFFFFFF  }
0xa8: {  	s26 =	simm.s32 $execute0_lowered;
	[smem:$0x3FD2] =	sst s25  }
0xa9: {  	s8 =	sshll.u32 s26, $0x1;
	_ =	strace $0x80000046;
	[dreg:$0x1] =	wrdreg $0xFFFFFFFF  }
0xaa: {  	s28 =	simm.s32 $_size_execute0_lowered;
	s6 =	sadd.s32 s6, s8;
	[dreg:$0x0] =	wrdreg $0x0  }
0xab: {  	s8 =	sshll.u32 s28, $0x1;
	[dreg:$0x2] =	wrdreg s6  }
0xac: {  	[dreg:$0x3] =	wrdreg s8  }
0xad: {  	[dreg:$0x4] =	wrdreg $0xC0  }
0xae: {  	_ =	task [dreg:s10], $0x5FFFF  }
0xaf: {  	[dreg:$0x1] =	wrdreg $0xFFFFFFFF  }
0xb0: {  	[dreg:$0x0] =	wrdreg $0x60  }
0xb1: {  	[dreg:$0x2] =	wrdreg s2  }
0xb2: {  	[dreg:$0x3] =	wrdreg s18  }
0xb3: {  	[dreg:$0x4] =	wrdreg s24  }
0xb4: {  	[dreg:$0x5] =	wrdreg s4  }
0xb5: {  	[dreg:$0x6] =	wrdreg s5  }
0xb6: {  	[dreg:$0x7] =	wrdreg $0x9  }
0xb7: {  	_ =	task.clear_ibuf [dreg:s10], $0x8FFFF;
	_ =	strace $0x90000046  }
0xb8: {  	s29 =	simm.s32 $0x9;
	_ =	strace $0x80000048  }
0xb9: {  	_ =	swait.ge [sflag:s29], $0x1  }
0xba: {  	[sflag:s29] =	ssyncadd.s32 $0xFFFFFFFF  }
0xbb: {  	_ =	strace $0x90000048  }
0xbc: {  	_ =	sfence  }
0xbd: {  	s30 =	sld [smem:$0x0];
	_ =	sdelay $0x2  }
0xbe: {  	s31 =	sshll.u32 s1, $0xD;
	s1 =	sshrl.u32 s1, $0x2  }
0xbf: {  	s3 =	sand.u32 $0x4000, s31;
	s1 =	sadd.s32 s1, s30  }
0xc0: {  	s0 =	sor.u32 s3, s0;
	s1 =	sshll.u32 s1, $0x11  }
0xc1: {  	s0 =	sor.u32 s1, s0  }
0xc2: {  	s0 =	sadd.s32 $0x8F2B, s0  }
0xc3: {  	[sflag:s0] =	ssyncadd.remote.s32 $0x1  }
0xc4: {  	_ =	sfence.sel $0xFFFF  }
0xc5: {  	[dreg:$0x0] =	wrdreg $0xFFFFFFFF;
	(pc) =	sbr.abs _section_cstart, $3  }
0xc6: {  	[dreg:$0x1] =	wrdreg $0xFFFFFFFF  }
0xc7: {  	_ =	task.clear_ibuf [dreg:s10], $0x2FFFF;
	_ =	strace $0x9FFFFFFF  }
0xc8: {  	(tm) =	ssettm $0x7FFFFFFF  }
0xc9: {  	_ =	shalt  }
tec
execute0_lowered:
.L_overlay_start_1:
0x0: {  	(tag) =	ssettag $0x1  }
0x1: {  	s0 =	rddreg [dreg:$0x0]  }
0x2: {  	s1 =	rddreg [dreg:$0x2]  }
0x3: {  	s3 =	rddreg [dreg:$0x3]  }
0x4: {  	s2 =	rddreg [dreg:$0x4]  }
0x5: {  	s5 =	srdreg.scid;
	s6 =	stileid.u32  }
0x6: {  	s4 =	simm.s32 $0x0;
	s13 =	simm.s32 $0x11200;
	s15 =	simm.s32 $0x11A00  }
0x7: {  	s12 =	simm.s32 $0x4;
	s14 =	simm.s32 $0x5;
	s17 =	simm.s32 $0x13A00  }
0x8: {  	s10 =	simm.s32 $0x0;
	s5 =	sand.u32 $0x1, s5;
	s6 =	sshll.u32 s6, $0x1  }
0x9: {  	[smem:$0x7FF] =	sst s4;
	s6 =	sor.u32 s5, s6;
	s5 =	ssub.s32 $0x2, s5  }
0xa: {  	s7 =	sshll.u32 s6, $0x9;
	s8 =	sshll.u32 s6, $0xD;
	s6 =	sshll.u32 s6, $0x5  }
0xb: {  	_ =	strace $0x80000047;
	s9 =	sshrl.u32 s5, $0x1;
	s0 =	sadd.s32 s0, s6  }
0xc: {  	s7 =	sadd.s32 s7, s1;
	s29 =	sadd.s32 s2, s8;
	[dreg:$0x7] =	wrdreg s0  }
0xd: {  	s1 =	sadd.s32 s8, s1;
	s7 =	sadd.s32 $0x1200, s7;
	[dreg:$0x8] =	wrdreg s29  }
0xe: {  	s5 =	ssub.s32 s5, s9;
	s2 =	sadd.s32 $0x800, s29;
	[dreg:$0x6] =	wrdreg s7  }
.Ltmp0:
0xf: {  	s30 =	sadd.s32 $0x1000, s29;
	[dreg:$0x9] =	wrdreg s2;
	(pc) =	sbr.rel .LBB2_1-.Ltmp0, $4  }
0x10: {  	s6 =	simm.s32 $0x12A00;
	s0 =	sadd.s32 $0x1800, s29;
	[dreg:$0xa] =	wrdreg s30  }
0x11: {  	v2 =	vlaneseq.u32;
	s11 =	sadd.s32 $0x5200, s1;
	s31 =	smax.u32 s5, $0x1;
	[dreg:$0xb] =	wrdreg s0  }
0x12: {  	vm0 =	vmmov $0xffff;
	v1 =	vshrl.u32 v2, $0x3;
	s1 =	simm.s32 $0x10A00;
	s5 =	simm.s32 $0x12200;
	[dreg:$0xc] =	wrdreg s31  }
0x13: {  	v0 =	vand.u32 $0x7, v2;
	v2 =	vor.u32 $0x8, v2;
	v1 =	vmul.u32 $0x8, v1;
	s0 =	simm.s32 $0xFA00;
	s2 =	simm.s32 $0x10200;
	s7 =	simm.s32 $0x13200  }
.LBB2_11:
0x14: {  	s8 =	simm.s32 $0x6  }
0x15: {  	_ =	swait.ge [sflag:s8], $0x800  }
0x16: {  	[sflag:s8] =	ssyncset.done $0x0  }
0x17: {  	s9 =	simm.s32 $0x7;
	[sflag:s8] =	ssyncadd.s32 $0xFFFFF800  }
0x18: {  	_ =	swait.ge [sflag:s9], $0x800  }
0x19: {  	s10 =	rddreg [dreg:$0xd]  }
0x1a: {  	s31 =	rddreg [dreg:$0xc];
	s10 =	sadd.s32 $0x1, s10  }
0x1b: {  	p0 =	sne.s32 s10, s31  }
.Ltmp1:
0x1c: {  	_ = 	snop;
	(pc) =	sbr.rel @!p0 .LBB2_12-.Ltmp1, $3  }
0x1d: {  	_ =	sdelay $0x1  }
0x1e: {  	[sflag:s9] =	ssyncset.done $0x0  }
0x1f: {  	[sflag:s9] =	ssyncadd.s32 $0xFFFFF800  }
.LBB2_1:
0x20: {  	[dreg:$0xd] =	wrdreg s10  }
0x21: {  	s8 =	rddreg [dreg:$0x6];
	s9 =	simm.s32 $0x200  }
0x22: {  	[tilespmem:s9], [sflag:$0x1] =	stream.linear.gather [hbm4b:s8+s4], $0x1000, $0x38;
	[tilespmem:$0x14200] =	vst v63  }
0x23: {  	s20 =	rddreg [dreg:$0x7];
	s21 =	simm.s32 $0x8  }
0x24: {  	[tilespmem:s4], [sflag:$0x8] =	stream.linear.gather [hbm4b:s20+s4], $0x100, $0x38;
	[tilespmem:$0x14200] =	vst v63  }
0x25: {  	_ =	swait.ge [sflag:s21], $0x100  }
0x26: {  	[sflag:s21] =	ssyncset.done $0x0  }
0x27: {  	[sflag:s21] =	ssyncadd.s32 $0xFFFFFF00  }
0x28: {  	s22 =	simm.s32 $0x100;
	s9 =	simm.s32 $0x2;
	s8 =	rddreg [dreg:$0x1]  }
0x29: {  	[tilespmem:s22], [sflag:$0x2] =	stream.indirect.gather [hbm4b:s8+s22], $0x1, s4, s22, $0xb8;
	[tilespmem:$0x14200] =	vst v63  }
0x2a: {  	_ =	swait.ge [sflag:s9], $0x100  }
0x2b: {  	[sflag:s9] =	ssyncset.done $0x0  }
0x2c: {  	s23 =	simm.s32 $0x1;
	[sflag:s9] =	ssyncadd.s32 $0xFFFFFF00  }
0x2d: {  	_ =	swait.ge [sflag:s23], $0x1000  }
0x2e: {  	[sflag:s23] =	ssyncset.done $0x0  }
0x2f: {  	[sflag:s23] =	ssyncadd.s32 $0xFFFFF000  }
0x30: {  	v3 =	vld [tilespmem:$0x200];
	_ =	sdelay $0x4  }
0x31: {  	v4 =	vshll.u32 v3, $0x1  }
0x32: {  	v3 =	vand.u32 $0x7, v3;
	v4 =	vand.u32 $0xFFFFFFF0, v4  }
0x33: {  	v3 =	vor.u32 v3, v4  }
0x34: {  	v4 =	vperm.xlane v3, v0;
	_ =	sdelay $0x1  }
0x35: {  	v3 =	vperm.xlane v3, v2;
	v4 =	vadd.s32 v1, v4;
	_ =	sdelay $0x1  }
0x36: {  	v3 =	vadd.s32 v1, v3;
	_ =	sdelay $0x1  }
0x37: {  	s24 =	simm.s32 $0x9200  }
0x38: {  	[tilespmem:s24], [sflag:$0x4] =	stream.indirect_vreg.gather [hbm4b:s3+s4], $0x80, v4, vm0, $0xb8;
	[tilespmem:$0x14200] =	vst v63  }
0x39: {  	s25 =	simm.s32 $0x9A00  }
0x3a: {  	[tilespmem:s25], [sflag:$0x4] =	stream.indirect_vreg.gather [hbm4b:s3+s4], $0x80, v3, vm0, $0xb8;
	[tilespmem:$0x14200] =	vst v63  }
0x3b: {  	v3 =	vld [tilespmem:$0x210];
	_ =	sdelay $0x4  }
0x3c: {  	v39 =	vshll.u32 v3, $0x1  }
0x3d: {  	v3 =	vand.u32 $0x7, v3;
	v4 =	vand.u32 $0xFFFFFFF0, v39  }
0x3e: {  	v3 =	vor.u32 v3, v4  }
0x3f: {  	v4 =	vperm.xlane v3, v0;
	_ =	sdelay $0x1  }
0x40: {  	v3 =	vperm.xlane v3, v2;
	v4 =	vadd.s32 v1, v4;
	_ =	sdelay $0x1  }
0x41: {  	v3 =	vadd.s32 v1, v3;
	_ =	sdelay $0x1  }
0x42: {  	s26 =	simm.s32 $0xA200  }
0x43: {  	[tilespmem:s26], [sflag:$0x4] =	stream.indirect_vreg.gather [hbm4b:s3+s4], $0x80, v4, vm0, $0xb8;
	[tilespmem:$0x14200] =	vst v63  }
0x44: {  	s28 =	simm.s32 $0xAA00  }
0x45: {  	[tilespmem:s28], [sflag:$0x4] =	stream.indirect_vreg.gather [hbm4b:s3+s4], $0x80, v3, vm0, $0xb8;
	[tilespmem:$0x14200] =	vst v63  }
0x46: {  	v3 =	vld [tilespmem:$0x220];
	_ =	sdelay $0x4  }
0x47: {  	v40 =	vshll.u32 v3, $0x1  }
0x48: {  	v3 =	vand.u32 $0x7, v3;
	v4 =	vand.u32 $0xFFFFFFF0, v40  }
0x49: {  	v3 =	vor.u32 v3, v4  }
0x4a: {  	v4 =	vperm.xlane v3, v0;
	_ =	sdelay $0x1  }
0x4b: {  	v3 =	vperm.xlane v3, v2;
	v4 =	vadd.s32 v1, v4;
	_ =	sdelay $0x1  }
0x4c: {  	v3 =	vadd.s32 v1, v3;
	_ =	sdelay $0x1  }
0x4d: {  	s29 =	simm.s32 $0xB200  }
0x4e: {  	[tilespmem:s29], [sflag:$0x4] =	stream.indirect_vreg.gather [hbm4b:s3+s4], $0x80, v4, vm0, $0xb8;
	[tilespmem:$0x14200] =	vst v63  }
0x4f: {  	s30 =	simm.s32 $0xBA00  }
0x50: {  	[tilespmem:s30], [sflag:$0x4] =	stream.indirect_vreg.gather [hbm4b:s3+s4], $0x80, v3, vm0, $0xb8;
	[tilespmem:$0x14200] =	vst v63  }
0x51: {  	v3 =	vld [tilespmem:$0x230];
	_ =	sdelay $0x4  }
0x52: {  	v41 =	vshll.u32 v3, $0x1  }
0x53: {  	v3 =	vand.u32 $0x7, v3;
	v4 =	vand.u32 $0xFFFFFFF0, v41  }
0x54: {  	v3 =	vor.u32 v3, v4  }
0x55: {  	v4 =	vperm.xlane v3, v0;
	_ =	sdelay $0x1  }
0x56: {  	v3 =	vperm.xlane v3, v2;
	v4 =	vadd.s32 v1, v4;
	_ =	sdelay $0x1  }
0x57: {  	v3 =	vadd.s32 v1, v3;
	_ =	sdelay $0x1  }
0x58: {  	s31 =	simm.s32 $0xC200  }
0x59: {  	[tilespmem:s31], [sflag:$0x4] =	stream.indirect_vreg.gather [hbm4b:s3+s4], $0x80, v4, vm0, $0xb8;
	[tilespmem:$0x14200] =	vst v63  }
0x5a: {  	s10 =	simm.s32 $0xCA00  }
0x5b: {  	[tilespmem:s10], [sflag:$0x4] =	stream.indirect_vreg.gather [hbm4b:s3+s4], $0x80, v3, vm0, $0xb8;
	[tilespmem:$0x14200] =	vst v63  }
0x5c: {  	v3 =	vld [tilespmem:$0x240];
	_ =	sdelay $0x4  }
0x5d: {  	v42 =	vshll.u32 v3, $0x1  }
0x5e: {  	v3 =	vand.u32 $0x7, v3;
	v4 =	vand.u32 $0xFFFFFFF0, v42  }
0x5f: {  	v3 =	vor.u32 v3, v4  }
0x60: {  	v4 =	vperm.xlane v3, v0;
	_ =	sdelay $0x1  }
0x61: {  	v3 =	vperm.xlane v3, v2;
	v4 =	vadd.s32 v1, v4;
	_ =	sdelay $0x1  }
0x62: {  	v3 =	vadd.s32 v1, v3;
	_ =	sdelay $0x1  }
0x63: {  	s16 =	simm.s32 $0xD200  }
0x64: {  	[tilespmem:s16], [sflag:$0x4] =	stream.indirect_vreg.gather [hbm4b:s3+s4], $0x80, v4, vm0, $0xb8;
	[tilespmem:$0x14200] =	vst v63  }
0x65: {  	s18 =	simm.s32 $0xDA00  }
0x66: {  	[tilespmem:s18], [sflag:$0x4] =	stream.indirect_vreg.gather [hbm4b:s3+s4], $0x80, v3, vm0, $0xb8;
	[tilespmem:$0x14200] =	vst v63  }
0x67: {  	v3 =	vld [tilespmem:$0x280];
	_ =	sdelay $0x4  }
0x68: {  	v43 =	vshll.u32 v3, $0x1  }
0x69: {  	v3 =	vand.u32 $0x7, v3;
	v4 =	vand.u32 $0xFFFFFFF0, v43  }
0x6a: {  	v3 =	vor.u32 v3, v4  }
0x6b: {  	v4 =	vperm.xlane v3, v0;
	_ =	sdelay $0x1  }
0x6c: {  	v3 =	vperm.xlane v3, v2;
	v4 =	vadd.s32 v1, v4;
	_ =	sdelay $0x1  }
0x6d: {  	v3 =	vadd.s32 v1, v3;
	_ =	sdelay $0x1  }
0x6e: {  	s19 =	simm.s32 $0xE200  }
0x6f: {  	[tilespmem:s19], [sflag:$0x5] =	stream.indirect_vreg.gather [hbm4b:s3+s4], $0x80, v4, vm0, $0xb8;
	[tilespmem:$0x14200] =	vst v63  }
0x70: {  	s20 =	simm.s32 $0xEA00  }
0x71: {  	[tilespmem:s20], [sflag:$0x5] =	stream.indirect_vreg.gather [hbm4b:s3+s4], $0x80, v3, vm0, $0xb8;
	[tilespmem:$0x14200] =	vst v63  }
0x72: {  	v3 =	vld [tilespmem:$0x290];
	_ =	sdelay $0x4  }
0x73: {  	v44 =	vshll.u32 v3, $0x1  }
0x74: {  	v3 =	vand.u32 $0x7, v3;
	v4 =	vand.u32 $0xFFFFFFF0, v44  }
0x75: {  	v3 =	vor.u32 v3, v4  }
0x76: {  	v4 =	vperm.xlane v3, v0;
	_ =	sdelay $0x1  }
0x77: {  	v3 =	vperm.xlane v3, v2;
	v4 =	vadd.s32 v1, v4;
	_ =	sdelay $0x1  }
0x78: {  	v3 =	vadd.s32 v1, v3;
	_ =	sdelay $0x1  }
0x79: {  	s21 =	simm.s32 $0xF200  }
0x7a: {  	[tilespmem:s21], [sflag:$0x5] =	stream.indirect_vreg.gather [hbm4b:s3+s4], $0x80, v4, vm0, $0xb8;
	[tilespmem:$0x14200] =	vst v63  }
0x7b: {  	_ = 	snop  }
0x7c: {  	[tilespmem:s0], [sflag:$0x5] =	stream.indirect_vreg.gather [hbm4b:s3+s4], $0x80, v3, vm0, $0xb8;
	[tilespmem:$0x14200] =	vst v63  }
0x7d: {  	v3 =	vld [tilespmem:$0x2A0];
	_ =	sdelay $0x4  }
0x7e: {  	v45 =	vshll.u32 v3, $0x1  }
0x7f: {  	v3 =	vand.u32 $0x7, v3;
	v4 =	vand.u32 $0xFFFFFFF0, v45  }
0x80: {  	v3 =	vor.u32 v3, v4  }
0x81: {  	v4 =	vperm.xlane v3, v0;
	_ =	sdelay $0x1  }
0x82: {  	v3 =	vperm.xlane v3, v2;
	v4 =	vadd.s32 v1, v4;
	_ =	sdelay $0x1  }
0x83: {  	v3 =	vadd.s32 v1, v3;
	_ =	sdelay $0x2  }
0x84: {  	[tilespmem:s2], [sflag:$0x5] =	stream.indirect_vreg.gather [hbm4b:s3+s4], $0x80, v4, vm0, $0xb8;
	[tilespmem:$0x14200] =	vst v63  }
0x85: {  	_ = 	snop  }
0x86: {  	[tilespmem:s1], [sflag:$0x5] =	stream.indirect_vreg.gather [hbm4b:s3+s4], $0x80, v3, vm0, $0xb8;
	[tilespmem:$0x14200] =	vst v63  }
0x87: {  	v3 =	vld [tilespmem:$0x2B0];
	_ =	sdelay $0x4  }
0x88: {  	v46 =	vshll.u32 v3, $0x1  }
0x89: {  	v3 =	vand.u32 $0x7, v3;
	v4 =	vand.u32 $0xFFFFFFF0, v46  }
0x8a: {  	v3 =	vor.u32 v3, v4  }
0x8b: {  	v4 =	vperm.xlane v3, v0;
	_ =	sdelay $0x1  }
0x8c: {  	v3 =	vperm.xlane v3, v2;
	v4 =	vadd.s32 v1, v4;
	_ =	sdelay $0x1  }
0x8d: {  	v3 =	vadd.s32 v1, v3;
	_ =	sdelay $0x2  }
0x8e: {  	[tilespmem:s13], [sflag:$0x5] =	stream.indirect_vreg.gather [hbm4b:s3+s4], $0x80, v4, vm0, $0xb8;
	[tilespmem:$0x14200] =	vst v63  }
0x8f: {  	_ = 	snop  }
0x90: {  	[tilespmem:s15], [sflag:$0x5] =	stream.indirect_vreg.gather [hbm4b:s3+s4], $0x80, v3, vm0, $0xb8;
	[tilespmem:$0x14200] =	vst v63  }
0x91: {  	v3 =	vld [tilespmem:$0x2C0];
	_ =	sdelay $0x4  }
0x92: {  	v47 =	vshll.u32 v3, $0x1  }
0x93: {  	v3 =	vand.u32 $0x7, v3;
	v4 =	vand.u32 $0xFFFFFFF0, v47  }
0x94: {  	v3 =	vor.u32 v3, v4  }
0x95: {  	v4 =	vperm.xlane v3, v0;
	_ =	sdelay $0x1  }
0x96: {  	v3 =	vperm.xlane v3, v2;
	v4 =	vadd.s32 v1, v4;
	_ =	sdelay $0x1  }
0x97: {  	v3 =	vadd.s32 v1, v3;
	_ =	sdelay $0x2  }
0x98: {  	[tilespmem:s5], [sflag:$0x5] =	stream.indirect_vreg.gather [hbm4b:s3+s4], $0x80, v4, vm0, $0xb8;
	[tilespmem:$0x14200] =	vst v63  }
0x99: {  	_ = 	snop  }
0x9a: {  	[tilespmem:s6], [sflag:$0x5] =	stream.indirect_vreg.gather [hbm4b:s3+s4], $0x80, v3, vm0, $0xb8;
	[tilespmem:$0x14200] =	vst v63  }
0x9b: {  	v3 =	vld [tilespmem:$0x100];
	_ =	sdelay $0x4  }
0x9c: {  	v48 =	vshll.u32 v3, $0x1  }
0x9d: {  	v3 =	vand.u32 $0x7, v3;
	v4 =	vand.u32 $0xFFFFFFF0, v48  }
0x9e: {  	v3 =	vor.u32 v3, v4  }
0x9f: {  	v4 =	vperm.xlane v3, v0;
	_ =	sdelay $0x1  }
0xa0: {  	v3 =	vperm.xlane v3, v2;
	v4 =	vadd.s32 v1, v4;
	_ =	sdelay $0x1  }
0xa1: {  	v3 =	vadd.s32 v1, v3;
	_ =	sdelay $0x1  }
0xa2: {  	s10 =	simm.s32 $0x1200  }
0xa3: {  	[tilespmem:s10], [sflag:$0x2] =	stream.indirect_vreg.gather [hbm4b:s3+s4], $0x80, v4, vm0, $0xb8;
	[tilespmem:$0x14200] =	vst v63  }
0xa4: {  	s16 =	simm.s32 $0x1A00  }
0xa5: {  	[tilespmem:s16], [sflag:$0x2] =	stream.indirect_vreg.gather [hbm4b:s3+s4], $0x80, v3, vm0, $0xb8;
	[tilespmem:$0x14200] =	vst v63  }
0xa6: {  	v3 =	vld [tilespmem:$0x110];
	_ =	sdelay $0x4  }
0xa7: {  	v49 =	vshll.u32 v3, $0x1  }
0xa8: {  	v3 =	vand.u32 $0x7, v3;
	v4 =	vand.u32 $0xFFFFFFF0, v49  }
0xa9: {  	v3 =	vor.u32 v3, v4  }
0xaa: {  	v4 =	vperm.xlane v3, v0;
	_ =	sdelay $0x1  }
0xab: {  	v3 =	vperm.xlane v3, v2;
	v4 =	vadd.s32 v1, v4;
	_ =	sdelay $0x1  }
0xac: {  	v3 =	vadd.s32 v1, v3;
	_ =	sdelay $0x1  }
0xad: {  	s18 =	simm.s32 $0x2200  }
0xae: {  	[tilespmem:s18], [sflag:$0x2] =	stream.indirect_vreg.gather [hbm4b:s3+s4], $0x80, v4, vm0, $0xb8;
	[tilespmem:$0x14200] =	vst v63  }
0xaf: {  	s19 =	simm.s32 $0x2A00  }
0xb0: {  	[tilespmem:s19], [sflag:$0x2] =	stream.indirect_vreg.gather [hbm4b:s3+s4], $0x80, v3, vm0, $0xb8;
	[tilespmem:$0x14200] =	vst v63  }
0xb1: {  	v3 =	vld [tilespmem:$0x120];
	_ =	sdelay $0x4  }
0xb2: {  	v50 =	vshll.u32 v3, $0x1  }
0xb3: {  	v3 =	vand.u32 $0x7, v3;
	v4 =	vand.u32 $0xFFFFFFF0, v50  }
0xb4: {  	v3 =	vor.u32 v3, v4  }
0xb5: {  	v4 =	vperm.xlane v3, v0;
	_ =	sdelay $0x1  }
0xb6: {  	v3 =	vperm.xlane v3, v2;
	v4 =	vadd.s32 v1, v4;
	_ =	sdelay $0x1  }
0xb7: {  	v3 =	vadd.s32 v1, v3;
	_ =	sdelay $0x1  }
0xb8: {  	s20 =	simm.s32 $0x3200  }
0xb9: {  	[tilespmem:s20], [sflag:$0x2] =	stream.indirect_vreg.gather [hbm4b:s3+s4], $0x80, v4, vm0, $0xb8;
	[tilespmem:$0x14200] =	vst v63  }
0xba: {  	s21 =	simm.s32 $0x3A00  }
0xbb: {  	[tilespmem:s21], [sflag:$0x2] =	stream.indirect_vreg.gather [hbm4b:s3+s4], $0x80, v3, vm0, $0xb8;
	[tilespmem:$0x14200] =	vst v63  }
0xbc: {  	v3 =	vld [tilespmem:$0x130];
	_ =	sdelay $0x4  }
0xbd: {  	v51 =	vshll.u32 v3, $0x1  }
0xbe: {  	v3 =	vand.u32 $0x7, v3;
	v4 =	vand.u32 $0xFFFFFFF0, v51  }
0xbf: {  	v3 =	vor.u32 v3, v4  }
0xc0: {  	v4 =	vperm.xlane v3, v0;
	_ =	sdelay $0x1  }
0xc1: {  	v3 =	vperm.xlane v3, v2;
	v4 =	vadd.s32 v1, v4;
	_ =	sdelay $0x1  }
0xc2: {  	v3 =	vadd.s32 v1, v3;
	_ =	sdelay $0x1  }
0xc3: {  	s22 =	simm.s32 $0x4200  }
0xc4: {  	[tilespmem:s22], [sflag:$0x2] =	stream.indirect_vreg.gather [hbm4b:s3+s4], $0x80, v4, vm0, $0xb8;
	[tilespmem:$0x14200] =	vst v63  }
0xc5: {  	s23 =	simm.s32 $0x4A00  }
0xc6: {  	[tilespmem:s23], [sflag:$0x2] =	stream.indirect_vreg.gather [hbm4b:s3+s4], $0x80, v3, vm0, $0xb8;
	[tilespmem:$0x14200] =	vst v63  }
0xc7: {  	v3 =	vld [tilespmem:$0x140];
	_ =	sdelay $0x4  }
0xc8: {  	v52 =	vshll.u32 v3, $0x1  }
0xc9: {  	v3 =	vand.u32 $0x7, v3;
	v4 =	vand.u32 $0xFFFFFFF0, v52  }
0xca: {  	v3 =	vor.u32 v3, v4  }
0xcb: {  	v4 =	vperm.xlane v3, v0;
	_ =	sdelay $0x1  }
0xcc: {  	v3 =	vperm.xlane v3, v2;
	v4 =	vadd.s32 v1, v4;
	_ =	sdelay $0x1  }
0xcd: {  	v3 =	vadd.s32 v1, v3;
	_ =	sdelay $0x1  }
0xce: {  	s24 =	simm.s32 $0x5200  }
0xcf: {  	[tilespmem:s24], [sflag:$0x3] =	stream.indirect_vreg.gather [hbm4b:s3+s4], $0x80, v4, vm0, $0xb8;
	[tilespmem:$0x14200] =	vst v63  }
0xd0: {  	s25 =	simm.s32 $0x5A00  }
0xd1: {  	[tilespmem:s25], [sflag:$0x3] =	stream.indirect_vreg.gather [hbm4b:s3+s4], $0x80, v3, vm0, $0xb8;
	[tilespmem:$0x14200] =	vst v63  }
0xd2: {  	v3 =	vld [tilespmem:$0x150];
	_ =	sdelay $0x4  }
0xd3: {  	v53 =	vshll.u32 v3, $0x1  }
0xd4: {  	v3 =	vand.u32 $0x7, v3;
	v4 =	vand.u32 $0xFFFFFFF0, v53  }
0xd5: {  	v3 =	vor.u32 v3, v4  }
0xd6: {  	v4 =	vperm.xlane v3, v0;
	_ =	sdelay $0x1  }
0xd7: {  	v3 =	vperm.xlane v3, v2;
	v4 =	vadd.s32 v1, v4;
	_ =	sdelay $0x1  }
0xd8: {  	v3 =	vadd.s32 v1, v3;
	_ =	sdelay $0x1  }
0xd9: {  	s26 =	simm.s32 $0x6200  }
0xda: {  	[tilespmem:s26], [sflag:$0x3] =	stream.indirect_vreg.gather [hbm4b:s3+s4], $0x80, v4, vm0, $0xb8;
	[tilespmem:$0x14200] =	vst v63  }
0xdb: {  	s28 =	simm.s32 $0x6A00  }
0xdc: {  	[tilespmem:s28], [sflag:$0x3] =	stream.indirect_vreg.gather [hbm4b:s3+s4], $0x80, v3, vm0, $0xb8;
	[tilespmem:$0x14200] =	vst v63  }
0xdd: {  	v3 =	vld [tilespmem:$0x160];
	_ =	sdelay $0x4  }
0xde: {  	v54 =	vshll.u32 v3, $0x1  }
0xdf: {  	v3 =	vand.u32 $0x7, v3;
	v4 =	vand.u32 $0xFFFFFFF0, v54  }
0xe0: {  	v3 =	vor.u32 v3, v4  }
0xe1: {  	v4 =	vperm.xlane v3, v0;
	_ =	sdelay $0x1  }
0xe2: {  	v3 =	vperm.xlane v3, v2;
	v4 =	vadd.s32 v1, v4;
	_ =	sdelay $0x1  }
0xe3: {  	v3 =	vadd.s32 v1, v3;
	_ =	sdelay $0x1  }
0xe4: {  	s29 =	simm.s32 $0x7200  }
0xe5: {  	[tilespmem:s29], [sflag:$0x3] =	stream.indirect_vreg.gather [hbm4b:s3+s4], $0x80, v4, vm0, $0xb8;
	[tilespmem:$0x14200] =	vst v63  }
0xe6: {  	s30 =	simm.s32 $0x7A00  }
0xe7: {  	[tilespmem:s30], [sflag:$0x3] =	stream.indirect_vreg.gather [hbm4b:s3+s4], $0x80, v3, vm0, $0xb8;
	[tilespmem:$0x14200] =	vst v63  }
0xe8: {  	v3 =	vld [tilespmem:$0x170];
	_ =	sdelay $0x4  }
0xe9: {  	v55 =	vshll.u32 v3, $0x1  }
0xea: {  	v3 =	vand.u32 $0x7, v3;
	v4 =	vand.u32 $0xFFFFFFF0, v55  }
0xeb: {  	v3 =	vor.u32 v3, v4  }
0xec: {  	v4 =	vperm.xlane v3, v0;
	_ =	sdelay $0x1  }
0xed: {  	v3 =	vperm.xlane v3, v2;
	v4 =	vadd.s32 v1, v4;
	_ =	sdelay $0x1  }
0xee: {  	v3 =	vadd.s32 v1, v3;
	_ =	sdelay $0x1  }
0xef: {  	s31 =	simm.s32 $0x8200  }
0xf0: {  	[tilespmem:s31], [sflag:$0x3] =	stream.indirect_vreg.gather [hbm4b:s3+s4], $0x80, v4, vm0, $0xb8;
	[tilespmem:$0x14200] =	vst v63  }
0xf1: {  	s0 =	simm.s32 $0x8A00  }
0xf2: {  	[tilespmem:s0], [sflag:$0x3] =	stream.indirect_vreg.gather [hbm4b:s3+s4], $0x80, v3, vm0, $0xb8;
	[tilespmem:$0x14200] =	vst v63  }
0xf3: {  	_ =	swait.ge [sflag:s9], $0x4000  }
0xf4: {  	[sflag:s9] =	ssyncset.done $0x0  }
0xf5: {  	s8 =	rddreg [dreg:$0x8];
	[sflag:s9] =	ssyncadd.s32 $0xFFFFC000  }
0xf6: {  	[hbm4b:s8+s4] =	stream.linear.scatter [tilespmem:s10], [sflag:$0x2], $0x4000, $0x38;
	[tilespmem:$0x14200] =	vst v63  }
0xf7: {  	_ =	swait.ge [sflag:s9], $0x4000  }
0xf8: {  	[sflag:s9] =	ssyncset.done $0x0  }
0xf9: {  	[sflag:s9] =	ssyncadd.s32 $0xFFFFC000  }
0xfa: {  	v3 =	vld [tilespmem:$0x180];
	_ =	sdelay $0x4  }
0xfb: {  	v56 =	vshll.u32 v3, $0x1  }
0xfc: {  	v3 =	vand.u32 $0x7, v3;
	v4 =	vand.u32 $0xFFFFFFF0, v56  }
0xfd: {  	v3 =	vor.u32 v3, v4  }
0xfe: {  	v4 =	vperm.xlane v3, v0;
	_ =	sdelay $0x1  }
0xff: {  	v3 =	vperm.xlane v3, v2;
	v4 =	vadd.s32 v1, v4;
	_ =	sdelay $0x1  }
0x100: {  	v3 =	vadd.s32 v1, v3;
	_ =	sdelay $0x2  }
0x101: {  	[tilespmem:s10], [sflag:$0x2] =	stream.indirect_vreg.gather [hbm4b:s3+s4], $0x80, v4, vm0, $0xb8;
	[tilespmem:$0x14200] =	vst v63  }
0x102: {  	_ = 	snop  }
0x103: {  	[tilespmem:s16], [sflag:$0x2] =	stream.indirect_vreg.gather [hbm4b:s3+s4], $0x80, v3, vm0, $0xb8;
	[tilespmem:$0x14200] =	vst v63  }
0x104: {  	v3 =	vld [tilespmem:$0x190];
	_ =	sdelay $0x4  }
0x105: {  	v57 =	vshll.u32 v3, $0x1  }
0x106: {  	v3 =	vand.u32 $0x7, v3;
	v4 =	vand.u32 $0xFFFFFFF0, v57  }
0x107: {  	v3 =	vor.u32 v3, v4  }
0x108: {  	v4 =	vperm.xlane v3, v0;
	_ =	sdelay $0x1  }
0x109: {  	v3 =	vperm.xlane v3, v2;
	v4 =	vadd.s32 v1, v4;
	_ =	sdelay $0x1  }
0x10a: {  	v3 =	vadd.s32 v1, v3;
	_ =	sdelay $0x2  }
0x10b: {  	[tilespmem:s18], [sflag:$0x2] =	stream.indirect_vreg.gather [hbm4b:s3+s4], $0x80, v4, vm0, $0xb8;
	[tilespmem:$0x14200] =	vst v63  }
0x10c: {  	_ = 	snop  }
0x10d: {  	[tilespmem:s19], [sflag:$0x2] =	stream.indirect_vreg.gather [hbm4b:s3+s4], $0x80, v3, vm0, $0xb8;
	[tilespmem:$0x14200] =	vst v63  }
0x10e: {  	v3 =	vld [tilespmem:$0x1A0];
	_ =	sdelay $0x4  }
0x10f: {  	v58 =	vshll.u32 v3, $0x1  }
0x110: {  	v3 =	vand.u32 $0x7, v3;
	v4 =	vand.u32 $0xFFFFFFF0, v58  }
0x111: {  	v3 =	vor.u32 v3, v4  }
0x112: {  	v4 =	vperm.xlane v3, v0;
	_ =	sdelay $0x1  }
0x113: {  	v3 =	vperm.xlane v3, v2;
	v4 =	vadd.s32 v1, v4;
	_ =	sdelay $0x1  }
0x114: {  	v3 =	vadd.s32 v1, v3;
	_ =	sdelay $0x2  }
0x115: {  	[tilespmem:s20], [sflag:$0x2] =	stream.indirect_vreg.gather [hbm4b:s3+s4], $0x80, v4, vm0, $0xb8;
	[tilespmem:$0x14200] =	vst v63  }
0x116: {  	_ = 	snop  }
0x117: {  	[tilespmem:s21], [sflag:$0x2] =	stream.indirect_vreg.gather [hbm4b:s3+s4], $0x80, v3, vm0, $0xb8;
	[tilespmem:$0x14200] =	vst v63  }
0x118: {  	v3 =	vld [tilespmem:$0x1B0];
	_ =	sdelay $0x4  }
0x119: {  	v59 =	vshll.u32 v3, $0x1  }
0x11a: {  	v3 =	vand.u32 $0x7, v3;
	v4 =	vand.u32 $0xFFFFFFF0, v59  }
0x11b: {  	v3 =	vor.u32 v3, v4  }
0x11c: {  	v4 =	vperm.xlane v3, v0;
	_ =	sdelay $0x1  }
0x11d: {  	v3 =	vperm.xlane v3, v2;
	v4 =	vadd.s32 v1, v4;
	_ =	sdelay $0x1  }
0x11e: {  	v3 =	vadd.s32 v1, v3;
	_ =	sdelay $0x2  }
0x11f: {  	[tilespmem:s22], [sflag:$0x2] =	stream.indirect_vreg.gather [hbm4b:s3+s4], $0x80, v4, vm0, $0xb8;
	[tilespmem:$0x14200] =	vst v63  }
0x120: {  	s22 =	simm.s32 $0x3  }
0x121: {  	[tilespmem:s23], [sflag:$0x2] =	stream.indirect_vreg.gather [hbm4b:s3+s4], $0x80, v3, vm0, $0xb8;
	[tilespmem:$0x14200] =	vst v63  }
0x122: {  	_ =	swait.ge [sflag:s22], $0x4000  }
0x123: {  	[sflag:s22] =	ssyncset.done $0x0  }
0x124: {  	s23 =	rddreg [dreg:$0x9];
	[sflag:s22] =	ssyncadd.s32 $0xFFFFC000  }
0x125: {  	[hbm4b:s23+s4] =	stream.linear.scatter [tilespmem:s24], [sflag:$0x3], $0x4000, $0x38;
	[tilespmem:$0x14200] =	vst v63  }
0x126: {  	_ =	swait.ge [sflag:s22], $0x4000  }
0x127: {  	[sflag:s22] =	ssyncset.done $0x0  }
0x128: {  	[sflag:s22] =	ssyncadd.s32 $0xFFFFC000  }
0x129: {  	v3 =	vld [tilespmem:$0x1C0];
	_ =	sdelay $0x4  }
0x12a: {  	v60 =	vshll.u32 v3, $0x1  }
0x12b: {  	v3 =	vand.u32 $0x7, v3;
	v4 =	vand.u32 $0xFFFFFFF0, v60  }
0x12c: {  	v3 =	vor.u32 v3, v4  }
0x12d: {  	v4 =	vperm.xlane v3, v0;
	_ =	sdelay $0x1  }
0x12e: {  	v3 =	vperm.xlane v3, v2;
	v4 =	vadd.s32 v1, v4;
	_ =	sdelay $0x1  }
0x12f: {  	v3 =	vadd.s32 v1, v3;
	_ =	sdelay $0x2  }
0x130: {  	[tilespmem:s24], [sflag:$0x3] =	stream.indirect_vreg.gather [hbm4b:s3+s4], $0x80, v4, vm0, $0xb8;
	[tilespmem:$0x14200] =	vst v63  }
0x131: {  	_ = 	snop  }
0x132: {  	[tilespmem:s25], [sflag:$0x3] =	stream.indirect_vreg.gather [hbm4b:s3+s4], $0x80, v3, vm0, $0xb8;
	[tilespmem:$0x14200] =	vst v63  }
0x133: {  	v3 =	vld [tilespmem:$0x1D0];
	_ =	sdelay $0x4  }
0x134: {  	v61 =	vshll.u32 v3, $0x1  }
0x135: {  	v3 =	vand.u32 $0x7, v3;
	v4 =	vand.u32 $0xFFFFFFF0, v61  }
0x136: {  	v3 =	vor.u32 v3, v4  }
0x137: {  	v4 =	vperm.xlane v3, v0;
	_ =	sdelay $0x1  }
0x138: {  	v3 =	vperm.xlane v3, v2;
	v4 =	vadd.s32 v1, v4;
	_ =	sdelay $0x1  }
0x139: {  	v3 =	vadd.s32 v1, v3;
	_ =	sdelay $0x2  }
0x13a: {  	[tilespmem:s26], [sflag:$0x3] =	stream.indirect_vreg.gather [hbm4b:s3+s4], $0x80, v4, vm0, $0xb8;
	[tilespmem:$0x14200] =	vst v63  }
0x13b: {  	_ = 	snop  }
0x13c: {  	[tilespmem:s28], [sflag:$0x3] =	stream.indirect_vreg.gather [hbm4b:s3+s4], $0x80, v3, vm0, $0xb8;
	[tilespmem:$0x14200] =	vst v63  }
0x13d: {  	v3 =	vld [tilespmem:$0x1E0];
	_ =	sdelay $0x4  }
0x13e: {  	v62 =	vshll.u32 v3, $0x1  }
0x13f: {  	v3 =	vand.u32 $0x7, v3;
	v4 =	vand.u32 $0xFFFFFFF0, v62  }
0x140: {  	v3 =	vor.u32 v3, v4  }
0x141: {  	v4 =	vperm.xlane v3, v0;
	_ =	sdelay $0x1  }
0x142: {  	v3 =	vperm.xlane v3, v2;
	v4 =	vadd.s32 v1, v4;
	_ =	sdelay $0x1  }
0x143: {  	v3 =	vadd.s32 v1, v3;
	_ =	sdelay $0x2  }
0x144: {  	[tilespmem:s29], [sflag:$0x3] =	stream.indirect_vreg.gather [hbm4b:s3+s4], $0x80, v4, vm0, $0xb8;
	[tilespmem:$0x14200] =	vst v63  }
0x145: {  	_ = 	snop  }
0x146: {  	[tilespmem:s30], [sflag:$0x3] =	stream.indirect_vreg.gather [hbm4b:s3+s4], $0x80, v3, vm0, $0xb8;
	[tilespmem:$0x14200] =	vst v63  }
0x147: {  	v3 =	vld [tilespmem:$0x1F0];
	_ =	sdelay $0x4  }
0x148: {  	v63 =	vshll.u32 v3, $0x1  }
0x149: {  	v3 =	vand.u32 $0x7, v3;
	v4 =	vand.u32 $0xFFFFFFF0, v63  }
0x14a: {  	v3 =	vor.u32 v3, v4  }
0x14b: {  	v4 =	vperm.xlane v3, v0;
	_ =	sdelay $0x1  }
0x14c: {  	v3 =	vperm.xlane v3, v2;
	v4 =	vadd.s32 v1, v4;
	_ =	sdelay $0x1  }
0x14d: {  	v3 =	vadd.s32 v1, v3;
	_ =	sdelay $0x2  }
0x14e: {  	[tilespmem:s31], [sflag:$0x3] =	stream.indirect_vreg.gather [hbm4b:s3+s4], $0x80, v4, vm0, $0xb8;
	[tilespmem:$0x14200] =	vst v63  }
0x14f: {  	_ = 	snop  }
0x150: {  	[tilespmem:s0], [sflag:$0x3] =	stream.indirect_vreg.gather [hbm4b:s3+s4], $0x80, v3, vm0, $0xb8;
	[tilespmem:$0x14200] =	vst v63  }
0x151: {  	_ =	swait.ge [sflag:s9], $0x4000  }
0x152: {  	[sflag:s9] =	ssyncset.done $0x0  }
0x153: {  	s30 =	rddreg [dreg:$0xa];
	[sflag:s9] =	ssyncadd.s32 $0xFFFFC000  }
0x154: {  	[hbm4b:s30+s4] =	stream.linear.scatter [tilespmem:s10], [sflag:$0x2], $0x4000, $0x38;
	[tilespmem:$0x14200] =	vst v63  }
0x155: {  	_ =	swait.ge [sflag:s22], $0x4000  }
0x156: {  	[sflag:s22] =	ssyncset.done $0x0  }
0x157: {  	s31 =	rddreg [dreg:$0xb];
	[sflag:s22] =	ssyncadd.s32 $0xFFFFC000  }
0x158: {  	[hbm4b:s31+s4] =	stream.linear.scatter [tilespmem:s24], [sflag:$0x3], $0x4000, $0x38;
	[tilespmem:$0x14200] =	vst v63  }
0x159: {  	_ =	swait.ge [sflag:s9], $0x4000  }
.Ltmp2:
0x15a: {  	[sflag:s9] =	ssyncset.done $0x0;
	(pc) =	sbr.rel .LBB2_2-.Ltmp2, $4  }
0x15b: {  	[sflag:s9] =	ssyncadd.s32 $0xFFFFC000  }
0x15c: {  	_ =	swait.ge [sflag:s22], $0x4000  }
0x15d: {  	[sflag:s22] =	ssyncset.done $0x0  }
0x15e: {  	s0 =	simm.s32 $0xFA00;
	s9 =	simm.s32 $0x0;
	[sflag:s22] =	ssyncadd.s32 $0xFFFFC000  }
.LBB2_10:
0x15f: {  	s9 =	sadd.s32 $0x1, s9  }
0x160: {  	p0 =	sne.s32 s9, $0x10  }
.Ltmp3:
0x161: {  	_ = 	snop;
	(pc) =	sbr.rel @!p0 .LBB2_11-.Ltmp3, $3  }
0x162: {  	_ =	sdelay $0x1  }
0x163: {  	s8 =	sadd.s32 $0x100, s8  }
0x164: {  	[hbm4b:s8+s4] =	stream.linear.scatter [tilespmem:s17], [sflag:$0x7], $0x800, $0x38;
	[tilespmem:$0x14200] =	vst v63  }
.LBB2_2:
0x165: {  	_ =	swait.ge [sflag:s12], $0x5000  }
0x166: {  	p0 =	seq.s32 s9, $0x0;
	[sflag:s12] =	ssyncset.done $0x0  }
0x167: {  	s10 =	simm.s32 @!p0 $0x6;
	[sflag:s12] =	ssyncadd.s32 $0xFFFFB000  }
0x168: {  	s8 =	simm.s32 $0x0;
	_ =	swait.ge @!p0 [sflag:s10], $0x800  }
0x169: {  	s16 =	sand.u32 $0x7800, s8;
	s18 =	sand.u32 $0x300, s8;
	[sflag:s10] =	ssyncset.done @!p0 $0x0  }
0x16a: {  	s16 =	sor.u32 s18, s16;
	[sflag:s10] =	ssyncadd.s32 @!p0 $0xFFFFF800  }
0x16b: {  	s19 =	simm.s32 $0x100;
	s18 =	simm.s32 $0x200;
	v3 =	vld [tilespmem:s16+$0x9200]  }
0x16c: {  	s10 =	sand.u32 $0xF800, s18;
	s18 =	sand.u32 $0x300, s19;
	v4 =	vld [tilespmem:s16+$0x9280]  }
0x16d: {  	s20 =	simm.s32 $0x300;
	s19 =	simm.s32 $0x180;
	s10 =	sor.u32 s18, s10  }
0x16e: {  	s18 =	sand.u32 $0xF800, s20;
	s19 =	sand.u32 $0x380, s19;
	v5 =	vld [tilespmem:s10+$0x9200]  }
0x16f: {  	s21 =	simm.s32 $0x400;
	s23 =	simm.s32 $0x200;
	s22 =	sor.u32 s19, s18  }
0x170: {  	s18 =	sand.u32 $0xF800, s21;
	s19 =	sand.u32 $0x300, s23;
	v6 =	vld [tilespmem:s22+$0x9200]  }
0x171: {  	s24 =	simm.s32 $0x500;
	s25 =	simm.s32 $0x280;
	s23 =	sor.u32 s19, s18;
	v3 =	vadd.f32 v4, v3  }
0x172: {  	s18 =	sand.u32 $0xF800, s24;
	s19 =	sand.u32 $0x380, s25;
	v4 =	vld [tilespmem:s23+$0x9200]  }
0x173: {  	s26 =	simm.s32 $0x600;
	s28 =	simm.s32 $0x300;
	s24 =	sor.u32 s19, s18;
	v3 =	vadd.f32 v5, v3  }
0x174: {  	s18 =	sand.u32 $0xF800, s26;
	s19 =	sand.u32 $0x300, s28;
	v5 =	vld [tilespmem:s24+$0x9200]  }
0x175: {  	s29 =	simm.s32 $0x700;
	s30 =	simm.s32 $0x380;
	s25 =	sor.u32 s19, s18;
	v3 =	vadd.f32 v6, v3  }
0x176: {  	s18 =	sand.u32 $0xF800, s29;
	s19 =	sand.u32 $0x380, s30;
	v6 =	vld [tilespmem:s25+$0x9200]  }
0x177: {  	s20 =	sor.u32 s19, s18;
	v3 =	vadd.f32 v4, v3  }
0x178: {  	v4 =	vld [tilespmem:s20+$0x9200]  }
0x179: {  	s31 =	simm.s32 $0x900;
	s18 =	simm.s32 $0x480;
	v3 =	vadd.f32 v5, v3  }
0x17a: {  	s19 =	sand.u32 $0xF800, s31;
	s21 =	sand.u32 $0x380, s18;
	v5 =	vld [tilespmem:s16+$0x9A00]  }
0x17b: {  	s21 =	sor.u32 s21, s19;
	v3 =	vadd.f32 v6, v3  }
0x17c: {  	v6 =	vld [tilespmem:s21+$0x9200]  }
0x17d: {  	v3 =	vadd.f32 v4, v3;
	_ =	sdelay $0x1  }
0x17e: {  	v3 =	vadd.f32 v5, v3;
	_ =	sdelay $0x1  }
0x17f: {  	v3 =	vadd.f32 v6, v3  }
0x180: {  	s19 =	simm.s32 $0x13600  }
0x181: {  	[tilespmem:s19+$0xFFFFFC00] =	vst v3  }
0x182: {  	v3 =	vld [tilespmem:s16+$0x9210]  }
0x183: {  	v4 =	vld [tilespmem:s16+$0x9290];
	_ =	sdelay $0x1  }
0x184: {  	v5 =	vld [tilespmem:s10+$0x9210];
	_ =	sdelay $0x1  }
0x185: {  	v6 =	vld [tilespmem:s22+$0x9210]  }
0x186: {  	v3 =	vadd.f32 v4, v3  }
0x187: {  	v4 =	vld [tilespmem:s23+$0x9210]  }
0x188: {  	v3 =	vadd.f32 v5, v3  }
0x189: {  	v5 =	vld [tilespmem:s24+$0x9210]  }
0x18a: {  	v3 =	vadd.f32 v6, v3  }
0x18b: {  	v6 =	vld [tilespmem:s25+$0x9210]  }
0x18c: {  	v3 =	vadd.f32 v4, v3  }
0x18d: {  	v4 =	vld [tilespmem:s20+$0x9210]  }
0x18e: {  	v3 =	vadd.f32 v5, v3  }
0x18f: {  	v5 =	vld [tilespmem:s16+$0x9A10]  }
0x190: {  	v3 =	vadd.f32 v6, v3  }
0x191: {  	v6 =	vld [tilespmem:s21+$0x9210]  }
0x192: {  	v3 =	vadd.f32 v4, v3;
	_ =	sdelay $0x1  }
0x193: {  	v3 =	vadd.f32 v5, v3;
	_ =	sdelay $0x1  }
0x194: {  	v3 =	vadd.f32 v6, v3;
	_ =	sdelay $0x1  }
0x195: {  	[tilespmem:s19+$0xFFFFFC10] =	vst v3  }
0x196: {  	v3 =	vld [tilespmem:s16+$0x9220]  }
0x197: {  	v4 =	vld [tilespmem:s16+$0x92A0];
	_ =	sdelay $0x1  }
0x198: {  	v5 =	vld [tilespmem:s10+$0x9220];
	_ =	sdelay $0x1  }
0x199: {  	v6 =	vld [tilespmem:s22+$0x9220]  }
0x19a: {  	v3 =	vadd.f32 v4, v3  }
0x19b: {  	v4 =	vld [tilespmem:s23+$0x9220]  }
0x19c: {  	v3 =	vadd.f32 v5, v3  }
0x19d: {  	v5 =	vld [tilespmem:s24+$0x9220]  }
0x19e: {  	v3 =	vadd.f32 v6, v3  }
0x19f: {  	v6 =	vld [tilespmem:s25+$0x9220]  }
0x1a0: {  	v3 =	vadd.f32 v4, v3  }
0x1a1: {  	v4 =	vld [tilespmem:s20+$0x9220]  }
0x1a2: {  	v3 =	vadd.f32 v5, v3  }
0x1a3: {  	v5 =	vld [tilespmem:s16+$0x9A20]  }
0x1a4: {  	v3 =	vadd.f32 v6, v3  }
0x1a5: {  	v6 =	vld [tilespmem:s21+$0x9220]  }
0x1a6: {  	v3 =	vadd.f32 v4, v3;
	_ =	sdelay $0x1  }
0x1a7: {  	v3 =	vadd.f32 v5, v3;
	_ =	sdelay $0x1  }
0x1a8: {  	v3 =	vadd.f32 v6, v3;
	_ =	sdelay $0x1  }
0x1a9: {  	[tilespmem:s19+$0xFFFFFC20] =	vst v3  }
0x1aa: {  	v3 =	vld [tilespmem:s16+$0x9230]  }
0x1ab: {  	v4 =	vld [tilespmem:s16+$0x92B0];
	_ =	sdelay $0x1  }
0x1ac: {  	v5 =	vld [tilespmem:s10+$0x9230];
	_ =	sdelay $0x1  }
0x1ad: {  	v6 =	vld [tilespmem:s22+$0x9230]  }
0x1ae: {  	v3 =	vadd.f32 v4, v3  }
0x1af: {  	v4 =	vld [tilespmem:s23+$0x9230]  }
0x1b0: {  	v3 =	vadd.f32 v5, v3  }
0x1b1: {  	v5 =	vld [tilespmem:s24+$0x9230]  }
0x1b2: {  	v3 =	vadd.f32 v6, v3  }
0x1b3: {  	v6 =	vld [tilespmem:s25+$0x9230]  }
0x1b4: {  	v3 =	vadd.f32 v4, v3  }
0x1b5: {  	v4 =	vld [tilespmem:s20+$0x9230]  }
0x1b6: {  	v3 =	vadd.f32 v5, v3  }
0x1b7: {  	v5 =	vld [tilespmem:s16+$0x9A30]  }
0x1b8: {  	v3 =	vadd.f32 v6, v3  }
0x1b9: {  	v6 =	vld [tilespmem:s21+$0x9230]  }
0x1ba: {  	v3 =	vadd.f32 v4, v3;
	_ =	sdelay $0x1  }
0x1bb: {  	v3 =	vadd.f32 v5, v3;
	_ =	sdelay $0x1  }
0x1bc: {  	v3 =	vadd.f32 v6, v3;
	_ =	sdelay $0x1  }
0x1bd: {  	[tilespmem:s19+$0xFFFFFC30] =	vst v3  }
0x1be: {  	v3 =	vld [tilespmem:s16+$0x9240]  }
0x1bf: {  	v4 =	vld [tilespmem:s16+$0x92C0];
	_ =	sdelay $0x1  }
0x1c0: {  	v5 =	vld [tilespmem:s10+$0x9240];
	_ =	sdelay $0x1  }
0x1c1: {  	v6 =	vld [tilespmem:s22+$0x9240]  }
0x1c2: {  	v3 =	vadd.f32 v4, v3  }
0x1c3: {  	v4 =	vld [tilespmem:s23+$0x9240]  }
0x1c4: {  	v3 =	vadd.f32 v5, v3  }
0x1c5: {  	v5 =	vld [tilespmem:s24+$0x9240]  }
0x1c6: {  	v3 =	vadd.f32 v6, v3  }
0x1c7: {  	v6 =	vld [tilespmem:s25+$0x9240]  }
0x1c8: {  	v3 =	vadd.f32 v4, v3  }
0x1c9: {  	v4 =	vld [tilespmem:s20+$0x9240]  }
0x1ca: {  	v3 =	vadd.f32 v5, v3  }
0x1cb: {  	v5 =	vld [tilespmem:s16+$0x9A40]  }
0x1cc: {  	v3 =	vadd.f32 v6, v3  }
0x1cd: {  	v6 =	vld [tilespmem:s21+$0x9240]  }
0x1ce: {  	v3 =	vadd.f32 v4, v3;
	_ =	sdelay $0x1  }
0x1cf: {  	v3 =	vadd.f32 v5, v3;
	_ =	sdelay $0x1  }
0x1d0: {  	v3 =	vadd.f32 v6, v3;
	_ =	sdelay $0x1  }
0x1d1: {  	[tilespmem:s19+$0xFFFFFC40] =	vst v3  }
0x1d2: {  	v3 =	vld [tilespmem:s16+$0x9250]  }
0x1d3: {  	v4 =	vld [tilespmem:s16+$0x92D0];
	_ =	sdelay $0x1  }
0x1d4: {  	v5 =	vld [tilespmem:s10+$0x9250];
	_ =	sdelay $0x1  }
0x1d5: {  	v6 =	vld [tilespmem:s22+$0x9250]  }
0x1d6: {  	v3 =	vadd.f32 v4, v3  }
0x1d7: {  	v4 =	vld [tilespmem:s23+$0x9250]  }
0x1d8: {  	v3 =	vadd.f32 v5, v3  }
0x1d9: {  	v5 =	vld [tilespmem:s24+$0x9250]  }
0x1da: {  	v3 =	vadd.f32 v6, v3  }
0x1db: {  	v6 =	vld [tilespmem:s25+$0x9250]  }
0x1dc: {  	v3 =	vadd.f32 v4, v3  }
0x1dd: {  	v4 =	vld [tilespmem:s20+$0x9250]  }
0x1de: {  	v3 =	vadd.f32 v5, v3  }
0x1df: {  	v5 =	vld [tilespmem:s16+$0x9A50]  }
0x1e0: {  	v3 =	vadd.f32 v6, v3  }
0x1e1: {  	v6 =	vld [tilespmem:s21+$0x9250]  }
0x1e2: {  	v3 =	vadd.f32 v4, v3;
	_ =	sdelay $0x1  }
0x1e3: {  	v3 =	vadd.f32 v5, v3;
	_ =	sdelay $0x1  }
0x1e4: {  	v3 =	vadd.f32 v6, v3;
	_ =	sdelay $0x1  }
0x1e5: {  	[tilespmem:s19+$0xFFFFFC50] =	vst v3  }
0x1e6: {  	v3 =	vld [tilespmem:s16+$0x9260]  }
0x1e7: {  	v4 =	vld [tilespmem:s16+$0x92E0];
	_ =	sdelay $0x1  }
0x1e8: {  	v5 =	vld [tilespmem:s10+$0x9260];
	_ =	sdelay $0x1  }
0x1e9: {  	v6 =	vld [tilespmem:s22+$0x9260]  }
0x1ea: {  	v3 =	vadd.f32 v4, v3  }
0x1eb: {  	v4 =	vld [tilespmem:s23+$0x9260]  }
0x1ec: {  	v3 =	vadd.f32 v5, v3  }
0x1ed: {  	v5 =	vld [tilespmem:s24+$0x9260]  }
0x1ee: {  	v3 =	vadd.f32 v6, v3  }
0x1ef: {  	v6 =	vld [tilespmem:s25+$0x9260]  }
0x1f0: {  	v3 =	vadd.f32 v4, v3  }
0x1f1: {  	v4 =	vld [tilespmem:s20+$0x9260]  }
0x1f2: {  	v3 =	vadd.f32 v5, v3  }
0x1f3: {  	v5 =	vld [tilespmem:s16+$0x9A60]  }
0x1f4: {  	v3 =	vadd.f32 v6, v3  }
0x1f5: {  	v6 =	vld [tilespmem:s21+$0x9260]  }
0x1f6: {  	v3 =	vadd.f32 v4, v3;
	_ =	sdelay $0x1  }
0x1f7: {  	v3 =	vadd.f32 v5, v3;
	_ =	sdelay $0x1  }
0x1f8: {  	v3 =	vadd.f32 v6, v3;
	_ =	sdelay $0x1  }
0x1f9: {  	[tilespmem:s19+$0xFFFFFC60] =	vst v3  }
0x1fa: {  	v3 =	vld [tilespmem:s16+$0x9270]  }
0x1fb: {  	v4 =	vld [tilespmem:s16+$0x92F0];
	_ =	sdelay $0x1  }
0x1fc: {  	v5 =	vld [tilespmem:s10+$0x9270];
	_ =	sdelay $0x1  }
0x1fd: {  	v6 =	vld [tilespmem:s22+$0x9270]  }
0x1fe: {  	v3 =	vadd.f32 v4, v3  }
0x1ff: {  	v4 =	vld [tilespmem:s23+$0x9270]  }
0x200: {  	v3 =	vadd.f32 v5, v3  }
0x201: {  	v5 =	vld [tilespmem:s24+$0x9270]  }
0x202: {  	v3 =	vadd.f32 v6, v3  }
0x203: {  	v6 =	vld [tilespmem:s25+$0x9270]  }
0x204: {  	v3 =	vadd.f32 v4, v3  }
0x205: {  	v4 =	vld [tilespmem:s20+$0x9270]  }
0x206: {  	v3 =	vadd.f32 v5, v3  }
0x207: {  	v5 =	vld [tilespmem:s16+$0x9A70]  }
0x208: {  	v3 =	vadd.f32 v6, v3  }
0x209: {  	v6 =	vld [tilespmem:s21+$0x9270]  }
0x20a: {  	v3 =	vadd.f32 v4, v3;
	_ =	sdelay $0x1  }
0x20b: {  	v3 =	vadd.f32 v5, v3;
	_ =	sdelay $0x1  }
0x20c: {  	v3 =	vadd.f32 v6, v3;
	_ =	sdelay $0x1  }
0x20d: {  	[tilespmem:s19+$0xFFFFFC70] =	vst v3  }
0x20e: {  	v3 =	vld [tilespmem:s16+$0x9600]  }
0x20f: {  	v4 =	vld [tilespmem:s16+$0x9680];
	_ =	sdelay $0x1  }
0x210: {  	v5 =	vld [tilespmem:s10+$0x9600];
	_ =	sdelay $0x1  }
0x211: {  	v6 =	vld [tilespmem:s22+$0x9600]  }
0x212: {  	v3 =	vadd.f32 v4, v3  }
0x213: {  	v4 =	vld [tilespmem:s23+$0x9600]  }
0x214: {  	v3 =	vadd.f32 v5, v3  }
0x215: {  	v5 =	vld [tilespmem:s24+$0x9600]  }
0x216: {  	v3 =	vadd.f32 v6, v3  }
0x217: {  	v6 =	vld [tilespmem:s25+$0x9600]  }
0x218: {  	v3 =	vadd.f32 v4, v3  }
0x219: {  	v4 =	vld [tilespmem:s20+$0x9600]  }
0x21a: {  	v3 =	vadd.f32 v5, v3  }
0x21b: {  	v5 =	vld [tilespmem:s16+$0x9E00]  }
0x21c: {  	v3 =	vadd.f32 v6, v3  }
0x21d: {  	v6 =	vld [tilespmem:s21+$0x9600]  }
0x21e: {  	v3 =	vadd.f32 v4, v3;
	_ =	sdelay $0x1  }
0x21f: {  	v3 =	vadd.f32 v5, v3;
	_ =	sdelay $0x1  }
0x220: {  	v3 =	vadd.f32 v6, v3;
	_ =	sdelay $0x1  }
0x221: {  	[tilespmem:s19+$0x0] =	vst v3  }
0x222: {  	v3 =	vld [tilespmem:s16+$0x9610]  }
0x223: {  	v4 =	vld [tilespmem:s16+$0x9690];
	_ =	sdelay $0x1  }
0x224: {  	v5 =	vld [tilespmem:s10+$0x9610];
	_ =	sdelay $0x1  }
0x225: {  	v6 =	vld [tilespmem:s22+$0x9610]  }
0x226: {  	v3 =	vadd.f32 v4, v3  }
0x227: {  	v4 =	vld [tilespmem:s23+$0x9610]  }
0x228: {  	v3 =	vadd.f32 v5, v3  }
0x229: {  	v5 =	vld [tilespmem:s24+$0x9610]  }
0x22a: {  	v3 =	vadd.f32 v6, v3  }
0x22b: {  	v6 =	vld [tilespmem:s25+$0x9610]  }
0x22c: {  	v3 =	vadd.f32 v4, v3  }
0x22d: {  	v4 =	vld [tilespmem:s20+$0x9610]  }
0x22e: {  	v3 =	vadd.f32 v5, v3  }
0x22f: {  	v5 =	vld [tilespmem:s16+$0x9E10]  }
0x230: {  	v3 =	vadd.f32 v6, v3  }
0x231: {  	v6 =	vld [tilespmem:s21+$0x9610]  }
0x232: {  	v3 =	vadd.f32 v4, v3;
	_ =	sdelay $0x1  }
0x233: {  	v3 =	vadd.f32 v5, v3;
	_ =	sdelay $0x1  }
0x234: {  	v3 =	vadd.f32 v6, v3;
	_ =	sdelay $0x1  }
0x235: {  	[tilespmem:s19+$0x10] =	vst v3  }
0x236: {  	v3 =	vld [tilespmem:s16+$0x9620]  }
0x237: {  	v4 =	vld [tilespmem:s16+$0x96A0];
	_ =	sdelay $0x1  }
0x238: {  	v5 =	vld [tilespmem:s10+$0x9620];
	_ =	sdelay $0x1  }
0x239: {  	v6 =	vld [tilespmem:s22+$0x9620]  }
0x23a: {  	v3 =	vadd.f32 v4, v3  }
0x23b: {  	v4 =	vld [tilespmem:s23+$0x9620]  }
0x23c: {  	v3 =	vadd.f32 v5, v3  }
0x23d: {  	v5 =	vld [tilespmem:s24+$0x9620]  }
0x23e: {  	v3 =	vadd.f32 v6, v3  }
0x23f: {  	v6 =	vld [tilespmem:s25+$0x9620]  }
0x240: {  	v3 =	vadd.f32 v4, v3  }
0x241: {  	v4 =	vld [tilespmem:s20+$0x9620]  }
0x242: {  	v3 =	vadd.f32 v5, v3  }
0x243: {  	v5 =	vld [tilespmem:s16+$0x9E20]  }
0x244: {  	v3 =	vadd.f32 v6, v3  }
0x245: {  	v6 =	vld [tilespmem:s21+$0x9620]  }
0x246: {  	v3 =	vadd.f32 v4, v3;
	_ =	sdelay $0x1  }
0x247: {  	v3 =	vadd.f32 v5, v3;
	_ =	sdelay $0x1  }
0x248: {  	v3 =	vadd.f32 v6, v3;
	_ =	sdelay $0x1  }
0x249: {  	[tilespmem:s19+$0x20] =	vst v3  }
0x24a: {  	v3 =	vld [tilespmem:s16+$0x9630]  }
0x24b: {  	v4 =	vld [tilespmem:s16+$0x96B0];
	_ =	sdelay $0x1  }
0x24c: {  	v5 =	vld [tilespmem:s10+$0x9630];
	_ =	sdelay $0x1  }
0x24d: {  	v6 =	vld [tilespmem:s22+$0x9630]  }
0x24e: {  	v3 =	vadd.f32 v4, v3  }
0x24f: {  	v4 =	vld [tilespmem:s23+$0x9630]  }
0x250: {  	v3 =	vadd.f32 v5, v3  }
0x251: {  	v5 =	vld [tilespmem:s24+$0x9630]  }
0x252: {  	v3 =	vadd.f32 v6, v3  }
0x253: {  	v6 =	vld [tilespmem:s25+$0x9630]  }
0x254: {  	v3 =	vadd.f32 v4, v3  }
0x255: {  	v4 =	vld [tilespmem:s20+$0x9630]  }
0x256: {  	v3 =	vadd.f32 v5, v3  }
0x257: {  	v5 =	vld [tilespmem:s16+$0x9E30]  }
0x258: {  	v3 =	vadd.f32 v6, v3  }
0x259: {  	v6 =	vld [tilespmem:s21+$0x9630]  }
0x25a: {  	v3 =	vadd.f32 v4, v3;
	_ =	sdelay $0x1  }
0x25b: {  	v3 =	vadd.f32 v5, v3;
	_ =	sdelay $0x1  }
0x25c: {  	v3 =	vadd.f32 v6, v3;
	_ =	sdelay $0x1  }
0x25d: {  	[tilespmem:s19+$0x30] =	vst v3  }
0x25e: {  	v3 =	vld [tilespmem:s16+$0x9640]  }
0x25f: {  	v4 =	vld [tilespmem:s16+$0x96C0];
	_ =	sdelay $0x1  }
0x260: {  	v5 =	vld [tilespmem:s10+$0x9640];
	_ =	sdelay $0x1  }
0x261: {  	v6 =	vld [tilespmem:s22+$0x9640]  }
0x262: {  	v3 =	vadd.f32 v4, v3  }
0x263: {  	v4 =	vld [tilespmem:s23+$0x9640]  }
0x264: {  	v3 =	vadd.f32 v5, v3  }
0x265: {  	v5 =	vld [tilespmem:s24+$0x9640]  }
0x266: {  	v3 =	vadd.f32 v6, v3  }
0x267: {  	v6 =	vld [tilespmem:s25+$0x9640]  }
0x268: {  	v3 =	vadd.f32 v4, v3  }
0x269: {  	v4 =	vld [tilespmem:s20+$0x9640]  }
0x26a: {  	v3 =	vadd.f32 v5, v3  }
0x26b: {  	v5 =	vld [tilespmem:s16+$0x9E40]  }
0x26c: {  	v3 =	vadd.f32 v6, v3  }
0x26d: {  	v6 =	vld [tilespmem:s21+$0x9640]  }
0x26e: {  	v3 =	vadd.f32 v4, v3;
	_ =	sdelay $0x1  }
0x26f: {  	v3 =	vadd.f32 v5, v3;
	_ =	sdelay $0x1  }
0x270: {  	v3 =	vadd.f32 v6, v3;
	_ =	sdelay $0x1  }
0x271: {  	[tilespmem:s19+$0x40] =	vst v3  }
0x272: {  	v3 =	vld [tilespmem:s16+$0x9650]  }
0x273: {  	v4 =	vld [tilespmem:s16+$0x96D0];
	_ =	sdelay $0x1  }
0x274: {  	v5 =	vld [tilespmem:s10+$0x9650];
	_ =	sdelay $0x1  }
0x275: {  	v6 =	vld [tilespmem:s22+$0x9650]  }
0x276: {  	v3 =	vadd.f32 v4, v3  }
0x277: {  	v4 =	vld [tilespmem:s23+$0x9650]  }
0x278: {  	v3 =	vadd.f32 v5, v3  }
0x279: {  	v5 =	vld [tilespmem:s24+$0x9650]  }
0x27a: {  	v3 =	vadd.f32 v6, v3  }
0x27b: {  	v6 =	vld [tilespmem:s25+$0x9650]  }
0x27c: {  	v3 =	vadd.f32 v4, v3  }
0x27d: {  	v4 =	vld [tilespmem:s20+$0x9650]  }
0x27e: {  	v3 =	vadd.f32 v5, v3  }
0x27f: {  	v5 =	vld [tilespmem:s16+$0x9E50]  }
0x280: {  	v3 =	vadd.f32 v6, v3  }
0x281: {  	v6 =	vld [tilespmem:s21+$0x9650]  }
0x282: {  	v3 =	vadd.f32 v4, v3;
	_ =	sdelay $0x1  }
0x283: {  	v3 =	vadd.f32 v5, v3;
	_ =	sdelay $0x1  }
0x284: {  	v3 =	vadd.f32 v6, v3;
	_ =	sdelay $0x1  }
0x285: {  	[tilespmem:s19+$0x50] =	vst v3  }
0x286: {  	v3 =	vld [tilespmem:s16+$0x9660]  }
0x287: {  	v4 =	vld [tilespmem:s16+$0x96E0];
	_ =	sdelay $0x1  }
0x288: {  	v5 =	vld [tilespmem:s10+$0x9660];
	_ =	sdelay $0x1  }
0x289: {  	v6 =	vld [tilespmem:s22+$0x9660]  }
0x28a: {  	v3 =	vadd.f32 v4, v3  }
0x28b: {  	v4 =	vld [tilespmem:s23+$0x9660]  }
0x28c: {  	v3 =	vadd.f32 v5, v3  }
0x28d: {  	v5 =	vld [tilespmem:s24+$0x9660]  }
0x28e: {  	v3 =	vadd.f32 v6, v3  }
0x28f: {  	v6 =	vld [tilespmem:s25+$0x9660]  }
0x290: {  	v3 =	vadd.f32 v4, v3  }
0x291: {  	v4 =	vld [tilespmem:s20+$0x9660]  }
0x292: {  	v3 =	vadd.f32 v5, v3  }
0x293: {  	v5 =	vld [tilespmem:s16+$0x9E60]  }
0x294: {  	v3 =	vadd.f32 v6, v3  }
0x295: {  	v6 =	vld [tilespmem:s21+$0x9660]  }
0x296: {  	v3 =	vadd.f32 v4, v3;
	_ =	sdelay $0x1  }
0x297: {  	v3 =	vadd.f32 v5, v3;
	_ =	sdelay $0x1  }
0x298: {  	v3 =	vadd.f32 v6, v3;
	_ =	sdelay $0x1  }
0x299: {  	[tilespmem:s19+$0x60] =	vst v3  }
0x29a: {  	v5 =	vld [tilespmem:s16+$0x9670]  }
0x29b: {  	v8 =	vld [tilespmem:s16+$0x96F0]  }
0x29c: {  	v7 =	vld [tilespmem:s10+$0x9670]  }
0x29d: {  	v6 =	vld [tilespmem:s22+$0x9670]  }
0x29e: {  	v4 =	vld [tilespmem:s23+$0x9670]  }
0x29f: {  	v3 =	vld [tilespmem:s24+$0x9670]  }
0x2a0: {  	s10 =	sshll.u32 s9, $0xA;
	s23 =	simm.s32 $0xA00;
	s22 =	simm.s32 $0x13600;
	v8 =	vadd.f32 v8, v5;
	v5 =	vld [tilespmem:s25+$0x9670]  }
.LBB2_3:
0x2a1: {  	v9 =	vld [tilespmem:s20+$0x9670];
	s8 =	sadd.s32 $0x100, s8;
	s18 =	sadd.s32 $0x500, s18;
	s19 =	sadd.s32 $0x80, s19  }
0x2a2: {  	p1 =	sne.s32 s23, $0x4600;
	s30 =	smov.u32 s23;
	s23 =	sadd.s32 $0xA00, s23;
	v7 =	vadd.f32 v7, v8;
	v8 =	vld [tilespmem:s16+$0x9E70]  }
0x2a3: {  	v10 =	vld [tilespmem:s21+$0x9670]  }
0x2a4: {  	v6 =	vadd.f32 v6, v7;
	_ =	sdelay $0x1  }
0x2a5: {  	v4 =	vadd.f32 v4, v6;
	_ =	sdelay $0x1  }
0x2a6: {  	v3 =	vadd.f32 v3, v4;
	_ =	sdelay $0x1  }
0x2a7: {  	v3 =	vadd.f32 v5, v3;
	_ =	sdelay $0x1  }
0x2a8: {  	v3 =	vadd.f32 v9, v3;
	_ =	sdelay $0x1  }
0x2a9: {  	v3 =	vadd.f32 v8, v3;
	_ =	sdelay $0x1  }
0x2aa: {  	s16 =	sand.u32 $0x7800, s30;
	s20 =	sand.u32 $0x300, s8;
	v3 =	vadd.f32 v10, v3  }
0x2ab: {  	s16 =	sor.u32 s20, s16  }
0x2ac: {  	s20 =	sadd.s32 $0x200, s30;
	s21 =	sadd.s32 $0xFFFFFC80, s18;
	[tilespmem:s22+$0x70] =	vst v3;
	s22 =	smov.u32 s19  }
0x2ad: {  	s20 =	sand.u32 $0xF800, s20;
	s21 =	sand.u32 $0x300, s21;
	v3 =	vld [tilespmem:s16+$0x9200]  }
0x2ae: {  	s24 =	sor.u32 s21, s20;
	s20 =	sadd.s32 $0x300, s30;
	s21 =	sadd.s32 $0xFFFFFD00, s18;
	v4 =	vld [tilespmem:s16+$0x9280]  }
0x2af: {  	s20 =	sand.u32 $0xF800, s20;
	s21 =	sand.u32 $0x380, s21;
	v5 =	vld [tilespmem:s24+$0x9200]  }
0x2b0: {  	s25 =	sor.u32 s21, s20;
	s20 =	sadd.s32 $0x400, s30;
	s21 =	sadd.s32 $0xFFFFFD80, s18  }
0x2b1: {  	s20 =	sand.u32 $0xF800, s20;
	s21 =	sand.u32 $0x300, s21;
	v6 =	vld [tilespmem:s25+$0x9200]  }
0x2b2: {  	s26 =	sor.u32 s21, s20;
	s20 =	sadd.s32 $0x500, s30;
	s21 =	sadd.s32 $0xFFFFFE00, s18  }
0x2b3: {  	s20 =	sand.u32 $0xF800, s20;
	s21 =	sand.u32 $0x380, s21;
	v3 =	vadd.f32 v4, v3;
	v4 =	vld [tilespmem:s26+$0x9200]  }
0x2b4: {  	s28 =	sor.u32 s21, s20;
	s20 =	sadd.s32 $0x600, s30;
	s21 =	sadd.s32 $0xFFFFFE80, s18  }
0x2b5: {  	s20 =	sand.u32 $0xF800, s20;
	s21 =	sand.u32 $0x300, s21;
	v3 =	vadd.f32 v5, v3;
	v5 =	vld [tilespmem:s28+$0x9200]  }
0x2b6: {  	s29 =	sor.u32 s21, s20;
	s20 =	sadd.s32 $0x700, s30;
	s21 =	sadd.s32 $0xFFFFFF00, s18  }
0x2b7: {  	s20 =	sand.u32 $0xF800, s20;
	s21 =	sand.u32 $0x380, s21;
	v3 =	vadd.f32 v6, v3;
	v6 =	vld [tilespmem:s29+$0x9200]  }
0x2b8: {  	s20 =	sor.u32 s21, s20  }
0x2b9: {  	v3 =	vadd.f32 v4, v3;
	v4 =	vld [tilespmem:s20+$0x9200];
	_ =	sdelay $0x1  }
0x2ba: {  	s21 =	sadd.s32 $0x900, s30;
	v3 =	vadd.f32 v5, v3  }
0x2bb: {  	s30 =	sand.u32 $0x380, s18;
	s21 =	sand.u32 $0xF800, s21;
	v5 =	vld [tilespmem:s16+$0x9A00]  }
0x2bc: {  	s21 =	sor.u32 s30, s21;
	v3 =	vadd.f32 v6, v3  }
0x2bd: {  	v6 =	vld [tilespmem:s21+$0x9200]  }
0x2be: {  	v3 =	vadd.f32 v4, v3;
	_ =	sdelay $0x1  }
0x2bf: {  	v3 =	vadd.f32 v5, v3;
	_ =	sdelay $0x1  }
0x2c0: {  	v3 =	vadd.f32 v6, v3;
	_ =	sdelay $0x1  }
0x2c1: {  	[tilespmem:s19+$0xFFFFFC00] =	vst v3  }
0x2c2: {  	v3 =	vld [tilespmem:s16+$0x9210]  }
0x2c3: {  	v4 =	vld [tilespmem:s16+$0x9290];
	_ =	sdelay $0x1  }
0x2c4: {  	v5 =	vld [tilespmem:s24+$0x9210];
	_ =	sdelay $0x1  }
0x2c5: {  	v6 =	vld [tilespmem:s25+$0x9210]  }
0x2c6: {  	v3 =	vadd.f32 v4, v3  }
0x2c7: {  	v4 =	vld [tilespmem:s26+$0x9210]  }
0x2c8: {  	v3 =	vadd.f32 v5, v3  }
0x2c9: {  	v5 =	vld [tilespmem:s28+$0x9210]  }
0x2ca: {  	v3 =	vadd.f32 v6, v3  }
0x2cb: {  	v6 =	vld [tilespmem:s29+$0x9210]  }
0x2cc: {  	v3 =	vadd.f32 v4, v3  }
0x2cd: {  	v4 =	vld [tilespmem:s20+$0x9210]  }
0x2ce: {  	v3 =	vadd.f32 v5, v3  }
0x2cf: {  	v5 =	vld [tilespmem:s16+$0x9A10]  }
0x2d0: {  	v3 =	vadd.f32 v6, v3  }
0x2d1: {  	v6 =	vld [tilespmem:s21+$0x9210]  }
0x2d2: {  	v3 =	vadd.f32 v4, v3;
	_ =	sdelay $0x1  }
0x2d3: {  	v3 =	vadd.f32 v5, v3;
	_ =	sdelay $0x1  }
0x2d4: {  	v3 =	vadd.f32 v6, v3;
	_ =	sdelay $0x1  }
0x2d5: {  	[tilespmem:s19+$0xFFFFFC10] =	vst v3  }
0x2d6: {  	v3 =	vld [tilespmem:s16+$0x9220]  }
0x2d7: {  	v4 =	vld [tilespmem:s16+$0x92A0];
	_ =	sdelay $0x1  }
0x2d8: {  	v5 =	vld [tilespmem:s24+$0x9220];
	_ =	sdelay $0x1  }
0x2d9: {  	v6 =	vld [tilespmem:s25+$0x9220]  }
0x2da: {  	v3 =	vadd.f32 v4, v3  }
0x2db: {  	v4 =	vld [tilespmem:s26+$0x9220]  }
0x2dc: {  	v3 =	vadd.f32 v5, v3  }
0x2dd: {  	v5 =	vld [tilespmem:s28+$0x9220]  }
0x2de: {  	v3 =	vadd.f32 v6, v3  }
0x2df: {  	v6 =	vld [tilespmem:s29+$0x9220]  }
0x2e0: {  	v3 =	vadd.f32 v4, v3  }
0x2e1: {  	v4 =	vld [tilespmem:s20+$0x9220]  }
0x2e2: {  	v3 =	vadd.f32 v5, v3  }
0x2e3: {  	v5 =	vld [tilespmem:s16+$0x9A20]  }
0x2e4: {  	v3 =	vadd.f32 v6, v3  }
0x2e5: {  	v6 =	vld [tilespmem:s21+$0x9220]  }
0x2e6: {  	v3 =	vadd.f32 v4, v3;
	_ =	sdelay $0x1  }
0x2e7: {  	v3 =	vadd.f32 v5, v3;
	_ =	sdelay $0x1  }
0x2e8: {  	v3 =	vadd.f32 v6, v3;
	_ =	sdelay $0x1  }
0x2e9: {  	[tilespmem:s19+$0xFFFFFC20] =	vst v3  }
0x2ea: {  	v3 =	vld [tilespmem:s16+$0x9230]  }
0x2eb: {  	v4 =	vld [tilespmem:s16+$0x92B0];
	_ =	sdelay $0x1  }
0x2ec: {  	v5 =	vld [tilespmem:s24+$0x9230];
	_ =	sdelay $0x1  }
0x2ed: {  	v6 =	vld [tilespmem:s25+$0x9230]  }
0x2ee: {  	v3 =	vadd.f32 v4, v3  }
0x2ef: {  	v4 =	vld [tilespmem:s26+$0x9230]  }
0x2f0: {  	v3 =	vadd.f32 v5, v3  }
0x2f1: {  	v5 =	vld [tilespmem:s28+$0x9230]  }
0x2f2: {  	v3 =	vadd.f32 v6, v3  }
0x2f3: {  	v6 =	vld [tilespmem:s29+$0x9230]  }
0x2f4: {  	v3 =	vadd.f32 v4, v3  }
0x2f5: {  	v4 =	vld [tilespmem:s20+$0x9230]  }
0x2f6: {  	v3 =	vadd.f32 v5, v3  }
0x2f7: {  	v5 =	vld [tilespmem:s16+$0x9A30]  }
0x2f8: {  	v3 =	vadd.f32 v6, v3  }
0x2f9: {  	v6 =	vld [tilespmem:s21+$0x9230]  }
0x2fa: {  	v3 =	vadd.f32 v4, v3;
	_ =	sdelay $0x1  }
0x2fb: {  	v3 =	vadd.f32 v5, v3;
	_ =	sdelay $0x1  }
0x2fc: {  	v3 =	vadd.f32 v6, v3;
	_ =	sdelay $0x1  }
0x2fd: {  	[tilespmem:s19+$0xFFFFFC30] =	vst v3  }
0x2fe: {  	v3 =	vld [tilespmem:s16+$0x9240]  }
0x2ff: {  	v4 =	vld [tilespmem:s16+$0x92C0];
	_ =	sdelay $0x1  }
0x300: {  	v5 =	vld [tilespmem:s24+$0x9240];
	_ =	sdelay $0x1  }
0x301: {  	v6 =	vld [tilespmem:s25+$0x9240]  }
0x302: {  	v3 =	vadd.f32 v4, v3  }
0x303: {  	v4 =	vld [tilespmem:s26+$0x9240]  }
0x304: {  	v3 =	vadd.f32 v5, v3  }
0x305: {  	v5 =	vld [tilespmem:s28+$0x9240]  }
0x306: {  	v3 =	vadd.f32 v6, v3  }
0x307: {  	v6 =	vld [tilespmem:s29+$0x9240]  }
0x308: {  	v3 =	vadd.f32 v4, v3  }
0x309: {  	v4 =	vld [tilespmem:s20+$0x9240]  }
0x30a: {  	v3 =	vadd.f32 v5, v3  }
0x30b: {  	v5 =	vld [tilespmem:s16+$0x9A40]  }
0x30c: {  	v3 =	vadd.f32 v6, v3  }
0x30d: {  	v6 =	vld [tilespmem:s21+$0x9240]  }
0x30e: {  	v3 =	vadd.f32 v4, v3;
	_ =	sdelay $0x1  }
0x30f: {  	v3 =	vadd.f32 v5, v3;
	_ =	sdelay $0x1  }
0x310: {  	v3 =	vadd.f32 v6, v3;
	_ =	sdelay $0x1  }
0x311: {  	[tilespmem:s19+$0xFFFFFC40] =	vst v3  }
0x312: {  	v3 =	vld [tilespmem:s16+$0x9250]  }
0x313: {  	v4 =	vld [tilespmem:s16+$0x92D0]  }
0x314: {  	v5 =	vld [tilespmem:s24+$0x9250]  }
0x315: {  	v6 =	vld [tilespmem:s26+$0x9250]  }
0x316: {  	v7 =	vld [tilespmem:s25+$0x9250];
	_ =	sdelay $0x1  }
0x317: {  	v3 =	vadd.f32 v4, v3;
	_ =	sdelay $0x1  }
0x318: {  	v3 =	vadd.f32 v5, v3  }
0x319: {  	v4 =	vld [tilespmem:s28+$0x9250]  }
0x31a: {  	v3 =	vadd.f32 v7, v3  }
0x31b: {  	v5 =	vld [tilespmem:s29+$0x9250]  }
0x31c: {  	v3 =	vadd.f32 v6, v3  }
0x31d: {  	v6 =	vld [tilespmem:s20+$0x9250]  }
0x31e: {  	v3 =	vadd.f32 v4, v3  }
0x31f: {  	v4 =	vld [tilespmem:s16+$0x9A50]  }
0x320: {  	v3 =	vadd.f32 v5, v3  }
0x321: {  	v5 =	vld [tilespmem:s21+$0x9250]  }
0x322: {  	v3 =	vadd.f32 v6, v3;
	_ =	sdelay $0x1  }
0x323: {  	v3 =	vadd.f32 v4, v3;
	_ =	sdelay $0x1  }
0x324: {  	v3 =	vadd.f32 v5, v3;
	_ =	sdelay $0x1  }
0x325: {  	[tilespmem:s19+$0xFFFFFC50] =	vst v3  }
0x326: {  	v3 =	vld [tilespmem:s16+$0x9260]  }
0x327: {  	v4 =	vld [tilespmem:s16+$0x92E0]  }
0x328: {  	v5 =	vld [tilespmem:s24+$0x9260];
	_ =	sdelay $0x2  }
0x329: {  	v6 =	vld [tilespmem:s25+$0x9260]  }
0x32a: {  	v3 =	vadd.f32 v4, v3  }
0x32b: {  	v4 =	vld [tilespmem:s26+$0x9260]  }
0x32c: {  	v3 =	vadd.f32 v5, v3  }
0x32d: {  	v5 =	vld [tilespmem:s28+$0x9260]  }
0x32e: {  	v3 =	vadd.f32 v6, v3  }
0x32f: {  	v6 =	vld [tilespmem:s29+$0x9260]  }
0x330: {  	v3 =	vadd.f32 v4, v3  }
0x331: {  	v4 =	vld [tilespmem:s20+$0x9260]  }
0x332: {  	v3 =	vadd.f32 v5, v3  }
0x333: {  	v5 =	vld [tilespmem:s16+$0x9A60]  }
0x334: {  	v3 =	vadd.f32 v6, v3  }
0x335: {  	v6 =	vld [tilespmem:s21+$0x9260]  }
0x336: {  	v3 =	vadd.f32 v4, v3;
	_ =	sdelay $0x1  }
0x337: {  	v3 =	vadd.f32 v5, v3;
	_ =	sdelay $0x1  }
0x338: {  	v3 =	vadd.f32 v6, v3;
	_ =	sdelay $0x1  }
0x339: {  	[tilespmem:s19+$0xFFFFFC60] =	vst v3  }
0x33a: {  	v3 =	vld [tilespmem:s16+$0x9270]  }
0x33b: {  	v4 =	vld [tilespmem:s16+$0x92F0]  }
0x33c: {  	v5 =	vld [tilespmem:s25+$0x9270]  }
0x33d: {  	v6 =	vld [tilespmem:s24+$0x9270];
	_ =	sdelay $0x2  }
0x33e: {  	v3 =	vadd.f32 v4, v3  }
0x33f: {  	v4 =	vld [tilespmem:s26+$0x9270]  }
0x340: {  	v3 =	vadd.f32 v6, v3  }
0x341: {  	v6 =	vld [tilespmem:s28+$0x9270]  }
0x342: {  	v3 =	vadd.f32 v5, v3  }
0x343: {  	v5 =	vld [tilespmem:s29+$0x9270]  }
0x344: {  	v3 =	vadd.f32 v4, v3  }
0x345: {  	v4 =	vld [tilespmem:s20+$0x9270]  }
0x346: {  	v3 =	vadd.f32 v6, v3  }
0x347: {  	v6 =	vld [tilespmem:s16+$0x9A70]  }
0x348: {  	v3 =	vadd.f32 v5, v3  }
0x349: {  	v5 =	vld [tilespmem:s21+$0x9270]  }
0x34a: {  	v3 =	vadd.f32 v4, v3;
	_ =	sdelay $0x1  }
0x34b: {  	v3 =	vadd.f32 v6, v3;
	_ =	sdelay $0x1  }
0x34c: {  	v3 =	vadd.f32 v5, v3;
	_ =	sdelay $0x1  }
0x34d: {  	[tilespmem:s19+$0xFFFFFC70] =	vst v3  }
0x34e: {  	v3 =	vld [tilespmem:s16+$0x9600]  }
0x34f: {  	v4 =	vld [tilespmem:s16+$0x9680]  }
0x350: {  	v5 =	vld [tilespmem:s24+$0x9600];
	_ =	sdelay $0x2  }
0x351: {  	v6 =	vld [tilespmem:s25+$0x9600]  }
0x352: {  	v3 =	vadd.f32 v4, v3  }
0x353: {  	v4 =	vld [tilespmem:s26+$0x9600]  }
0x354: {  	v3 =	vadd.f32 v5, v3  }
0x355: {  	v5 =	vld [tilespmem:s28+$0x9600]  }
0x356: {  	v3 =	vadd.f32 v6, v3  }
0x357: {  	v6 =	vld [tilespmem:s29+$0x9600]  }
0x358: {  	v3 =	vadd.f32 v4, v3  }
0x359: {  	v4 =	vld [tilespmem:s20+$0x9600]  }
0x35a: {  	v3 =	vadd.f32 v5, v3  }
0x35b: {  	v5 =	vld [tilespmem:s16+$0x9E00]  }
0x35c: {  	v3 =	vadd.f32 v6, v3  }
0x35d: {  	v6 =	vld [tilespmem:s21+$0x9600]  }
0x35e: {  	v3 =	vadd.f32 v4, v3;
	_ =	sdelay $0x1  }
0x35f: {  	v3 =	vadd.f32 v5, v3;
	_ =	sdelay $0x1  }
0x360: {  	v3 =	vadd.f32 v6, v3;
	_ =	sdelay $0x1  }
0x361: {  	[tilespmem:s19+$0x0] =	vst v3  }
0x362: {  	v3 =	vld [tilespmem:s16+$0x9610]  }
0x363: {  	v4 =	vld [tilespmem:s16+$0x9690]  }
0x364: {  	v5 =	vld [tilespmem:s25+$0x9610]  }
0x365: {  	v6 =	vld [tilespmem:s24+$0x9610]  }
0x366: {  	v7 =	vld [tilespmem:s26+$0x9610]  }
0x367: {  	v8 =	vld [tilespmem:s28+$0x9610]  }
0x368: {  	v3 =	vadd.f32 v4, v3;
	v4 =	vld [tilespmem:s29+$0x9610]  }
0x369: {  	v9 =	vld [tilespmem:s20+$0x9610]  }
0x36a: {  	v3 =	vadd.f32 v6, v3;
	v6 =	vld [tilespmem:s16+$0x9E10]  }
0x36b: {  	v10 =	vld [tilespmem:s21+$0x9610]  }
0x36c: {  	v3 =	vadd.f32 v5, v3;
	_ =	sdelay $0x1  }
0x36d: {  	v3 =	vadd.f32 v7, v3;
	_ =	sdelay $0x1  }
0x36e: {  	v3 =	vadd.f32 v8, v3;
	_ =	sdelay $0x1  }
0x36f: {  	v3 =	vadd.f32 v4, v3;
	_ =	sdelay $0x1  }
0x370: {  	v3 =	vadd.f32 v9, v3;
	_ =	sdelay $0x1  }
0x371: {  	v3 =	vadd.f32 v6, v3;
	_ =	sdelay $0x1  }
0x372: {  	v3 =	vadd.f32 v10, v3;
	_ =	sdelay $0x1  }
0x373: {  	[tilespmem:s19+$0x10] =	vst v3  }
0x374: {  	v3 =	vld [tilespmem:s16+$0x9620]  }
0x375: {  	v4 =	vld [tilespmem:s16+$0x96A0]  }
0x376: {  	v5 =	vld [tilespmem:s25+$0x9620]  }
0x377: {  	v6 =	vld [tilespmem:s24+$0x9620]  }
0x378: {  	v7 =	vld [tilespmem:s26+$0x9620]  }
0x379: {  	v8 =	vld [tilespmem:s28+$0x9620]  }
0x37a: {  	v3 =	vadd.f32 v4, v3;
	v4 =	vld [tilespmem:s29+$0x9620]  }
0x37b: {  	v9 =	vld [tilespmem:s20+$0x9620]  }
0x37c: {  	v3 =	vadd.f32 v6, v3;
	v6 =	vld [tilespmem:s16+$0x9E20]  }
0x37d: {  	v10 =	vld [tilespmem:s21+$0x9620]  }
0x37e: {  	v3 =	vadd.f32 v5, v3;
	_ =	sdelay $0x1  }
0x37f: {  	v3 =	vadd.f32 v7, v3;
	_ =	sdelay $0x1  }
0x380: {  	v3 =	vadd.f32 v8, v3;
	_ =	sdelay $0x1  }
0x381: {  	v3 =	vadd.f32 v4, v3;
	_ =	sdelay $0x1  }
0x382: {  	v3 =	vadd.f32 v9, v3;
	_ =	sdelay $0x1  }
0x383: {  	v3 =	vadd.f32 v6, v3;
	_ =	sdelay $0x1  }
0x384: {  	v3 =	vadd.f32 v10, v3;
	_ =	sdelay $0x1  }
0x385: {  	[tilespmem:s19+$0x20] =	vst v3  }
0x386: {  	v3 =	vld [tilespmem:s16+$0x9630]  }
0x387: {  	v4 =	vld [tilespmem:s16+$0x96B0]  }
0x388: {  	v5 =	vld [tilespmem:s24+$0x9630]  }
0x389: {  	v6 =	vld [tilespmem:s25+$0x9630]  }
0x38a: {  	v7 =	vld [tilespmem:s26+$0x9630]  }
0x38b: {  	v8 =	vld [tilespmem:s28+$0x9630]  }
0x38c: {  	v3 =	vadd.f32 v4, v3;
	v4 =	vld [tilespmem:s29+$0x9630]  }
0x38d: {  	v9 =	vld [tilespmem:s20+$0x9630]  }
0x38e: {  	v3 =	vadd.f32 v5, v3;
	v5 =	vld [tilespmem:s16+$0x9E30]  }
0x38f: {  	v10 =	vld [tilespmem:s21+$0x9630]  }
0x390: {  	v3 =	vadd.f32 v6, v3;
	_ =	sdelay $0x1  }
0x391: {  	v3 =	vadd.f32 v7, v3;
	_ =	sdelay $0x1  }
0x392: {  	v3 =	vadd.f32 v8, v3;
	_ =	sdelay $0x1  }
0x393: {  	v3 =	vadd.f32 v4, v3;
	_ =	sdelay $0x1  }
0x394: {  	v3 =	vadd.f32 v9, v3;
	_ =	sdelay $0x1  }
0x395: {  	v3 =	vadd.f32 v5, v3;
	_ =	sdelay $0x1  }
0x396: {  	v3 =	vadd.f32 v10, v3;
	_ =	sdelay $0x1  }
0x397: {  	[tilespmem:s19+$0x30] =	vst v3  }
0x398: {  	v3 =	vld [tilespmem:s16+$0x9640]  }
0x399: {  	v4 =	vld [tilespmem:s16+$0x96C0]  }
0x39a: {  	v5 =	vld [tilespmem:s24+$0x9640]  }
0x39b: {  	v6 =	vld [tilespmem:s25+$0x9640]  }
0x39c: {  	v7 =	vld [tilespmem:s26+$0x9640]  }
0x39d: {  	v8 =	vld [tilespmem:s28+$0x9640]  }
0x39e: {  	v3 =	vadd.f32 v4, v3;
	v4 =	vld [tilespmem:s29+$0x9640]  }
0x39f: {  	v9 =	vld [tilespmem:s20+$0x9640]  }
0x3a0: {  	v3 =	vadd.f32 v5, v3;
	v5 =	vld [tilespmem:s16+$0x9E40]  }
0x3a1: {  	v10 =	vld [tilespmem:s21+$0x9640]  }
0x3a2: {  	v3 =	vadd.f32 v6, v3;
	_ =	sdelay $0x1  }
0x3a3: {  	v3 =	vadd.f32 v7, v3;
	_ =	sdelay $0x1  }
0x3a4: {  	v3 =	vadd.f32 v8, v3;
	_ =	sdelay $0x1  }
0x3a5: {  	v3 =	vadd.f32 v4, v3;
	_ =	sdelay $0x1  }
0x3a6: {  	v3 =	vadd.f32 v9, v3;
	_ =	sdelay $0x1  }
0x3a7: {  	v3 =	vadd.f32 v5, v3;
	_ =	sdelay $0x1  }
0x3a8: {  	v3 =	vadd.f32 v10, v3;
	_ =	sdelay $0x1  }
0x3a9: {  	[tilespmem:s19+$0x40] =	vst v3  }
0x3aa: {  	v3 =	vld [tilespmem:s16+$0x9650]  }
0x3ab: {  	v4 =	vld [tilespmem:s16+$0x96D0]  }
0x3ac: {  	v5 =	vld [tilespmem:s24+$0x9650]  }
0x3ad: {  	v6 =	vld [tilespmem:s25+$0x9650]  }
0x3ae: {  	v7 =	vld [tilespmem:s26+$0x9650]  }
0x3af: {  	v8 =	vld [tilespmem:s28+$0x9650]  }
0x3b0: {  	v3 =	vadd.f32 v4, v3;
	v4 =	vld [tilespmem:s29+$0x9650]  }
0x3b1: {  	v9 =	vld [tilespmem:s20+$0x9650]  }
0x3b2: {  	v3 =	vadd.f32 v5, v3;
	v5 =	vld [tilespmem:s16+$0x9E50]  }
0x3b3: {  	v10 =	vld [tilespmem:s21+$0x9650]  }
0x3b4: {  	v3 =	vadd.f32 v6, v3;
	_ =	sdelay $0x1  }
0x3b5: {  	v3 =	vadd.f32 v7, v3;
	_ =	sdelay $0x1  }
0x3b6: {  	v3 =	vadd.f32 v8, v3;
	_ =	sdelay $0x1  }
0x3b7: {  	v3 =	vadd.f32 v4, v3;
	_ =	sdelay $0x1  }
0x3b8: {  	v3 =	vadd.f32 v9, v3;
	_ =	sdelay $0x1  }
0x3b9: {  	v3 =	vadd.f32 v5, v3;
	_ =	sdelay $0x1  }
0x3ba: {  	v3 =	vadd.f32 v10, v3;
	_ =	sdelay $0x1  }
0x3bb: {  	[tilespmem:s19+$0x50] =	vst v3  }
0x3bc: {  	v3 =	vld [tilespmem:s16+$0x9660]  }
0x3bd: {  	v4 =	vld [tilespmem:s16+$0x96E0]  }
0x3be: {  	v5 =	vld [tilespmem:s24+$0x9660]  }
0x3bf: {  	v6 =	vld [tilespmem:s25+$0x9660]  }
0x3c0: {  	v7 =	vld [tilespmem:s26+$0x9660]  }
0x3c1: {  	v8 =	vld [tilespmem:s28+$0x9660]  }
0x3c2: {  	v3 =	vadd.f32 v4, v3;
	v4 =	vld [tilespmem:s29+$0x9660]  }
0x3c3: {  	v9 =	vld [tilespmem:s20+$0x9660]  }
0x3c4: {  	v3 =	vadd.f32 v5, v3;
	v5 =	vld [tilespmem:s16+$0x9E60]  }
0x3c5: {  	v10 =	vld [tilespmem:s21+$0x9660]  }
0x3c6: {  	v3 =	vadd.f32 v6, v3;
	_ =	sdelay $0x1  }
0x3c7: {  	v3 =	vadd.f32 v7, v3;
	_ =	sdelay $0x1  }
0x3c8: {  	v3 =	vadd.f32 v8, v3;
	_ =	sdelay $0x1  }
0x3c9: {  	v3 =	vadd.f32 v4, v3;
	_ =	sdelay $0x1  }
0x3ca: {  	v3 =	vadd.f32 v9, v3;
	_ =	sdelay $0x1  }
0x3cb: {  	v3 =	vadd.f32 v5, v3;
	_ =	sdelay $0x1  }
0x3cc: {  	v3 =	vadd.f32 v10, v3;
	_ =	sdelay $0x1  }
0x3cd: {  	[tilespmem:s19+$0x60] =	vst v3  }
0x3ce: {  	v5 =	vld [tilespmem:s16+$0x9670]  }
0x3cf: {  	v8 =	vld [tilespmem:s16+$0x96F0]  }
.Ltmp4:
0x3d0: {  	v7 =	vld [tilespmem:s24+$0x9670];
	(pc) =	sbr.rel @p1 .LBB2_3-.Ltmp4, $4  }
0x3d1: {  	v6 =	vld [tilespmem:s25+$0x9670]  }
0x3d2: {  	v4 =	vld [tilespmem:s26+$0x9670]  }
0x3d3: {  	v3 =	vld [tilespmem:s28+$0x9670]  }
0x3d4: {  	v8 =	vadd.f32 v8, v5;
	v5 =	vld [tilespmem:s29+$0x9670]  }
0x3d5: {  	_ = 	snop  }
0x3d6: {  	v7 =	vadd.f32 v7, v8;
	_ =	sdelay $0x1  }
0x3d7: {  	v6 =	vadd.f32 v6, v7;
	_ =	sdelay $0x1  }
0x3d8: {  	v4 =	vadd.f32 v4, v6  }
0x3d9: {  	v61 =	vld [tilespmem:s20+$0x9670]  }
0x3da: {  	v3 =	vadd.f32 v3, v4  }
0x3db: {  	v62 =	vld [tilespmem:s16+$0x9E70]  }
0x3dc: {  	v3 =	vadd.f32 v5, v3  }
0x3dd: {  	v63 =	vld [tilespmem:s21+$0x9670]  }
0x3de: {  	v3 =	vadd.f32 v61, v3  }
0x3df: {  	p1 =	seq.s32 s9, $0xF  }
.Ltmp5:
0x3e0: {  	v3 =	vadd.f32 v62, v3;
	(pc) =	sbr.rel @p1 .LBB2_6-.Ltmp5, $3  }
0x3e1: {  	_ = 	snop  }
0x3e2: {  	v3 =	vadd.f32 v63, v3;
	_ =	sdelay $0x1  }
0x3e3: {  	[tilespmem:s22+$0x70] =	vst v3  }
0x3e4: {  	s8 =	sshrl.u32 s10, $0x2  }
0x3e5: {  	v3 =	vld [tilespmem:s8+$0x300];
	_ =	sdelay $0x4  }
0x3e6: {  	v4 =	vshll.u32 v3, $0x1  }
0x3e7: {  	v3 =	vand.u32 $0x7, v3;
	v4 =	vand.u32 $0xFFFFFFF0, v4  }
0x3e8: {  	v3 =	vor.u32 v3, v4  }
0x3e9: {  	v4 =	vperm.xlane v3, v0;
	_ =	sdelay $0x1  }
0x3ea: {  	v3 =	vperm.xlane v3, v2;
	v4 =	vadd.s32 v1, v4;
	_ =	sdelay $0x1  }
0x3eb: {  	v3 =	vadd.s32 v1, v3;
	_ =	sdelay $0x1  }
0x3ec: {  	s16 =	simm.s32 $0x9200  }
0x3ed: {  	[tilespmem:s16], [sflag:$0x4] =	stream.indirect_vreg.gather [hbm4b:s3+s4], $0x80, v4, vm0, $0xb8;
	[tilespmem:$0x14200] =	vst v63  }
0x3ee: {  	s22 =	simm.s32 $0x9A00  }
0x3ef: {  	[tilespmem:s22], [sflag:$0x4] =	stream.indirect_vreg.gather [hbm4b:s3+s4], $0x80, v3, vm0, $0xb8;
	[tilespmem:$0x14200] =	vst v63  }
0x3f0: {  	v3 =	vld [tilespmem:s8+$0x310];
	_ =	sdelay $0x4  }
0x3f1: {  	v60 =	vshll.u32 v3, $0x1  }
0x3f2: {  	v3 =	vand.u32 $0x7, v3;
	v4 =	vand.u32 $0xFFFFFFF0, v60  }
0x3f3: {  	v3 =	vor.u32 v3, v4  }
0x3f4: {  	v4 =	vperm.xlane v3, v0;
	_ =	sdelay $0x1  }
0x3f5: {  	v3 =	vperm.xlane v3, v2;
	v4 =	vadd.s32 v1, v4;
	_ =	sdelay $0x1  }
0x3f6: {  	v3 =	vadd.s32 v1, v3;
	_ =	sdelay $0x1  }
0x3f7: {  	s23 =	simm.s32 $0xA200  }
0x3f8: {  	[tilespmem:s23], [sflag:$0x4] =	stream.indirect_vreg.gather [hbm4b:s3+s4], $0x80, v4, vm0, $0xb8;
	[tilespmem:$0x14200] =	vst v63  }
0x3f9: {  	s24 =	simm.s32 $0xAA00  }
0x3fa: {  	[tilespmem:s24], [sflag:$0x4] =	stream.indirect_vreg.gather [hbm4b:s3+s4], $0x80, v3, vm0, $0xb8;
	[tilespmem:$0x14200] =	vst v63  }
0x3fb: {  	v3 =	vld [tilespmem:s8+$0x320];
	_ =	sdelay $0x4  }
0x3fc: {  	v61 =	vshll.u32 v3, $0x1  }
0x3fd: {  	v3 =	vand.u32 $0x7, v3;
	v4 =	vand.u32 $0xFFFFFFF0, v61  }
0x3fe: {  	v3 =	vor.u32 v3, v4  }
0x3ff: {  	v4 =	vperm.xlane v3, v0;
	_ =	sdelay $0x1  }
0x400: {  	v3 =	vperm.xlane v3, v2;
	v4 =	vadd.s32 v1, v4;
	_ =	sdelay $0x1  }
0x401: {  	v3 =	vadd.s32 v1, v3;
	_ =	sdelay $0x1  }
0x402: {  	s25 =	simm.s32 $0xB200  }
0x403: {  	[tilespmem:s25], [sflag:$0x4] =	stream.indirect_vreg.gather [hbm4b:s3+s4], $0x80, v4, vm0, $0xb8;
	[tilespmem:$0x14200] =	vst v63  }
0x404: {  	s26 =	simm.s32 $0xBA00  }
0x405: {  	[tilespmem:s26], [sflag:$0x4] =	stream.indirect_vreg.gather [hbm4b:s3+s4], $0x80, v3, vm0, $0xb8;
	[tilespmem:$0x14200] =	vst v63  }
0x406: {  	v3 =	vld [tilespmem:s8+$0x330];
	_ =	sdelay $0x4  }
0x407: {  	v62 =	vshll.u32 v3, $0x1  }
0x408: {  	v3 =	vand.u32 $0x7, v3;
	v4 =	vand.u32 $0xFFFFFFF0, v62  }
0x409: {  	v3 =	vor.u32 v3, v4  }
0x40a: {  	v4 =	vperm.xlane v3, v0;
	_ =	sdelay $0x1  }
0x40b: {  	v3 =	vperm.xlane v3, v2;
	v4 =	vadd.s32 v1, v4;
	_ =	sdelay $0x1  }
0x40c: {  	v3 =	vadd.s32 v1, v3;
	_ =	sdelay $0x1  }
0x40d: {  	s28 =	simm.s32 $0xC200  }
0x40e: {  	[tilespmem:s28], [sflag:$0x4] =	stream.indirect_vreg.gather [hbm4b:s3+s4], $0x80, v4, vm0, $0xb8;
	[tilespmem:$0x14200] =	vst v63  }
0x40f: {  	s29 =	simm.s32 $0xCA00  }
0x410: {  	[tilespmem:s29], [sflag:$0x4] =	stream.indirect_vreg.gather [hbm4b:s3+s4], $0x80, v3, vm0, $0xb8;
	[tilespmem:$0x14200] =	vst v63  }
0x411: {  	v3 =	vld [tilespmem:s8+$0x340];
	_ =	sdelay $0x4  }
0x412: {  	v63 =	vshll.u32 v3, $0x1  }
0x413: {  	v3 =	vand.u32 $0x7, v3;
	v4 =	vand.u32 $0xFFFFFFF0, v63  }
0x414: {  	v3 =	vor.u32 v3, v4  }
0x415: {  	v4 =	vperm.xlane v3, v0;
	_ =	sdelay $0x1  }
0x416: {  	v3 =	vperm.xlane v3, v2;
	v4 =	vadd.s32 v1, v4;
	_ =	sdelay $0x1  }
0x417: {  	v3 =	vadd.s32 v1, v3;
	_ =	sdelay $0x1  }
0x418: {  	s30 =	simm.s32 $0xD200  }
0x419: {  	[tilespmem:s30], [sflag:$0x4] =	stream.indirect_vreg.gather [hbm4b:s3+s4], $0x80, v4, vm0, $0xb8;
	[tilespmem:$0x14200] =	vst v63  }
0x41a: {  	s31 =	simm.s32 $0xDA00  }
0x41b: {  	[tilespmem:s31], [sflag:$0x4] =	stream.indirect_vreg.gather [hbm4b:s3+s4], $0x80, v3, vm0, $0xb8;
	[tilespmem:$0x14200] =	vst v63  }
.LBB2_6:
0x41c: {  	s8 =	sshll.u32 s9, $0x9  }
0x41d: {  	s8 =	sadd.s32 s8, s11  }
0x41e: {  	[hbm4b:s8+s4] =	stream.linear.scatter [tilespmem:s7], [sflag:$0x6], $0x800, $0x38;
	[tilespmem:$0x14200] =	vst v63  }
0x41f: {  	_ =	swait.ge [sflag:s14], $0x5000  }
0x420: {  	[sflag:s14] =	ssyncset.done $0x0  }
0x421: {  	s18 =	simm.s32 @!p0 $0x7;
	[sflag:s14] =	ssyncadd.s32 $0xFFFFB000  }
0x422: {  	s16 =	simm.s32 $0x0;
	_ =	swait.ge @!p0 [sflag:s18], $0x800  }
0x423: {  	s19 =	sand.u32 $0x7800, s16;
	s20 =	sand.u32 $0x300, s16;
	[sflag:s18] =	ssyncset.done @!p0 $0x0  }
0x424: {  	[sflag:s18] =	ssyncadd.s32 @!p0 $0xFFFFF800;
	s18 =	sor.u32 s20, s19  }
0x425: {  	s25 =	simm.s32 $0x200;
	s26 =	simm.s32 $0x100;
	v3 =	vld [tilespmem:s18+$0xE200]  }
0x426: {  	s19 =	sand.u32 $0xF800, s25;
	s20 =	sand.u32 $0x300, s26;
	v4 =	vld [tilespmem:s18+$0xE280]  }
0x427: {  	s28 =	simm.s32 $0x300;
	s29 =	simm.s32 $0x180;
	s23 =	sor.u32 s20, s19  }
0x428: {  	s19 =	sand.u32 $0xF800, s28;
	s20 =	sand.u32 $0x380, s29;
	v5 =	vld [tilespmem:s23+$0xE200]  }
0x429: {  	s30 =	simm.s32 $0x400;
	s31 =	simm.s32 $0x200;
	s24 =	sor.u32 s20, s19  }
0x42a: {  	s19 =	sand.u32 $0xF800, s30;
	s20 =	sand.u32 $0x300, s31;
	v6 =	vld [tilespmem:s24+$0xE200]  }
0x42b: {  	s21 =	simm.s32 $0x280;
	s25 =	sor.u32 s20, s19;
	s20 =	simm.s32 $0x500;
	v3 =	vadd.f32 v4, v3  }
0x42c: {  	s19 =	sand.u32 $0xF800, s20;
	s20 =	sand.u32 $0x380, s21;
	v4 =	vld [tilespmem:s25+$0xE200]  }
0x42d: {  	s22 =	simm.s32 $0x600;
	s28 =	simm.s32 $0x300;
	s26 =	sor.u32 s20, s19;
	v3 =	vadd.f32 v5, v3  }
0x42e: {  	s19 =	sand.u32 $0xF800, s22;
	s20 =	sand.u32 $0x300, s28;
	v5 =	vld [tilespmem:s26+$0xE200]  }
0x42f: {  	s29 =	simm.s32 $0x700;
	s30 =	simm.s32 $0x380;
	s28 =	sor.u32 s20, s19;
	v3 =	vadd.f32 v6, v3  }
0x430: {  	s19 =	sand.u32 $0xF800, s29;
	s20 =	sand.u32 $0x380, s30;
	v6 =	vld [tilespmem:s28+$0xE200]  }
0x431: {  	s21 =	sor.u32 s20, s19;
	v3 =	vadd.f32 v4, v3  }
0x432: {  	v4 =	vld [tilespmem:s21+$0xE200]  }
0x433: {  	s31 =	simm.s32 $0x900;
	s19 =	simm.s32 $0x480;
	v3 =	vadd.f32 v5, v3  }
0x434: {  	s20 =	sand.u32 $0xF800, s31;
	s22 =	sand.u32 $0x380, s19;
	v5 =	vld [tilespmem:s18+$0xEA00]  }
0x435: {  	s22 =	sor.u32 s22, s20;
	v3 =	vadd.f32 v6, v3  }
0x436: {  	v6 =	vld [tilespmem:s22+$0xE200]  }
0x437: {  	v3 =	vadd.f32 v4, v3;
	_ =	sdelay $0x1  }
0x438: {  	v3 =	vadd.f32 v5, v3;
	_ =	sdelay $0x1  }
0x439: {  	v3 =	vadd.f32 v6, v3  }
0x43a: {  	s20 =	simm.s32 $0x13E00  }
0x43b: {  	[tilespmem:s20+$0xFFFFFC00] =	vst v3  }
0x43c: {  	v3 =	vld [tilespmem:s18+$0xE210]  }
0x43d: {  	v4 =	vld [tilespmem:s18+$0xE290];
	_ =	sdelay $0x1  }
0x43e: {  	v5 =	vld [tilespmem:s23+$0xE210];
	_ =	sdelay $0x1  }
0x43f: {  	v6 =	vld [tilespmem:s24+$0xE210]  }
0x440: {  	v3 =	vadd.f32 v4, v3  }
0x441: {  	v4 =	vld [tilespmem:s25+$0xE210]  }
0x442: {  	v3 =	vadd.f32 v5, v3  }
0x443: {  	v5 =	vld [tilespmem:s26+$0xE210]  }
0x444: {  	v3 =	vadd.f32 v6, v3  }
0x445: {  	v6 =	vld [tilespmem:s28+$0xE210]  }
0x446: {  	v3 =	vadd.f32 v4, v3  }
0x447: {  	v4 =	vld [tilespmem:s21+$0xE210]  }
0x448: {  	v3 =	vadd.f32 v5, v3  }
0x449: {  	v5 =	vld [tilespmem:s18+$0xEA10]  }
0x44a: {  	v3 =	vadd.f32 v6, v3  }
0x44b: {  	v6 =	vld [tilespmem:s22+$0xE210]  }
0x44c: {  	v3 =	vadd.f32 v4, v3;
	_ =	sdelay $0x1  }
0x44d: {  	v3 =	vadd.f32 v5, v3;
	_ =	sdelay $0x1  }
0x44e: {  	v3 =	vadd.f32 v6, v3;
	_ =	sdelay $0x1  }
0x44f: {  	[tilespmem:s20+$0xFFFFFC10] =	vst v3  }
0x450: {  	v3 =	vld [tilespmem:s18+$0xE220]  }
0x451: {  	v4 =	vld [tilespmem:s18+$0xE2A0];
	_ =	sdelay $0x1  }
0x452: {  	v5 =	vld [tilespmem:s23+$0xE220];
	_ =	sdelay $0x1  }
0x453: {  	v6 =	vld [tilespmem:s24+$0xE220]  }
0x454: {  	v3 =	vadd.f32 v4, v3  }
0x455: {  	v4 =	vld [tilespmem:s25+$0xE220]  }
0x456: {  	v3 =	vadd.f32 v5, v3  }
0x457: {  	v5 =	vld [tilespmem:s26+$0xE220]  }
0x458: {  	v3 =	vadd.f32 v6, v3  }
0x459: {  	v6 =	vld [tilespmem:s28+$0xE220]  }
0x45a: {  	v3 =	vadd.f32 v4, v3  }
0x45b: {  	v4 =	vld [tilespmem:s21+$0xE220]  }
0x45c: {  	v3 =	vadd.f32 v5, v3  }
0x45d: {  	v5 =	vld [tilespmem:s18+$0xEA20]  }
0x45e: {  	v3 =	vadd.f32 v6, v3  }
0x45f: {  	v6 =	vld [tilespmem:s22+$0xE220]  }
0x460: {  	v3 =	vadd.f32 v4, v3;
	_ =	sdelay $0x1  }
0x461: {  	v3 =	vadd.f32 v5, v3;
	_ =	sdelay $0x1  }
0x462: {  	v3 =	vadd.f32 v6, v3;
	_ =	sdelay $0x1  }
0x463: {  	[tilespmem:s20+$0xFFFFFC20] =	vst v3  }
0x464: {  	v3 =	vld [tilespmem:s18+$0xE230]  }
0x465: {  	v4 =	vld [tilespmem:s18+$0xE2B0];
	_ =	sdelay $0x1  }
0x466: {  	v5 =	vld [tilespmem:s23+$0xE230];
	_ =	sdelay $0x1  }
0x467: {  	v6 =	vld [tilespmem:s24+$0xE230]  }
0x468: {  	v3 =	vadd.f32 v4, v3  }
0x469: {  	v4 =	vld [tilespmem:s25+$0xE230]  }
0x46a: {  	v3 =	vadd.f32 v5, v3  }
0x46b: {  	v5 =	vld [tilespmem:s26+$0xE230]  }
0x46c: {  	v3 =	vadd.f32 v6, v3  }
0x46d: {  	v6 =	vld [tilespmem:s28+$0xE230]  }
0x46e: {  	v3 =	vadd.f32 v4, v3  }
0x46f: {  	v4 =	vld [tilespmem:s21+$0xE230]  }
0x470: {  	v3 =	vadd.f32 v5, v3  }
0x471: {  	v5 =	vld [tilespmem:s18+$0xEA30]  }
0x472: {  	v3 =	vadd.f32 v6, v3  }
0x473: {  	v6 =	vld [tilespmem:s22+$0xE230]  }
0x474: {  	v3 =	vadd.f32 v4, v3;
	_ =	sdelay $0x1  }
0x475: {  	v3 =	vadd.f32 v5, v3;
	_ =	sdelay $0x1  }
0x476: {  	v3 =	vadd.f32 v6, v3;
	_ =	sdelay $0x1  }
0x477: {  	[tilespmem:s20+$0xFFFFFC30] =	vst v3  }
0x478: {  	v3 =	vld [tilespmem:s18+$0xE240]  }
0x479: {  	v4 =	vld [tilespmem:s18+$0xE2C0];
	_ =	sdelay $0x1  }
0x47a: {  	v5 =	vld [tilespmem:s23+$0xE240];
	_ =	sdelay $0x1  }
0x47b: {  	v6 =	vld [tilespmem:s24+$0xE240]  }
0x47c: {  	v3 =	vadd.f32 v4, v3  }
0x47d: {  	v4 =	vld [tilespmem:s25+$0xE240]  }
0x47e: {  	v3 =	vadd.f32 v5, v3  }
0x47f: {  	v5 =	vld [tilespmem:s26+$0xE240]  }
0x480: {  	v3 =	vadd.f32 v6, v3  }
0x481: {  	v6 =	vld [tilespmem:s28+$0xE240]  }
0x482: {  	v3 =	vadd.f32 v4, v3  }
0x483: {  	v4 =	vld [tilespmem:s21+$0xE240]  }
0x484: {  	v3 =	vadd.f32 v5, v3  }
0x485: {  	v5 =	vld [tilespmem:s18+$0xEA40]  }
0x486: {  	v3 =	vadd.f32 v6, v3  }
0x487: {  	v6 =	vld [tilespmem:s22+$0xE240]  }
0x488: {  	v3 =	vadd.f32 v4, v3;
	_ =	sdelay $0x1  }
0x489: {  	v3 =	vadd.f32 v5, v3;
	_ =	sdelay $0x1  }
0x48a: {  	v3 =	vadd.f32 v6, v3;
	_ =	sdelay $0x1  }
0x48b: {  	[tilespmem:s20+$0xFFFFFC40] =	vst v3  }
0x48c: {  	v3 =	vld [tilespmem:s18+$0xE250]  }
0x48d: {  	v4 =	vld [tilespmem:s18+$0xE2D0];
	_ =	sdelay $0x1  }
0x48e: {  	v5 =	vld [tilespmem:s23+$0xE250];
	_ =	sdelay $0x1  }
0x48f: {  	v6 =	vld [tilespmem:s24+$0xE250]  }
0x490: {  	v3 =	vadd.f32 v4, v3  }
0x491: {  	v4 =	vld [tilespmem:s25+$0xE250]  }
0x492: {  	v3 =	vadd.f32 v5, v3  }
0x493: {  	v5 =	vld [tilespmem:s26+$0xE250]  }
0x494: {  	v3 =	vadd.f32 v6, v3  }
0x495: {  	v6 =	vld [tilespmem:s28+$0xE250]  }
0x496: {  	v3 =	vadd.f32 v4, v3  }
0x497: {  	v4 =	vld [tilespmem:s21+$0xE250]  }
0x498: {  	v3 =	vadd.f32 v5, v3  }
0x499: {  	v5 =	vld [tilespmem:s18+$0xEA50]  }
0x49a: {  	v3 =	vadd.f32 v6, v3  }
0x49b: {  	v6 =	vld [tilespmem:s22+$0xE250]  }
0x49c: {  	v3 =	vadd.f32 v4, v3;
	_ =	sdelay $0x1  }
0x49d: {  	v3 =	vadd.f32 v5, v3;
	_ =	sdelay $0x1  }
0x49e: {  	v3 =	vadd.f32 v6, v3;
	_ =	sdelay $0x1  }
0x49f: {  	[tilespmem:s20+$0xFFFFFC50] =	vst v3  }
0x4a0: {  	v3 =	vld [tilespmem:s18+$0xE260]  }
0x4a1: {  	v4 =	vld [tilespmem:s18+$0xE2E0];
	_ =	sdelay $0x1  }
0x4a2: {  	v5 =	vld [tilespmem:s23+$0xE260];
	_ =	sdelay $0x1  }
0x4a3: {  	v6 =	vld [tilespmem:s24+$0xE260]  }
0x4a4: {  	v3 =	vadd.f32 v4, v3  }
0x4a5: {  	v4 =	vld [tilespmem:s25+$0xE260]  }
0x4a6: {  	v3 =	vadd.f32 v5, v3  }
0x4a7: {  	v5 =	vld [tilespmem:s26+$0xE260]  }
0x4a8: {  	v3 =	vadd.f32 v6, v3  }
0x4a9: {  	v6 =	vld [tilespmem:s28+$0xE260]  }
0x4aa: {  	v3 =	vadd.f32 v4, v3  }
0x4ab: {  	v4 =	vld [tilespmem:s21+$0xE260]  }
0x4ac: {  	v3 =	vadd.f32 v5, v3  }
0x4ad: {  	v5 =	vld [tilespmem:s18+$0xEA60]  }
0x4ae: {  	v3 =	vadd.f32 v6, v3  }
0x4af: {  	v6 =	vld [tilespmem:s22+$0xE260]  }
0x4b0: {  	v3 =	vadd.f32 v4, v3;
	_ =	sdelay $0x1  }
0x4b1: {  	v3 =	vadd.f32 v5, v3;
	_ =	sdelay $0x1  }
0x4b2: {  	v3 =	vadd.f32 v6, v3;
	_ =	sdelay $0x1  }
0x4b3: {  	[tilespmem:s20+$0xFFFFFC60] =	vst v3  }
0x4b4: {  	v3 =	vld [tilespmem:s18+$0xE270]  }
0x4b5: {  	v4 =	vld [tilespmem:s18+$0xE2F0];
	_ =	sdelay $0x1  }
0x4b6: {  	v5 =	vld [tilespmem:s23+$0xE270];
	_ =	sdelay $0x1  }
0x4b7: {  	v6 =	vld [tilespmem:s24+$0xE270]  }
0x4b8: {  	v3 =	vadd.f32 v4, v3  }
0x4b9: {  	v4 =	vld [tilespmem:s25+$0xE270]  }
0x4ba: {  	v3 =	vadd.f32 v5, v3  }
0x4bb: {  	v5 =	vld [tilespmem:s26+$0xE270]  }
0x4bc: {  	v3 =	vadd.f32 v6, v3  }
0x4bd: {  	v6 =	vld [tilespmem:s28+$0xE270]  }
0x4be: {  	v3 =	vadd.f32 v4, v3  }
0x4bf: {  	v4 =	vld [tilespmem:s21+$0xE270]  }
0x4c0: {  	v3 =	vadd.f32 v5, v3  }
0x4c1: {  	v5 =	vld [tilespmem:s18+$0xEA70]  }
0x4c2: {  	v3 =	vadd.f32 v6, v3  }
0x4c3: {  	v6 =	vld [tilespmem:s22+$0xE270]  }
0x4c4: {  	v3 =	vadd.f32 v4, v3;
	_ =	sdelay $0x1  }
0x4c5: {  	v3 =	vadd.f32 v5, v3;
	_ =	sdelay $0x1  }
0x4c6: {  	v3 =	vadd.f32 v6, v3;
	_ =	sdelay $0x1  }
0x4c7: {  	[tilespmem:s20+$0xFFFFFC70] =	vst v3  }
0x4c8: {  	v3 =	vld [tilespmem:s18+$0xE600]  }
0x4c9: {  	v4 =	vld [tilespmem:s18+$0xE680];
	_ =	sdelay $0x1  }
0x4ca: {  	v5 =	vld [tilespmem:s23+$0xE600];
	_ =	sdelay $0x1  }
0x4cb: {  	v6 =	vld [tilespmem:s24+$0xE600]  }
0x4cc: {  	v3 =	vadd.f32 v4, v3  }
0x4cd: {  	v4 =	vld [tilespmem:s25+$0xE600]  }
0x4ce: {  	v3 =	vadd.f32 v5, v3  }
0x4cf: {  	v5 =	vld [tilespmem:s26+$0xE600]  }
0x4d0: {  	v3 =	vadd.f32 v6, v3  }
0x4d1: {  	v6 =	vld [tilespmem:s28+$0xE600]  }
0x4d2: {  	v3 =	vadd.f32 v4, v3  }
0x4d3: {  	v4 =	vld [tilespmem:s21+$0xE600]  }
0x4d4: {  	v3 =	vadd.f32 v5, v3  }
0x4d5: {  	v5 =	vld [tilespmem:s18+$0xEE00]  }
0x4d6: {  	v3 =	vadd.f32 v6, v3  }
0x4d7: {  	v6 =	vld [tilespmem:s22+$0xE600]  }
0x4d8: {  	v3 =	vadd.f32 v4, v3;
	_ =	sdelay $0x1  }
0x4d9: {  	v3 =	vadd.f32 v5, v3;
	_ =	sdelay $0x1  }
0x4da: {  	v3 =	vadd.f32 v6, v3;
	_ =	sdelay $0x1  }
0x4db: {  	[tilespmem:s20+$0x0] =	vst v3  }
0x4dc: {  	v3 =	vld [tilespmem:s18+$0xE610]  }
0x4dd: {  	v4 =	vld [tilespmem:s18+$0xE690];
	_ =	sdelay $0x1  }
0x4de: {  	v5 =	vld [tilespmem:s23+$0xE610];
	_ =	sdelay $0x1  }
0x4df: {  	v6 =	vld [tilespmem:s24+$0xE610]  }
0x4e0: {  	v3 =	vadd.f32 v4, v3  }
0x4e1: {  	v4 =	vld [tilespmem:s25+$0xE610]  }
0x4e2: {  	v3 =	vadd.f32 v5, v3  }
0x4e3: {  	v5 =	vld [tilespmem:s26+$0xE610]  }
0x4e4: {  	v3 =	vadd.f32 v6, v3  }
0x4e5: {  	v6 =	vld [tilespmem:s28+$0xE610]  }
0x4e6: {  	v3 =	vadd.f32 v4, v3  }
0x4e7: {  	v4 =	vld [tilespmem:s21+$0xE610]  }
0x4e8: {  	v3 =	vadd.f32 v5, v3  }
0x4e9: {  	v5 =	vld [tilespmem:s18+$0xEE10]  }
0x4ea: {  	v3 =	vadd.f32 v6, v3  }
0x4eb: {  	v6 =	vld [tilespmem:s22+$0xE610]  }
0x4ec: {  	v3 =	vadd.f32 v4, v3;
	_ =	sdelay $0x1  }
0x4ed: {  	v3 =	vadd.f32 v5, v3;
	_ =	sdelay $0x1  }
0x4ee: {  	v3 =	vadd.f32 v6, v3;
	_ =	sdelay $0x1  }
0x4ef: {  	[tilespmem:s20+$0x10] =	vst v3  }
0x4f0: {  	v3 =	vld [tilespmem:s18+$0xE620]  }
0x4f1: {  	v4 =	vld [tilespmem:s18+$0xE6A0];
	_ =	sdelay $0x1  }
0x4f2: {  	v5 =	vld [tilespmem:s23+$0xE620];
	_ =	sdelay $0x1  }
0x4f3: {  	v6 =	vld [tilespmem:s24+$0xE620]  }
0x4f4: {  	v3 =	vadd.f32 v4, v3  }
0x4f5: {  	v4 =	vld [tilespmem:s25+$0xE620]  }
0x4f6: {  	v3 =	vadd.f32 v5, v3  }
0x4f7: {  	v5 =	vld [tilespmem:s26+$0xE620]  }
0x4f8: {  	v3 =	vadd.f32 v6, v3  }
0x4f9: {  	v6 =	vld [tilespmem:s28+$0xE620]  }
0x4fa: {  	v3 =	vadd.f32 v4, v3  }
0x4fb: {  	v4 =	vld [tilespmem:s21+$0xE620]  }
0x4fc: {  	v3 =	vadd.f32 v5, v3  }
0x4fd: {  	v5 =	vld [tilespmem:s18+$0xEE20]  }
0x4fe: {  	v3 =	vadd.f32 v6, v3  }
0x4ff: {  	v6 =	vld [tilespmem:s22+$0xE620]  }
0x500: {  	v3 =	vadd.f32 v4, v3;
	_ =	sdelay $0x1  }
0x501: {  	v3 =	vadd.f32 v5, v3;
	_ =	sdelay $0x1  }
0x502: {  	v3 =	vadd.f32 v6, v3;
	_ =	sdelay $0x1  }
0x503: {  	[tilespmem:s20+$0x20] =	vst v3  }
0x504: {  	v3 =	vld [tilespmem:s18+$0xE630]  }
0x505: {  	v4 =	vld [tilespmem:s18+$0xE6B0];
	_ =	sdelay $0x1  }
0x506: {  	v5 =	vld [tilespmem:s23+$0xE630];
	_ =	sdelay $0x1  }
0x507: {  	v6 =	vld [tilespmem:s24+$0xE630]  }
0x508: {  	v3 =	vadd.f32 v4, v3  }
0x509: {  	v4 =	vld [tilespmem:s25+$0xE630]  }
0x50a: {  	v3 =	vadd.f32 v5, v3  }
0x50b: {  	v5 =	vld [tilespmem:s26+$0xE630]  }
0x50c: {  	v3 =	vadd.f32 v6, v3  }
0x50d: {  	v6 =	vld [tilespmem:s28+$0xE630]  }
0x50e: {  	v3 =	vadd.f32 v4, v3  }
0x50f: {  	v4 =	vld [tilespmem:s21+$0xE630]  }
0x510: {  	v3 =	vadd.f32 v5, v3  }
0x511: {  	v5 =	vld [tilespmem:s18+$0xEE30]  }
0x512: {  	v3 =	vadd.f32 v6, v3  }
0x513: {  	v6 =	vld [tilespmem:s22+$0xE630]  }
0x514: {  	v3 =	vadd.f32 v4, v3;
	_ =	sdelay $0x1  }
0x515: {  	v3 =	vadd.f32 v5, v3;
	_ =	sdelay $0x1  }
0x516: {  	v3 =	vadd.f32 v6, v3;
	_ =	sdelay $0x1  }
0x517: {  	[tilespmem:s20+$0x30] =	vst v3  }
0x518: {  	v3 =	vld [tilespmem:s18+$0xE640]  }
0x519: {  	v4 =	vld [tilespmem:s18+$0xE6C0];
	_ =	sdelay $0x1  }
0x51a: {  	v5 =	vld [tilespmem:s23+$0xE640];
	_ =	sdelay $0x1  }
0x51b: {  	v6 =	vld [tilespmem:s24+$0xE640]  }
0x51c: {  	v3 =	vadd.f32 v4, v3  }
0x51d: {  	v4 =	vld [tilespmem:s25+$0xE640]  }
0x51e: {  	v3 =	vadd.f32 v5, v3  }
0x51f: {  	v5 =	vld [tilespmem:s26+$0xE640]  }
0x520: {  	v3 =	vadd.f32 v6, v3  }
0x521: {  	v6 =	vld [tilespmem:s28+$0xE640]  }
0x522: {  	v3 =	vadd.f32 v4, v3  }
0x523: {  	v4 =	vld [tilespmem:s21+$0xE640]  }
0x524: {  	v3 =	vadd.f32 v5, v3  }
0x525: {  	v5 =	vld [tilespmem:s18+$0xEE40]  }
0x526: {  	v3 =	vadd.f32 v6, v3  }
0x527: {  	v6 =	vld [tilespmem:s22+$0xE640]  }
0x528: {  	v3 =	vadd.f32 v4, v3;
	_ =	sdelay $0x1  }
0x529: {  	v3 =	vadd.f32 v5, v3;
	_ =	sdelay $0x1  }
0x52a: {  	v3 =	vadd.f32 v6, v3;
	_ =	sdelay $0x1  }
0x52b: {  	[tilespmem:s20+$0x40] =	vst v3  }
0x52c: {  	v3 =	vld [tilespmem:s18+$0xE650]  }
0x52d: {  	v4 =	vld [tilespmem:s18+$0xE6D0];
	_ =	sdelay $0x1  }
0x52e: {  	v5 =	vld [tilespmem:s23+$0xE650];
	_ =	sdelay $0x1  }
0x52f: {  	v6 =	vld [tilespmem:s24+$0xE650]  }
0x530: {  	v3 =	vadd.f32 v4, v3  }
0x531: {  	v4 =	vld [tilespmem:s25+$0xE650]  }
0x532: {  	v3 =	vadd.f32 v5, v3  }
0x533: {  	v5 =	vld [tilespmem:s26+$0xE650]  }
0x534: {  	v3 =	vadd.f32 v6, v3  }
0x535: {  	v6 =	vld [tilespmem:s28+$0xE650]  }
0x536: {  	v3 =	vadd.f32 v4, v3  }
0x537: {  	v4 =	vld [tilespmem:s21+$0xE650]  }
0x538: {  	v3 =	vadd.f32 v5, v3  }
0x539: {  	v5 =	vld [tilespmem:s18+$0xEE50]  }
0x53a: {  	v3 =	vadd.f32 v6, v3  }
0x53b: {  	v6 =	vld [tilespmem:s22+$0xE650]  }
0x53c: {  	v3 =	vadd.f32 v4, v3;
	_ =	sdelay $0x1  }
0x53d: {  	v3 =	vadd.f32 v5, v3;
	_ =	sdelay $0x1  }
0x53e: {  	v3 =	vadd.f32 v6, v3;
	_ =	sdelay $0x1  }
0x53f: {  	[tilespmem:s20+$0x50] =	vst v3  }
0x540: {  	v3 =	vld [tilespmem:s18+$0xE660]  }
0x541: {  	v4 =	vld [tilespmem:s18+$0xE6E0];
	_ =	sdelay $0x1  }
0x542: {  	v5 =	vld [tilespmem:s23+$0xE660];
	_ =	sdelay $0x1  }
0x543: {  	v6 =	vld [tilespmem:s24+$0xE660]  }
0x544: {  	v3 =	vadd.f32 v4, v3  }
0x545: {  	v4 =	vld [tilespmem:s25+$0xE660]  }
0x546: {  	v3 =	vadd.f32 v5, v3  }
0x547: {  	v5 =	vld [tilespmem:s26+$0xE660]  }
0x548: {  	v3 =	vadd.f32 v6, v3  }
0x549: {  	v6 =	vld [tilespmem:s28+$0xE660]  }
0x54a: {  	v3 =	vadd.f32 v4, v3  }
0x54b: {  	v4 =	vld [tilespmem:s21+$0xE660]  }
0x54c: {  	v3 =	vadd.f32 v5, v3  }
0x54d: {  	v5 =	vld [tilespmem:s18+$0xEE60]  }
0x54e: {  	v3 =	vadd.f32 v6, v3  }
0x54f: {  	v6 =	vld [tilespmem:s22+$0xE660]  }
0x550: {  	v3 =	vadd.f32 v4, v3;
	_ =	sdelay $0x1  }
0x551: {  	v3 =	vadd.f32 v5, v3;
	_ =	sdelay $0x1  }
0x552: {  	v3 =	vadd.f32 v6, v3;
	_ =	sdelay $0x1  }
0x553: {  	[tilespmem:s20+$0x60] =	vst v3  }
0x554: {  	v4 =	vld [tilespmem:s18+$0xE670]  }
0x555: {  	v8 =	vld [tilespmem:s18+$0xE6F0]  }
0x556: {  	v7 =	vld [tilespmem:s23+$0xE670]  }
0x557: {  	v6 =	vld [tilespmem:s24+$0xE670]  }
0x558: {  	v5 =	vld [tilespmem:s25+$0xE670]  }
0x559: {  	v3 =	vld [tilespmem:s26+$0xE670]  }
0x55a: {  	s24 =	simm.s32 $0xA00;
	s23 =	simm.s32 $0x13E00;
	v8 =	vadd.f32 v8, v4;
	v4 =	vld [tilespmem:s28+$0xE670]  }
.LBB2_7:
0x55b: {  	v9 =	vld [tilespmem:s21+$0xE670];
	s16 =	sadd.s32 $0x100, s16;
	s19 =	sadd.s32 $0x500, s19;
	s20 =	sadd.s32 $0x80, s20  }
0x55c: {  	p0 =	sne.s32 s24, $0x4600;
	s31 =	smov.u32 s24;
	s24 =	sadd.s32 $0xA00, s24;
	v7 =	vadd.f32 v7, v8;
	v8 =	vld [tilespmem:s18+$0xEE70]  }
0x55d: {  	v10 =	vld [tilespmem:s22+$0xE670]  }
0x55e: {  	v6 =	vadd.f32 v6, v7;
	_ =	sdelay $0x1  }
0x55f: {  	v5 =	vadd.f32 v5, v6;
	_ =	sdelay $0x1  }
0x560: {  	v3 =	vadd.f32 v3, v5;
	_ =	sdelay $0x1  }
0x561: {  	v3 =	vadd.f32 v4, v3;
	_ =	sdelay $0x1  }
0x562: {  	v3 =	vadd.f32 v9, v3;
	_ =	sdelay $0x1  }
0x563: {  	v3 =	vadd.f32 v8, v3;
	_ =	sdelay $0x1  }
0x564: {  	s18 =	sand.u32 $0x7800, s31;
	s21 =	sand.u32 $0x300, s16;
	v3 =	vadd.f32 v10, v3  }
0x565: {  	s18 =	sor.u32 s21, s18  }
0x566: {  	s21 =	sadd.s32 $0x200, s31;
	s22 =	sadd.s32 $0xFFFFFC80, s19;
	[tilespmem:s23+$0x70] =	vst v3;
	s23 =	smov.u32 s20  }
0x567: {  	s21 =	sand.u32 $0xF800, s21;
	s22 =	sand.u32 $0x300, s22;
	v3 =	vld [tilespmem:s18+$0xE200]  }
0x568: {  	s25 =	sor.u32 s22, s21;
	s21 =	sadd.s32 $0x300, s31;
	s22 =	sadd.s32 $0xFFFFFD00, s19;
	v4 =	vld [tilespmem:s18+$0xE280]  }
0x569: {  	s21 =	sand.u32 $0xF800, s21;
	s22 =	sand.u32 $0x380, s22;
	v5 =	vld [tilespmem:s25+$0xE200]  }
0x56a: {  	s26 =	sor.u32 s22, s21;
	s21 =	sadd.s32 $0x400, s31;
	s22 =	sadd.s32 $0xFFFFFD80, s19  }
0x56b: {  	s21 =	sand.u32 $0xF800, s21;
	s22 =	sand.u32 $0x300, s22;
	v6 =	vld [tilespmem:s26+$0xE200]  }
0x56c: {  	s28 =	sor.u32 s22, s21;
	s21 =	sadd.s32 $0x500, s31;
	s22 =	sadd.s32 $0xFFFFFE00, s19  }
0x56d: {  	s21 =	sand.u32 $0xF800, s21;
	s22 =	sand.u32 $0x380, s22;
	v3 =	vadd.f32 v4, v3;
	v4 =	vld [tilespmem:s28+$0xE200]  }
0x56e: {  	s29 =	sor.u32 s22, s21;
	s21 =	sadd.s32 $0x600, s31;
	s22 =	sadd.s32 $0xFFFFFE80, s19  }
0x56f: {  	s21 =	sand.u32 $0xF800, s21;
	s22 =	sand.u32 $0x300, s22;
	v3 =	vadd.f32 v5, v3;
	v5 =	vld [tilespmem:s29+$0xE200]  }
0x570: {  	s30 =	sor.u32 s22, s21;
	s21 =	sadd.s32 $0x700, s31;
	s22 =	sadd.s32 $0xFFFFFF00, s19  }
0x571: {  	s21 =	sand.u32 $0xF800, s21;
	s22 =	sand.u32 $0x380, s22;
	v3 =	vadd.f32 v6, v3;
	v6 =	vld [tilespmem:s30+$0xE200]  }
0x572: {  	s21 =	sor.u32 s22, s21  }
0x573: {  	v3 =	vadd.f32 v4, v3;
	v4 =	vld [tilespmem:s21+$0xE200];
	_ =	sdelay $0x1  }
0x574: {  	s22 =	sadd.s32 $0x900, s31;
	v3 =	vadd.f32 v5, v3  }
0x575: {  	s31 =	sand.u32 $0x380, s19;
	s22 =	sand.u32 $0xF800, s22;
	v5 =	vld [tilespmem:s18+$0xEA00]  }
0x576: {  	s22 =	sor.u32 s31, s22;
	v3 =	vadd.f32 v6, v3  }
0x577: {  	v6 =	vld [tilespmem:s22+$0xE200]  }
0x578: {  	v3 =	vadd.f32 v4, v3;
	_ =	sdelay $0x1  }
0x579: {  	v3 =	vadd.f32 v5, v3;
	_ =	sdelay $0x1  }
0x57a: {  	v3 =	vadd.f32 v6, v3;
	_ =	sdelay $0x1  }
0x57b: {  	[tilespmem:s20+$0xFFFFFC00] =	vst v3  }
0x57c: {  	v3 =	vld [tilespmem:s18+$0xE210]  }
0x57d: {  	v4 =	vld [tilespmem:s18+$0xE290];
	_ =	sdelay $0x1  }
0x57e: {  	v5 =	vld [tilespmem:s25+$0xE210];
	_ =	sdelay $0x1  }
0x57f: {  	v6 =	vld [tilespmem:s26+$0xE210]  }
0x580: {  	v3 =	vadd.f32 v4, v3  }
0x581: {  	v4 =	vld [tilespmem:s28+$0xE210]  }
0x582: {  	v3 =	vadd.f32 v5, v3  }
0x583: {  	v5 =	vld [tilespmem:s29+$0xE210]  }
0x584: {  	v3 =	vadd.f32 v6, v3  }
0x585: {  	v6 =	vld [tilespmem:s30+$0xE210]  }
0x586: {  	v3 =	vadd.f32 v4, v3  }
0x587: {  	v4 =	vld [tilespmem:s21+$0xE210]  }
0x588: {  	v3 =	vadd.f32 v5, v3  }
0x589: {  	v5 =	vld [tilespmem:s18+$0xEA10]  }
0x58a: {  	v3 =	vadd.f32 v6, v3  }
0x58b: {  	v6 =	vld [tilespmem:s22+$0xE210]  }
0x58c: {  	v3 =	vadd.f32 v4, v3;
	_ =	sdelay $0x1  }
0x58d: {  	v3 =	vadd.f32 v5, v3;
	_ =	sdelay $0x1  }
0x58e: {  	v3 =	vadd.f32 v6, v3;
	_ =	sdelay $0x1  }
0x58f: {  	[tilespmem:s20+$0xFFFFFC10] =	vst v3  }
0x590: {  	v3 =	vld [tilespmem:s18+$0xE220]  }
0x591: {  	v4 =	vld [tilespmem:s18+$0xE2A0];
	_ =	sdelay $0x1  }
0x592: {  	v5 =	vld [tilespmem:s25+$0xE220];
	_ =	sdelay $0x1  }
0x593: {  	v6 =	vld [tilespmem:s26+$0xE220]  }
0x594: {  	v3 =	vadd.f32 v4, v3  }
0x595: {  	v4 =	vld [tilespmem:s28+$0xE220]  }
0x596: {  	v3 =	vadd.f32 v5, v3  }
0x597: {  	v5 =	vld [tilespmem:s29+$0xE220]  }
0x598: {  	v3 =	vadd.f32 v6, v3  }
0x599: {  	v6 =	vld [tilespmem:s30+$0xE220]  }
0x59a: {  	v3 =	vadd.f32 v4, v3  }
0x59b: {  	v4 =	vld [tilespmem:s21+$0xE220]  }
0x59c: {  	v3 =	vadd.f32 v5, v3  }
0x59d: {  	v5 =	vld [tilespmem:s18+$0xEA20]  }
0x59e: {  	v3 =	vadd.f32 v6, v3  }
0x59f: {  	v6 =	vld [tilespmem:s22+$0xE220]  }
0x5a0: {  	v3 =	vadd.f32 v4, v3;
	_ =	sdelay $0x1  }
0x5a1: {  	v3 =	vadd.f32 v5, v3;
	_ =	sdelay $0x1  }
0x5a2: {  	v3 =	vadd.f32 v6, v3;
	_ =	sdelay $0x1  }
0x5a3: {  	[tilespmem:s20+$0xFFFFFC20] =	vst v3  }
0x5a4: {  	v3 =	vld [tilespmem:s18+$0xE230]  }
0x5a5: {  	v4 =	vld [tilespmem:s18+$0xE2B0];
	_ =	sdelay $0x1  }
0x5a6: {  	v5 =	vld [tilespmem:s25+$0xE230];
	_ =	sdelay $0x1  }
0x5a7: {  	v6 =	vld [tilespmem:s26+$0xE230]  }
0x5a8: {  	v3 =	vadd.f32 v4, v3  }
0x5a9: {  	v4 =	vld [tilespmem:s28+$0xE230]  }
0x5aa: {  	v3 =	vadd.f32 v5, v3  }
0x5ab: {  	v5 =	vld [tilespmem:s29+$0xE230]  }
0x5ac: {  	v3 =	vadd.f32 v6, v3  }
0x5ad: {  	v6 =	vld [tilespmem:s30+$0xE230]  }
0x5ae: {  	v3 =	vadd.f32 v4, v3  }
0x5af: {  	v4 =	vld [tilespmem:s21+$0xE230]  }
0x5b0: {  	v3 =	vadd.f32 v5, v3  }
0x5b1: {  	v5 =	vld [tilespmem:s18+$0xEA30]  }
0x5b2: {  	v3 =	vadd.f32 v6, v3  }
0x5b3: {  	v6 =	vld [tilespmem:s22+$0xE230]  }
0x5b4: {  	v3 =	vadd.f32 v4, v3;
	_ =	sdelay $0x1  }
0x5b5: {  	v3 =	vadd.f32 v5, v3;
	_ =	sdelay $0x1  }
0x5b6: {  	v3 =	vadd.f32 v6, v3;
	_ =	sdelay $0x1  }
0x5b7: {  	[tilespmem:s20+$0xFFFFFC30] =	vst v3  }
0x5b8: {  	v3 =	vld [tilespmem:s18+$0xE240]  }
0x5b9: {  	v4 =	vld [tilespmem:s18+$0xE2C0];
	_ =	sdelay $0x1  }
0x5ba: {  	v5 =	vld [tilespmem:s25+$0xE240];
	_ =	sdelay $0x1  }
0x5bb: {  	v6 =	vld [tilespmem:s26+$0xE240]  }
0x5bc: {  	v3 =	vadd.f32 v4, v3  }
0x5bd: {  	v4 =	vld [tilespmem:s28+$0xE240]  }
0x5be: {  	v3 =	vadd.f32 v5, v3  }
0x5bf: {  	v5 =	vld [tilespmem:s29+$0xE240]  }
0x5c0: {  	v3 =	vadd.f32 v6, v3  }
0x5c1: {  	v6 =	vld [tilespmem:s30+$0xE240]  }
0x5c2: {  	v3 =	vadd.f32 v4, v3  }
0x5c3: {  	v4 =	vld [tilespmem:s21+$0xE240]  }
0x5c4: {  	v3 =	vadd.f32 v5, v3  }
0x5c5: {  	v5 =	vld [tilespmem:s18+$0xEA40]  }
0x5c6: {  	v3 =	vadd.f32 v6, v3  }
0x5c7: {  	v6 =	vld [tilespmem:s22+$0xE240]  }
0x5c8: {  	v3 =	vadd.f32 v4, v3;
	_ =	sdelay $0x1  }
0x5c9: {  	v3 =	vadd.f32 v5, v3;
	_ =	sdelay $0x1  }
0x5ca: {  	v3 =	vadd.f32 v6, v3;
	_ =	sdelay $0x1  }
0x5cb: {  	[tilespmem:s20+$0xFFFFFC40] =	vst v3  }
0x5cc: {  	v3 =	vld [tilespmem:s18+$0xE250]  }
0x5cd: {  	v4 =	vld [tilespmem:s18+$0xE2D0]  }
0x5ce: {  	v5 =	vld [tilespmem:s25+$0xE250]  }
0x5cf: {  	v6 =	vld [tilespmem:s28+$0xE250]  }
0x5d0: {  	v7 =	vld [tilespmem:s26+$0xE250];
	_ =	sdelay $0x1  }
0x5d1: {  	v3 =	vadd.f32 v4, v3;
	_ =	sdelay $0x1  }
0x5d2: {  	v3 =	vadd.f32 v5, v3  }
0x5d3: {  	v4 =	vld [tilespmem:s29+$0xE250]  }
0x5d4: {  	v3 =	vadd.f32 v7, v3  }
0x5d5: {  	v5 =	vld [tilespmem:s30+$0xE250]  }
0x5d6: {  	v3 =	vadd.f32 v6, v3  }
0x5d7: {  	v6 =	vld [tilespmem:s21+$0xE250]  }
0x5d8: {  	v3 =	vadd.f32 v4, v3  }
0x5d9: {  	v4 =	vld [tilespmem:s18+$0xEA50]  }
0x5da: {  	v3 =	vadd.f32 v5, v3  }
0x5db: {  	v5 =	vld [tilespmem:s22+$0xE250]  }
0x5dc: {  	v3 =	vadd.f32 v6, v3;
	_ =	sdelay $0x1  }
0x5dd: {  	v3 =	vadd.f32 v4, v3;
	_ =	sdelay $0x1  }
0x5de: {  	v3 =	vadd.f32 v5, v3;
	_ =	sdelay $0x1  }
0x5df: {  	[tilespmem:s20+$0xFFFFFC50] =	vst v3  }
0x5e0: {  	v3 =	vld [tilespmem:s18+$0xE260]  }
0x5e1: {  	v4 =	vld [tilespmem:s18+$0xE2E0]  }
0x5e2: {  	v5 =	vld [tilespmem:s25+$0xE260];
	_ =	sdelay $0x2  }
0x5e3: {  	v6 =	vld [tilespmem:s26+$0xE260]  }
0x5e4: {  	v3 =	vadd.f32 v4, v3  }
0x5e5: {  	v4 =	vld [tilespmem:s28+$0xE260]  }
0x5e6: {  	v3 =	vadd.f32 v5, v3  }
0x5e7: {  	v5 =	vld [tilespmem:s29+$0xE260]  }
0x5e8: {  	v3 =	vadd.f32 v6, v3  }
0x5e9: {  	v6 =	vld [tilespmem:s30+$0xE260]  }
0x5ea: {  	v3 =	vadd.f32 v4, v3  }
0x5eb: {  	v4 =	vld [tilespmem:s21+$0xE260]  }
0x5ec: {  	v3 =	vadd.f32 v5, v3  }
0x5ed: {  	v5 =	vld [tilespmem:s18+$0xEA60]  }
0x5ee: {  	v3 =	vadd.f32 v6, v3  }
0x5ef: {  	v6 =	vld [tilespmem:s22+$0xE260]  }
0x5f0: {  	v3 =	vadd.f32 v4, v3;
	_ =	sdelay $0x1  }
0x5f1: {  	v3 =	vadd.f32 v5, v3;
	_ =	sdelay $0x1  }
0x5f2: {  	v3 =	vadd.f32 v6, v3;
	_ =	sdelay $0x1  }
0x5f3: {  	[tilespmem:s20+$0xFFFFFC60] =	vst v3  }
0x5f4: {  	v3 =	vld [tilespmem:s18+$0xE270]  }
0x5f5: {  	v4 =	vld [tilespmem:s18+$0xE2F0]  }
0x5f6: {  	v5 =	vld [tilespmem:s26+$0xE270]  }
0x5f7: {  	v6 =	vld [tilespmem:s25+$0xE270];
	_ =	sdelay $0x2  }
0x5f8: {  	v3 =	vadd.f32 v4, v3  }
0x5f9: {  	v4 =	vld [tilespmem:s28+$0xE270]  }
0x5fa: {  	v3 =	vadd.f32 v6, v3  }
0x5fb: {  	v6 =	vld [tilespmem:s29+$0xE270]  }
0x5fc: {  	v3 =	vadd.f32 v5, v3  }
0x5fd: {  	v5 =	vld [tilespmem:s30+$0xE270]  }
0x5fe: {  	v3 =	vadd.f32 v4, v3  }
0x5ff: {  	v4 =	vld [tilespmem:s21+$0xE270]  }
0x600: {  	v3 =	vadd.f32 v6, v3  }
0x601: {  	v6 =	vld [tilespmem:s18+$0xEA70]  }
0x602: {  	v3 =	vadd.f32 v5, v3  }
0x603: {  	v5 =	vld [tilespmem:s22+$0xE270]  }
0x604: {  	v3 =	vadd.f32 v4, v3;
	_ =	sdelay $0x1  }
0x605: {  	v3 =	vadd.f32 v6, v3;
	_ =	sdelay $0x1  }
0x606: {  	v3 =	vadd.f32 v5, v3;
	_ =	sdelay $0x1  }
0x607: {  	[tilespmem:s20+$0xFFFFFC70] =	vst v3  }
0x608: {  	v3 =	vld [tilespmem:s18+$0xE600]  }
0x609: {  	v4 =	vld [tilespmem:s18+$0xE680]  }
0x60a: {  	v5 =	vld [tilespmem:s25+$0xE600];
	_ =	sdelay $0x2  }
0x60b: {  	v6 =	vld [tilespmem:s26+$0xE600]  }
0x60c: {  	v3 =	vadd.f32 v4, v3  }
0x60d: {  	v4 =	vld [tilespmem:s28+$0xE600]  }
0x60e: {  	v3 =	vadd.f32 v5, v3  }
0x60f: {  	v5 =	vld [tilespmem:s29+$0xE600]  }
0x610: {  	v3 =	vadd.f32 v6, v3  }
0x611: {  	v6 =	vld [tilespmem:s30+$0xE600]  }
0x612: {  	v3 =	vadd.f32 v4, v3  }
0x613: {  	v4 =	vld [tilespmem:s21+$0xE600]  }
0x614: {  	v3 =	vadd.f32 v5, v3  }
0x615: {  	v5 =	vld [tilespmem:s18+$0xEE00]  }
0x616: {  	v3 =	vadd.f32 v6, v3  }
0x617: {  	v6 =	vld [tilespmem:s22+$0xE600]  }
0x618: {  	v3 =	vadd.f32 v4, v3;
	_ =	sdelay $0x1  }
0x619: {  	v3 =	vadd.f32 v5, v3;
	_ =	sdelay $0x1  }
0x61a: {  	v3 =	vadd.f32 v6, v3;
	_ =	sdelay $0x1  }
0x61b: {  	[tilespmem:s20+$0x0] =	vst v3  }
0x61c: {  	v3 =	vld [tilespmem:s18+$0xE610]  }
0x61d: {  	v4 =	vld [tilespmem:s18+$0xE690]  }
0x61e: {  	v5 =	vld [tilespmem:s26+$0xE610]  }
0x61f: {  	v6 =	vld [tilespmem:s25+$0xE610]  }
0x620: {  	v7 =	vld [tilespmem:s28+$0xE610]  }
0x621: {  	v8 =	vld [tilespmem:s29+$0xE610]  }
0x622: {  	v3 =	vadd.f32 v4, v3;
	v4 =	vld [tilespmem:s30+$0xE610]  }
0x623: {  	v9 =	vld [tilespmem:s21+$0xE610]  }
0x624: {  	v3 =	vadd.f32 v6, v3;
	v6 =	vld [tilespmem:s18+$0xEE10]  }
0x625: {  	v10 =	vld [tilespmem:s22+$0xE610]  }
0x626: {  	v3 =	vadd.f32 v5, v3;
	_ =	sdelay $0x1  }
0x627: {  	v3 =	vadd.f32 v7, v3;
	_ =	sdelay $0x1  }
0x628: {  	v3 =	vadd.f32 v8, v3;
	_ =	sdelay $0x1  }
0x629: {  	v3 =	vadd.f32 v4, v3;
	_ =	sdelay $0x1  }
0x62a: {  	v3 =	vadd.f32 v9, v3;
	_ =	sdelay $0x1  }
0x62b: {  	v3 =	vadd.f32 v6, v3;
	_ =	sdelay $0x1  }
0x62c: {  	v3 =	vadd.f32 v10, v3;
	_ =	sdelay $0x1  }
0x62d: {  	[tilespmem:s20+$0x10] =	vst v3  }
0x62e: {  	v3 =	vld [tilespmem:s18+$0xE620]  }
0x62f: {  	v4 =	vld [tilespmem:s18+$0xE6A0]  }
0x630: {  	v5 =	vld [tilespmem:s26+$0xE620]  }
0x631: {  	v6 =	vld [tilespmem:s25+$0xE620]  }
0x632: {  	v7 =	vld [tilespmem:s28+$0xE620]  }
0x633: {  	v8 =	vld [tilespmem:s29+$0xE620]  }
0x634: {  	v3 =	vadd.f32 v4, v3;
	v4 =	vld [tilespmem:s30+$0xE620]  }
0x635: {  	v9 =	vld [tilespmem:s21+$0xE620]  }
0x636: {  	v3 =	vadd.f32 v6, v3;
	v6 =	vld [tilespmem:s18+$0xEE20]  }
0x637: {  	v10 =	vld [tilespmem:s22+$0xE620]  }
0x638: {  	v3 =	vadd.f32 v5, v3;
	_ =	sdelay $0x1  }
0x639: {  	v3 =	vadd.f32 v7, v3;
	_ =	sdelay $0x1  }
0x63a: {  	v3 =	vadd.f32 v8, v3;
	_ =	sdelay $0x1  }
0x63b: {  	v3 =	vadd.f32 v4, v3;
	_ =	sdelay $0x1  }
0x63c: {  	v3 =	vadd.f32 v9, v3;
	_ =	sdelay $0x1  }
0x63d: {  	v3 =	vadd.f32 v6, v3;
	_ =	sdelay $0x1  }
0x63e: {  	v3 =	vadd.f32 v10, v3;
	_ =	sdelay $0x1  }
0x63f: {  	[tilespmem:s20+$0x20] =	vst v3  }
0x640: {  	v3 =	vld [tilespmem:s18+$0xE630]  }
0x641: {  	v4 =	vld [tilespmem:s18+$0xE6B0]  }
0x642: {  	v5 =	vld [tilespmem:s25+$0xE630]  }
0x643: {  	v6 =	vld [tilespmem:s26+$0xE630]  }
0x644: {  	v7 =	vld [tilespmem:s28+$0xE630]  }
0x645: {  	v8 =	vld [tilespmem:s29+$0xE630]  }
0x646: {  	v3 =	vadd.f32 v4, v3;
	v4 =	vld [tilespmem:s30+$0xE630]  }
0x647: {  	v9 =	vld [tilespmem:s21+$0xE630]  }
0x648: {  	v3 =	vadd.f32 v5, v3;
	v5 =	vld [tilespmem:s18+$0xEE30]  }
0x649: {  	v10 =	vld [tilespmem:s22+$0xE630]  }
0x64a: {  	v3 =	vadd.f32 v6, v3;
	_ =	sdelay $0x1  }
0x64b: {  	v3 =	vadd.f32 v7, v3;
	_ =	sdelay $0x1  }
0x64c: {  	v3 =	vadd.f32 v8, v3;
	_ =	sdelay $0x1  }
0x64d: {  	v3 =	vadd.f32 v4, v3;
	_ =	sdelay $0x1  }
0x64e: {  	v3 =	vadd.f32 v9, v3;
	_ =	sdelay $0x1  }
0x64f: {  	v3 =	vadd.f32 v5, v3;
	_ =	sdelay $0x1  }
0x650: {  	v3 =	vadd.f32 v10, v3;
	_ =	sdelay $0x1  }
0x651: {  	[tilespmem:s20+$0x30] =	vst v3  }
0x652: {  	v3 =	vld [tilespmem:s18+$0xE640]  }
0x653: {  	v4 =	vld [tilespmem:s18+$0xE6C0]  }
0x654: {  	v5 =	vld [tilespmem:s25+$0xE640]  }
0x655: {  	v6 =	vld [tilespmem:s26+$0xE640]  }
0x656: {  	v7 =	vld [tilespmem:s28+$0xE640]  }
0x657: {  	v8 =	vld [tilespmem:s29+$0xE640]  }
0x658: {  	v3 =	vadd.f32 v4, v3;
	v4 =	vld [tilespmem:s30+$0xE640]  }
0x659: {  	v9 =	vld [tilespmem:s21+$0xE640]  }
0x65a: {  	v3 =	vadd.f32 v5, v3;
	v5 =	vld [tilespmem:s18+$0xEE40]  }
0x65b: {  	v10 =	vld [tilespmem:s22+$0xE640]  }
0x65c: {  	v3 =	vadd.f32 v6, v3;
	_ =	sdelay $0x1  }
0x65d: {  	v3 =	vadd.f32 v7, v3;
	_ =	sdelay $0x1  }
0x65e: {  	v3 =	vadd.f32 v8, v3;
	_ =	sdelay $0x1  }
0x65f: {  	v3 =	vadd.f32 v4, v3;
	_ =	sdelay $0x1  }
0x660: {  	v3 =	vadd.f32 v9, v3;
	_ =	sdelay $0x1  }
0x661: {  	v3 =	vadd.f32 v5, v3;
	_ =	sdelay $0x1  }
0x662: {  	v3 =	vadd.f32 v10, v3;
	_ =	sdelay $0x1  }
0x663: {  	[tilespmem:s20+$0x40] =	vst v3  }
0x664: {  	v3 =	vld [tilespmem:s18+$0xE650]  }
0x665: {  	v4 =	vld [tilespmem:s18+$0xE6D0]  }
0x666: {  	v5 =	vld [tilespmem:s25+$0xE650]  }
0x667: {  	v6 =	vld [tilespmem:s26+$0xE650]  }
0x668: {  	v7 =	vld [tilespmem:s28+$0xE650]  }
0x669: {  	v8 =	vld [tilespmem:s29+$0xE650]  }
0x66a: {  	v3 =	vadd.f32 v4, v3;
	v4 =	vld [tilespmem:s30+$0xE650]  }
0x66b: {  	v9 =	vld [tilespmem:s21+$0xE650]  }
0x66c: {  	v3 =	vadd.f32 v5, v3;
	v5 =	vld [tilespmem:s18+$0xEE50]  }
0x66d: {  	v10 =	vld [tilespmem:s22+$0xE650]  }
0x66e: {  	v3 =	vadd.f32 v6, v3;
	_ =	sdelay $0x1  }
0x66f: {  	v3 =	vadd.f32 v7, v3;
	_ =	sdelay $0x1  }
0x670: {  	v3 =	vadd.f32 v8, v3;
	_ =	sdelay $0x1  }
0x671: {  	v3 =	vadd.f32 v4, v3;
	_ =	sdelay $0x1  }
0x672: {  	v3 =	vadd.f32 v9, v3;
	_ =	sdelay $0x1  }
0x673: {  	v3 =	vadd.f32 v5, v3;
	_ =	sdelay $0x1  }
0x674: {  	v3 =	vadd.f32 v10, v3;
	_ =	sdelay $0x1  }
0x675: {  	[tilespmem:s20+$0x50] =	vst v3  }
0x676: {  	v3 =	vld [tilespmem:s18+$0xE660]  }
0x677: {  	v4 =	vld [tilespmem:s18+$0xE6E0]  }
0x678: {  	v5 =	vld [tilespmem:s25+$0xE660]  }
0x679: {  	v6 =	vld [tilespmem:s26+$0xE660]  }
0x67a: {  	v7 =	vld [tilespmem:s28+$0xE660]  }
0x67b: {  	v8 =	vld [tilespmem:s29+$0xE660]  }
0x67c: {  	v3 =	vadd.f32 v4, v3;
	v4 =	vld [tilespmem:s30+$0xE660]  }
0x67d: {  	v9 =	vld [tilespmem:s21+$0xE660]  }
0x67e: {  	v3 =	vadd.f32 v5, v3;
	v5 =	vld [tilespmem:s18+$0xEE60]  }
0x67f: {  	v10 =	vld [tilespmem:s22+$0xE660]  }
0x680: {  	v3 =	vadd.f32 v6, v3;
	_ =	sdelay $0x1  }
0x681: {  	v3 =	vadd.f32 v7, v3;
	_ =	sdelay $0x1  }
0x682: {  	v3 =	vadd.f32 v8, v3;
	_ =	sdelay $0x1  }
0x683: {  	v3 =	vadd.f32 v4, v3;
	_ =	sdelay $0x1  }
0x684: {  	v3 =	vadd.f32 v9, v3;
	_ =	sdelay $0x1  }
0x685: {  	v3 =	vadd.f32 v5, v3;
	_ =	sdelay $0x1  }
0x686: {  	v3 =	vadd.f32 v10, v3;
	_ =	sdelay $0x1  }
0x687: {  	[tilespmem:s20+$0x60] =	vst v3  }
0x688: {  	v4 =	vld [tilespmem:s18+$0xE670]  }
0x689: {  	v8 =	vld [tilespmem:s18+$0xE6F0]  }
.Ltmp6:
0x68a: {  	v7 =	vld [tilespmem:s25+$0xE670];
	(pc) =	sbr.rel @p0 .LBB2_7-.Ltmp6, $4  }
0x68b: {  	v6 =	vld [tilespmem:s26+$0xE670]  }
0x68c: {  	v5 =	vld [tilespmem:s28+$0xE670]  }
0x68d: {  	v3 =	vld [tilespmem:s29+$0xE670]  }
0x68e: {  	v8 =	vadd.f32 v8, v4;
	v4 =	vld [tilespmem:s30+$0xE670]  }
0x68f: {  	_ = 	snop  }
0x690: {  	v7 =	vadd.f32 v7, v8;
	_ =	sdelay $0x1  }
0x691: {  	v6 =	vadd.f32 v6, v7;
	_ =	sdelay $0x1  }
0x692: {  	v5 =	vadd.f32 v5, v6  }
0x693: {  	v61 =	vld [tilespmem:s21+$0xE670]  }
0x694: {  	v3 =	vadd.f32 v3, v5  }
0x695: {  	v62 =	vld [tilespmem:s18+$0xEE70]  }
0x696: {  	v3 =	vadd.f32 v4, v3  }
0x697: {  	v63 =	vld [tilespmem:s22+$0xE670]  }
0x698: {  	v3 =	vadd.f32 v61, v3;
	_ =	sdelay $0x1  }
.Ltmp7:
0x699: {  	v3 =	vadd.f32 v62, v3;
	(pc) =	sbr.rel @p1 .LBB2_10-.Ltmp7, $3  }
0x69a: {  	_ = 	snop  }
0x69b: {  	v3 =	vadd.f32 v63, v3;
	_ =	sdelay $0x1  }
0x69c: {  	[tilespmem:s23+$0x70] =	vst v3  }
0x69d: {  	s10 =	sshrl.u32 s10, $0x2  }
0x69e: {  	v3 =	vld [tilespmem:s10+$0x380];
	_ =	sdelay $0x4  }
0x69f: {  	v4 =	vshll.u32 v3, $0x1  }
0x6a0: {  	v3 =	vand.u32 $0x7, v3;
	v4 =	vand.u32 $0xFFFFFFF0, v4  }
0x6a1: {  	v3 =	vor.u32 v3, v4  }
0x6a2: {  	v4 =	vperm.xlane v3, v0;
	_ =	sdelay $0x1  }
0x6a3: {  	v3 =	vperm.xlane v3, v2;
	v4 =	vadd.s32 v1, v4;
	_ =	sdelay $0x1  }
0x6a4: {  	v3 =	vadd.s32 v1, v3;
	_ =	sdelay $0x1  }
0x6a5: {  	s16 =	simm.s32 $0xE200  }
0x6a6: {  	[tilespmem:s16], [sflag:$0x5] =	stream.indirect_vreg.gather [hbm4b:s3+s4], $0x80, v4, vm0, $0xb8;
	[tilespmem:$0x14200] =	vst v63  }
0x6a7: {  	s30 =	simm.s32 $0xEA00  }
0x6a8: {  	[tilespmem:s30], [sflag:$0x5] =	stream.indirect_vreg.gather [hbm4b:s3+s4], $0x80, v3, vm0, $0xb8;
	[tilespmem:$0x14200] =	vst v63  }
0x6a9: {  	v3 =	vld [tilespmem:s10+$0x390];
	_ =	sdelay $0x4  }
0x6aa: {  	v60 =	vshll.u32 v3, $0x1  }
0x6ab: {  	v3 =	vand.u32 $0x7, v3;
	v4 =	vand.u32 $0xFFFFFFF0, v60  }
0x6ac: {  	v3 =	vor.u32 v3, v4  }
0x6ad: {  	v4 =	vperm.xlane v3, v0;
	_ =	sdelay $0x1  }
0x6ae: {  	v3 =	vperm.xlane v3, v2;
	v4 =	vadd.s32 v1, v4;
	_ =	sdelay $0x1  }
0x6af: {  	v3 =	vadd.s32 v1, v3;
	_ =	sdelay $0x1  }
0x6b0: {  	s31 =	simm.s32 $0xF200  }
0x6b1: {  	[tilespmem:s31], [sflag:$0x5] =	stream.indirect_vreg.gather [hbm4b:s3+s4], $0x80, v4, vm0, $0xb8;
	[tilespmem:$0x14200] =	vst v63  }
0x6b2: {  	_ = 	snop  }
0x6b3: {  	[tilespmem:s0], [sflag:$0x5] =	stream.indirect_vreg.gather [hbm4b:s3+s4], $0x80, v3, vm0, $0xb8;
	[tilespmem:$0x14200] =	vst v63  }
0x6b4: {  	v3 =	vld [tilespmem:s10+$0x3A0];
	_ =	sdelay $0x4  }
0x6b5: {  	v61 =	vshll.u32 v3, $0x1  }
0x6b6: {  	v3 =	vand.u32 $0x7, v3;
	v4 =	vand.u32 $0xFFFFFFF0, v61  }
0x6b7: {  	v3 =	vor.u32 v3, v4  }
0x6b8: {  	v4 =	vperm.xlane v3, v0;
	_ =	sdelay $0x1  }
0x6b9: {  	v3 =	vperm.xlane v3, v2;
	v4 =	vadd.s32 v1, v4;
	_ =	sdelay $0x1  }
0x6ba: {  	v3 =	vadd.s32 v1, v3;
	_ =	sdelay $0x2  }
0x6bb: {  	[tilespmem:s2], [sflag:$0x5] =	stream.indirect_vreg.gather [hbm4b:s3+s4], $0x80, v4, vm0, $0xb8;
	[tilespmem:$0x14200] =	vst v63  }
0x6bc: {  	_ = 	snop  }
0x6bd: {  	[tilespmem:s1], [sflag:$0x5] =	stream.indirect_vreg.gather [hbm4b:s3+s4], $0x80, v3, vm0, $0xb8;
	[tilespmem:$0x14200] =	vst v63  }
0x6be: {  	v3 =	vld [tilespmem:s10+$0x3B0];
	_ =	sdelay $0x4  }
0x6bf: {  	v62 =	vshll.u32 v3, $0x1  }
0x6c0: {  	v3 =	vand.u32 $0x7, v3;
	v4 =	vand.u32 $0xFFFFFFF0, v62  }
0x6c1: {  	v3 =	vor.u32 v3, v4  }
0x6c2: {  	v4 =	vperm.xlane v3, v0;
	_ =	sdelay $0x1  }
0x6c3: {  	v3 =	vperm.xlane v3, v2;
	v4 =	vadd.s32 v1, v4;
	_ =	sdelay $0x1  }
0x6c4: {  	v3 =	vadd.s32 v1, v3;
	_ =	sdelay $0x2  }
0x6c5: {  	[tilespmem:s13], [sflag:$0x5] =	stream.indirect_vreg.gather [hbm4b:s3+s4], $0x80, v4, vm0, $0xb8;
	[tilespmem:$0x14200] =	vst v63  }
0x6c6: {  	_ = 	snop  }
0x6c7: {  	[tilespmem:s15], [sflag:$0x5] =	stream.indirect_vreg.gather [hbm4b:s3+s4], $0x80, v3, vm0, $0xb8;
	[tilespmem:$0x14200] =	vst v63  }
0x6c8: {  	v3 =	vld [tilespmem:s10+$0x3C0];
	_ =	sdelay $0x4  }
0x6c9: {  	v63 =	vshll.u32 v3, $0x1  }
0x6ca: {  	v3 =	vand.u32 $0x7, v3;
	v4 =	vand.u32 $0xFFFFFFF0, v63  }
0x6cb: {  	v3 =	vor.u32 v3, v4  }
0x6cc: {  	v4 =	vperm.xlane v3, v0;
	_ =	sdelay $0x1  }
0x6cd: {  	v3 =	vperm.xlane v3, v2;
	v4 =	vadd.s32 v1, v4;
	_ =	sdelay $0x1  }
0x6ce: {  	v3 =	vadd.s32 v1, v3  }
.Ltmp8:
0x6cf: {  	_ = 	snop;
	(pc) =	sbr.rel .LBB2_10-.Ltmp8, $4  }
0x6d0: {  	_ = 	snop  }
0x6d1: {  	[tilespmem:s5], [sflag:$0x5] =	stream.indirect_vreg.gather [hbm4b:s3+s4], $0x80, v4, vm0, $0xb8;
	[tilespmem:$0x14200] =	vst v63  }
0x6d2: {  	_ = 	snop  }
0x6d3: {  	[tilespmem:s6], [sflag:$0x5] =	stream.indirect_vreg.gather [hbm4b:s3+s4], $0x80, v3, vm0, $0xb8;
	[tilespmem:$0x14200] =	vst v63  }
.LBB2_12:
0x6d4: {  	_ =	sfence.sel $0x180000  }
0x6d5: {  	[bflag:$0x0] =	sbarrier.arrive $0xFFFF  }
0x6d6: {  	_ =	strace $0x90000047  }
0x6d7: {  	s0 =	stileid.u32;
	[bflag:$0x2] =	sbarrier.arrive $0xFFFF  }
0x6d8: {  	p0 =	sne.s32 s0, $0x0;
	s0 =	rddreg [dreg:$0x5]  }
0x6d9: {  	s0 =	sadd.s32 @!p0 $0x100000, s0  }
0x6da: {  	[sflag:s0] =	ssyncadd.tile.s32 @!p0 $0x1;
	_ =	shalt  }
.Lfunc_end2:
_tile_overlayer_lowered:
.L_overlay_start_2:
0x6db: {  	(tag) =	ssettag $0x2  }
0x6dc: {  	s0 =	rddreg [dreg:$0x0];
	s2 =	stileid.u32  }
0x6dd: {  	s1 =	rddreg [dreg:$0x1];
	p0 =	sne.s32 s2, $0x0  }
0x6de: {  	s3 =	rddreg [dreg:$0x2];
	[bflag:$0x3] =	sbarrier.arrive $0xFFFF;
	s2 =	simm.s32 @!p0 $0x1C08  }
0x6df: {  	[timem:s3], [sflag:s2] =	dma.local @!p0 [hbm:s0], s1  }
0x6e0: {  	s0 =	simm.s32 @!p0 $0x8  }
0x6e1: {  	_ =	swait.ge @!p0 [sflag:s0], s1  }
0x6e2: {  	s1 =	ssub.s32 @!p0 $0x0, s1;
	[sflag:s0] =	ssyncset.done @!p0 $0x0  }
0x6e3: {  	[sflag:s0] =	ssyncadd.s32 @!p0 s1  }
0x6e4: {  	[bflag:$0x3] =	sbarrier.arrive $0xFFFF  }
0x6e5: {  	_ =	shalt  }

</sc_bundles>
